<compile_context>
chip_gen: v7x
topology: tpu7x:2x2x1
jax: 0.10.2.dev20260603
libtpu: 0.0.44.dev20260713+nightly
codegen_flags: <defaults>
</compile_context>

<pallas_src>
import functools
import jax
import jax.numpy as jnp
from jax import lax
from jax.experimental import pallas as pl
from jax.experimental.pallas import tpu as pltpu
from jax.experimental.pallas import tpu_sc as plsc

TOKENS = 8192
D = 2048
E = 16
KH = 100
KP = 128
RBLK = 128
NP = TOKENS + E * RBLK
NB = NP // RBLK
NW = 32
TPW = TOKENS // NW
CH = 16
NCH = TPW // CH


def _route_tc_body(idx_ref, idxt_ref, pos_ref, bexp_ref):
    idx_m = idx_ref[:, 0, :]
    parts = []
    for e in range(E):
        parts.append(jnp.sum((idx_m == e).astype(jnp.int32), axis=1,
                             keepdims=True))
    hist = jnp.concatenate(parts, axis=1)
    bparts = [jnp.zeros((1, E), jnp.int32)]
    for w in range(1, NW):
        bparts.append(jnp.sum(hist[:w], axis=0, keepdims=True))
    before = jnp.concatenate(bparts, axis=0)
    counts = jnp.sum(hist, axis=0, keepdims=True)
    padded = jnp.bitwise_and(counts + (RBLK - 1), jnp.int32(-RBLK))
    eparts = [jnp.zeros((1, 1), jnp.int32)]
    for e in range(1, E):
        eparts.append(jnp.sum(padded[:, :e], axis=1, keepdims=True))
    ebase = jnp.concatenate(eparts, axis=1)
    wbase = (ebase + before).astype(jnp.float32)

    rL = lax.broadcasted_iota(jnp.int32, (TPW, TPW), 0)
    cL = lax.broadcasted_iota(jnp.int32, (TPW, TPW), 1)
    ltri = (cL < rL).astype(jnp.bfloat16)
    ioE = lax.broadcasted_iota(jnp.int32, (TPW, E), 1)
    for w in range(NW):
        col = idxt_ref[w]
        ohb = (jnp.broadcast_to(col, (TPW, E)) == ioE)
        oh = ohb.astype(jnp.float32)
        prefix = jnp.dot(ltri, ohb.astype(jnp.bfloat16),
                         preferred_element_type=jnp.float32)
        rank = jnp.sum(prefix * oh, axis=1, keepdims=True)
        bsel = jnp.sum(oh * wbase[w:w + 1, :], axis=1, keepdims=True)
        pos_ref[w] = (rank + bsel + 0.5).astype(jnp.int32)

    blo = (lax.broadcasted_iota(jnp.int32, (NB, E), 0) * RBLK)
    cnt = jnp.sum((blo >= ebase).astype(jnp.int32), axis=1, keepdims=True)
    bexp_ref[...] = cnt - 1


def _scatter_x(pos_hbm, x_hbm, xs_hbm, pos_v, rows0, rows1, gsem0, gsem1, ssem0, ssem1):
    wid = lax.axis_index("s") * 2 + lax.axis_index("c")
    base = wid * TPW
    pltpu.sync_copy(pos_hbm.at[pl.ds(base, TPW)], pos_v)
    bufs = (rows0, rows1)
    g = [None] * NCH
    sc = [None] * NCH
    gsems = (gsem0, gsem1)
    ssems = (ssem0, ssem1)
    g[0] = pltpu.async_copy(x_hbm.at[pl.ds(base, CH)], rows0, gsem0)
    g[1] = pltpu.async_copy(x_hbm.at[pl.ds(base + CH, CH)], rows1, gsem1)
    for c in range(NCH):
        g[c].wait()
        pv = pos_v[pl.ds(c * CH, CH)]
        sc[c] = pltpu.async_copy(bufs[c % 2], xs_hbm.at[pv], ssems[c % 2])
        if c + 2 < NCH:
            sc[c].wait()
            g[c + 2] = pltpu.async_copy(
                x_hbm.at[pl.ds(base + (c + 2) * CH, CH)], bufs[c % 2],
                gsems[c % 2])
    sc[NCH - 2].wait()
    sc[NCH - 1].wait()


def _unpermute(pos_hbm, outs_hbm, out_hbm, pos_v, rows0, rows1, gsem0, gsem1, ssem0, ssem1):
    wid = lax.axis_index("s") * 2 + lax.axis_index("c")
    base = wid * TPW
    pltpu.sync_copy(pos_hbm.at[pl.ds(base, TPW)], pos_v)
    bufs = (rows0, rows1)
    g = [None] * NCH
    sc = [None] * NCH
    gsems = (gsem0, gsem1)
    ssems = (ssem0, ssem1)
    g[0] = pltpu.async_copy(outs_hbm.at[pos_v[pl.ds(0, CH)]], rows0, gsem0)
    g[1] = pltpu.async_copy(outs_hbm.at[pos_v[pl.ds(CH, CH)]], rows1, gsem1)
    for c in range(NCH):
        g[c].wait()
        sc[c] = pltpu.async_copy(
            bufs[c % 2], out_hbm.at[pl.ds(base + c * CH, CH)], ssems[c % 2])
        if c + 2 < NCH:
            sc[c].wait()
            g[c + 2] = pltpu.async_copy(
                outs_hbm.at[pos_v[pl.ds((c + 2) * CH, CH)]], bufs[c % 2],
                gsems[c % 2])
    sc[NCH - 2].wait()
    sc[NCH - 1].wait()


def _ffn_body(bexp_ref, xs_ref, wst_ref, bs_ref, w1_ref, b1_ref, w2_ref,
              b2_ref, o_ref):
    xb = xs_ref[...].astype(jnp.bfloat16)
    ei = jnp.dot(xb, wst_ref[...], preferred_element_type=jnp.float32)
    ei = jax.nn.relu(ei + bs_ref[...]).astype(jnp.bfloat16)
    h = jnp.dot(ei, w1_ref[0], preferred_element_type=jnp.float32)
    h = jax.nn.relu(h + b1_ref[0]).astype(jnp.bfloat16)
    o = jnp.dot(h, w2_ref[0], preferred_element_type=jnp.float32)
    o_ref[...] = o + b2_ref[0]


def kernel(x, idx, Ws, bs, W1, b1, W2, b2):
    idx = idx.astype(jnp.int32)
    idx3 = idx.reshape(NW, 1, TPW)
    idxt = idx.reshape(NW, TPW, 1)

    pos3, bexp2 = pl.pallas_call(
        _route_tc_body,
        out_shape=[
            jax.ShapeDtypeStruct((NW, TPW, 1), jnp.int32),
            jax.ShapeDtypeStruct((NB, 1), jnp.int32),
        ],
    )(idx3, idxt)
    pos = pos3.reshape(TOKENS)
    bexp = bexp2.reshape(NB)

    mesh = plsc.VectorSubcoreMesh(core_axis_name="c", subcore_axis_name="s")
    scatter_x = functools.partial(
        pl.kernel,
        mesh=mesh,
        out_type=jax.ShapeDtypeStruct((NP, D), jnp.float32),
        scratch_types=[
            pltpu.VMEM((TPW,), jnp.int32),
            pltpu.VMEM((CH, D), jnp.float32),
            pltpu.VMEM((CH, D), jnp.float32),
            pltpu.SemaphoreType.DMA,
            pltpu.SemaphoreType.DMA,
            pltpu.SemaphoreType.DMA,
            pltpu.SemaphoreType.DMA,
        ],
    )(_scatter_x)
    xs = scatter_x(pos, x)

    w1t = jnp.transpose(W1, (0, 2, 1)).astype(jnp.bfloat16)
    b1p = b1.reshape(E, 1, KH)
    w2t = jnp.transpose(W2, (0, 2, 1)).astype(jnp.bfloat16)
    b2r = b2.reshape(E, 1, D)

    grid_spec = pltpu.PrefetchScalarGridSpec(
        num_scalar_prefetch=1,
        grid=(NB,),
        in_specs=[
            pl.BlockSpec((RBLK, D), lambda i, be: (i, 0)),
            pl.BlockSpec((D, D), lambda i, be: (0, 0)),
            pl.BlockSpec((1, D), lambda i, be: (0, 0)),
            pl.BlockSpec((1, D, KH), lambda i, be: (be[i], 0, 0)),
            pl.BlockSpec((1, 1, KH), lambda i, be: (be[i], 0, 0)),
            pl.BlockSpec((1, KH, D), lambda i, be: (be[i], 0, 0)),
            pl.BlockSpec((1, 1, D), lambda i, be: (be[i], 0, 0)),
        ],
        out_specs=pl.BlockSpec((RBLK, D), lambda i, be: (i, 0)),
    )
    outs = pl.pallas_call(
        _ffn_body,
        grid_spec=grid_spec,
        out_shape=jax.ShapeDtypeStruct((NP, D), jnp.float32),
        compiler_params=pltpu.CompilerParams(
            dimension_semantics=("arbitrary",)),
    )(bexp, xs, Ws.T.astype(jnp.bfloat16), bs.reshape(1, D), w1t, b1p,
      w2t, b2r)

    unperm = functools.partial(
        pl.kernel,
        mesh=mesh,
        out_type=jax.ShapeDtypeStruct((TOKENS, D), jnp.float32),
        scratch_types=[
            pltpu.VMEM((TPW,), jnp.int32),
            pltpu.VMEM((CH, D), jnp.float32),
            pltpu.VMEM((CH, D), jnp.float32),
            pltpu.SemaphoreType.DMA,
            pltpu.SemaphoreType.DMA,
            pltpu.SemaphoreType.DMA,
            pltpu.SemaphoreType.DMA,
        ],
    )(_unpermute)
    return unperm(pos, outs)

# --- scband reference (transcript-rebuilt; emitter-appended) ---
"""Pipeline reference for scband-mo-e-84164179132797 (READ-ONLY COPY).

The authoritative reference and input builder live on the scoring server;
editing this copy changes nothing except your own understanding.
"""

import jax, jax.numpy as jnp
import numpy as np

INPUT_DIM = 2048
OUTPUT_DIM = 2048
NUM_EXPERTS = 16
NUM_HIDDENS = 2048
EXPERT_HIDDEN = 100
TOKENS = 8192


def setup_inputs(seed: int = 0) -> dict:
    key = jax.random.key(seed)
    ks = jax.random.split(key, 8)
    x = jax.random.normal(ks[0], (TOKENS, INPUT_DIM), dtype=jnp.float32)
    idx = jax.random.randint(ks[1], (TOKENS,), 0, NUM_EXPERTS, dtype=jnp.int64 if jax.config.jax_enable_x64 else jnp.int32)
    # shared_layer: Linear(input_dim, num_hiddens)
    s = 1.0 / np.sqrt(INPUT_DIM)
    Ws = jax.random.uniform(ks[2], (NUM_HIDDENS, INPUT_DIM), minval=-s, maxval=s, dtype=jnp.float32)
    bs = jax.random.uniform(ks[3], (NUM_HIDDENS,), minval=-s, maxval=s, dtype=jnp.float32)
    # experts: Linear(num_hiddens, 100) -> ReLU -> Linear(100, output_dim), stacked over E
    s1 = 1.0 / np.sqrt(NUM_HIDDENS)
    W1 = jax.random.uniform(ks[4], (NUM_EXPERTS, EXPERT_HIDDEN, NUM_HIDDENS), minval=-s1, maxval=s1, dtype=jnp.float32)
    b1 = jax.random.uniform(ks[5], (NUM_EXPERTS, EXPERT_HIDDEN), minval=-s1, maxval=s1, dtype=jnp.float32)
    s2 = 1.0 / np.sqrt(EXPERT_HIDDEN)
    W2 = jax.random.uniform(ks[6], (NUM_EXPERTS, OUTPUT_DIM, EXPERT_HIDDEN), minval=-s2, maxval=s2, dtype=jnp.float32)
    b2 = jax.random.uniform(ks[7], (NUM_EXPERTS, OUTPUT_DIM), minval=-s2, maxval=s2, dtype=jnp.float32)
    return {"x": x, "idx": idx, "Ws": Ws, "bs": bs, "W1": W1, "b1": b1, "W2": W2, "b2": b2}


def reference(x, idx, Ws, bs, W1, b1, W2, b2):
    # shared layer + ReLU
    expert_input = jax.nn.relu(x @ Ws.T + bs)  # [B, H]
    # per-token expert selection: gather expert weights by idx (SparseCore gather)
    W1g = jnp.take(W1, idx, axis=0)  # [B, 100, H]
    b1g = jnp.take(b1, idx, axis=0)  # [B, 100]
    W2g = jnp.take(W2, idx, axis=0)  # [B, O, 100]
    b2g = jnp.take(b2, idx, axis=0)  # [B, O]
    h = jax.nn.relu(jnp.einsum('bh,bkh->bk', expert_input, W1g) + b1g)  # [B, 100]
    out = jnp.einsum('bk,bok->bo', h, W2g) + b2g  # [B, O]
    return out

if __name__ == "__main__":
    import jax
    _d = setup_inputs()
    print(jax.jit(kernel)(*tuple(_d.values())))

</pallas_src>

<mosaic_0001>
#map = affine_map<(d0, d1) -> (0)>
#map1 = affine_map<(d0, d1) -> (0, 0)>
module attributes {stable_mosaic.version = 14 : i64} {
  func.func @_unpermute(%arg0: i32, %arg1: i32, %arg2: memref<8192xi32, #tpu.memory_space<hbm>>, %arg3: memref<10240x2048xf32, #tpu.memory_space<hbm>>, %arg4: memref<8192x2048xf32, #tpu.memory_space<hbm>>, %arg5: memref<256xi32, #tpu.memory_space<vmem>>, %arg6: memref<16x2048xf32, #tpu.memory_space<vmem>>, %arg7: memref<16x2048xf32, #tpu.memory_space<vmem>>, %arg8: memref<!tpu.dma_semaphore, #tpu.memory_space<semaphore_mem>>, %arg9: memref<!tpu.dma_semaphore, #tpu.memory_space<semaphore_mem>>, %arg10: memref<!tpu.dma_semaphore, #tpu.memory_space<semaphore_mem>>, %arg11: memref<!tpu.dma_semaphore, #tpu.memory_space<semaphore_mem>>) attributes {dimension_semantics = [#tpu.dimension_semantics<core_parallel>, #tpu.dimension_semantics<subcore_parallel>], iteration_bounds = array<i64: 2, 16>, scalar_prefetch = 0 : i64, scratch_operands = 7 : i64, tpu.core_type = #tpu.core_type<sc_vector_subcore>, window_params = [{transform_indices = #map}, {transform_indices = #map1}, {transform_indices = #map1}]} {
    %mul3A = arith.constant 2 : i32
    %mul3A_0 = arith.muli %arg1, %mul3A : i32
    %add3A = arith.addi %mul3A_0, %arg0 : i32
    %mul3A_1 = arith.constant 256 : i32
    %mul3A_2 = arith.muli %add3A, %mul3A_1 : i32
    "tpu.region"() ({
      %run_scoped3A = tpu.sem_alloc : memref<!tpu.dma_semaphore, #tpu.memory_space<semaphore_mem>>
      %dma_start3A_304 = tpu.memref_slice %arg2[%mul3A_2] : memref<8192xi32, #tpu.memory_space<hbm>> -> memref<256xi32, #tpu.memory_space<hbm>>
      %dma_start3A_305 = tpu.memref_slice %arg2[%mul3A_2] : memref<8192xi32, #tpu.memory_space<hbm>> -> memref<256xi32, #tpu.memory_space<hbm>>
      tpu.enqueue_dma source(%dma_start3A_305 : memref<256xi32, #tpu.memory_space<hbm>>) target(%arg5 : memref<256xi32, #tpu.memory_space<vmem>>) target_semaphore(%run_scoped3A : memref<!tpu.dma_semaphore, #tpu.memory_space<semaphore_mem>>)
      %dma_wait3A_306 = tpu.memref_slice %arg2[%mul3A_2] : memref<8192xi32, #tpu.memory_space<hbm>> -> memref<256xi32, #tpu.memory_space<hbm>>
      %dma_wait3A_307 = tpu.memref_slice %arg2[%mul3A_2] : memref<8192xi32, #tpu.memory_space<hbm>> -> memref<256xi32, #tpu.memory_space<hbm>>
      tpu.wait_dma2 semaphore(%run_scoped3A : memref<!tpu.dma_semaphore, #tpu.memory_space<semaphore_mem>>) src(%dma_wait3A_307 : memref<256xi32, #tpu.memory_space<hbm>>) dst(%arg5 : memref<256xi32, #tpu.memory_space<vmem>>)
      tpu.yield
    }) : () -> ()
    %get3A = arith.constant 0 : index
    %get3A_3 = tpu.vector_load %arg5[%get3A] {strides = array<i32>} : memref<256xi32, #tpu.memory_space<vmem>>, vector<16xi32>,
    %get3A_4 = vector.shape_cast %get3A_3 : vector<16xi32> to vector<16xi32>
    %dma_start3A = arith.constant 0 : i32
    %dma_start3A_5 = arith.constant 0 : i32
    %dma_start3A_6 = tpu.memref_slice %arg3[%dma_start3A, %dma_start3A_5] : memref<10240x2048xf32, #tpu.memory_space<hbm>> -> memref<10240x2048xf32, #tpu.memory_space<hbm>>
    tpu.enqueue_indirect_dma source(%dma_start3A_6 : memref<10240x2048xf32, #tpu.memory_space<hbm>>) target(%arg6 : memref<16x2048xf32, #tpu.memory_space<vmem>>) offsets(%get3A_4 : vector<16xi32>) semaphore(%arg8 : memref<!tpu.dma_semaphore, #tpu.memory_space<semaphore_mem>>)
    %get3A_7 = arith.constant 16 : index
    %get3A_8 = tpu.vector_load %arg5[%get3A_7] {strides = array<i32>} : memref<256xi32, #tpu.memory_space<vmem>>, vector<16xi32>,
    %get3A_9 = vector.shape_cast %get3A_8 : vector<16xi32> to vector<16xi32>
    %dma_start3A_10 = arith.constant 0 : i32
    %dma_start3A_11 = arith.constant 0 : i32
    %dma_start3A_12 = tpu.memref_slice %arg3[%dma_start3A_10, %dma_start3A_11] : memref<10240x2048xf32, #tpu.memory_space<hbm>> -> memref<10240x2048xf32, #tpu.memory_space<hbm>>
    tpu.enqueue_indirect_dma source(%dma_start3A_12 : memref<10240x2048xf32, #tpu.memory_space<hbm>>) target(%arg7 : memref<16x2048xf32, #tpu.memory_space<vmem>>) offsets(%get3A_9 : vector<16xi32>) semaphore(%arg9 : memref<!tpu.dma_semaphore, #tpu.memory_space<semaphore_mem>>)
    %dma_wait3A = arith.constant 0 : i32
    %dma_wait3A_13 = arith.constant 0 : i32
    %dma_wait3A_14 = tpu.memref_slice %arg3[%dma_wait3A, %dma_wait3A_13] : memref<10240x2048xf32, #tpu.memory_space<hbm>> -> memref<10240x2048xf32, #tpu.memory_space<hbm>>
    tpu.wait_indirect_dma semaphore(%arg8 : memref<!tpu.dma_semaphore, #tpu.memory_space<semaphore_mem>>) src(%dma_wait3A_14 : memref<10240x2048xf32, #tpu.memory_space<hbm>>) dst(%arg6 : memref<16x2048xf32, #tpu.memory_space<vmem>>)
    %add3A_15 = arith.constant 0 : i32
    %add3A_16 = arith.addi %mul3A_2, %add3A_15 : i32
    %dma_start3A_17 = arith.constant 0 : i32
    %dma_start3A_18 = tpu.memref_slice %arg4[%add3A_16, %dma_start3A_17] : memref<8192x2048xf32, #tpu.memory_space<hbm>> -> memref<16x2048xf32, #tpu.memory_space<hbm>>
    %dma_start3A_19 = arith.constant 0 : i32
    %dma_start3A_20 = tpu.memref_slice %arg4[%add3A_16, %dma_start3A_19] : memref<8192x2048xf32, #tpu.memory_space<hbm>> -> memref<16x2048xf32, #tpu.memory_space<hbm>>
    tpu.enqueue_dma source(%arg6 : memref<16x2048xf32, #tpu.memory_space<vmem>>) target(%dma_start3A_20 : memref<16x2048xf32, #tpu.memory_space<hbm>>) target_semaphore(%arg10 : memref<!tpu.dma_semaphore, #tpu.memory_space<semaphore_mem>>)
    %dma_wait3A_21 = arith.constant 0 : i32
    %dma_wait3A_22 = tpu.memref_slice %arg4[%add3A_16, %dma_wait3A_21] : memref<8192x2048xf32, #tpu.memory_space<hbm>> -> memref<16x2048xf32, #tpu.memory_space<hbm>>
    %dma_wait3A_23 = arith.constant 0 : i32
    %dma_wait3A_24 = tpu.memref_slice %arg4[%add3A_16, %dma_wait3A_23] : memref<8192x2048xf32, #tpu.memory_space<hbm>> -> memref<16x2048xf32, #tpu.memory_space<hbm>>
    tpu.wait_dma2 semaphore(%arg10 : memref<!tpu.dma_semaphore, #tpu.memory_space<semaphore_mem>>) src(%arg6 : memref<16x2048xf32, #tpu.memory_space<vmem>>) dst(%dma_wait3A_24 : memref<16x2048xf32, #tpu.memory_space<hbm>>)
    %get3A_25 = arith.constant 32 : index
    %get3A_26 = tpu.vector_load %arg5[%get3A_25] {strides = array<i32>} : memref<256xi32, #tpu.memory_space<vmem>>, vector<16xi32>,
    %get3A_27 = vector.shape_cast %get3A_26 : vector<16xi32> to vector<16xi32>
    %dma_start3A_28 = arith.constant 0 : i32
    %dma_start3A_29 = arith.constant 0 : i32
    %dma_start3A_30 = tpu.memref_slice %arg3[%dma_start3A_28, %dma_start3A_29] : memref<10240x2048xf32, #tpu.memory_space<hbm>> -> memref<10240x2048xf32, #tpu.memory_space<hbm>>
    tpu.enqueue_indirect_dma source(%dma_start3A_30 : memref<10240x2048xf32, #tpu.memory_space<hbm>>) target(%arg6 : memref<16x2048xf32, #tpu.memory_space<vmem>>) offsets(%get3A_27 : vector<16xi32>) semaphore(%arg8 : memref<!tpu.dma_semaphore, #tpu.memory_space<semaphore_mem>>)
    %dma_wait3A_31 = arith.constant 0 : i32
    %dma_wait3A_32 = arith.constant 0 : i32
    %dma_wait3A_33 = tpu.memref_slice %arg3[%dma_wait3A_31, %dma_wait3A_32] : memref<10240x2048xf32, #tpu.memory_space<hbm>> -> memref<10240x2048xf32, #tpu.memory_space<hbm>>
    tpu.wait_indirect_dma semaphore(%arg9 : memref<!tpu.dma_semaphore, #tpu.memory_space<semaphore_mem>>) src(%dma_wait3A_33 : memref<10240x2048xf32, #tpu.memory_space<hbm>>) dst(%arg7 : memref<16x2048xf32, #tpu.memory_space<vmem>>)
    %add3A_34 = arith.constant 16 : i32
    %add3A_35 = arith.addi %mul3A_2, %add3A_34 : i32
    %dma_start3A_36 = arith.constant 0 : i32
    %dma_start3A_37 = tpu.memref_slice %arg4[%add3A_35, %dma_start3A_36] : memref<8192x2048xf32, #tpu.memory_space<hbm>> -> memref<16x2048xf32, #tpu.memory_space<hbm>>
    %dma_start3A_38 = arith.constant 0 : i32
    %dma_start3A_39 = tpu.memref_slice %arg4[%add3A_35, %dma_start3A_38] : memref<8192x2048xf32, #tpu.memory_space<hbm>> -> memref<16x2048xf32, #tpu.memory_space<hbm>>
    tpu.enqueue_dma source(%arg7 : memref<16x2048xf32, #tpu.memory_space<vmem>>) target(%dma_start3A_39 : memref<16x2048xf32, #tpu.memory_space<hbm>>) target_semaphore(%arg11 : memref<!tpu.dma_semaphore, #tpu.memory_space<semaphore_mem>>)
    %dma_wait3A_40 = arith.constant 0 : i32
    %dma_wait3A_41 = tpu.memref_slice %arg4[%add3A_35, %dma_wait3A_40] : memref<8192x2048xf32, #tpu.memory_space<hbm>> -> memref<16x2048xf32, #tpu.memory_space<hbm>>
    %dma_wait3A_42 = arith.constant 0 : i32
    %dma_wait3A_43 = tpu.memref_slice %arg4[%add3A_35, %dma_wait3A_42] : memref<8192x2048xf32, #tpu.memory_space<hbm>> -> memref<16x2048xf32, #tpu.memory_space<hbm>>
    tpu.wait_dma2 semaphore(%arg11 : memref<!tpu.dma_semaphore, #tpu.memory_space<semaphore_mem>>) src(%arg7 : memref<16x2048xf32, #tpu.memory_space<vmem>>) dst(%dma_wait3A_43 : memref<16x2048xf32, #tpu.memory_space<hbm>>)
    %get3A_44 = arith.constant 48 : index
    %get3A_45 = tpu.vector_load %arg5[%get3A_44] {strides = array<i32>} : memref<256xi32, #tpu.memory_space<vmem>>, vector<16xi32>,
    %get3A_46 = vector.shape_cast %get3A_45 : vector<16xi32> to vector<16xi32>
    %dma_start3A_47 = arith.constant 0 : i32
    %dma_start3A_48 = arith.constant 0 : i32
    %dma_start3A_49 = tpu.memref_slice %arg3[%dma_start3A_47, %dma_start3A_48] : memref<10240x2048xf32, #tpu.memory_space<hbm>> -> memref<10240x2048xf32, #tpu.memory_space<hbm>>
    tpu.enqueue_indirect_dma source(%dma_start3A_49 : memref<10240x2048xf32, #tpu.memory_space<hbm>>) target(%arg7 : memref<16x2048xf32, #tpu.memory_space<vmem>>) offsets(%get3A_46 : vector<16xi32>) semaphore(%arg9 : memref<!tpu.dma_semaphore, #tpu.memory_space<semaphore_mem>>)
    %dma_wait3A_50 = arith.constant 0 : i32
    %dma_wait3A_51 = arith.constant 0 : i32
    %dma_wait3A_52 = tpu.memref_slice %arg3[%dma_wait3A_50, %dma_wait3A_51] : memref<10240x2048xf32, #tpu.memory_space<hbm>> -> memref<10240x2048xf32, #tpu.memory_space<hbm>>
    tpu.wait_indirect_dma semaphore(%arg8 : memref<!tpu.dma_semaphore, #tpu.memory_space<semaphore_mem>>) src(%dma_wait3A_52 : memref<10240x2048xf32, #tpu.memory_space<hbm>>) dst(%arg6 : memref<16x2048xf32, #tpu.memory_space<vmem>>)
    %add3A_53 = arith.constant 32 : i32
    %add3A_54 = arith.addi %mul3A_2, %add3A_53 : i32
    %dma_start3A_55 = arith.constant 0 : i32
    %dma_start3A_56 = tpu.memref_slice %arg4[%add3A_54, %dma_start3A_55] : memref<8192x2048xf32, #tpu.memory_space<hbm>> -> memref<16x2048xf32, #tpu.memory_space<hbm>>
    %dma_start3A_57 = arith.constant 0 : i32
    %dma_start3A_58 = tpu.memref_slice %arg4[%add3A_54, %dma_start3A_57] : memref<8192x2048xf32, #tpu.memory_space<hbm>> -> memref<16x2048xf32, #tpu.memory_space<hbm>>
    tpu.enqueue_dma source(%arg6 : memref<16x2048xf32, #tpu.memory_space<vmem>>) target(%dma_start3A_58 : memref<16x2048xf32, #tpu.memory_space<hbm>>) target_semaphore(%arg10 : memref<!tpu.dma_semaphore, #tpu.memory_space<semaphore_mem>>)
    %dma_wait3A_59 = arith.constant 0 : i32
    %dma_wait3A_60 = tpu.memref_slice %arg4[%add3A_54, %dma_wait3A_59] : memref<8192x2048xf32, #tpu.memory_space<hbm>> -> memref<16x2048xf32, #tpu.memory_space<hbm>>
    %dma_wait3A_61 = arith.constant 0 : i32
    %dma_wait3A_62 = tpu.memref_slice %arg4[%add3A_54, %dma_wait3A_61] : memref<8192x2048xf32, #tpu.memory_space<hbm>> -> memref<16x2048xf32, #tpu.memory_space<hbm>>
    tpu.wait_dma2 semaphore(%arg10 : memref<!tpu.dma_semaphore, #tpu.memory_space<semaphore_mem>>) src(%arg6 : memref<16x2048xf32, #tpu.memory_space<vmem>>) dst(%dma_wait3A_62 : memref<16x2048xf32, #tpu.memory_space<hbm>>)
    %get3A_63 = arith.constant 64 : index
    %get3A_64 = tpu.vector_load %arg5[%get3A_63] {strides = array<i32>} : memref<256xi32, #tpu.memory_space<vmem>>, vector<16xi32>,
    %get3A_65 = vector.shape_cast %get3A_64 : vector<16xi32> to vector<16xi32>
    %dma_start3A_66 = arith.constant 0 : i32
    %dma_start3A_67 = arith.constant 0 : i32
    %dma_start3A_68 = tpu.memref_slice %arg3[%dma_start3A_66, %dma_start3A_67] : memref<10240x2048xf32, #tpu.memory_space<hbm>> -> memref<10240x2048xf32, #tpu.memory_space<hbm>>
    tpu.enqueue_indirect_dma source(%dma_start3A_68 : memref<10240x2048xf32, #tpu.memory_space<hbm>>) target(%arg6 : memref<16x2048xf32, #tpu.memory_space<vmem>>) offsets(%get3A_65 : vector<16xi32>) semaphore(%arg8 : memref<!tpu.dma_semaphore, #tpu.memory_space<semaphore_mem>>)
    %dma_wait3A_69 = arith.constant 0 : i32
    %dma_wait3A_70 = arith.constant 0 : i32
    %dma_wait3A_71 = tpu.memref_slice %arg3[%dma_wait3A_69, %dma_wait3A_70] : memref<10240x2048xf32, #tpu.memory_space<hbm>> -> memref<10240x2048xf32, #tpu.memory_space<hbm>>
    tpu.wait_indirect_dma semaphore(%arg9 : memref<!tpu.dma_semaphore, #tpu.memory_space<semaphore_mem>>) src(%dma_wait3A_71 : memref<10240x2048xf32, #tpu.memory_space<hbm>>) dst(%arg7 : memref<16x2048xf32, #tpu.memory_space<vmem>>)
    %add3A_72 = arith.constant 48 : i32
    %add3A_73 = arith.addi %mul3A_2, %add3A_72 : i32
    %dma_start3A_74 = arith.constant 0 : i32
    %dma_start3A_75 = tpu.memref_slice %arg4[%add3A_73, %dma_start3A_74] : memref<8192x2048xf32, #tpu.memory_space<hbm>> -> memref<16x2048xf32, #tpu.memory_space<hbm>>
    %dma_start3A_76 = arith.constant 0 : i32
    %dma_start3A_77 = tpu.memref_slice %arg4[%add3A_73, %dma_start3A_76] : memref<8192x2048xf32, #tpu.memory_space<hbm>> -> memref<16x2048xf32, #tpu.memory_space<hbm>>
    tpu.enqueue_dma source(%arg7 : memref<16x2048xf32, #tpu.memory_space<vmem>>) target(%dma_start3A_77 : memref<16x2048xf32, #tpu.memory_space<hbm>>) target_semaphore(%arg11 : memref<!tpu.dma_semaphore, #tpu.memory_space<semaphore_mem>>)
    %dma_wait3A_78 = arith.constant 0 : i32
    %dma_wait3A_79 = tpu.memref_slice %arg4[%add3A_73, %dma_wait3A_78] : memref<8192x2048xf32, #tpu.memory_space<hbm>> -> memref<16x2048xf32, #tpu.memory_space<hbm>>
    %dma_wait3A_80 = arith.constant 0 : i32
    %dma_wait3A_81 = tpu.memref_slice %arg4[%add3A_73, %dma_wait3A_80] : memref<8192x2048xf32, #tpu.memory_space<hbm>> -> memref<16x2048xf32, #tpu.memory_space<hbm>>
    tpu.wait_dma2 semaphore(%arg11 : memref<!tpu.dma_semaphore, #tpu.memory_space<semaphore_mem>>) src(%arg7 : memref<16x2048xf32, #tpu.memory_space<vmem>>) dst(%dma_wait3A_81 : memref<16x2048xf32, #tpu.memory_space<hbm>>)
    %get3A_82 = arith.constant 80 : index
    %get3A_83 = tpu.vector_load %arg5[%get3A_82] {strides = array<i32>} : memref<256xi32, #tpu.memory_space<vmem>>, vector<16xi32>,
    %get3A_84 = vector.shape_cast %get3A_83 : vector<16xi32> to vector<16xi32>
    %dma_start3A_85 = arith.constant 0 : i32
    %dma_start3A_86 = arith.constant 0 : i32
    %dma_start3A_87 = tpu.memref_slice %arg3[%dma_start3A_85, %dma_start3A_86] : memref<10240x2048xf32, #tpu.memory_space<hbm>> -> memref<10240x2048xf32, #tpu.memory_space<hbm>>
    tpu.enqueue_indirect_dma source(%dma_start3A_87 : memref<10240x2048xf32, #tpu.memory_space<hbm>>) target(%arg7 : memref<16x2048xf32, #tpu.memory_space<vmem>>) offsets(%get3A_84 : vector<16xi32>) semaphore(%arg9 : memref<!tpu.dma_semaphore, #tpu.memory_space<semaphore_mem>>)
    %dma_wait3A_88 = arith.constant 0 : i32
    %dma_wait3A_89 = arith.constant 0 : i32
    %dma_wait3A_90 = tpu.memref_slice %arg3[%dma_wait3A_88, %dma_wait3A_89] : memref<10240x2048xf32, #tpu.memory_space<hbm>> -> memref<10240x2048xf32, #tpu.memory_space<hbm>>
    tpu.wait_indirect_dma semaphore(%arg8 : memref<!tpu.dma_semaphore, #tpu.memory_space<semaphore_mem>>) src(%dma_wait3A_90 : memref<10240x2048xf32, #tpu.memory_space<hbm>>) dst(%arg6 : memref<16x2048xf32, #tpu.memory_space<vmem>>)
    %add3A_91 = arith.constant 64 : i32
    %add3A_92 = arith.addi %mul3A_2, %add3A_91 : i32
    %dma_start3A_93 = arith.constant 0 : i32
    %dma_start3A_94 = tpu.memref_slice %arg4[%add3A_92, %dma_start3A_93] : memref<8192x2048xf32, #tpu.memory_space<hbm>> -> memref<16x2048xf32, #tpu.memory_space<hbm>>
    %dma_start3A_95 = arith.constant 0 : i32
    %dma_start3A_96 = tpu.memref_slice %arg4[%add3A_92, %dma_start3A_95] : memref<8192x2048xf32, #tpu.memory_space<hbm>> -> memref<16x2048xf32, #tpu.memory_space<hbm>>
    tpu.enqueue_dma source(%arg6 : memref<16x2048xf32, #tpu.memory_space<vmem>>) target(%dma_start3A_96 : memref<16x2048xf32, #tpu.memory_space<hbm>>) target_semaphore(%arg10 : memref<!tpu.dma_semaphore, #tpu.memory_space<semaphore_mem>>)
    %dma_wait3A_97 = arith.constant 0 : i32
    %dma_wait3A_98 = tpu.memref_slice %arg4[%add3A_92, %dma_wait3A_97] : memref<8192x2048xf32, #tpu.memory_space<hbm>> -> memref<16x2048xf32, #tpu.memory_space<hbm>>
    %dma_wait3A_99 = arith.constant 0 : i32
    %dma_wait3A_100 = tpu.memref_slice %arg4[%add3A_92, %dma_wait3A_99] : memref<8192x2048xf32, #tpu.memory_space<hbm>> -> memref<16x2048xf32, #tpu.memory_space<hbm>>
    tpu.wait_dma2 semaphore(%arg10 : memref<!tpu.dma_semaphore, #tpu.memory_space<semaphore_mem>>) src(%arg6 : memref<16x2048xf32, #tpu.memory_space<vmem>>) dst(%dma_wait3A_100 : memref<16x2048xf32, #tpu.memory_space<hbm>>)
    %get3A_101 = arith.constant 96 : index
    %get3A_102 = tpu.vector_load %arg5[%get3A_101] {strides = array<i32>} : memref<256xi32, #tpu.memory_space<vmem>>, vector<16xi32>,
    %get3A_103 = vector.shape_cast %get3A_102 : vector<16xi32> to vector<16xi32>
    %dma_start3A_104 = arith.constant 0 : i32
    %dma_start3A_105 = arith.constant 0 : i32
    %dma_start3A_106 = tpu.memref_slice %arg3[%dma_start3A_104, %dma_start3A_105] : memref<10240x2048xf32, #tpu.memory_space<hbm>> -> memref<10240x2048xf32, #tpu.memory_space<hbm>>
    tpu.enqueue_indirect_dma source(%dma_start3A_106 : memref<10240x2048xf32, #tpu.memory_space<hbm>>) target(%arg6 : memref<16x2048xf32, #tpu.memory_space<vmem>>) offsets(%get3A_103 : vector<16xi32>) semaphore(%arg8 : memref<!tpu.dma_semaphore, #tpu.memory_space<semaphore_mem>>)
    %dma_wait3A_107 = arith.constant 0 : i32
    %dma_wait3A_108 = arith.constant 0 : i32
    %dma_wait3A_109 = tpu.memref_slice %arg3[%dma_wait3A_107, %dma_wait3A_108] : memref<10240x2048xf32, #tpu.memory_space<hbm>> -> memref<10240x2048xf32, #tpu.memory_space<hbm>>
    tpu.wait_indirect_dma semaphore(%arg9 : memref<!tpu.dma_semaphore, #tpu.memory_space<semaphore_mem>>) src(%dma_wait3A_109 : memref<10240x2048xf32, #tpu.memory_space<hbm>>) dst(%arg7 : memref<16x2048xf32, #tpu.memory_space<vmem>>)
    %add3A_110 = arith.constant 80 : i32
    %add3A_111 = arith.addi %mul3A_2, %add3A_110 : i32
    %dma_start3A_112 = arith.constant 0 : i32
    %dma_start3A_113 = tpu.memref_slice %arg4[%add3A_111, %dma_start3A_112] : memref<8192x2048xf32, #tpu.memory_space<hbm>> -> memref<16x2048xf32, #tpu.memory_space<hbm>>
    %dma_start3A_114 = arith.constant 0 : i32
    %dma_start3A_115 = tpu.memref_slice %arg4[%add3A_111, %dma_start3A_114] : memref<8192x2048xf32, #tpu.memory_space<hbm>> -> memref<16x2048xf32, #tpu.memory_space<hbm>>
    tpu.enqueue_dma source(%arg7 : memref<16x2048xf32, #tpu.memory_space<vmem>>) target(%dma_start3A_115 : memref<16x2048xf32, #tpu.memory_space<hbm>>) target_semaphore(%arg11 : memref<!tpu.dma_semaphore, #tpu.memory_space<semaphore_mem>>)
    %dma_wait3A_116 = arith.constant 0 : i32
    %dma_wait3A_117 = tpu.memref_slice %arg4[%add3A_111, %dma_wait3A_116] : memref<8192x2048xf32, #tpu.memory_space<hbm>> -> memref<16x2048xf32, #tpu.memory_space<hbm>>
    %dma_wait3A_118 = arith.constant 0 : i32
    %dma_wait3A_119 = tpu.memref_slice %arg4[%add3A_111, %dma_wait3A_118] : memref<8192x2048xf32, #tpu.memory_space<hbm>> -> memref<16x2048xf32, #tpu.memory_space<hbm>>
    tpu.wait_dma2 semaphore(%arg11 : memref<!tpu.dma_semaphore, #tpu.memory_space<semaphore_mem>>) src(%arg7 : memref<16x2048xf32, #tpu.memory_space<vmem>>) dst(%dma_wait3A_119 : memref<16x2048xf32, #tpu.memory_space<hbm>>)
    %get3A_120 = arith.constant 112 : index
    %get3A_121 = tpu.vector_load %arg5[%get3A_120] {strides = array<i32>} : memref<256xi32, #tpu.memory_space<vmem>>, vector<16xi32>,
    %get3A_122 = vector.shape_cast %get3A_121 : vector<16xi32> to vector<16xi32>
    %dma_start3A_123 = arith.constant 0 : i32
    %dma_start3A_124 = arith.constant 0 : i32
    %dma_start3A_125 = tpu.memref_slice %arg3[%dma_start3A_123, %dma_start3A_124] : memref<10240x2048xf32, #tpu.memory_space<hbm>> -> memref<10240x2048xf32, #tpu.memory_space<hbm>>
    tpu.enqueue_indirect_dma source(%dma_start3A_125 : memref<10240x2048xf32, #tpu.memory_space<hbm>>) target(%arg7 : memref<16x2048xf32, #tpu.memory_space<vmem>>) offsets(%get3A_122 : vector<16xi32>) semaphore(%arg9 : memref<!tpu.dma_semaphore, #tpu.memory_space<semaphore_mem>>)
    %dma_wait3A_126 = arith.constant 0 : i32
    %dma_wait3A_127 = arith.constant 0 : i32
    %dma_wait3A_128 = tpu.memref_slice %arg3[%dma_wait3A_126, %dma_wait3A_127] : memref<10240x2048xf32, #tpu.memory_space<hbm>> -> memref<10240x2048xf32, #tpu.memory_space<hbm>>
    tpu.wait_indirect_dma semaphore(%arg8 : memref<!tpu.dma_semaphore, #tpu.memory_space<semaphore_mem>>) src(%dma_wait3A_128 : memref<10240x2048xf32, #tpu.memory_space<hbm>>) dst(%arg6 : memref<16x2048xf32, #tpu.memory_space<vmem>>)
    %add3A_129 = arith.constant 96 : i32
    %add3A_130 = arith.addi %mul3A_2, %add3A_129 : i32
    %dma_start3A_131 = arith.constant 0 : i32
    %dma_start3A_132 = tpu.memref_slice %arg4[%add3A_130, %dma_start3A_131] : memref<8192x2048xf32, #tpu.memory_space<hbm>> -> memref<16x2048xf32, #tpu.memory_space<hbm>>
    %dma_start3A_133 = arith.constant 0 : i32
    %dma_start3A_134 = tpu.memref_slice %arg4[%add3A_130, %dma_start3A_133] : memref<8192x2048xf32, #tpu.memory_space<hbm>> -> memref<16x2048xf32, #tpu.memory_space<hbm>>
    tpu.enqueue_dma source(%arg6 : memref<16x2048xf32, #tpu.memory_space<vmem>>) target(%dma_start3A_134 : memref<16x2048xf32, #tpu.memory_space<hbm>>) target_semaphore(%arg10 : memref<!tpu.dma_semaphore, #tpu.memory_space<semaphore_mem>>)
    %dma_wait3A_135 = arith.constant 0 : i32
    %dma_wait3A_136 = tpu.memref_slice %arg4[%add3A_130, %dma_wait3A_135] : memref<8192x2048xf32, #tpu.memory_space<hbm>> -> memref<16x2048xf32, #tpu.memory_space<hbm>>
    %dma_wait3A_137 = arith.constant 0 : i32
    %dma_wait3A_138 = tpu.memref_slice %arg4[%add3A_130, %dma_wait3A_137] : memref<8192x2048xf32, #tpu.memory_space<hbm>> -> memref<16x2048xf32, #tpu.memory_space<hbm>>
    tpu.wait_dma2 semaphore(%arg10 : memref<!tpu.dma_semaphore, #tpu.memory_space<semaphore_mem>>) src(%arg6 : memref<16x2048xf32, #tpu.memory_space<vmem>>) dst(%dma_wait3A_138 : memref<16x2048xf32, #tpu.memory_space<hbm>>)
    %get3A_139 = arith.constant 128 : index
    %get3A_140 = tpu.vector_load %arg5[%get3A_139] {strides = array<i32>} : memref<256xi32, #tpu.memory_space<vmem>>, vector<16xi32>,
    %get3A_141 = vector.shape_cast %get3A_140 : vector<16xi32> to vector<16xi32>
    %dma_start3A_142 = arith.constant 0 : i32
    %dma_start3A_143 = arith.constant 0 : i32
    %dma_start3A_144 = tpu.memref_slice %arg3[%dma_start3A_142, %dma_start3A_143] : memref<10240x2048xf32, #tpu.memory_space<hbm>> -> memref<10240x2048xf32, #tpu.memory_space<hbm>>
    tpu.enqueue_indirect_dma source(%dma_start3A_144 : memref<10240x2048xf32, #tpu.memory_space<hbm>>) target(%arg6 : memref<16x2048xf32, #tpu.memory_space<vmem>>) offsets(%get3A_141 : vector<16xi32>) semaphore(%arg8 : memref<!tpu.dma_semaphore, #tpu.memory_space<semaphore_mem>>)
    %dma_wait3A_145 = arith.constant 0 : i32
    %dma_wait3A_146 = arith.constant 0 : i32
    %dma_wait3A_147 = tpu.memref_slice %arg3[%dma_wait3A_145, %dma_wait3A_146] : memref<10240x2048xf32, #tpu.memory_space<hbm>> -> memref<10240x2048xf32, #tpu.memory_space<hbm>>
    tpu.wait_indirect_dma semaphore(%arg9 : memref<!tpu.dma_semaphore, #tpu.memory_space<semaphore_mem>>) src(%dma_wait3A_147 : memref<10240x2048xf32, #tpu.memory_space<hbm>>) dst(%arg7 : memref<16x2048xf32, #tpu.memory_space<vmem>>)
    %add3A_148 = arith.constant 112 : i32
    %add3A_149 = arith.addi %mul3A_2, %add3A_148 : i32
    %dma_start3A_150 = arith.constant 0 : i32
    %dma_start3A_151 = tpu.memref_slice %arg4[%add3A_149, %dma_start3A_150] : memref<8192x2048xf32, #tpu.memory_space<hbm>> -> memref<16x2048xf32, #tpu.memory_space<hbm>>
    %dma_start3A_152 = arith.constant 0 : i32
    %dma_start3A_153 = tpu.memref_slice %arg4[%add3A_149, %dma_start3A_152] : memref<8192x2048xf32, #tpu.memory_space<hbm>> -> memref<16x2048xf32, #tpu.memory_space<hbm>>
    tpu.enqueue_dma source(%arg7 : memref<16x2048xf32, #tpu.memory_space<vmem>>) target(%dma_start3A_153 : memref<16x2048xf32, #tpu.memory_space<hbm>>) target_semaphore(%arg11 : memref<!tpu.dma_semaphore, #tpu.memory_space<semaphore_mem>>)
    %dma_wait3A_154 = arith.constant 0 : i32
    %dma_wait3A_155 = tpu.memref_slice %arg4[%add3A_149, %dma_wait3A_154] : memref<8192x2048xf32, #tpu.memory_space<hbm>> -> memref<16x2048xf32, #tpu.memory_space<hbm>>
    %dma_wait3A_156 = arith.constant 0 : i32
    %dma_wait3A_157 = tpu.memref_slice %arg4[%add3A_149, %dma_wait3A_156] : memref<8192x2048xf32, #tpu.memory_space<hbm>> -> memref<16x2048xf32, #tpu.memory_space<hbm>>
    tpu.wait_dma2 semaphore(%arg11 : memref<!tpu.dma_semaphore, #tpu.memory_space<semaphore_mem>>) src(%arg7 : memref<16x2048xf32, #tpu.memory_space<vmem>>) dst(%dma_wait3A_157 : memref<16x2048xf32, #tpu.memory_space<hbm>>)
    %get3A_158 = arith.constant 144 : index
    %get3A_159 = tpu.vector_load %arg5[%get3A_158] {strides = array<i32>} : memref<256xi32, #tpu.memory_space<vmem>>, vector<16xi32>,
    %get3A_160 = vector.shape_cast %get3A_159 : vector<16xi32> to vector<16xi32>
    %dma_start3A_161 = arith.constant 0 : i32
    %dma_start3A_162 = arith.constant 0 : i32
    %dma_start3A_163 = tpu.memref_slice %arg3[%dma_start3A_161, %dma_start3A_162] : memref<10240x2048xf32, #tpu.memory_space<hbm>> -> memref<10240x2048xf32, #tpu.memory_space<hbm>>
    tpu.enqueue_indirect_dma source(%dma_start3A_163 : memref<10240x2048xf32, #tpu.memory_space<hbm>>) target(%arg7 : memref<16x2048xf32, #tpu.memory_space<vmem>>) offsets(%get3A_160 : vector<16xi32>) semaphore(%arg9 : memref<!tpu.dma_semaphore, #tpu.memory_space<semaphore_mem>>)
    %dma_wait3A_164 = arith.constant 0 : i32
    %dma_wait3A_165 = arith.constant 0 : i32
    %dma_wait3A_166 = tpu.memref_slice %arg3[%dma_wait3A_164, %dma_wait3A_165] : memref<10240x2048xf32, #tpu.memory_space<hbm>> -> memref<10240x2048xf32, #tpu.memory_space<hbm>>
    tpu.wait_indirect_dma semaphore(%arg8 : memref<!tpu.dma_semaphore, #tpu.memory_space<semaphore_mem>>) src(%dma_wait3A_166 : memref<10240x2048xf32, #tpu.memory_space<hbm>>) dst(%arg6 : memref<16x2048xf32, #tpu.memory_space<vmem>>)
    %add3A_167 = arith.constant 128 : i32
    %add3A_168 = arith.addi %mul3A_2, %add3A_167 : i32
    %dma_start3A_169 = arith.constant 0 : i32
    %dma_start3A_170 = tpu.memref_slice %arg4[%add3A_168, %dma_start3A_169] : memref<8192x2048xf32, #tpu.memory_space<hbm>> -> memref<16x2048xf32, #tpu.memory_space<hbm>>
    %dma_start3A_171 = arith.constant 0 : i32
    %dma_start3A_172 = tpu.memref_slice %arg4[%add3A_168, %dma_start3A_171] : memref<8192x2048xf32, #tpu.memory_space<hbm>> -> memref<16x2048xf32, #tpu.memory_space<hbm>>
    tpu.enqueue_dma source(%arg6 : memref<16x2048xf32, #tpu.memory_space<vmem>>) target(%dma_start3A_172 : memref<16x2048xf32, #tpu.memory_space<hbm>>) target_semaphore(%arg10 : memref<!tpu.dma_semaphore, #tpu.memory_space<semaphore_mem>>)
    %dma_wait3A_173 = arith.constant 0 : i32
    %dma_wait3A_174 = tpu.memref_slice %arg4[%add3A_168, %dma_wait3A_173] : memref<8192x2048xf32, #tpu.memory_space<hbm>> -> memref<16x2048xf32, #tpu.memory_space<hbm>>
    %dma_wait3A_175 = arith.constant 0 : i32
    %dma_wait3A_176 = tpu.memref_slice %arg4[%add3A_168, %dma_wait3A_175] : memref<8192x2048xf32, #tpu.memory_space<hbm>> -> memref<16x2048xf32, #tpu.memory_space<hbm>>
    tpu.wait_dma2 semaphore(%arg10 : memref<!tpu.dma_semaphore, #tpu.memory_space<semaphore_mem>>) src(%arg6 : memref<16x2048xf32, #tpu.memory_space<vmem>>) dst(%dma_wait3A_176 : memref<16x2048xf32, #tpu.memory_space<hbm>>)
    %get3A_177 = arith.constant 160 : index
    %get3A_178 = tpu.vector_load %arg5[%get3A_177] {strides = array<i32>} : memref<256xi32, #tpu.memory_space<vmem>>, vector<16xi32>,
    %get3A_179 = vector.shape_cast %get3A_178 : vector<16xi32> to vector<16xi32>
    %dma_start3A_180 = arith.constant 0 : i32
    %dma_start3A_181 = arith.constant 0 : i32
    %dma_start3A_182 = tpu.memref_slice %arg3[%dma_start3A_180, %dma_start3A_181] : memref<10240x2048xf32, #tpu.memory_space<hbm>> -> memref<10240x2048xf32, #tpu.memory_space<hbm>>
    tpu.enqueue_indirect_dma source(%dma_start3A_182 : memref<10240x2048xf32, #tpu.memory_space<hbm>>) target(%arg6 : memref<16x2048xf32, #tpu.memory_space<vmem>>) offsets(%get3A_179 : vector<16xi32>) semaphore(%arg8 : memref<!tpu.dma_semaphore, #tpu.memory_space<semaphore_mem>>)
    %dma_wait3A_183 = arith.constant 0 : i32
    %dma_wait3A_184 = arith.constant 0 : i32
    %dma_wait3A_185 = tpu.memref_slice %arg3[%dma_wait3A_183, %dma_wait3A_184] : memref<10240x2048xf32, #tpu.memory_space<hbm>> -> memref<10240x2048xf32, #tpu.memory_space<hbm>>
    tpu.wait_indirect_dma semaphore(%arg9 : memref<!tpu.dma_semaphore, #tpu.memory_space<semaphore_mem>>) src(%dma_wait3A_185 : memref<10240x2048xf32, #tpu.memory_space<hbm>>) dst(%arg7 : memref<16x2048xf32, #tpu.memory_space<vmem>>)
    %add3A_186 = arith.constant 144 : i32
    %add3A_187 = arith.addi %mul3A_2, %add3A_186 : i32
    %dma_start3A_188 = arith.constant 0 : i32
    %dma_start3A_189 = tpu.memref_slice %arg4[%add3A_187, %dma_start3A_188] : memref<8192x2048xf32, #tpu.memory_space<hbm>> -> memref<16x2048xf32, #tpu.memory_space<hbm>>
    %dma_start3A_190 = arith.constant 0 : i32
    %dma_start3A_191 = tpu.memref_slice %arg4[%add3A_187, %dma_start3A_190] : memref<8192x2048xf32, #tpu.memory_space<hbm>> -> memref<16x2048xf32, #tpu.memory_space<hbm>>
    tpu.enqueue_dma source(%arg7 : memref<16x2048xf32, #tpu.memory_space<vmem>>) target(%dma_start3A_191 : memref<16x2048xf32, #tpu.memory_space<hbm>>) target_semaphore(%arg11 : memref<!tpu.dma_semaphore, #tpu.memory_space<semaphore_mem>>)
    %dma_wait3A_192 = arith.constant 0 : i32
    %dma_wait3A_193 = tpu.memref_slice %arg4[%add3A_187, %dma_wait3A_192] : memref<8192x2048xf32, #tpu.memory_space<hbm>> -> memref<16x2048xf32, #tpu.memory_space<hbm>>
    %dma_wait3A_194 = arith.constant 0 : i32
    %dma_wait3A_195 = tpu.memref_slice %arg4[%add3A_187, %dma_wait3A_194] : memref<8192x2048xf32, #tpu.memory_space<hbm>> -> memref<16x2048xf32, #tpu.memory_space<hbm>>
    tpu.wait_dma2 semaphore(%arg11 : memref<!tpu.dma_semaphore, #tpu.memory_space<semaphore_mem>>) src(%arg7 : memref<16x2048xf32, #tpu.memory_space<vmem>>) dst(%dma_wait3A_195 : memref<16x2048xf32, #tpu.memory_space<hbm>>)
    %get3A_196 = arith.constant 176 : index
    %get3A_197 = tpu.vector_load %arg5[%get3A_196] {strides = array<i32>} : memref<256xi32, #tpu.memory_space<vmem>>, vector<16xi32>,
    %get3A_198 = vector.shape_cast %get3A_197 : vector<16xi32> to vector<16xi32>
    %dma_start3A_199 = arith.constant 0 : i32
    %dma_start3A_200 = arith.constant 0 : i32
    %dma_start3A_201 = tpu.memref_slice %arg3[%dma_start3A_199, %dma_start3A_200] : memref<10240x2048xf32, #tpu.memory_space<hbm>> -> memref<10240x2048xf32, #tpu.memory_space<hbm>>
    tpu.enqueue_indirect_dma source(%dma_start3A_201 : memref<10240x2048xf32, #tpu.memory_space<hbm>>) target(%arg7 : memref<16x2048xf32, #tpu.memory_space<vmem>>) offsets(%get3A_198 : vector<16xi32>) semaphore(%arg9 : memref<!tpu.dma_semaphore, #tpu.memory_space<semaphore_mem>>)
    %dma_wait3A_202 = arith.constant 0 : i32
    %dma_wait3A_203 = arith.constant 0 : i32
    %dma_wait3A_204 = tpu.memref_slice %arg3[%dma_wait3A_202, %dma_wait3A_203] : memref<10240x2048xf32, #tpu.memory_space<hbm>> -> memref<10240x2048xf32, #tpu.memory_space<hbm>>
    tpu.wait_indirect_dma semaphore(%arg8 : memref<!tpu.dma_semaphore, #tpu.memory_space<semaphore_mem>>) src(%dma_wait3A_204 : memref<10240x2048xf32, #tpu.memory_space<hbm>>) dst(%arg6 : memref<16x2048xf32, #tpu.memory_space<vmem>>)
    %add3A_205 = arith.constant 160 : i32
    %add3A_206 = arith.addi %mul3A_2, %add3A_205 : i32
    %dma_start3A_207 = arith.constant 0 : i32
    %dma_start3A_208 = tpu.memref_slice %arg4[%add3A_206, %dma_start3A_207] : memref<8192x2048xf32, #tpu.memory_space<hbm>> -> memref<16x2048xf32, #tpu.memory_space<hbm>>
    %dma_start3A_209 = arith.constant 0 : i32
    %dma_start3A_210 = tpu.memref_slice %arg4[%add3A_206, %dma_start3A_209] : memref<8192x2048xf32, #tpu.memory_space<hbm>> -> memref<16x2048xf32, #tpu.memory_space<hbm>>
    tpu.enqueue_dma source(%arg6 : memref<16x2048xf32, #tpu.memory_space<vmem>>) target(%dma_start3A_210 : memref<16x2048xf32, #tpu.memory_space<hbm>>) target_semaphore(%arg10 : memref<!tpu.dma_semaphore, #tpu.memory_space<semaphore_mem>>)
    %dma_wait3A_211 = arith.constant 0 : i32
    %dma_wait3A_212 = tpu.memref_slice %arg4[%add3A_206, %dma_wait3A_211] : memref<8192x2048xf32, #tpu.memory_space<hbm>> -> memref<16x2048xf32, #tpu.memory_space<hbm>>
    %dma_wait3A_213 = arith.constant 0 : i32
    %dma_wait3A_214 = tpu.memref_slice %arg4[%add3A_206, %dma_wait3A_213] : memref<8192x2048xf32, #tpu.memory_space<hbm>> -> memref<16x2048xf32, #tpu.memory_space<hbm>>
    tpu.wait_dma2 semaphore(%arg10 : memref<!tpu.dma_semaphore, #tpu.memory_space<semaphore_mem>>) src(%arg6 : memref<16x2048xf32, #tpu.memory_space<vmem>>) dst(%dma_wait3A_214 : memref<16x2048xf32, #tpu.memory_space<hbm>>)
    %get3A_215 = arith.constant 192 : index
    %get3A_216 = tpu.vector_load %arg5[%get3A_215] {strides = array<i32>} : memref<256xi32, #tpu.memory_space<vmem>>, vector<16xi32>,
    %get3A_217 = vector.shape_cast %get3A_216 : vector<16xi32> to vector<16xi32>
    %dma_start3A_218 = arith.constant 0 : i32
    %dma_start3A_219 = arith.constant 0 : i32
    %dma_start3A_220 = tpu.memref_slice %arg3[%dma_start3A_218, %dma_start3A_219] : memref<10240x2048xf32, #tpu.memory_space<hbm>> -> memref<10240x2048xf32, #tpu.memory_space<hbm>>
    tpu.enqueue_indirect_dma source(%dma_start3A_220 : memref<10240x2048xf32, #tpu.memory_space<hbm>>) target(%arg6 : memref<16x2048xf32, #tpu.memory_space<vmem>>) offsets(%get3A_217 : vector<16xi32>) semaphore(%arg8 : memref<!tpu.dma_semaphore, #tpu.memory_space<semaphore_mem>>)
    %dma_wait3A_221 = arith.constant 0 : i32
    %dma_wait3A_222 = arith.constant 0 : i32
    %dma_wait3A_223 = tpu.memref_slice %arg3[%dma_wait3A_221, %dma_wait3A_222] : memref<10240x2048xf32, #tpu.memory_space<hbm>> -> memref<10240x2048xf32, #tpu.memory_space<hbm>>
    tpu.wait_indirect_dma semaphore(%arg9 : memref<!tpu.dma_semaphore, #tpu.memory_space<semaphore_mem>>) src(%dma_wait3A_223 : memref<10240x2048xf32, #tpu.memory_space<hbm>>) dst(%arg7 : memref<16x2048xf32, #tpu.memory_space<vmem>>)
    %add3A_224 = arith.constant 176 : i32
    %add3A_225 = arith.addi %mul3A_2, %add3A_224 : i32
    %dma_start3A_226 = arith.constant 0 : i32
    %dma_start3A_227 = tpu.memref_slice %arg4[%add3A_225, %dma_start3A_226] : memref<8192x2048xf32, #tpu.memory_space<hbm>> -> memref<16x2048xf32, #tpu.memory_space<hbm>>
    %dma_start3A_228 = arith.constant 0 : i32
    %dma_start3A_229 = tpu.memref_slice %arg4[%add3A_225, %dma_start3A_228] : memref<8192x2048xf32, #tpu.memory_space<hbm>> -> memref<16x2048xf32, #tpu.memory_space<hbm>>
    tpu.enqueue_dma source(%arg7 : memref<16x2048xf32, #tpu.memory_space<vmem>>) target(%dma_start3A_229 : memref<16x2048xf32, #tpu.memory_space<hbm>>) target_semaphore(%arg11 : memref<!tpu.dma_semaphore, #tpu.memory_space<semaphore_mem>>)
    %dma_wait3A_230 = arith.constant 0 : i32
    %dma_wait3A_231 = tpu.memref_slice %arg4[%add3A_225, %dma_wait3A_230] : memref<8192x2048xf32, #tpu.memory_space<hbm>> -> memref<16x2048xf32, #tpu.memory_space<hbm>>
    %dma_wait3A_232 = arith.constant 0 : i32
    %dma_wait3A_233 = tpu.memref_slice %arg4[%add3A_225, %dma_wait3A_232] : memref<8192x2048xf32, #tpu.memory_space<hbm>> -> memref<16x2048xf32, #tpu.memory_space<hbm>>
    tpu.wait_dma2 semaphore(%arg11 : memref<!tpu.dma_semaphore, #tpu.memory_space<semaphore_mem>>) src(%arg7 : memref<16x2048xf32, #tpu.memory_space<vmem>>) dst(%dma_wait3A_233 : memref<16x2048xf32, #tpu.memory_space<hbm>>)
    %get3A_234 = arith.constant 208 : index
    %get3A_235 = tpu.vector_load %arg5[%get3A_234] {strides = array<i32>} : memref<256xi32, #tpu.memory_space<vmem>>, vector<16xi32>,
    %get3A_236 = vector.shape_cast %get3A_235 : vector<16xi32> to vector<16xi32>
    %dma_start3A_237 = arith.constant 0 : i32
    %dma_start3A_238 = arith.constant 0 : i32
    %dma_start3A_239 = tpu.memref_slice %arg3[%dma_start3A_237, %dma_start3A_238] : memref<10240x2048xf32, #tpu.memory_space<hbm>> -> memref<10240x2048xf32, #tpu.memory_space<hbm>>
    tpu.enqueue_indirect_dma source(%dma_start3A_239 : memref<10240x2048xf32, #tpu.memory_space<hbm>>) target(%arg7 : memref<16x2048xf32, #tpu.memory_space<vmem>>) offsets(%get3A_236 : vector<16xi32>) semaphore(%arg9 : memref<!tpu.dma_semaphore, #tpu.memory_space<semaphore_mem>>)
    %dma_wait3A_240 = arith.constant 0 : i32
    %dma_wait3A_241 = arith.constant 0 : i32
    %dma_wait3A_242 = tpu.memref_slice %arg3[%dma_wait3A_240, %dma_wait3A_241] : memref<10240x2048xf32, #tpu.memory_space<hbm>> -> memref<10240x2048xf32, #tpu.memory_space<hbm>>
    tpu.wait_indirect_dma semaphore(%arg8 : memref<!tpu.dma_semaphore, #tpu.memory_space<semaphore_mem>>) src(%dma_wait3A_242 : memref<10240x2048xf32, #tpu.memory_space<hbm>>) dst(%arg6 : memref<16x2048xf32, #tpu.memory_space<vmem>>)
    %add3A_243 = arith.constant 192 : i32
    %add3A_244 = arith.addi %mul3A_2, %add3A_243 : i32
    %dma_start3A_245 = arith.constant 0 : i32
    %dma_start3A_246 = tpu.memref_slice %arg4[%add3A_244, %dma_start3A_245] : memref<8192x2048xf32, #tpu.memory_space<hbm>> -> memref<16x2048xf32, #tpu.memory_space<hbm>>
    %dma_start3A_247 = arith.constant 0 : i32
    %dma_start3A_248 = tpu.memref_slice %arg4[%add3A_244, %dma_start3A_247] : memref<8192x2048xf32, #tpu.memory_space<hbm>> -> memref<16x2048xf32, #tpu.memory_space<hbm>>
    tpu.enqueue_dma source(%arg6 : memref<16x2048xf32, #tpu.memory_space<vmem>>) target(%dma_start3A_248 : memref<16x2048xf32, #tpu.memory_space<hbm>>) target_semaphore(%arg10 : memref<!tpu.dma_semaphore, #tpu.memory_space<semaphore_mem>>)
    %dma_wait3A_249 = arith.constant 0 : i32
    %dma_wait3A_250 = tpu.memref_slice %arg4[%add3A_244, %dma_wait3A_249] : memref<8192x2048xf32, #tpu.memory_space<hbm>> -> memref<16x2048xf32, #tpu.memory_space<hbm>>
    %dma_wait3A_251 = arith.constant 0 : i32
    %dma_wait3A_252 = tpu.memref_slice %arg4[%add3A_244, %dma_wait3A_251] : memref<8192x2048xf32, #tpu.memory_space<hbm>> -> memref<16x2048xf32, #tpu.memory_space<hbm>>
    tpu.wait_dma2 semaphore(%arg10 : memref<!tpu.dma_semaphore, #tpu.memory_space<semaphore_mem>>) src(%arg6 : memref<16x2048xf32, #tpu.memory_space<vmem>>) dst(%dma_wait3A_252 : memref<16x2048xf32, #tpu.memory_space<hbm>>)
    %get3A_253 = arith.constant 224 : index
    %get3A_254 = tpu.vector_load %arg5[%get3A_253] {strides = array<i32>} : memref<256xi32, #tpu.memory_space<vmem>>, vector<16xi32>,
    %get3A_255 = vector.shape_cast %get3A_254 : vector<16xi32> to vector<16xi32>
    %dma_start3A_256 = arith.constant 0 : i32
    %dma_start3A_257 = arith.constant 0 : i32
    %dma_start3A_258 = tpu.memref_slice %arg3[%dma_start3A_256, %dma_start3A_257] : memref<10240x2048xf32, #tpu.memory_space<hbm>> -> memref<10240x2048xf32, #tpu.memory_space<hbm>>
    tpu.enqueue_indirect_dma source(%dma_start3A_258 : memref<10240x2048xf32, #tpu.memory_space<hbm>>) target(%arg6 : memref<16x2048xf32, #tpu.memory_space<vmem>>) offsets(%get3A_255 : vector<16xi32>) semaphore(%arg8 : memref<!tpu.dma_semaphore, #tpu.memory_space<semaphore_mem>>)
    %dma_wait3A_259 = arith.constant 0 : i32
    %dma_wait3A_260 = arith.constant 0 : i32
    %dma_wait3A_261 = tpu.memref_slice %arg3[%dma_wait3A_259, %dma_wait3A_260] : memref<10240x2048xf32, #tpu.memory_space<hbm>> -> memref<10240x2048xf32, #tpu.memory_space<hbm>>
    tpu.wait_indirect_dma semaphore(%arg9 : memref<!tpu.dma_semaphore, #tpu.memory_space<semaphore_mem>>) src(%dma_wait3A_261 : memref<10240x2048xf32, #tpu.memory_space<hbm>>) dst(%arg7 : memref<16x2048xf32, #tpu.memory_space<vmem>>)
    %add3A_262 = arith.constant 208 : i32
    %add3A_263 = arith.addi %mul3A_2, %add3A_262 : i32
    %dma_start3A_264 = arith.constant 0 : i32
    %dma_start3A_265 = tpu.memref_slice %arg4[%add3A_263, %dma_start3A_264] : memref<8192x2048xf32, #tpu.memory_space<hbm>> -> memref<16x2048xf32, #tpu.memory_space<hbm>>
    %dma_start3A_266 = arith.constant 0 : i32
    %dma_start3A_267 = tpu.memref_slice %arg4[%add3A_263, %dma_start3A_266] : memref<8192x2048xf32, #tpu.memory_space<hbm>> -> memref<16x2048xf32, #tpu.memory_space<hbm>>
    tpu.enqueue_dma source(%arg7 : memref<16x2048xf32, #tpu.memory_space<vmem>>) target(%dma_start3A_267 : memref<16x2048xf32, #tpu.memory_space<hbm>>) target_semaphore(%arg11 : memref<!tpu.dma_semaphore, #tpu.memory_space<semaphore_mem>>)
    %dma_wait3A_268 = arith.constant 0 : i32
    %dma_wait3A_269 = tpu.memref_slice %arg4[%add3A_263, %dma_wait3A_268] : memref<8192x2048xf32, #tpu.memory_space<hbm>> -> memref<16x2048xf32, #tpu.memory_space<hbm>>
    %dma_wait3A_270 = arith.constant 0 : i32
    %dma_wait3A_271 = tpu.memref_slice %arg4[%add3A_263, %dma_wait3A_270] : memref<8192x2048xf32, #tpu.memory_space<hbm>> -> memref<16x2048xf32, #tpu.memory_space<hbm>>
    tpu.wait_dma2 semaphore(%arg11 : memref<!tpu.dma_semaphore, #tpu.memory_space<semaphore_mem>>) src(%arg7 : memref<16x2048xf32, #tpu.memory_space<vmem>>) dst(%dma_wait3A_271 : memref<16x2048xf32, #tpu.memory_space<hbm>>)
    %get3A_272 = arith.constant 240 : index
    %get3A_273 = tpu.vector_load %arg5[%get3A_272] {strides = array<i32>} : memref<256xi32, #tpu.memory_space<vmem>>, vector<16xi32>,
    %get3A_274 = vector.shape_cast %get3A_273 : vector<16xi32> to vector<16xi32>
    %dma_start3A_275 = arith.constant 0 : i32
    %dma_start3A_276 = arith.constant 0 : i32
    %dma_start3A_277 = tpu.memref_slice %arg3[%dma_start3A_275, %dma_start3A_276] : memref<10240x2048xf32, #tpu.memory_space<hbm>> -> memref<10240x2048xf32, #tpu.memory_space<hbm>>
    tpu.enqueue_indirect_dma source(%dma_start3A_277 : memref<10240x2048xf32, #tpu.memory_space<hbm>>) target(%arg7 : memref<16x2048xf32, #tpu.memory_space<vmem>>) offsets(%get3A_274 : vector<16xi32>) semaphore(%arg9 : memref<!tpu.dma_semaphore, #tpu.memory_space<semaphore_mem>>)
    %dma_wait3A_278 = arith.constant 0 : i32
    %dma_wait3A_279 = arith.constant 0 : i32
    %dma_wait3A_280 = tpu.memref_slice %arg3[%dma_wait3A_278, %dma_wait3A_279] : memref<10240x2048xf32, #tpu.memory_space<hbm>> -> memref<10240x2048xf32, #tpu.memory_space<hbm>>
    tpu.wait_indirect_dma semaphore(%arg8 : memref<!tpu.dma_semaphore, #tpu.memory_space<semaphore_mem>>) src(%dma_wait3A_280 : memref<10240x2048xf32, #tpu.memory_space<hbm>>) dst(%arg6 : memref<16x2048xf32, #tpu.memory_space<vmem>>)
    %add3A_281 = arith.constant 224 : i32
    %add3A_282 = arith.addi %mul3A_2, %add3A_281 : i32
    %dma_start3A_283 = arith.constant 0 : i32
    %dma_start3A_284 = tpu.memref_slice %arg4[%add3A_282, %dma_start3A_283] : memref<8192x2048xf32, #tpu.memory_space<hbm>> -> memref<16x2048xf32, #tpu.memory_space<hbm>>
    %dma_start3A_285 = arith.constant 0 : i32
    %dma_start3A_286 = tpu.memref_slice %arg4[%add3A_282, %dma_start3A_285] : memref<8192x2048xf32, #tpu.memory_space<hbm>> -> memref<16x2048xf32, #tpu.memory_space<hbm>>
    tpu.enqueue_dma source(%arg6 : memref<16x2048xf32, #tpu.memory_space<vmem>>) target(%dma_start3A_286 : memref<16x2048xf32, #tpu.memory_space<hbm>>) target_semaphore(%arg10 : memref<!tpu.dma_semaphore, #tpu.memory_space<semaphore_mem>>)
    %dma_wait3A_287 = arith.constant 0 : i32
    %dma_wait3A_288 = arith.constant 0 : i32
    %dma_wait3A_289 = tpu.memref_slice %arg3[%dma_wait3A_287, %dma_wait3A_288] : memref<10240x2048xf32, #tpu.memory_space<hbm>> -> memref<10240x2048xf32, #tpu.memory_space<hbm>>
    tpu.wait_indirect_dma semaphore(%arg9 : memref<!tpu.dma_semaphore, #tpu.memory_space<semaphore_mem>>) src(%dma_wait3A_289 : memref<10240x2048xf32, #tpu.memory_space<hbm>>) dst(%arg7 : memref<16x2048xf32, #tpu.memory_space<vmem>>)
    %add3A_290 = arith.constant 240 : i32
    %add3A_291 = arith.addi %mul3A_2, %add3A_290 : i32
    %dma_start3A_292 = arith.constant 0 : i32
    %dma_start3A_293 = tpu.memref_slice %arg4[%add3A_291, %dma_start3A_292] : memref<8192x2048xf32, #tpu.memory_space<hbm>> -> memref<16x2048xf32, #tpu.memory_space<hbm>>
    %dma_start3A_294 = arith.constant 0 : i32
    %dma_start3A_295 = tpu.memref_slice %arg4[%add3A_291, %dma_start3A_294] : memref<8192x2048xf32, #tpu.memory_space<hbm>> -> memref<16x2048xf32, #tpu.memory_space<hbm>>
    tpu.enqueue_dma source(%arg7 : memref<16x2048xf32, #tpu.memory_space<vmem>>) target(%dma_start3A_295 : memref<16x2048xf32, #tpu.memory_space<hbm>>) target_semaphore(%arg11 : memref<!tpu.dma_semaphore, #tpu.memory_space<semaphore_mem>>)
    %dma_wait3A_296 = arith.constant 0 : i32
    %dma_wait3A_297 = tpu.memref_slice %arg4[%add3A_282, %dma_wait3A_296] : memref<8192x2048xf32, #tpu.memory_space<hbm>> -> memref<16x2048xf32, #tpu.memory_space<hbm>>
    %dma_wait3A_298 = arith.constant 0 : i32
    %dma_wait3A_299 = tpu.memref_slice %arg4[%add3A_282, %dma_wait3A_298] : memref<8192x2048xf32, #tpu.memory_space<hbm>> -> memref<16x2048xf32, #tpu.memory_space<hbm>>
    tpu.wait_dma2 semaphore(%arg10 : memref<!tpu.dma_semaphore, #tpu.memory_space<semaphore_mem>>) src(%arg6 : memref<16x2048xf32, #tpu.memory_space<vmem>>) dst(%dma_wait3A_299 : memref<16x2048xf32, #tpu.memory_space<hbm>>)
    %dma_wait3A_300 = arith.constant 0 : i32
    %dma_wait3A_301 = tpu.memref_slice %arg4[%add3A_291, %dma_wait3A_300] : memref<8192x2048xf32, #tpu.memory_space<hbm>> -> memref<16x2048xf32, #tpu.memory_space<hbm>>
    %dma_wait3A_302 = arith.constant 0 : i32
    %dma_wait3A_303 = tpu.memref_slice %arg4[%add3A_291, %dma_wait3A_302] : memref<8192x2048xf32, #tpu.memory_space<hbm>> -> memref<16x2048xf32, #tpu.memory_space<hbm>>
    tpu.wait_dma2 semaphore(%arg11 : memref<!tpu.dma_semaphore, #tpu.memory_space<semaphore_mem>>) src(%arg7 : memref<16x2048xf32, #tpu.memory_space<vmem>>) dst(%dma_wait3A_303 : memref<16x2048xf32, #tpu.memory_space<hbm>>)
    return
  }
}

#map = affine_map<(d0, d1) -> (0)>
#map1 = affine_map<(d0, d1) -> (0, 0)>
module attributes {stable_mosaic.version = 14 : i64} {
  func.func @_scatter_x(%arg0: i32, %arg1: i32, %arg2: memref<8192xi32, #tpu.memory_space<hbm>>, %arg3: memref<8192x2048xf32, #tpu.memory_space<hbm>>, %arg4: memref<10240x2048xf32, #tpu.memory_space<hbm>>, %arg5: memref<256xi32, #tpu.memory_space<vmem>>, %arg6: memref<16x2048xf32, #tpu.memory_space<vmem>>, %arg7: memref<16x2048xf32, #tpu.memory_space<vmem>>, %arg8: memref<!tpu.dma_semaphore, #tpu.memory_space<semaphore_mem>>, %arg9: memref<!tpu.dma_semaphore, #tpu.memory_space<semaphore_mem>>, %arg10: memref<!tpu.dma_semaphore, #tpu.memory_space<semaphore_mem>>, %arg11: memref<!tpu.dma_semaphore, #tpu.memory_space<semaphore_mem>>) attributes {dimension_semantics = [#tpu.dimension_semantics<core_parallel>, #tpu.dimension_semantics<subcore_parallel>], iteration_bounds = array<i64: 2, 16>, scalar_prefetch = 0 : i64, scratch_operands = 7 : i64, tpu.core_type = #tpu.core_type<sc_vector_subcore>, window_params = [{transform_indices = #map}, {transform_indices = #map1}, {transform_indices = #map1}]} {
    %mul3A = arith.constant 2 : i32
    %mul3A_0 = arith.muli %arg1, %mul3A : i32
    %add3A = arith.addi %mul3A_0, %arg0 : i32
    %mul3A_1 = arith.constant 256 : i32
    %mul3A_2 = arith.muli %add3A, %mul3A_1 : i32
    "tpu.region"() ({
      %run_scoped3A = tpu.sem_alloc : memref<!tpu.dma_semaphore, #tpu.memory_space<semaphore_mem>>
      %dma_start3A_302 = tpu.memref_slice %arg2[%mul3A_2] : memref<8192xi32, #tpu.memory_space<hbm>> -> memref<256xi32, #tpu.memory_space<hbm>>
      %dma_start3A_303 = tpu.memref_slice %arg2[%mul3A_2] : memref<8192xi32, #tpu.memory_space<hbm>> -> memref<256xi32, #tpu.memory_space<hbm>>
      tpu.enqueue_dma source(%dma_start3A_303 : memref<256xi32, #tpu.memory_space<hbm>>) target(%arg5 : memref<256xi32, #tpu.memory_space<vmem>>) target_semaphore(%run_scoped3A : memref<!tpu.dma_semaphore, #tpu.memory_space<semaphore_mem>>)
      %dma_wait3A_304 = tpu.memref_slice %arg2[%mul3A_2] : memref<8192xi32, #tpu.memory_space<hbm>> -> memref<256xi32, #tpu.memory_space<hbm>>
      %dma_wait3A_305 = tpu.memref_slice %arg2[%mul3A_2] : memref<8192xi32, #tpu.memory_space<hbm>> -> memref<256xi32, #tpu.memory_space<hbm>>
      tpu.wait_dma2 semaphore(%run_scoped3A : memref<!tpu.dma_semaphore, #tpu.memory_space<semaphore_mem>>) src(%dma_wait3A_305 : memref<256xi32, #tpu.memory_space<hbm>>) dst(%arg5 : memref<256xi32, #tpu.memory_space<vmem>>)
      tpu.yield
    }) : () -> ()
    %dma_start3A = arith.constant 0 : i32
    %dma_start3A_3 = tpu.memref_slice %arg3[%mul3A_2, %dma_start3A] : memref<8192x2048xf32, #tpu.memory_space<hbm>> -> memref<16x2048xf32, #tpu.memory_space<hbm>>
    %dma_start3A_4 = arith.constant 0 : i32
    %dma_start3A_5 = tpu.memref_slice %arg3[%mul3A_2, %dma_start3A_4] : memref<8192x2048xf32, #tpu.memory_space<hbm>> -> memref<16x2048xf32, #tpu.memory_space<hbm>>
    tpu.enqueue_dma source(%dma_start3A_5 : memref<16x2048xf32, #tpu.memory_space<hbm>>) target(%arg6 : memref<16x2048xf32, #tpu.memory_space<vmem>>) target_semaphore(%arg8 : memref<!tpu.dma_semaphore, #tpu.memory_space<semaphore_mem>>)
    %add3A_6 = arith.constant 16 : i32
    %add3A_7 = arith.addi %mul3A_2, %add3A_6 : i32
    %dma_start3A_8 = arith.constant 0 : i32
    %dma_start3A_9 = tpu.memref_slice %arg3[%add3A_7, %dma_start3A_8] : memref<8192x2048xf32, #tpu.memory_space<hbm>> -> memref<16x2048xf32, #tpu.memory_space<hbm>>
    %dma_start3A_10 = arith.constant 0 : i32
    %dma_start3A_11 = tpu.memref_slice %arg3[%add3A_7, %dma_start3A_10] : memref<8192x2048xf32, #tpu.memory_space<hbm>> -> memref<16x2048xf32, #tpu.memory_space<hbm>>
    tpu.enqueue_dma source(%dma_start3A_11 : memref<16x2048xf32, #tpu.memory_space<hbm>>) target(%arg7 : memref<16x2048xf32, #tpu.memory_space<vmem>>) target_semaphore(%arg9 : memref<!tpu.dma_semaphore, #tpu.memory_space<semaphore_mem>>)
    %dma_wait3A = arith.constant 0 : i32
    %dma_wait3A_12 = tpu.memref_slice %arg3[%mul3A_2, %dma_wait3A] : memref<8192x2048xf32, #tpu.memory_space<hbm>> -> memref<16x2048xf32, #tpu.memory_space<hbm>>
    %dma_wait3A_13 = arith.constant 0 : i32
    %dma_wait3A_14 = tpu.memref_slice %arg3[%mul3A_2, %dma_wait3A_13] : memref<8192x2048xf32, #tpu.memory_space<hbm>> -> memref<16x2048xf32, #tpu.memory_space<hbm>>
    tpu.wait_dma2 semaphore(%arg8 : memref<!tpu.dma_semaphore, #tpu.memory_space<semaphore_mem>>) src(%dma_wait3A_14 : memref<16x2048xf32, #tpu.memory_space<hbm>>) dst(%arg6 : memref<16x2048xf32, #tpu.memory_space<vmem>>)
    %get3A = arith.constant 0 : index
    %get3A_15 = tpu.vector_load %arg5[%get3A] {strides = array<i32>} : memref<256xi32, #tpu.memory_space<vmem>>, vector<16xi32>,
    %get3A_16 = vector.shape_cast %get3A_15 : vector<16xi32> to vector<16xi32>
    %dma_start3A_17 = arith.constant 0 : i32
    %dma_start3A_18 = arith.constant 0 : i32
    %dma_start3A_19 = tpu.memref_slice %arg4[%dma_start3A_17, %dma_start3A_18] : memref<10240x2048xf32, #tpu.memory_space<hbm>> -> memref<10240x2048xf32, #tpu.memory_space<hbm>>
    tpu.enqueue_indirect_dma source(%arg6 : memref<16x2048xf32, #tpu.memory_space<vmem>>) target(%dma_start3A_19 : memref<10240x2048xf32, #tpu.memory_space<hbm>>) offsets(%get3A_16 : vector<16xi32>) semaphore(%arg10 : memref<!tpu.dma_semaphore, #tpu.memory_space<semaphore_mem>>)
    %dma_wait3A_20 = arith.constant 0 : i32
    %dma_wait3A_21 = arith.constant 0 : i32
    %dma_wait3A_22 = tpu.memref_slice %arg4[%dma_wait3A_20, %dma_wait3A_21] : memref<10240x2048xf32, #tpu.memory_space<hbm>> -> memref<10240x2048xf32, #tpu.memory_space<hbm>>
    tpu.wait_indirect_dma semaphore(%arg10 : memref<!tpu.dma_semaphore, #tpu.memory_space<semaphore_mem>>) src(%arg6 : memref<16x2048xf32, #tpu.memory_space<vmem>>) dst(%dma_wait3A_22 : memref<10240x2048xf32, #tpu.memory_space<hbm>>)
    %add3A_23 = arith.constant 32 : i32
    %add3A_24 = arith.addi %mul3A_2, %add3A_23 : i32
    %dma_start3A_25 = arith.constant 0 : i32
    %dma_start3A_26 = tpu.memref_slice %arg3[%add3A_24, %dma_start3A_25] : memref<8192x2048xf32, #tpu.memory_space<hbm>> -> memref<16x2048xf32, #tpu.memory_space<hbm>>
    %dma_start3A_27 = arith.constant 0 : i32
    %dma_start3A_28 = tpu.memref_slice %arg3[%add3A_24, %dma_start3A_27] : memref<8192x2048xf32, #tpu.memory_space<hbm>> -> memref<16x2048xf32, #tpu.memory_space<hbm>>
    tpu.enqueue_dma source(%dma_start3A_28 : memref<16x2048xf32, #tpu.memory_space<hbm>>) target(%arg6 : memref<16x2048xf32, #tpu.memory_space<vmem>>) target_semaphore(%arg8 : memref<!tpu.dma_semaphore, #tpu.memory_space<semaphore_mem>>)
    %dma_wait3A_29 = arith.constant 0 : i32
    %dma_wait3A_30 = tpu.memref_slice %arg3[%add3A_7, %dma_wait3A_29] : memref<8192x2048xf32, #tpu.memory_space<hbm>> -> memref<16x2048xf32, #tpu.memory_space<hbm>>
    %dma_wait3A_31 = arith.constant 0 : i32
    %dma_wait3A_32 = tpu.memref_slice %arg3[%add3A_7, %dma_wait3A_31] : memref<8192x2048xf32, #tpu.memory_space<hbm>> -> memref<16x2048xf32, #tpu.memory_space<hbm>>
    tpu.wait_dma2 semaphore(%arg9 : memref<!tpu.dma_semaphore, #tpu.memory_space<semaphore_mem>>) src(%dma_wait3A_32 : memref<16x2048xf32, #tpu.memory_space<hbm>>) dst(%arg7 : memref<16x2048xf32, #tpu.memory_space<vmem>>)
    %get3A_33 = arith.constant 16 : index
    %get3A_34 = tpu.vector_load %arg5[%get3A_33] {strides = array<i32>} : memref<256xi32, #tpu.memory_space<vmem>>, vector<16xi32>,
    %get3A_35 = vector.shape_cast %get3A_34 : vector<16xi32> to vector<16xi32>
    %dma_start3A_36 = arith.constant 0 : i32
    %dma_start3A_37 = arith.constant 0 : i32
    %dma_start3A_38 = tpu.memref_slice %arg4[%dma_start3A_36, %dma_start3A_37] : memref<10240x2048xf32, #tpu.memory_space<hbm>> -> memref<10240x2048xf32, #tpu.memory_space<hbm>>
    tpu.enqueue_indirect_dma source(%arg7 : memref<16x2048xf32, #tpu.memory_space<vmem>>) target(%dma_start3A_38 : memref<10240x2048xf32, #tpu.memory_space<hbm>>) offsets(%get3A_35 : vector<16xi32>) semaphore(%arg11 : memref<!tpu.dma_semaphore, #tpu.memory_space<semaphore_mem>>)
    %dma_wait3A_39 = arith.constant 0 : i32
    %dma_wait3A_40 = arith.constant 0 : i32
    %dma_wait3A_41 = tpu.memref_slice %arg4[%dma_wait3A_39, %dma_wait3A_40] : memref<10240x2048xf32, #tpu.memory_space<hbm>> -> memref<10240x2048xf32, #tpu.memory_space<hbm>>
    tpu.wait_indirect_dma semaphore(%arg11 : memref<!tpu.dma_semaphore, #tpu.memory_space<semaphore_mem>>) src(%arg7 : memref<16x2048xf32, #tpu.memory_space<vmem>>) dst(%dma_wait3A_41 : memref<10240x2048xf32, #tpu.memory_space<hbm>>)
    %add3A_42 = arith.constant 48 : i32
    %add3A_43 = arith.addi %mul3A_2, %add3A_42 : i32
    %dma_start3A_44 = arith.constant 0 : i32
    %dma_start3A_45 = tpu.memref_slice %arg3[%add3A_43, %dma_start3A_44] : memref<8192x2048xf32, #tpu.memory_space<hbm>> -> memref<16x2048xf32, #tpu.memory_space<hbm>>
    %dma_start3A_46 = arith.constant 0 : i32
    %dma_start3A_47 = tpu.memref_slice %arg3[%add3A_43, %dma_start3A_46] : memref<8192x2048xf32, #tpu.memory_space<hbm>> -> memref<16x2048xf32, #tpu.memory_space<hbm>>
    tpu.enqueue_dma source(%dma_start3A_47 : memref<16x2048xf32, #tpu.memory_space<hbm>>) target(%arg7 : memref<16x2048xf32, #tpu.memory_space<vmem>>) target_semaphore(%arg9 : memref<!tpu.dma_semaphore, #tpu.memory_space<semaphore_mem>>)
    %dma_wait3A_48 = arith.constant 0 : i32
    %dma_wait3A_49 = tpu.memref_slice %arg3[%add3A_24, %dma_wait3A_48] : memref<8192x2048xf32, #tpu.memory_space<hbm>> -> memref<16x2048xf32, #tpu.memory_space<hbm>>
    %dma_wait3A_50 = arith.constant 0 : i32
    %dma_wait3A_51 = tpu.memref_slice %arg3[%add3A_24, %dma_wait3A_50] : memref<8192x2048xf32, #tpu.memory_space<hbm>> -> memref<16x2048xf32, #tpu.memory_space<hbm>>
    tpu.wait_dma2 semaphore(%arg8 : memref<!tpu.dma_semaphore, #tpu.memory_space<semaphore_mem>>) src(%dma_wait3A_51 : memref<16x2048xf32, #tpu.memory_space<hbm>>) dst(%arg6 : memref<16x2048xf32, #tpu.memory_space<vmem>>)
    %get3A_52 = arith.constant 32 : index
    %get3A_53 = tpu.vector_load %arg5[%get3A_52] {strides = array<i32>} : memref<256xi32, #tpu.memory_space<vmem>>, vector<16xi32>,
    %get3A_54 = vector.shape_cast %get3A_53 : vector<16xi32> to vector<16xi32>
    %dma_start3A_55 = arith.constant 0 : i32
    %dma_start3A_56 = arith.constant 0 : i32
    %dma_start3A_57 = tpu.memref_slice %arg4[%dma_start3A_55, %dma_start3A_56] : memref<10240x2048xf32, #tpu.memory_space<hbm>> -> memref<10240x2048xf32, #tpu.memory_space<hbm>>
    tpu.enqueue_indirect_dma source(%arg6 : memref<16x2048xf32, #tpu.memory_space<vmem>>) target(%dma_start3A_57 : memref<10240x2048xf32, #tpu.memory_space<hbm>>) offsets(%get3A_54 : vector<16xi32>) semaphore(%arg10 : memref<!tpu.dma_semaphore, #tpu.memory_space<semaphore_mem>>)
    %dma_wait3A_58 = arith.constant 0 : i32
    %dma_wait3A_59 = arith.constant 0 : i32
    %dma_wait3A_60 = tpu.memref_slice %arg4[%dma_wait3A_58, %dma_wait3A_59] : memref<10240x2048xf32, #tpu.memory_space<hbm>> -> memref<10240x2048xf32, #tpu.memory_space<hbm>>
    tpu.wait_indirect_dma semaphore(%arg10 : memref<!tpu.dma_semaphore, #tpu.memory_space<semaphore_mem>>) src(%arg6 : memref<16x2048xf32, #tpu.memory_space<vmem>>) dst(%dma_wait3A_60 : memref<10240x2048xf32, #tpu.memory_space<hbm>>)
    %add3A_61 = arith.constant 64 : i32
    %add3A_62 = arith.addi %mul3A_2, %add3A_61 : i32
    %dma_start3A_63 = arith.constant 0 : i32
    %dma_start3A_64 = tpu.memref_slice %arg3[%add3A_62, %dma_start3A_63] : memref<8192x2048xf32, #tpu.memory_space<hbm>> -> memref<16x2048xf32, #tpu.memory_space<hbm>>
    %dma_start3A_65 = arith.constant 0 : i32
    %dma_start3A_66 = tpu.memref_slice %arg3[%add3A_62, %dma_start3A_65] : memref<8192x2048xf32, #tpu.memory_space<hbm>> -> memref<16x2048xf32, #tpu.memory_space<hbm>>
    tpu.enqueue_dma source(%dma_start3A_66 : memref<16x2048xf32, #tpu.memory_space<hbm>>) target(%arg6 : memref<16x2048xf32, #tpu.memory_space<vmem>>) target_semaphore(%arg8 : memref<!tpu.dma_semaphore, #tpu.memory_space<semaphore_mem>>)
    %dma_wait3A_67 = arith.constant 0 : i32
    %dma_wait3A_68 = tpu.memref_slice %arg3[%add3A_43, %dma_wait3A_67] : memref<8192x2048xf32, #tpu.memory_space<hbm>> -> memref<16x2048xf32, #tpu.memory_space<hbm>>
    %dma_wait3A_69 = arith.constant 0 : i32
    %dma_wait3A_70 = tpu.memref_slice %arg3[%add3A_43, %dma_wait3A_69] : memref<8192x2048xf32, #tpu.memory_space<hbm>> -> memref<16x2048xf32, #tpu.memory_space<hbm>>
    tpu.wait_dma2 semaphore(%arg9 : memref<!tpu.dma_semaphore, #tpu.memory_space<semaphore_mem>>) src(%dma_wait3A_70 : memref<16x2048xf32, #tpu.memory_space<hbm>>) dst(%arg7 : memref<16x2048xf32, #tpu.memory_space<vmem>>)
    %get3A_71 = arith.constant 48 : index
    %get3A_72 = tpu.vector_load %arg5[%get3A_71] {strides = array<i32>} : memref<256xi32, #tpu.memory_space<vmem>>, vector<16xi32>,
    %get3A_73 = vector.shape_cast %get3A_72 : vector<16xi32> to vector<16xi32>
    %dma_start3A_74 = arith.constant 0 : i32
    %dma_start3A_75 = arith.constant 0 : i32
    %dma_start3A_76 = tpu.memref_slice %arg4[%dma_start3A_74, %dma_start3A_75] : memref<10240x2048xf32, #tpu.memory_space<hbm>> -> memref<10240x2048xf32, #tpu.memory_space<hbm>>
    tpu.enqueue_indirect_dma source(%arg7 : memref<16x2048xf32, #tpu.memory_space<vmem>>) target(%dma_start3A_76 : memref<10240x2048xf32, #tpu.memory_space<hbm>>) offsets(%get3A_73 : vector<16xi32>) semaphore(%arg11 : memref<!tpu.dma_semaphore, #tpu.memory_space<semaphore_mem>>)
    %dma_wait3A_77 = arith.constant 0 : i32
    %dma_wait3A_78 = arith.constant 0 : i32
    %dma_wait3A_79 = tpu.memref_slice %arg4[%dma_wait3A_77, %dma_wait3A_78] : memref<10240x2048xf32, #tpu.memory_space<hbm>> -> memref<10240x2048xf32, #tpu.memory_space<hbm>>
    tpu.wait_indirect_dma semaphore(%arg11 : memref<!tpu.dma_semaphore, #tpu.memory_space<semaphore_mem>>) src(%arg7 : memref<16x2048xf32, #tpu.memory_space<vmem>>) dst(%dma_wait3A_79 : memref<10240x2048xf32, #tpu.memory_space<hbm>>)
    %add3A_80 = arith.constant 80 : i32
    %add3A_81 = arith.addi %mul3A_2, %add3A_80 : i32
    %dma_start3A_82 = arith.constant 0 : i32
    %dma_start3A_83 = tpu.memref_slice %arg3[%add3A_81, %dma_start3A_82] : memref<8192x2048xf32, #tpu.memory_space<hbm>> -> memref<16x2048xf32, #tpu.memory_space<hbm>>
    %dma_start3A_84 = arith.constant 0 : i32
    %dma_start3A_85 = tpu.memref_slice %arg3[%add3A_81, %dma_start3A_84] : memref<8192x2048xf32, #tpu.memory_space<hbm>> -> memref<16x2048xf32, #tpu.memory_space<hbm>>
    tpu.enqueue_dma source(%dma_start3A_85 : memref<16x2048xf32, #tpu.memory_space<hbm>>) target(%arg7 : memref<16x2048xf32, #tpu.memory_space<vmem>>) target_semaphore(%arg9 : memref<!tpu.dma_semaphore, #tpu.memory_space<semaphore_mem>>)
    %dma_wait3A_86 = arith.constant 0 : i32
    %dma_wait3A_87 = tpu.memref_slice %arg3[%add3A_62, %dma_wait3A_86] : memref<8192x2048xf32, #tpu.memory_space<hbm>> -> memref<16x2048xf32, #tpu.memory_space<hbm>>
    %dma_wait3A_88 = arith.constant 0 : i32
    %dma_wait3A_89 = tpu.memref_slice %arg3[%add3A_62, %dma_wait3A_88] : memref<8192x2048xf32, #tpu.memory_space<hbm>> -> memref<16x2048xf32, #tpu.memory_space<hbm>>
    tpu.wait_dma2 semaphore(%arg8 : memref<!tpu.dma_semaphore, #tpu.memory_space<semaphore_mem>>) src(%dma_wait3A_89 : memref<16x2048xf32, #tpu.memory_space<hbm>>) dst(%arg6 : memref<16x2048xf32, #tpu.memory_space<vmem>>)
    %get3A_90 = arith.constant 64 : index
    %get3A_91 = tpu.vector_load %arg5[%get3A_90] {strides = array<i32>} : memref<256xi32, #tpu.memory_space<vmem>>, vector<16xi32>,
    %get3A_92 = vector.shape_cast %get3A_91 : vector<16xi32> to vector<16xi32>
    %dma_start3A_93 = arith.constant 0 : i32
    %dma_start3A_94 = arith.constant 0 : i32
    %dma_start3A_95 = tpu.memref_slice %arg4[%dma_start3A_93, %dma_start3A_94] : memref<10240x2048xf32, #tpu.memory_space<hbm>> -> memref<10240x2048xf32, #tpu.memory_space<hbm>>
    tpu.enqueue_indirect_dma source(%arg6 : memref<16x2048xf32, #tpu.memory_space<vmem>>) target(%dma_start3A_95 : memref<10240x2048xf32, #tpu.memory_space<hbm>>) offsets(%get3A_92 : vector<16xi32>) semaphore(%arg10 : memref<!tpu.dma_semaphore, #tpu.memory_space<semaphore_mem>>)
    %dma_wait3A_96 = arith.constant 0 : i32
    %dma_wait3A_97 = arith.constant 0 : i32
    %dma_wait3A_98 = tpu.memref_slice %arg4[%dma_wait3A_96, %dma_wait3A_97] : memref<10240x2048xf32, #tpu.memory_space<hbm>> -> memref<10240x2048xf32, #tpu.memory_space<hbm>>
    tpu.wait_indirect_dma semaphore(%arg10 : memref<!tpu.dma_semaphore, #tpu.memory_space<semaphore_mem>>) src(%arg6 : memref<16x2048xf32, #tpu.memory_space<vmem>>) dst(%dma_wait3A_98 : memref<10240x2048xf32, #tpu.memory_space<hbm>>)
    %add3A_99 = arith.constant 96 : i32
    %add3A_100 = arith.addi %mul3A_2, %add3A_99 : i32
    %dma_start3A_101 = arith.constant 0 : i32
    %dma_start3A_102 = tpu.memref_slice %arg3[%add3A_100, %dma_start3A_101] : memref<8192x2048xf32, #tpu.memory_space<hbm>> -> memref<16x2048xf32, #tpu.memory_space<hbm>>
    %dma_start3A_103 = arith.constant 0 : i32
    %dma_start3A_104 = tpu.memref_slice %arg3[%add3A_100, %dma_start3A_103] : memref<8192x2048xf32, #tpu.memory_space<hbm>> -> memref<16x2048xf32, #tpu.memory_space<hbm>>
    tpu.enqueue_dma source(%dma_start3A_104 : memref<16x2048xf32, #tpu.memory_space<hbm>>) target(%arg6 : memref<16x2048xf32, #tpu.memory_space<vmem>>) target_semaphore(%arg8 : memref<!tpu.dma_semaphore, #tpu.memory_space<semaphore_mem>>)
    %dma_wait3A_105 = arith.constant 0 : i32
    %dma_wait3A_106 = tpu.memref_slice %arg3[%add3A_81, %dma_wait3A_105] : memref<8192x2048xf32, #tpu.memory_space<hbm>> -> memref<16x2048xf32, #tpu.memory_space<hbm>>
    %dma_wait3A_107 = arith.constant 0 : i32
    %dma_wait3A_108 = tpu.memref_slice %arg3[%add3A_81, %dma_wait3A_107] : memref<8192x2048xf32, #tpu.memory_space<hbm>> -> memref<16x2048xf32, #tpu.memory_space<hbm>>
    tpu.wait_dma2 semaphore(%arg9 : memref<!tpu.dma_semaphore, #tpu.memory_space<semaphore_mem>>) src(%dma_wait3A_108 : memref<16x2048xf32, #tpu.memory_space<hbm>>) dst(%arg7 : memref<16x2048xf32, #tpu.memory_space<vmem>>)
    %get3A_109 = arith.constant 80 : index
    %get3A_110 = tpu.vector_load %arg5[%get3A_109] {strides = array<i32>} : memref<256xi32, #tpu.memory_space<vmem>>, vector<16xi32>,
    %get3A_111 = vector.shape_cast %get3A_110 : vector<16xi32> to vector<16xi32>
    %dma_start3A_112 = arith.constant 0 : i32
    %dma_start3A_113 = arith.constant 0 : i32
    %dma_start3A_114 = tpu.memref_slice %arg4[%dma_start3A_112, %dma_start3A_113] : memref<10240x2048xf32, #tpu.memory_space<hbm>> -> memref<10240x2048xf32, #tpu.memory_space<hbm>>
    tpu.enqueue_indirect_dma source(%arg7 : memref<16x2048xf32, #tpu.memory_space<vmem>>) target(%dma_start3A_114 : memref<10240x2048xf32, #tpu.memory_space<hbm>>) offsets(%get3A_111 : vector<16xi32>) semaphore(%arg11 : memref<!tpu.dma_semaphore, #tpu.memory_space<semaphore_mem>>)
    %dma_wait3A_115 = arith.constant 0 : i32
    %dma_wait3A_116 = arith.constant 0 : i32
    %dma_wait3A_117 = tpu.memref_slice %arg4[%dma_wait3A_115, %dma_wait3A_116] : memref<10240x2048xf32, #tpu.memory_space<hbm>> -> memref<10240x2048xf32, #tpu.memory_space<hbm>>
    tpu.wait_indirect_dma semaphore(%arg11 : memref<!tpu.dma_semaphore, #tpu.memory_space<semaphore_mem>>) src(%arg7 : memref<16x2048xf32, #tpu.memory_space<vmem>>) dst(%dma_wait3A_117 : memref<10240x2048xf32, #tpu.memory_space<hbm>>)
    %add3A_118 = arith.constant 112 : i32
    %add3A_119 = arith.addi %mul3A_2, %add3A_118 : i32
    %dma_start3A_120 = arith.constant 0 : i32
    %dma_start3A_121 = tpu.memref_slice %arg3[%add3A_119, %dma_start3A_120] : memref<8192x2048xf32, #tpu.memory_space<hbm>> -> memref<16x2048xf32, #tpu.memory_space<hbm>>
    %dma_start3A_122 = arith.constant 0 : i32
    %dma_start3A_123 = tpu.memref_slice %arg3[%add3A_119, %dma_start3A_122] : memref<8192x2048xf32, #tpu.memory_space<hbm>> -> memref<16x2048xf32, #tpu.memory_space<hbm>>
    tpu.enqueue_dma source(%dma_start3A_123 : memref<16x2048xf32, #tpu.memory_space<hbm>>) target(%arg7 : memref<16x2048xf32, #tpu.memory_space<vmem>>) target_semaphore(%arg9 : memref<!tpu.dma_semaphore, #tpu.memory_space<semaphore_mem>>)
    %dma_wait3A_124 = arith.constant 0 : i32
    %dma_wait3A_125 = tpu.memref_slice %arg3[%add3A_100, %dma_wait3A_124] : memref<8192x2048xf32, #tpu.memory_space<hbm>> -> memref<16x2048xf32, #tpu.memory_space<hbm>>
    %dma_wait3A_126 = arith.constant 0 : i32
    %dma_wait3A_127 = tpu.memref_slice %arg3[%add3A_100, %dma_wait3A_126] : memref<8192x2048xf32, #tpu.memory_space<hbm>> -> memref<16x2048xf32, #tpu.memory_space<hbm>>
    tpu.wait_dma2 semaphore(%arg8 : memref<!tpu.dma_semaphore, #tpu.memory_space<semaphore_mem>>) src(%dma_wait3A_127 : memref<16x2048xf32, #tpu.memory_space<hbm>>) dst(%arg6 : memref<16x2048xf32, #tpu.memory_space<vmem>>)
    %get3A_128 = arith.constant 96 : index
    %get3A_129 = tpu.vector_load %arg5[%get3A_128] {strides = array<i32>} : memref<256xi32, #tpu.memory_space<vmem>>, vector<16xi32>,
    %get3A_130 = vector.shape_cast %get3A_129 : vector<16xi32> to vector<16xi32>
    %dma_start3A_131 = arith.constant 0 : i32
    %dma_start3A_132 = arith.constant 0 : i32
    %dma_start3A_133 = tpu.memref_slice %arg4[%dma_start3A_131, %dma_start3A_132] : memref<10240x2048xf32, #tpu.memory_space<hbm>> -> memref<10240x2048xf32, #tpu.memory_space<hbm>>
    tpu.enqueue_indirect_dma source(%arg6 : memref<16x2048xf32, #tpu.memory_space<vmem>>) target(%dma_start3A_133 : memref<10240x2048xf32, #tpu.memory_space<hbm>>) offsets(%get3A_130 : vector<16xi32>) semaphore(%arg10 : memref<!tpu.dma_semaphore, #tpu.memory_space<semaphore_mem>>)
    %dma_wait3A_134 = arith.constant 0 : i32
    %dma_wait3A_135 = arith.constant 0 : i32
    %dma_wait3A_136 = tpu.memref_slice %arg4[%dma_wait3A_134, %dma_wait3A_135] : memref<10240x2048xf32, #tpu.memory_space<hbm>> -> memref<10240x2048xf32, #tpu.memory_space<hbm>>
    tpu.wait_indirect_dma semaphore(%arg10 : memref<!tpu.dma_semaphore, #tpu.memory_space<semaphore_mem>>) src(%arg6 : memref<16x2048xf32, #tpu.memory_space<vmem>>) dst(%dma_wait3A_136 : memref<10240x2048xf32, #tpu.memory_space<hbm>>)
    %add3A_137 = arith.constant 128 : i32
    %add3A_138 = arith.addi %mul3A_2, %add3A_137 : i32
    %dma_start3A_139 = arith.constant 0 : i32
    %dma_start3A_140 = tpu.memref_slice %arg3[%add3A_138, %dma_start3A_139] : memref<8192x2048xf32, #tpu.memory_space<hbm>> -> memref<16x2048xf32, #tpu.memory_space<hbm>>
    %dma_start3A_141 = arith.constant 0 : i32
    %dma_start3A_142 = tpu.memref_slice %arg3[%add3A_138, %dma_start3A_141] : memref<8192x2048xf32, #tpu.memory_space<hbm>> -> memref<16x2048xf32, #tpu.memory_space<hbm>>
    tpu.enqueue_dma source(%dma_start3A_142 : memref<16x2048xf32, #tpu.memory_space<hbm>>) target(%arg6 : memref<16x2048xf32, #tpu.memory_space<vmem>>) target_semaphore(%arg8 : memref<!tpu.dma_semaphore, #tpu.memory_space<semaphore_mem>>)
    %dma_wait3A_143 = arith.constant 0 : i32
    %dma_wait3A_144 = tpu.memref_slice %arg3[%add3A_119, %dma_wait3A_143] : memref<8192x2048xf32, #tpu.memory_space<hbm>> -> memref<16x2048xf32, #tpu.memory_space<hbm>>
    %dma_wait3A_145 = arith.constant 0 : i32
    %dma_wait3A_146 = tpu.memref_slice %arg3[%add3A_119, %dma_wait3A_145] : memref<8192x2048xf32, #tpu.memory_space<hbm>> -> memref<16x2048xf32, #tpu.memory_space<hbm>>
    tpu.wait_dma2 semaphore(%arg9 : memref<!tpu.dma_semaphore, #tpu.memory_space<semaphore_mem>>) src(%dma_wait3A_146 : memref<16x2048xf32, #tpu.memory_space<hbm>>) dst(%arg7 : memref<16x2048xf32, #tpu.memory_space<vmem>>)
    %get3A_147 = arith.constant 112 : index
    %get3A_148 = tpu.vector_load %arg5[%get3A_147] {strides = array<i32>} : memref<256xi32, #tpu.memory_space<vmem>>, vector<16xi32>,
    %get3A_149 = vector.shape_cast %get3A_148 : vector<16xi32> to vector<16xi32>
    %dma_start3A_150 = arith.constant 0 : i32
    %dma_start3A_151 = arith.constant 0 : i32
    %dma_start3A_152 = tpu.memref_slice %arg4[%dma_start3A_150, %dma_start3A_151] : memref<10240x2048xf32, #tpu.memory_space<hbm>> -> memref<10240x2048xf32, #tpu.memory_space<hbm>>
    tpu.enqueue_indirect_dma source(%arg7 : memref<16x2048xf32, #tpu.memory_space<vmem>>) target(%dma_start3A_152 : memref<10240x2048xf32, #tpu.memory_space<hbm>>) offsets(%get3A_149 : vector<16xi32>) semaphore(%arg11 : memref<!tpu.dma_semaphore, #tpu.memory_space<semaphore_mem>>)
    %dma_wait3A_153 = arith.constant 0 : i32
    %dma_wait3A_154 = arith.constant 0 : i32
    %dma_wait3A_155 = tpu.memref_slice %arg4[%dma_wait3A_153, %dma_wait3A_154] : memref<10240x2048xf32, #tpu.memory_space<hbm>> -> memref<10240x2048xf32, #tpu.memory_space<hbm>>
    tpu.wait_indirect_dma semaphore(%arg11 : memref<!tpu.dma_semaphore, #tpu.memory_space<semaphore_mem>>) src(%arg7 : memref<16x2048xf32, #tpu.memory_space<vmem>>) dst(%dma_wait3A_155 : memref<10240x2048xf32, #tpu.memory_space<hbm>>)
    %add3A_156 = arith.constant 144 : i32
    %add3A_157 = arith.addi %mul3A_2, %add3A_156 : i32
    %dma_start3A_158 = arith.constant 0 : i32
    %dma_start3A_159 = tpu.memref_slice %arg3[%add3A_157, %dma_start3A_158] : memref<8192x2048xf32, #tpu.memory_space<hbm>> -> memref<16x2048xf32, #tpu.memory_space<hbm>>
    %dma_start3A_160 = arith.constant 0 : i32
    %dma_start3A_161 = tpu.memref_slice %arg3[%add3A_157, %dma_start3A_160] : memref<8192x2048xf32, #tpu.memory_space<hbm>> -> memref<16x2048xf32, #tpu.memory_space<hbm>>
    tpu.enqueue_dma source(%dma_start3A_161 : memref<16x2048xf32, #tpu.memory_space<hbm>>) target(%arg7 : memref<16x2048xf32, #tpu.memory_space<vmem>>) target_semaphore(%arg9 : memref<!tpu.dma_semaphore, #tpu.memory_space<semaphore_mem>>)
    %dma_wait3A_162 = arith.constant 0 : i32
    %dma_wait3A_163 = tpu.memref_slice %arg3[%add3A_138, %dma_wait3A_162] : memref<8192x2048xf32, #tpu.memory_space<hbm>> -> memref<16x2048xf32, #tpu.memory_space<hbm>>
    %dma_wait3A_164 = arith.constant 0 : i32
    %dma_wait3A_165 = tpu.memref_slice %arg3[%add3A_138, %dma_wait3A_164] : memref<8192x2048xf32, #tpu.memory_space<hbm>> -> memref<16x2048xf32, #tpu.memory_space<hbm>>
    tpu.wait_dma2 semaphore(%arg8 : memref<!tpu.dma_semaphore, #tpu.memory_space<semaphore_mem>>) src(%dma_wait3A_165 : memref<16x2048xf32, #tpu.memory_space<hbm>>) dst(%arg6 : memref<16x2048xf32, #tpu.memory_space<vmem>>)
    %get3A_166 = arith.constant 128 : index
    %get3A_167 = tpu.vector_load %arg5[%get3A_166] {strides = array<i32>} : memref<256xi32, #tpu.memory_space<vmem>>, vector<16xi32>,
    %get3A_168 = vector.shape_cast %get3A_167 : vector<16xi32> to vector<16xi32>
    %dma_start3A_169 = arith.constant 0 : i32
    %dma_start3A_170 = arith.constant 0 : i32
    %dma_start3A_171 = tpu.memref_slice %arg4[%dma_start3A_169, %dma_start3A_170] : memref<10240x2048xf32, #tpu.memory_space<hbm>> -> memref<10240x2048xf32, #tpu.memory_space<hbm>>
    tpu.enqueue_indirect_dma source(%arg6 : memref<16x2048xf32, #tpu.memory_space<vmem>>) target(%dma_start3A_171 : memref<10240x2048xf32, #tpu.memory_space<hbm>>) offsets(%get3A_168 : vector<16xi32>) semaphore(%arg10 : memref<!tpu.dma_semaphore, #tpu.memory_space<semaphore_mem>>)
    %dma_wait3A_172 = arith.constant 0 : i32
    %dma_wait3A_173 = arith.constant 0 : i32
    %dma_wait3A_174 = tpu.memref_slice %arg4[%dma_wait3A_172, %dma_wait3A_173] : memref<10240x2048xf32, #tpu.memory_space<hbm>> -> memref<10240x2048xf32, #tpu.memory_space<hbm>>
    tpu.wait_indirect_dma semaphore(%arg10 : memref<!tpu.dma_semaphore, #tpu.memory_space<semaphore_mem>>) src(%arg6 : memref<16x2048xf32, #tpu.memory_space<vmem>>) dst(%dma_wait3A_174 : memref<10240x2048xf32, #tpu.memory_space<hbm>>)
    %add3A_175 = arith.constant 160 : i32
    %add3A_176 = arith.addi %mul3A_2, %add3A_175 : i32
    %dma_start3A_177 = arith.constant 0 : i32
    %dma_start3A_178 = tpu.memref_slice %arg3[%add3A_176, %dma_start3A_177] : memref<8192x2048xf32, #tpu.memory_space<hbm>> -> memref<16x2048xf32, #tpu.memory_space<hbm>>
    %dma_start3A_179 = arith.constant 0 : i32
    %dma_start3A_180 = tpu.memref_slice %arg3[%add3A_176, %dma_start3A_179] : memref<8192x2048xf32, #tpu.memory_space<hbm>> -> memref<16x2048xf32, #tpu.memory_space<hbm>>
    tpu.enqueue_dma source(%dma_start3A_180 : memref<16x2048xf32, #tpu.memory_space<hbm>>) target(%arg6 : memref<16x2048xf32, #tpu.memory_space<vmem>>) target_semaphore(%arg8 : memref<!tpu.dma_semaphore, #tpu.memory_space<semaphore_mem>>)
    %dma_wait3A_181 = arith.constant 0 : i32
    %dma_wait3A_182 = tpu.memref_slice %arg3[%add3A_157, %dma_wait3A_181] : memref<8192x2048xf32, #tpu.memory_space<hbm>> -> memref<16x2048xf32, #tpu.memory_space<hbm>>
    %dma_wait3A_183 = arith.constant 0 : i32
    %dma_wait3A_184 = tpu.memref_slice %arg3[%add3A_157, %dma_wait3A_183] : memref<8192x2048xf32, #tpu.memory_space<hbm>> -> memref<16x2048xf32, #tpu.memory_space<hbm>>
    tpu.wait_dma2 semaphore(%arg9 : memref<!tpu.dma_semaphore, #tpu.memory_space<semaphore_mem>>) src(%dma_wait3A_184 : memref<16x2048xf32, #tpu.memory_space<hbm>>) dst(%arg7 : memref<16x2048xf32, #tpu.memory_space<vmem>>)
    %get3A_185 = arith.constant 144 : index
    %get3A_186 = tpu.vector_load %arg5[%get3A_185] {strides = array<i32>} : memref<256xi32, #tpu.memory_space<vmem>>, vector<16xi32>,
    %get3A_187 = vector.shape_cast %get3A_186 : vector<16xi32> to vector<16xi32>
    %dma_start3A_188 = arith.constant 0 : i32
    %dma_start3A_189 = arith.constant 0 : i32
    %dma_start3A_190 = tpu.memref_slice %arg4[%dma_start3A_188, %dma_start3A_189] : memref<10240x2048xf32, #tpu.memory_space<hbm>> -> memref<10240x2048xf32, #tpu.memory_space<hbm>>
    tpu.enqueue_indirect_dma source(%arg7 : memref<16x2048xf32, #tpu.memory_space<vmem>>) target(%dma_start3A_190 : memref<10240x2048xf32, #tpu.memory_space<hbm>>) offsets(%get3A_187 : vector<16xi32>) semaphore(%arg11 : memref<!tpu.dma_semaphore, #tpu.memory_space<semaphore_mem>>)
    %dma_wait3A_191 = arith.constant 0 : i32
    %dma_wait3A_192 = arith.constant 0 : i32
    %dma_wait3A_193 = tpu.memref_slice %arg4[%dma_wait3A_191, %dma_wait3A_192] : memref<10240x2048xf32, #tpu.memory_space<hbm>> -> memref<10240x2048xf32, #tpu.memory_space<hbm>>
    tpu.wait_indirect_dma semaphore(%arg11 : memref<!tpu.dma_semaphore, #tpu.memory_space<semaphore_mem>>) src(%arg7 : memref<16x2048xf32, #tpu.memory_space<vmem>>) dst(%dma_wait3A_193 : memref<10240x2048xf32, #tpu.memory_space<hbm>>)
    %add3A_194 = arith.constant 176 : i32
    %add3A_195 = arith.addi %mul3A_2, %add3A_194 : i32
    %dma_start3A_196 = arith.constant 0 : i32
    %dma_start3A_197 = tpu.memref_slice %arg3[%add3A_195, %dma_start3A_196] : memref<8192x2048xf32, #tpu.memory_space<hbm>> -> memref<16x2048xf32, #tpu.memory_space<hbm>>
    %dma_start3A_198 = arith.constant 0 : i32
    %dma_start3A_199 = tpu.memref_slice %arg3[%add3A_195, %dma_start3A_198] : memref<8192x2048xf32, #tpu.memory_space<hbm>> -> memref<16x2048xf32, #tpu.memory_space<hbm>>
    tpu.enqueue_dma source(%dma_start3A_199 : memref<16x2048xf32, #tpu.memory_space<hbm>>) target(%arg7 : memref<16x2048xf32, #tpu.memory_space<vmem>>) target_semaphore(%arg9 : memref<!tpu.dma_semaphore, #tpu.memory_space<semaphore_mem>>)
    %dma_wait3A_200 = arith.constant 0 : i32
    %dma_wait3A_201 = tpu.memref_slice %arg3[%add3A_176, %dma_wait3A_200] : memref<8192x2048xf32, #tpu.memory_space<hbm>> -> memref<16x2048xf32, #tpu.memory_space<hbm>>
    %dma_wait3A_202 = arith.constant 0 : i32
    %dma_wait3A_203 = tpu.memref_slice %arg3[%add3A_176, %dma_wait3A_202] : memref<8192x2048xf32, #tpu.memory_space<hbm>> -> memref<16x2048xf32, #tpu.memory_space<hbm>>
    tpu.wait_dma2 semaphore(%arg8 : memref<!tpu.dma_semaphore, #tpu.memory_space<semaphore_mem>>) src(%dma_wait3A_203 : memref<16x2048xf32, #tpu.memory_space<hbm>>) dst(%arg6 : memref<16x2048xf32, #tpu.memory_space<vmem>>)
    %get3A_204 = arith.constant 160 : index
    %get3A_205 = tpu.vector_load %arg5[%get3A_204] {strides = array<i32>} : memref<256xi32, #tpu.memory_space<vmem>>, vector<16xi32>,
    %get3A_206 = vector.shape_cast %get3A_205 : vector<16xi32> to vector<16xi32>
    %dma_start3A_207 = arith.constant 0 : i32
    %dma_start3A_208 = arith.constant 0 : i32
    %dma_start3A_209 = tpu.memref_slice %arg4[%dma_start3A_207, %dma_start3A_208] : memref<10240x2048xf32, #tpu.memory_space<hbm>> -> memref<10240x2048xf32, #tpu.memory_space<hbm>>
    tpu.enqueue_indirect_dma source(%arg6 : memref<16x2048xf32, #tpu.memory_space<vmem>>) target(%dma_start3A_209 : memref<10240x2048xf32, #tpu.memory_space<hbm>>) offsets(%get3A_206 : vector<16xi32>) semaphore(%arg10 : memref<!tpu.dma_semaphore, #tpu.memory_space<semaphore_mem>>)
    %dma_wait3A_210 = arith.constant 0 : i32
    %dma_wait3A_211 = arith.constant 0 : i32
    %dma_wait3A_212 = tpu.memref_slice %arg4[%dma_wait3A_210, %dma_wait3A_211] : memref<10240x2048xf32, #tpu.memory_space<hbm>> -> memref<10240x2048xf32, #tpu.memory_space<hbm>>
    tpu.wait_indirect_dma semaphore(%arg10 : memref<!tpu.dma_semaphore, #tpu.memory_space<semaphore_mem>>) src(%arg6 : memref<16x2048xf32, #tpu.memory_space<vmem>>) dst(%dma_wait3A_212 : memref<10240x2048xf32, #tpu.memory_space<hbm>>)
    %add3A_213 = arith.constant 192 : i32
    %add3A_214 = arith.addi %mul3A_2, %add3A_213 : i32
    %dma_start3A_215 = arith.constant 0 : i32
    %dma_start3A_216 = tpu.memref_slice %arg3[%add3A_214, %dma_start3A_215] : memref<8192x2048xf32, #tpu.memory_space<hbm>> -> memref<16x2048xf32, #tpu.memory_space<hbm>>
    %dma_start3A_217 = arith.constant 0 : i32
    %dma_start3A_218 = tpu.memref_slice %arg3[%add3A_214, %dma_start3A_217] : memref<8192x2048xf32, #tpu.memory_space<hbm>> -> memref<16x2048xf32, #tpu.memory_space<hbm>>
    tpu.enqueue_dma source(%dma_start3A_218 : memref<16x2048xf32, #tpu.memory_space<hbm>>) target(%arg6 : memref<16x2048xf32, #tpu.memory_space<vmem>>) target_semaphore(%arg8 : memref<!tpu.dma_semaphore, #tpu.memory_space<semaphore_mem>>)
    %dma_wait3A_219 = arith.constant 0 : i32
    %dma_wait3A_220 = tpu.memref_slice %arg3[%add3A_195, %dma_wait3A_219] : memref<8192x2048xf32, #tpu.memory_space<hbm>> -> memref<16x2048xf32, #tpu.memory_space<hbm>>
    %dma_wait3A_221 = arith.constant 0 : i32
    %dma_wait3A_222 = tpu.memref_slice %arg3[%add3A_195, %dma_wait3A_221] : memref<8192x2048xf32, #tpu.memory_space<hbm>> -> memref<16x2048xf32, #tpu.memory_space<hbm>>
    tpu.wait_dma2 semaphore(%arg9 : memref<!tpu.dma_semaphore, #tpu.memory_space<semaphore_mem>>) src(%dma_wait3A_222 : memref<16x2048xf32, #tpu.memory_space<hbm>>) dst(%arg7 : memref<16x2048xf32, #tpu.memory_space<vmem>>)
    %get3A_223 = arith.constant 176 : index
    %get3A_224 = tpu.vector_load %arg5[%get3A_223] {strides = array<i32>} : memref<256xi32, #tpu.memory_space<vmem>>, vector<16xi32>,
    %get3A_225 = vector.shape_cast %get3A_224 : vector<16xi32> to vector<16xi32>
    %dma_start3A_226 = arith.constant 0 : i32
    %dma_start3A_227 = arith.constant 0 : i32
    %dma_start3A_228 = tpu.memref_slice %arg4[%dma_start3A_226, %dma_start3A_227] : memref<10240x2048xf32, #tpu.memory_space<hbm>> -> memref<10240x2048xf32, #tpu.memory_space<hbm>>
    tpu.enqueue_indirect_dma source(%arg7 : memref<16x2048xf32, #tpu.memory_space<vmem>>) target(%dma_start3A_228 : memref<10240x2048xf32, #tpu.memory_space<hbm>>) offsets(%get3A_225 : vector<16xi32>) semaphore(%arg11 : memref<!tpu.dma_semaphore, #tpu.memory_space<semaphore_mem>>)
    %dma_wait3A_229 = arith.constant 0 : i32
    %dma_wait3A_230 = arith.constant 0 : i32
    %dma_wait3A_231 = tpu.memref_slice %arg4[%dma_wait3A_229, %dma_wait3A_230] : memref<10240x2048xf32, #tpu.memory_space<hbm>> -> memref<10240x2048xf32, #tpu.memory_space<hbm>>
    tpu.wait_indirect_dma semaphore(%arg11 : memref<!tpu.dma_semaphore, #tpu.memory_space<semaphore_mem>>) src(%arg7 : memref<16x2048xf32, #tpu.memory_space<vmem>>) dst(%dma_wait3A_231 : memref<10240x2048xf32, #tpu.memory_space<hbm>>)
    %add3A_232 = arith.constant 208 : i32
    %add3A_233 = arith.addi %mul3A_2, %add3A_232 : i32
    %dma_start3A_234 = arith.constant 0 : i32
    %dma_start3A_235 = tpu.memref_slice %arg3[%add3A_233, %dma_start3A_234] : memref<8192x2048xf32, #tpu.memory_space<hbm>> -> memref<16x2048xf32, #tpu.memory_space<hbm>>
    %dma_start3A_236 = arith.constant 0 : i32
    %dma_start3A_237 = tpu.memref_slice %arg3[%add3A_233, %dma_start3A_236] : memref<8192x2048xf32, #tpu.memory_space<hbm>> -> memref<16x2048xf32, #tpu.memory_space<hbm>>
    tpu.enqueue_dma source(%dma_start3A_237 : memref<16x2048xf32, #tpu.memory_space<hbm>>) target(%arg7 : memref<16x2048xf32, #tpu.memory_space<vmem>>) target_semaphore(%arg9 : memref<!tpu.dma_semaphore, #tpu.memory_space<semaphore_mem>>)
    %dma_wait3A_238 = arith.constant 0 : i32
    %dma_wait3A_239 = tpu.memref_slice %arg3[%add3A_214, %dma_wait3A_238] : memref<8192x2048xf32, #tpu.memory_space<hbm>> -> memref<16x2048xf32, #tpu.memory_space<hbm>>
    %dma_wait3A_240 = arith.constant 0 : i32
    %dma_wait3A_241 = tpu.memref_slice %arg3[%add3A_214, %dma_wait3A_240] : memref<8192x2048xf32, #tpu.memory_space<hbm>> -> memref<16x2048xf32, #tpu.memory_space<hbm>>
    tpu.wait_dma2 semaphore(%arg8 : memref<!tpu.dma_semaphore, #tpu.memory_space<semaphore_mem>>) src(%dma_wait3A_241 : memref<16x2048xf32, #tpu.memory_space<hbm>>) dst(%arg6 : memref<16x2048xf32, #tpu.memory_space<vmem>>)
    %get3A_242 = arith.constant 192 : index
    %get3A_243 = tpu.vector_load %arg5[%get3A_242] {strides = array<i32>} : memref<256xi32, #tpu.memory_space<vmem>>, vector<16xi32>,
    %get3A_244 = vector.shape_cast %get3A_243 : vector<16xi32> to vector<16xi32>
    %dma_start3A_245 = arith.constant 0 : i32
    %dma_start3A_246 = arith.constant 0 : i32
    %dma_start3A_247 = tpu.memref_slice %arg4[%dma_start3A_245, %dma_start3A_246] : memref<10240x2048xf32, #tpu.memory_space<hbm>> -> memref<10240x2048xf32, #tpu.memory_space<hbm>>
    tpu.enqueue_indirect_dma source(%arg6 : memref<16x2048xf32, #tpu.memory_space<vmem>>) target(%dma_start3A_247 : memref<10240x2048xf32, #tpu.memory_space<hbm>>) offsets(%get3A_244 : vector<16xi32>) semaphore(%arg10 : memref<!tpu.dma_semaphore, #tpu.memory_space<semaphore_mem>>)
    %dma_wait3A_248 = arith.constant 0 : i32
    %dma_wait3A_249 = arith.constant 0 : i32
    %dma_wait3A_250 = tpu.memref_slice %arg4[%dma_wait3A_248, %dma_wait3A_249] : memref<10240x2048xf32, #tpu.memory_space<hbm>> -> memref<10240x2048xf32, #tpu.memory_space<hbm>>
    tpu.wait_indirect_dma semaphore(%arg10 : memref<!tpu.dma_semaphore, #tpu.memory_space<semaphore_mem>>) src(%arg6 : memref<16x2048xf32, #tpu.memory_space<vmem>>) dst(%dma_wait3A_250 : memref<10240x2048xf32, #tpu.memory_space<hbm>>)
    %add3A_251 = arith.constant 224 : i32
    %add3A_252 = arith.addi %mul3A_2, %add3A_251 : i32
    %dma_start3A_253 = arith.constant 0 : i32
    %dma_start3A_254 = tpu.memref_slice %arg3[%add3A_252, %dma_start3A_253] : memref<8192x2048xf32, #tpu.memory_space<hbm>> -> memref<16x2048xf32, #tpu.memory_space<hbm>>
    %dma_start3A_255 = arith.constant 0 : i32
    %dma_start3A_256 = tpu.memref_slice %arg3[%add3A_252, %dma_start3A_255] : memref<8192x2048xf32, #tpu.memory_space<hbm>> -> memref<16x2048xf32, #tpu.memory_space<hbm>>
    tpu.enqueue_dma source(%dma_start3A_256 : memref<16x2048xf32, #tpu.memory_space<hbm>>) target(%arg6 : memref<16x2048xf32, #tpu.memory_space<vmem>>) target_semaphore(%arg8 : memref<!tpu.dma_semaphore, #tpu.memory_space<semaphore_mem>>)
    %dma_wait3A_257 = arith.constant 0 : i32
    %dma_wait3A_258 = tpu.memref_slice %arg3[%add3A_233, %dma_wait3A_257] : memref<8192x2048xf32, #tpu.memory_space<hbm>> -> memref<16x2048xf32, #tpu.memory_space<hbm>>
    %dma_wait3A_259 = arith.constant 0 : i32
    %dma_wait3A_260 = tpu.memref_slice %arg3[%add3A_233, %dma_wait3A_259] : memref<8192x2048xf32, #tpu.memory_space<hbm>> -> memref<16x2048xf32, #tpu.memory_space<hbm>>
    tpu.wait_dma2 semaphore(%arg9 : memref<!tpu.dma_semaphore, #tpu.memory_space<semaphore_mem>>) src(%dma_wait3A_260 : memref<16x2048xf32, #tpu.memory_space<hbm>>) dst(%arg7 : memref<16x2048xf32, #tpu.memory_space<vmem>>)
    %get3A_261 = arith.constant 208 : index
    %get3A_262 = tpu.vector_load %arg5[%get3A_261] {strides = array<i32>} : memref<256xi32, #tpu.memory_space<vmem>>, vector<16xi32>,
    %get3A_263 = vector.shape_cast %get3A_262 : vector<16xi32> to vector<16xi32>
    %dma_start3A_264 = arith.constant 0 : i32
    %dma_start3A_265 = arith.constant 0 : i32
    %dma_start3A_266 = tpu.memref_slice %arg4[%dma_start3A_264, %dma_start3A_265] : memref<10240x2048xf32, #tpu.memory_space<hbm>> -> memref<10240x2048xf32, #tpu.memory_space<hbm>>
    tpu.enqueue_indirect_dma source(%arg7 : memref<16x2048xf32, #tpu.memory_space<vmem>>) target(%dma_start3A_266 : memref<10240x2048xf32, #tpu.memory_space<hbm>>) offsets(%get3A_263 : vector<16xi32>) semaphore(%arg11 : memref<!tpu.dma_semaphore, #tpu.memory_space<semaphore_mem>>)
    %dma_wait3A_267 = arith.constant 0 : i32
    %dma_wait3A_268 = arith.constant 0 : i32
    %dma_wait3A_269 = tpu.memref_slice %arg4[%dma_wait3A_267, %dma_wait3A_268] : memref<10240x2048xf32, #tpu.memory_space<hbm>> -> memref<10240x2048xf32, #tpu.memory_space<hbm>>
    tpu.wait_indirect_dma semaphore(%arg11 : memref<!tpu.dma_semaphore, #tpu.memory_space<semaphore_mem>>) src(%arg7 : memref<16x2048xf32, #tpu.memory_space<vmem>>) dst(%dma_wait3A_269 : memref<10240x2048xf32, #tpu.memory_space<hbm>>)
    %add3A_270 = arith.constant 240 : i32
    %add3A_271 = arith.addi %mul3A_2, %add3A_270 : i32
    %dma_start3A_272 = arith.constant 0 : i32
    %dma_start3A_273 = tpu.memref_slice %arg3[%add3A_271, %dma_start3A_272] : memref<8192x2048xf32, #tpu.memory_space<hbm>> -> memref<16x2048xf32, #tpu.memory_space<hbm>>
    %dma_start3A_274 = arith.constant 0 : i32
    %dma_start3A_275 = tpu.memref_slice %arg3[%add3A_271, %dma_start3A_274] : memref<8192x2048xf32, #tpu.memory_space<hbm>> -> memref<16x2048xf32, #tpu.memory_space<hbm>>
    tpu.enqueue_dma source(%dma_start3A_275 : memref<16x2048xf32, #tpu.memory_space<hbm>>) target(%arg7 : memref<16x2048xf32, #tpu.memory_space<vmem>>) target_semaphore(%arg9 : memref<!tpu.dma_semaphore, #tpu.memory_space<semaphore_mem>>)
    %dma_wait3A_276 = arith.constant 0 : i32
    %dma_wait3A_277 = tpu.memref_slice %arg3[%add3A_252, %dma_wait3A_276] : memref<8192x2048xf32, #tpu.memory_space<hbm>> -> memref<16x2048xf32, #tpu.memory_space<hbm>>
    %dma_wait3A_278 = arith.constant 0 : i32
    %dma_wait3A_279 = tpu.memref_slice %arg3[%add3A_252, %dma_wait3A_278] : memref<8192x2048xf32, #tpu.memory_space<hbm>> -> memref<16x2048xf32, #tpu.memory_space<hbm>>
    tpu.wait_dma2 semaphore(%arg8 : memref<!tpu.dma_semaphore, #tpu.memory_space<semaphore_mem>>) src(%dma_wait3A_279 : memref<16x2048xf32, #tpu.memory_space<hbm>>) dst(%arg6 : memref<16x2048xf32, #tpu.memory_space<vmem>>)
    %get3A_280 = arith.constant 224 : index
    %get3A_281 = tpu.vector_load %arg5[%get3A_280] {strides = array<i32>} : memref<256xi32, #tpu.memory_space<vmem>>, vector<16xi32>,
    %get3A_282 = vector.shape_cast %get3A_281 : vector<16xi32> to vector<16xi32>
    %dma_start3A_283 = arith.constant 0 : i32
    %dma_start3A_284 = arith.constant 0 : i32
    %dma_start3A_285 = tpu.memref_slice %arg4[%dma_start3A_283, %dma_start3A_284] : memref<10240x2048xf32, #tpu.memory_space<hbm>> -> memref<10240x2048xf32, #tpu.memory_space<hbm>>
    tpu.enqueue_indirect_dma source(%arg6 : memref<16x2048xf32, #tpu.memory_space<vmem>>) target(%dma_start3A_285 : memref<10240x2048xf32, #tpu.memory_space<hbm>>) offsets(%get3A_282 : vector<16xi32>) semaphore(%arg10 : memref<!tpu.dma_semaphore, #tpu.memory_space<semaphore_mem>>)
    %dma_wait3A_286 = arith.constant 0 : i32
    %dma_wait3A_287 = tpu.memref_slice %arg3[%add3A_271, %dma_wait3A_286] : memref<8192x2048xf32, #tpu.memory_space<hbm>> -> memref<16x2048xf32, #tpu.memory_space<hbm>>
    %dma_wait3A_288 = arith.constant 0 : i32
    %dma_wait3A_289 = tpu.memref_slice %arg3[%add3A_271, %dma_wait3A_288] : memref<8192x2048xf32, #tpu.memory_space<hbm>> -> memref<16x2048xf32, #tpu.memory_space<hbm>>
    tpu.wait_dma2 semaphore(%arg9 : memref<!tpu.dma_semaphore, #tpu.memory_space<semaphore_mem>>) src(%dma_wait3A_289 : memref<16x2048xf32, #tpu.memory_space<hbm>>) dst(%arg7 : memref<16x2048xf32, #tpu.memory_space<vmem>>)
    %get3A_290 = arith.constant 240 : index
    %get3A_291 = tpu.vector_load %arg5[%get3A_290] {strides = array<i32>} : memref<256xi32, #tpu.memory_space<vmem>>, vector<16xi32>,
    %get3A_292 = vector.shape_cast %get3A_291 : vector<16xi32> to vector<16xi32>
    %dma_start3A_293 = arith.constant 0 : i32
    %dma_start3A_294 = arith.constant 0 : i32
    %dma_start3A_295 = tpu.memref_slice %arg4[%dma_start3A_293, %dma_start3A_294] : memref<10240x2048xf32, #tpu.memory_space<hbm>> -> memref<10240x2048xf32, #tpu.memory_space<hbm>>
    tpu.enqueue_indirect_dma source(%arg7 : memref<16x2048xf32, #tpu.memory_space<vmem>>) target(%dma_start3A_295 : memref<10240x2048xf32, #tpu.memory_space<hbm>>) offsets(%get3A_292 : vector<16xi32>) semaphore(%arg11 : memref<!tpu.dma_semaphore, #tpu.memory_space<semaphore_mem>>)
    %dma_wait3A_296 = arith.constant 0 : i32
    %dma_wait3A_297 = arith.constant 0 : i32
    %dma_wait3A_298 = tpu.memref_slice %arg4[%dma_wait3A_296, %dma_wait3A_297] : memref<10240x2048xf32, #tpu.memory_space<hbm>> -> memref<10240x2048xf32, #tpu.memory_space<hbm>>
    tpu.wait_indirect_dma semaphore(%arg10 : memref<!tpu.dma_semaphore, #tpu.memory_space<semaphore_mem>>) src(%arg6 : memref<16x2048xf32, #tpu.memory_space<vmem>>) dst(%dma_wait3A_298 : memref<10240x2048xf32, #tpu.memory_space<hbm>>)
    %dma_wait3A_299 = arith.constant 0 : i32
    %dma_wait3A_300 = arith.constant 0 : i32
    %dma_wait3A_301 = tpu.memref_slice %arg4[%dma_wait3A_299, %dma_wait3A_300] : memref<10240x2048xf32, #tpu.memory_space<hbm>> -> memref<10240x2048xf32, #tpu.memory_space<hbm>>
    tpu.wait_indirect_dma semaphore(%arg11 : memref<!tpu.dma_semaphore, #tpu.memory_space<semaphore_mem>>) src(%arg7 : memref<16x2048xf32, #tpu.memory_space<vmem>>) dst(%dma_wait3A_301 : memref<10240x2048xf32, #tpu.memory_space<hbm>>)
    return
  }
}

module attributes {stable_mosaic.version = 14 : i64} {
  func.func @_route_tc_body(%arg0: memref<32x1x256xi32, #tpu.memory_space<vmem>>, %arg1: memref<32x256x1xi32, #tpu.memory_space<vmem>>, %arg2: memref<32x256x1xi32, #tpu.memory_space<vmem>>, %arg3: memref<80x1xi32, #tpu.memory_space<vmem>>) attributes {dimension_semantics = [], scalar_prefetch = 0 : i64, scratch_operands = 0 : i64, tpu.core_type = #tpu.core_type<tc>} {
    %get3A = arith.constant 0 : index
    %get3A_0 = arith.constant 0 : index
    %get3A_1 = arith.constant 0 : index
    %get3A_2 = vector.load %arg0[%get3A, %get3A_0, %get3A_1] : memref<32x1x256xi32, #tpu.memory_space<vmem>>, vector<32x1x256xi32>
    %get3A_3 = vector.shape_cast %get3A_2 : vector<32x1x256xi32> to vector<32x256xi32>
    %eq3A = arith.constant 0 : i32
    %eq3A_4 = vector.broadcast %eq3A : i32 to vector<32x256xi32>
    %eq3A_5 = arith.cmpi eq, %get3A_3, %eq3A_4 : vector<32x256xi32>
    %convert_element_type3A = arith.extui %eq3A_5 : vector<32x256xi1> to vector<32x256xi32>
    %reduce_sum3A = arith.constant dense<0> : vector<32xi32>
    %reduce_sum3A_6 = vector.multi_reduction <add>, %convert_element_type3A, %reduce_sum3A [1] : vector<32x256xi32> to vector<32xi32>
    %broadcast_in_dim3A = vector.shape_cast %reduce_sum3A_6 : vector<32xi32> to vector<32x1xi32>
    %eq3A_7 = arith.constant 1 : i32
    %eq3A_8 = vector.broadcast %eq3A_7 : i32 to vector<32x256xi32>
    %eq3A_9 = arith.cmpi eq, %get3A_3, %eq3A_8 : vector<32x256xi32>
    %convert_element_type3A_10 = arith.extui %eq3A_9 : vector<32x256xi1> to vector<32x256xi32>
    %reduce_sum3A_11 = arith.constant dense<0> : vector<32xi32>
    %reduce_sum3A_12 = vector.multi_reduction <add>, %convert_element_type3A_10, %reduce_sum3A_11 [1] : vector<32x256xi32> to vector<32xi32>
    %broadcast_in_dim3A_13 = vector.shape_cast %reduce_sum3A_12 : vector<32xi32> to vector<32x1xi32>
    %eq3A_14 = arith.constant 2 : i32
    %eq3A_15 = vector.broadcast %eq3A_14 : i32 to vector<32x256xi32>
    %eq3A_16 = arith.cmpi eq, %get3A_3, %eq3A_15 : vector<32x256xi32>
    %convert_element_type3A_17 = arith.extui %eq3A_16 : vector<32x256xi1> to vector<32x256xi32>
    %reduce_sum3A_18 = arith.constant dense<0> : vector<32xi32>
    %reduce_sum3A_19 = vector.multi_reduction <add>, %convert_element_type3A_17, %reduce_sum3A_18 [1] : vector<32x256xi32> to vector<32xi32>
    %broadcast_in_dim3A_20 = vector.shape_cast %reduce_sum3A_19 : vector<32xi32> to vector<32x1xi32>
    %eq3A_21 = arith.constant 3 : i32
    %eq3A_22 = vector.broadcast %eq3A_21 : i32 to vector<32x256xi32>
    %eq3A_23 = arith.cmpi eq, %get3A_3, %eq3A_22 : vector<32x256xi32>
    %convert_element_type3A_24 = arith.extui %eq3A_23 : vector<32x256xi1> to vector<32x256xi32>
    %reduce_sum3A_25 = arith.constant dense<0> : vector<32xi32>
    %reduce_sum3A_26 = vector.multi_reduction <add>, %convert_element_type3A_24, %reduce_sum3A_25 [1] : vector<32x256xi32> to vector<32xi32>
    %broadcast_in_dim3A_27 = vector.shape_cast %reduce_sum3A_26 : vector<32xi32> to vector<32x1xi32>
    %eq3A_28 = arith.constant 4 : i32
    %eq3A_29 = vector.broadcast %eq3A_28 : i32 to vector<32x256xi32>
    %eq3A_30 = arith.cmpi eq, %get3A_3, %eq3A_29 : vector<32x256xi32>
    %convert_element_type3A_31 = arith.extui %eq3A_30 : vector<32x256xi1> to vector<32x256xi32>
    %reduce_sum3A_32 = arith.constant dense<0> : vector<32xi32>
    %reduce_sum3A_33 = vector.multi_reduction <add>, %convert_element_type3A_31, %reduce_sum3A_32 [1] : vector<32x256xi32> to vector<32xi32>
    %broadcast_in_dim3A_34 = vector.shape_cast %reduce_sum3A_33 : vector<32xi32> to vector<32x1xi32>
    %eq3A_35 = arith.constant 5 : i32
    %eq3A_36 = vector.broadcast %eq3A_35 : i32 to vector<32x256xi32>
    %eq3A_37 = arith.cmpi eq, %get3A_3, %eq3A_36 : vector<32x256xi32>
    %convert_element_type3A_38 = arith.extui %eq3A_37 : vector<32x256xi1> to vector<32x256xi32>
    %reduce_sum3A_39 = arith.constant dense<0> : vector<32xi32>
    %reduce_sum3A_40 = vector.multi_reduction <add>, %convert_element_type3A_38, %reduce_sum3A_39 [1] : vector<32x256xi32> to vector<32xi32>
    %broadcast_in_dim3A_41 = vector.shape_cast %reduce_sum3A_40 : vector<32xi32> to vector<32x1xi32>
    %eq3A_42 = arith.constant 6 : i32
    %eq3A_43 = vector.broadcast %eq3A_42 : i32 to vector<32x256xi32>
    %eq3A_44 = arith.cmpi eq, %get3A_3, %eq3A_43 : vector<32x256xi32>
    %convert_element_type3A_45 = arith.extui %eq3A_44 : vector<32x256xi1> to vector<32x256xi32>
    %reduce_sum3A_46 = arith.constant dense<0> : vector<32xi32>
    %reduce_sum3A_47 = vector.multi_reduction <add>, %convert_element_type3A_45, %reduce_sum3A_46 [1] : vector<32x256xi32> to vector<32xi32>
    %broadcast_in_dim3A_48 = vector.shape_cast %reduce_sum3A_47 : vector<32xi32> to vector<32x1xi32>
    %eq3A_49 = arith.constant 7 : i32
    %eq3A_50 = vector.broadcast %eq3A_49 : i32 to vector<32x256xi32>
    %eq3A_51 = arith.cmpi eq, %get3A_3, %eq3A_50 : vector<32x256xi32>
    %convert_element_type3A_52 = arith.extui %eq3A_51 : vector<32x256xi1> to vector<32x256xi32>
    %reduce_sum3A_53 = arith.constant dense<0> : vector<32xi32>
    %reduce_sum3A_54 = vector.multi_reduction <add>, %convert_element_type3A_52, %reduce_sum3A_53 [1] : vector<32x256xi32> to vector<32xi32>
    %broadcast_in_dim3A_55 = vector.shape_cast %reduce_sum3A_54 : vector<32xi32> to vector<32x1xi32>
    %eq3A_56 = arith.constant 8 : i32
    %eq3A_57 = vector.broadcast %eq3A_56 : i32 to vector<32x256xi32>
    %eq3A_58 = arith.cmpi eq, %get3A_3, %eq3A_57 : vector<32x256xi32>
    %convert_element_type3A_59 = arith.extui %eq3A_58 : vector<32x256xi1> to vector<32x256xi32>
    %reduce_sum3A_60 = arith.constant dense<0> : vector<32xi32>
    %reduce_sum3A_61 = vector.multi_reduction <add>, %convert_element_type3A_59, %reduce_sum3A_60 [1] : vector<32x256xi32> to vector<32xi32>
    %broadcast_in_dim3A_62 = vector.shape_cast %reduce_sum3A_61 : vector<32xi32> to vector<32x1xi32>
    %eq3A_63 = arith.constant 9 : i32
    %eq3A_64 = vector.broadcast %eq3A_63 : i32 to vector<32x256xi32>
    %eq3A_65 = arith.cmpi eq, %get3A_3, %eq3A_64 : vector<32x256xi32>
    %convert_element_type3A_66 = arith.extui %eq3A_65 : vector<32x256xi1> to vector<32x256xi32>
    %reduce_sum3A_67 = arith.constant dense<0> : vector<32xi32>
    %reduce_sum3A_68 = vector.multi_reduction <add>, %convert_element_type3A_66, %reduce_sum3A_67 [1] : vector<32x256xi32> to vector<32xi32>
    %broadcast_in_dim3A_69 = vector.shape_cast %reduce_sum3A_68 : vector<32xi32> to vector<32x1xi32>
    %eq3A_70 = arith.constant 10 : i32
    %eq3A_71 = vector.broadcast %eq3A_70 : i32 to vector<32x256xi32>
    %eq3A_72 = arith.cmpi eq, %get3A_3, %eq3A_71 : vector<32x256xi32>
    %convert_element_type3A_73 = arith.extui %eq3A_72 : vector<32x256xi1> to vector<32x256xi32>
    %reduce_sum3A_74 = arith.constant dense<0> : vector<32xi32>
    %reduce_sum3A_75 = vector.multi_reduction <add>, %convert_element_type3A_73, %reduce_sum3A_74 [1] : vector<32x256xi32> to vector<32xi32>
    %broadcast_in_dim3A_76 = vector.shape_cast %reduce_sum3A_75 : vector<32xi32> to vector<32x1xi32>
    %eq3A_77 = arith.constant 11 : i32
    %eq3A_78 = vector.broadcast %eq3A_77 : i32 to vector<32x256xi32>
    %eq3A_79 = arith.cmpi eq, %get3A_3, %eq3A_78 : vector<32x256xi32>
    %convert_element_type3A_80 = arith.extui %eq3A_79 : vector<32x256xi1> to vector<32x256xi32>
    %reduce_sum3A_81 = arith.constant dense<0> : vector<32xi32>
    %reduce_sum3A_82 = vector.multi_reduction <add>, %convert_element_type3A_80, %reduce_sum3A_81 [1] : vector<32x256xi32> to vector<32xi32>
    %broadcast_in_dim3A_83 = vector.shape_cast %reduce_sum3A_82 : vector<32xi32> to vector<32x1xi32>
    %eq3A_84 = arith.constant 12 : i32
    %eq3A_85 = vector.broadcast %eq3A_84 : i32 to vector<32x256xi32>
    %eq3A_86 = arith.cmpi eq, %get3A_3, %eq3A_85 : vector<32x256xi32>
    %convert_element_type3A_87 = arith.extui %eq3A_86 : vector<32x256xi1> to vector<32x256xi32>
    %reduce_sum3A_88 = arith.constant dense<0> : vector<32xi32>
    %reduce_sum3A_89 = vector.multi_reduction <add>, %convert_element_type3A_87, %reduce_sum3A_88 [1] : vector<32x256xi32> to vector<32xi32>
    %broadcast_in_dim3A_90 = vector.shape_cast %reduce_sum3A_89 : vector<32xi32> to vector<32x1xi32>
    %eq3A_91 = arith.constant 13 : i32
    %eq3A_92 = vector.broadcast %eq3A_91 : i32 to vector<32x256xi32>
    %eq3A_93 = arith.cmpi eq, %get3A_3, %eq3A_92 : vector<32x256xi32>
    %convert_element_type3A_94 = arith.extui %eq3A_93 : vector<32x256xi1> to vector<32x256xi32>
    %reduce_sum3A_95 = arith.constant dense<0> : vector<32xi32>
    %reduce_sum3A_96 = vector.multi_reduction <add>, %convert_element_type3A_94, %reduce_sum3A_95 [1] : vector<32x256xi32> to vector<32xi32>
    %broadcast_in_dim3A_97 = vector.shape_cast %reduce_sum3A_96 : vector<32xi32> to vector<32x1xi32>
    %eq3A_98 = arith.constant 14 : i32
    %eq3A_99 = vector.broadcast %eq3A_98 : i32 to vector<32x256xi32>
    %eq3A_100 = arith.cmpi eq, %get3A_3, %eq3A_99 : vector<32x256xi32>
    %convert_element_type3A_101 = arith.extui %eq3A_100 : vector<32x256xi1> to vector<32x256xi32>
    %reduce_sum3A_102 = arith.constant dense<0> : vector<32xi32>
    %reduce_sum3A_103 = vector.multi_reduction <add>, %convert_element_type3A_101, %reduce_sum3A_102 [1] : vector<32x256xi32> to vector<32xi32>
    %broadcast_in_dim3A_104 = vector.shape_cast %reduce_sum3A_103 : vector<32xi32> to vector<32x1xi32>
    %eq3A_105 = arith.constant 15 : i32
    %eq3A_106 = vector.broadcast %eq3A_105 : i32 to vector<32x256xi32>
    %eq3A_107 = arith.cmpi eq, %get3A_3, %eq3A_106 : vector<32x256xi32>
    %convert_element_type3A_108 = arith.extui %eq3A_107 : vector<32x256xi1> to vector<32x256xi32>
    %reduce_sum3A_109 = arith.constant dense<0> : vector<32xi32>
    %reduce_sum3A_110 = vector.multi_reduction <add>, %convert_element_type3A_108, %reduce_sum3A_109 [1] : vector<32x256xi32> to vector<32xi32>
    %broadcast_in_dim3A_111 = vector.shape_cast %reduce_sum3A_110 : vector<32xi32> to vector<32x1xi32>
    %concatenate3A = tpu.concatenate %broadcast_in_dim3A, %broadcast_in_dim3A_13, %broadcast_in_dim3A_20, %broadcast_in_dim3A_27, %broadcast_in_dim3A_34, %broadcast_in_dim3A_41, %broadcast_in_dim3A_48, %broadcast_in_dim3A_55, %broadcast_in_dim3A_62, %broadcast_in_dim3A_69, %broadcast_in_dim3A_76, %broadcast_in_dim3A_83, %broadcast_in_dim3A_90, %broadcast_in_dim3A_97, %broadcast_in_dim3A_104, %broadcast_in_dim3A_111 in 1 : vector<32x1xi32>, vector<32x1xi32>, vector<32x1xi32>, vector<32x1xi32>, vector<32x1xi32>, vector<32x1xi32>, vector<32x1xi32>, vector<32x1xi32>, vector<32x1xi32>, vector<32x1xi32>, vector<32x1xi32>, vector<32x1xi32>, vector<32x1xi32>, vector<32x1xi32>, vector<32x1xi32>, vector<32x1xi32> -> vector<32x16xi32>
    %broadcast_in_dim3A_112 = arith.constant 0 : i32
    %broadcast_in_dim3A_113 = vector.broadcast %broadcast_in_dim3A_112 : i32 to vector<1x16xi32>
    %slice3A = vector.extract_strided_slice %concatenate3A {offsets = [0, 0], sizes = [1, 16], strides = [1, 1]} : vector<32x16xi32> to vector<1x16xi32>
    %reduce_sum3A_114 = arith.constant dense<0> : vector<16xi32>
    %reduce_sum3A_115 = vector.multi_reduction <add>, %slice3A, %reduce_sum3A_114 [0] : vector<1x16xi32> to vector<16xi32>
    %broadcast_in_dim3A_116 = vector.shape_cast %reduce_sum3A_115 : vector<16xi32> to vector<1x16xi32>
    %slice3A_117 = vector.extract_strided_slice %concatenate3A {offsets = [0, 0], sizes = [2, 16], strides = [1, 1]} : vector<32x16xi32> to vector<2x16xi32>
    %reduce_sum3A_118 = arith.constant dense<0> : vector<16xi32>
    %reduce_sum3A_119 = vector.multi_reduction <add>, %slice3A_117, %reduce_sum3A_118 [0] : vector<2x16xi32> to vector<16xi32>
    %broadcast_in_dim3A_120 = vector.shape_cast %reduce_sum3A_119 : vector<16xi32> to vector<1x16xi32>
    %slice3A_121 = vector.extract_strided_slice %concatenate3A {offsets = [0, 0], sizes = [3, 16], strides = [1, 1]} : vector<32x16xi32> to vector<3x16xi32>
    %reduce_sum3A_122 = arith.constant dense<0> : vector<16xi32>
    %reduce_sum3A_123 = vector.multi_reduction <add>, %slice3A_121, %reduce_sum3A_122 [0] : vector<3x16xi32> to vector<16xi32>
    %broadcast_in_dim3A_124 = vector.shape_cast %reduce_sum3A_123 : vector<16xi32> to vector<1x16xi32>
    %slice3A_125 = vector.extract_strided_slice %concatenate3A {offsets = [0, 0], sizes = [4, 16], strides = [1, 1]} : vector<32x16xi32> to vector<4x16xi32>
    %reduce_sum3A_126 = arith.constant dense<0> : vector<16xi32>
    %reduce_sum3A_127 = vector.multi_reduction <add>, %slice3A_125, %reduce_sum3A_126 [0] : vector<4x16xi32> to vector<16xi32>
    %broadcast_in_dim3A_128 = vector.shape_cast %reduce_sum3A_127 : vector<16xi32> to vector<1x16xi32>
    %slice3A_129 = vector.extract_strided_slice %concatenate3A {offsets = [0, 0], sizes = [5, 16], strides = [1, 1]} : vector<32x16xi32> to vector<5x16xi32>
    %reduce_sum3A_130 = arith.constant dense<0> : vector<16xi32>
    %reduce_sum3A_131 = vector.multi_reduction <add>, %slice3A_129, %reduce_sum3A_130 [0] : vector<5x16xi32> to vector<16xi32>
    %broadcast_in_dim3A_132 = vector.shape_cast %reduce_sum3A_131 : vector<16xi32> to vector<1x16xi32>
    %slice3A_133 = vector.extract_strided_slice %concatenate3A {offsets = [0, 0], sizes = [6, 16], strides = [1, 1]} : vector<32x16xi32> to vector<6x16xi32>
    %reduce_sum3A_134 = arith.constant dense<0> : vector<16xi32>
    %reduce_sum3A_135 = vector.multi_reduction <add>, %slice3A_133, %reduce_sum3A_134 [0] : vector<6x16xi32> to vector<16xi32>
    %broadcast_in_dim3A_136 = vector.shape_cast %reduce_sum3A_135 : vector<16xi32> to vector<1x16xi32>
    %slice3A_137 = vector.extract_strided_slice %concatenate3A {offsets = [0, 0], sizes = [7, 16], strides = [1, 1]} : vector<32x16xi32> to vector<7x16xi32>
    %reduce_sum3A_138 = arith.constant dense<0> : vector<16xi32>
    %reduce_sum3A_139 = vector.multi_reduction <add>, %slice3A_137, %reduce_sum3A_138 [0] : vector<7x16xi32> to vector<16xi32>
    %broadcast_in_dim3A_140 = vector.shape_cast %reduce_sum3A_139 : vector<16xi32> to vector<1x16xi32>
    %slice3A_141 = vector.extract_strided_slice %concatenate3A {offsets = [0, 0], sizes = [8, 16], strides = [1, 1]} : vector<32x16xi32> to vector<8x16xi32>
    %reduce_sum3A_142 = arith.constant dense<0> : vector<16xi32>
    %reduce_sum3A_143 = vector.multi_reduction <add>, %slice3A_141, %reduce_sum3A_142 [0] : vector<8x16xi32> to vector<16xi32>
    %broadcast_in_dim3A_144 = vector.shape_cast %reduce_sum3A_143 : vector<16xi32> to vector<1x16xi32>
    %slice3A_145 = vector.extract_strided_slice %concatenate3A {offsets = [0, 0], sizes = [9, 16], strides = [1, 1]} : vector<32x16xi32> to vector<9x16xi32>
    %reduce_sum3A_146 = arith.constant dense<0> : vector<16xi32>
    %reduce_sum3A_147 = vector.multi_reduction <add>, %slice3A_145, %reduce_sum3A_146 [0] : vector<9x16xi32> to vector<16xi32>
    %broadcast_in_dim3A_148 = vector.shape_cast %reduce_sum3A_147 : vector<16xi32> to vector<1x16xi32>
    %slice3A_149 = vector.extract_strided_slice %concatenate3A {offsets = [0, 0], sizes = [10, 16], strides = [1, 1]} : vector<32x16xi32> to vector<10x16xi32>
    %reduce_sum3A_150 = arith.constant dense<0> : vector<16xi32>
    %reduce_sum3A_151 = vector.multi_reduction <add>, %slice3A_149, %reduce_sum3A_150 [0] : vector<10x16xi32> to vector<16xi32>
    %broadcast_in_dim3A_152 = vector.shape_cast %reduce_sum3A_151 : vector<16xi32> to vector<1x16xi32>
    %slice3A_153 = vector.extract_strided_slice %concatenate3A {offsets = [0, 0], sizes = [11, 16], strides = [1, 1]} : vector<32x16xi32> to vector<11x16xi32>
    %reduce_sum3A_154 = arith.constant dense<0> : vector<16xi32>
    %reduce_sum3A_155 = vector.multi_reduction <add>, %slice3A_153, %reduce_sum3A_154 [0] : vector<11x16xi32> to vector<16xi32>
    %broadcast_in_dim3A_156 = vector.shape_cast %reduce_sum3A_155 : vector<16xi32> to vector<1x16xi32>
    %slice3A_157 = vector.extract_strided_slice %concatenate3A {offsets = [0, 0], sizes = [12, 16], strides = [1, 1]} : vector<32x16xi32> to vector<12x16xi32>
    %reduce_sum3A_158 = arith.constant dense<0> : vector<16xi32>
    %reduce_sum3A_159 = vector.multi_reduction <add>, %slice3A_157, %reduce_sum3A_158 [0] : vector<12x16xi32> to vector<16xi32>
    %broadcast_in_dim3A_160 = vector.shape_cast %reduce_sum3A_159 : vector<16xi32> to vector<1x16xi32>
    %slice3A_161 = vector.extract_strided_slice %concatenate3A {offsets = [0, 0], sizes = [13, 16], strides = [1, 1]} : vector<32x16xi32> to vector<13x16xi32>
    %reduce_sum3A_162 = arith.constant dense<0> : vector<16xi32>
    %reduce_sum3A_163 = vector.multi_reduction <add>, %slice3A_161, %reduce_sum3A_162 [0] : vector<13x16xi32> to vector<16xi32>
    %broadcast_in_dim3A_164 = vector.shape_cast %reduce_sum3A_163 : vector<16xi32> to vector<1x16xi32>
    %slice3A_165 = vector.extract_strided_slice %concatenate3A {offsets = [0, 0], sizes = [14, 16], strides = [1, 1]} : vector<32x16xi32> to vector<14x16xi32>
    %reduce_sum3A_166 = arith.constant dense<0> : vector<16xi32>
    %reduce_sum3A_167 = vector.multi_reduction <add>, %slice3A_165, %reduce_sum3A_166 [0] : vector<14x16xi32> to vector<16xi32>
    %broadcast_in_dim3A_168 = vector.shape_cast %reduce_sum3A_167 : vector<16xi32> to vector<1x16xi32>
    %slice3A_169 = vector.extract_strided_slice %concatenate3A {offsets = [0, 0], sizes = [15, 16], strides = [1, 1]} : vector<32x16xi32> to vector<15x16xi32>
    %reduce_sum3A_170 = arith.constant dense<0> : vector<16xi32>
    %reduce_sum3A_171 = vector.multi_reduction <add>, %slice3A_169, %reduce_sum3A_170 [0] : vector<15x16xi32> to vector<16xi32>
    %broadcast_in_dim3A_172 = vector.shape_cast %reduce_sum3A_171 : vector<16xi32> to vector<1x16xi32>
    %slice3A_173 = vector.extract_strided_slice %concatenate3A {offsets = [0, 0], sizes = [16, 16], strides = [1, 1]} : vector<32x16xi32> to vector<16x16xi32>
    %reduce_sum3A_174 = arith.constant dense<0> : vector<16xi32>
    %reduce_sum3A_175 = vector.multi_reduction <add>, %slice3A_173, %reduce_sum3A_174 [0] : vector<16x16xi32> to vector<16xi32>
    %broadcast_in_dim3A_176 = vector.shape_cast %reduce_sum3A_175 : vector<16xi32> to vector<1x16xi32>
    %slice3A_177 = vector.extract_strided_slice %concatenate3A {offsets = [0, 0], sizes = [17, 16], strides = [1, 1]} : vector<32x16xi32> to vector<17x16xi32>
    %reduce_sum3A_178 = arith.constant dense<0> : vector<16xi32>
    %reduce_sum3A_179 = vector.multi_reduction <add>, %slice3A_177, %reduce_sum3A_178 [0] : vector<17x16xi32> to vector<16xi32>
    %broadcast_in_dim3A_180 = vector.shape_cast %reduce_sum3A_179 : vector<16xi32> to vector<1x16xi32>
    %slice3A_181 = vector.extract_strided_slice %concatenate3A {offsets = [0, 0], sizes = [18, 16], strides = [1, 1]} : vector<32x16xi32> to vector<18x16xi32>
    %reduce_sum3A_182 = arith.constant dense<0> : vector<16xi32>
    %reduce_sum3A_183 = vector.multi_reduction <add>, %slice3A_181, %reduce_sum3A_182 [0] : vector<18x16xi32> to vector<16xi32>
    %broadcast_in_dim3A_184 = vector.shape_cast %reduce_sum3A_183 : vector<16xi32> to vector<1x16xi32>
    %slice3A_185 = vector.extract_strided_slice %concatenate3A {offsets = [0, 0], sizes = [19, 16], strides = [1, 1]} : vector<32x16xi32> to vector<19x16xi32>
    %reduce_sum3A_186 = arith.constant dense<0> : vector<16xi32>
    %reduce_sum3A_187 = vector.multi_reduction <add>, %slice3A_185, %reduce_sum3A_186 [0] : vector<19x16xi32> to vector<16xi32>
    %broadcast_in_dim3A_188 = vector.shape_cast %reduce_sum3A_187 : vector<16xi32> to vector<1x16xi32>
    %slice3A_189 = vector.extract_strided_slice %concatenate3A {offsets = [0, 0], sizes = [20, 16], strides = [1, 1]} : vector<32x16xi32> to vector<20x16xi32>
    %reduce_sum3A_190 = arith.constant dense<0> : vector<16xi32>
    %reduce_sum3A_191 = vector.multi_reduction <add>, %slice3A_189, %reduce_sum3A_190 [0] : vector<20x16xi32> to vector<16xi32>
    %broadcast_in_dim3A_192 = vector.shape_cast %reduce_sum3A_191 : vector<16xi32> to vector<1x16xi32>
    %slice3A_193 = vector.extract_strided_slice %concatenate3A {offsets = [0, 0], sizes = [21, 16], strides = [1, 1]} : vector<32x16xi32> to vector<21x16xi32>
    %reduce_sum3A_194 = arith.constant dense<0> : vector<16xi32>
    %reduce_sum3A_195 = vector.multi_reduction <add>, %slice3A_193, %reduce_sum3A_194 [0] : vector<21x16xi32> to vector<16xi32>
    %broadcast_in_dim3A_196 = vector.shape_cast %reduce_sum3A_195 : vector<16xi32> to vector<1x16xi32>
    %slice3A_197 = vector.extract_strided_slice %concatenate3A {offsets = [0, 0], sizes = [22, 16], strides = [1, 1]} : vector<32x16xi32> to vector<22x16xi32>
    %reduce_sum3A_198 = arith.constant dense<0> : vector<16xi32>
    %reduce_sum3A_199 = vector.multi_reduction <add>, %slice3A_197, %reduce_sum3A_198 [0] : vector<22x16xi32> to vector<16xi32>
    %broadcast_in_dim3A_200 = vector.shape_cast %reduce_sum3A_199 : vector<16xi32> to vector<1x16xi32>
    %slice3A_201 = vector.extract_strided_slice %concatenate3A {offsets = [0, 0], sizes = [23, 16], strides = [1, 1]} : vector<32x16xi32> to vector<23x16xi32>
    %reduce_sum3A_202 = arith.constant dense<0> : vector<16xi32>
    %reduce_sum3A_203 = vector.multi_reduction <add>, %slice3A_201, %reduce_sum3A_202 [0] : vector<23x16xi32> to vector<16xi32>
    %broadcast_in_dim3A_204 = vector.shape_cast %reduce_sum3A_203 : vector<16xi32> to vector<1x16xi32>
    %slice3A_205 = vector.extract_strided_slice %concatenate3A {offsets = [0, 0], sizes = [24, 16], strides = [1, 1]} : vector<32x16xi32> to vector<24x16xi32>
    %reduce_sum3A_206 = arith.constant dense<0> : vector<16xi32>
    %reduce_sum3A_207 = vector.multi_reduction <add>, %slice3A_205, %reduce_sum3A_206 [0] : vector<24x16xi32> to vector<16xi32>
    %broadcast_in_dim3A_208 = vector.shape_cast %reduce_sum3A_207 : vector<16xi32> to vector<1x16xi32>
    %slice3A_209 = vector.extract_strided_slice %concatenate3A {offsets = [0, 0], sizes = [25, 16], strides = [1, 1]} : vector<32x16xi32> to vector<25x16xi32>
    %reduce_sum3A_210 = arith.constant dense<0> : vector<16xi32>
    %reduce_sum3A_211 = vector.multi_reduction <add>, %slice3A_209, %reduce_sum3A_210 [0] : vector<25x16xi32> to vector<16xi32>
    %broadcast_in_dim3A_212 = vector.shape_cast %reduce_sum3A_211 : vector<16xi32> to vector<1x16xi32>
    %slice3A_213 = vector.extract_strided_slice %concatenate3A {offsets = [0, 0], sizes = [26, 16], strides = [1, 1]} : vector<32x16xi32> to vector<26x16xi32>
    %reduce_sum3A_214 = arith.constant dense<0> : vector<16xi32>
    %reduce_sum3A_215 = vector.multi_reduction <add>, %slice3A_213, %reduce_sum3A_214 [0] : vector<26x16xi32> to vector<16xi32>
    %broadcast_in_dim3A_216 = vector.shape_cast %reduce_sum3A_215 : vector<16xi32> to vector<1x16xi32>
    %slice3A_217 = vector.extract_strided_slice %concatenate3A {offsets = [0, 0], sizes = [27, 16], strides = [1, 1]} : vector<32x16xi32> to vector<27x16xi32>
    %reduce_sum3A_218 = arith.constant dense<0> : vector<16xi32>
    %reduce_sum3A_219 = vector.multi_reduction <add>, %slice3A_217, %reduce_sum3A_218 [0] : vector<27x16xi32> to vector<16xi32>
    %broadcast_in_dim3A_220 = vector.shape_cast %reduce_sum3A_219 : vector<16xi32> to vector<1x16xi32>
    %slice3A_221 = vector.extract_strided_slice %concatenate3A {offsets = [0, 0], sizes = [28, 16], strides = [1, 1]} : vector<32x16xi32> to vector<28x16xi32>
    %reduce_sum3A_222 = arith.constant dense<0> : vector<16xi32>
    %reduce_sum3A_223 = vector.multi_reduction <add>, %slice3A_221, %reduce_sum3A_222 [0] : vector<28x16xi32> to vector<16xi32>
    %broadcast_in_dim3A_224 = vector.shape_cast %reduce_sum3A_223 : vector<16xi32> to vector<1x16xi32>
    %slice3A_225 = vector.extract_strided_slice %concatenate3A {offsets = [0, 0], sizes = [29, 16], strides = [1, 1]} : vector<32x16xi32> to vector<29x16xi32>
    %reduce_sum3A_226 = arith.constant dense<0> : vector<16xi32>
    %reduce_sum3A_227 = vector.multi_reduction <add>, %slice3A_225, %reduce_sum3A_226 [0] : vector<29x16xi32> to vector<16xi32>
    %broadcast_in_dim3A_228 = vector.shape_cast %reduce_sum3A_227 : vector<16xi32> to vector<1x16xi32>
    %slice3A_229 = vector.extract_strided_slice %concatenate3A {offsets = [0, 0], sizes = [30, 16], strides = [1, 1]} : vector<32x16xi32> to vector<30x16xi32>
    %reduce_sum3A_230 = arith.constant dense<0> : vector<16xi32>
    %reduce_sum3A_231 = vector.multi_reduction <add>, %slice3A_229, %reduce_sum3A_230 [0] : vector<30x16xi32> to vector<16xi32>
    %broadcast_in_dim3A_232 = vector.shape_cast %reduce_sum3A_231 : vector<16xi32> to vector<1x16xi32>
    %slice3A_233 = vector.extract_strided_slice %concatenate3A {offsets = [0, 0], sizes = [31, 16], strides = [1, 1]} : vector<32x16xi32> to vector<31x16xi32>
    %reduce_sum3A_234 = arith.constant dense<0> : vector<16xi32>
    %reduce_sum3A_235 = vector.multi_reduction <add>, %slice3A_233, %reduce_sum3A_234 [0] : vector<31x16xi32> to vector<16xi32>
    %broadcast_in_dim3A_236 = vector.shape_cast %reduce_sum3A_235 : vector<16xi32> to vector<1x16xi32>
    %concatenate3A_237 = tpu.concatenate %broadcast_in_dim3A_113, %broadcast_in_dim3A_116, %broadcast_in_dim3A_120, %broadcast_in_dim3A_124, %broadcast_in_dim3A_128, %broadcast_in_dim3A_132, %broadcast_in_dim3A_136, %broadcast_in_dim3A_140, %broadcast_in_dim3A_144, %broadcast_in_dim3A_148, %broadcast_in_dim3A_152, %broadcast_in_dim3A_156, %broadcast_in_dim3A_160, %broadcast_in_dim3A_164, %broadcast_in_dim3A_168, %broadcast_in_dim3A_172, %broadcast_in_dim3A_176, %broadcast_in_dim3A_180, %broadcast_in_dim3A_184, %broadcast_in_dim3A_188, %broadcast_in_dim3A_192, %broadcast_in_dim3A_196, %broadcast_in_dim3A_200, %broadcast_in_dim3A_204, %broadcast_in_dim3A_208, %broadcast_in_dim3A_212, %broadcast_in_dim3A_216, %broadcast_in_dim3A_220, %broadcast_in_dim3A_224, %broadcast_in_dim3A_228, %broadcast_in_dim3A_232, %broadcast_in_dim3A_236 in 0 : vector<1x16xi32>, vector<1x16xi32>, vector<1x16xi32>, vector<1x16xi32>, vector<1x16xi32>, vector<1x16xi32>, vector<1x16xi32>, vector<1x16xi32>, vector<1x16xi32>, vector<1x16xi32>, vector<1x16xi32>, vector<1x16xi32>, vector<1x16xi32>, vector<1x16xi32>, vector<1x16xi32>, vector<1x16xi32>, vector<1x16xi32>, vector<1x16xi32>, vector<1x16xi32>, vector<1x16xi32>, vector<1x16xi32>, vector<1x16xi32>, vector<1x16xi32>, vector<1x16xi32>, vector<1x16xi32>, vector<1x16xi32>, vector<1x16xi32>, vector<1x16xi32>, vector<1x16xi32>, vector<1x16xi32>, vector<1x16xi32>, vector<1x16xi32> -> vector<32x16xi32>
    %reduce_sum3A_238 = arith.constant dense<0> : vector<16xi32>
    %reduce_sum3A_239 = vector.multi_reduction <add>, %concatenate3A, %reduce_sum3A_238 [0] : vector<32x16xi32> to vector<16xi32>
    %broadcast_in_dim3A_240 = vector.shape_cast %reduce_sum3A_239 : vector<16xi32> to vector<1x16xi32>
    %add3A = arith.constant 127 : i32
    %add3A_241 = vector.broadcast %add3A : i32 to vector<1x16xi32>
    %add3A_242 = arith.addi %broadcast_in_dim3A_240, %add3A_241 : vector<1x16xi32>
    %and3A = arith.constant -128 : i32
    %and3A_243 = vector.broadcast %and3A : i32 to vector<1x16xi32>
    %and3A_244 = arith.andi %add3A_242, %and3A_243 : vector<1x16xi32>
    %broadcast_in_dim3A_245 = arith.constant 0 : i32
    %broadcast_in_dim3A_246 = vector.broadcast %broadcast_in_dim3A_245 : i32 to vector<1x1xi32>
    %slice3A_247 = vector.extract_strided_slice %and3A_244 {offsets = [0, 0], sizes = [1, 1], strides = [1, 1]} : vector<1x16xi32> to vector<1x1xi32>
    %reduce_sum3A_248 = arith.constant dense<0> : vector<1xi32>
    %reduce_sum3A_249 = vector.multi_reduction <add>, %slice3A_247, %reduce_sum3A_248 [1] : vector<1x1xi32> to vector<1xi32>
    %broadcast_in_dim3A_250 = vector.shape_cast %reduce_sum3A_249 : vector<1xi32> to vector<1x1xi32>
    %slice3A_251 = vector.extract_strided_slice %and3A_244 {offsets = [0, 0], sizes = [1, 2], strides = [1, 1]} : vector<1x16xi32> to vector<1x2xi32>
    %reduce_sum3A_252 = arith.constant dense<0> : vector<1xi32>
    %reduce_sum3A_253 = vector.multi_reduction <add>, %slice3A_251, %reduce_sum3A_252 [1] : vector<1x2xi32> to vector<1xi32>
    %broadcast_in_dim3A_254 = vector.shape_cast %reduce_sum3A_253 : vector<1xi32> to vector<1x1xi32>
    %slice3A_255 = vector.extract_strided_slice %and3A_244 {offsets = [0, 0], sizes = [1, 3], strides = [1, 1]} : vector<1x16xi32> to vector<1x3xi32>
    %reduce_sum3A_256 = arith.constant dense<0> : vector<1xi32>
    %reduce_sum3A_257 = vector.multi_reduction <add>, %slice3A_255, %reduce_sum3A_256 [1] : vector<1x3xi32> to vector<1xi32>
    %broadcast_in_dim3A_258 = vector.shape_cast %reduce_sum3A_257 : vector<1xi32> to vector<1x1xi32>
    %slice3A_259 = vector.extract_strided_slice %and3A_244 {offsets = [0, 0], sizes = [1, 4], strides = [1, 1]} : vector<1x16xi32> to vector<1x4xi32>
    %reduce_sum3A_260 = arith.constant dense<0> : vector<1xi32>
    %reduce_sum3A_261 = vector.multi_reduction <add>, %slice3A_259, %reduce_sum3A_260 [1] : vector<1x4xi32> to vector<1xi32>
    %broadcast_in_dim3A_262 = vector.shape_cast %reduce_sum3A_261 : vector<1xi32> to vector<1x1xi32>
    %slice3A_263 = vector.extract_strided_slice %and3A_244 {offsets = [0, 0], sizes = [1, 5], strides = [1, 1]} : vector<1x16xi32> to vector<1x5xi32>
    %reduce_sum3A_264 = arith.constant dense<0> : vector<1xi32>
    %reduce_sum3A_265 = vector.multi_reduction <add>, %slice3A_263, %reduce_sum3A_264 [1] : vector<1x5xi32> to vector<1xi32>
    %broadcast_in_dim3A_266 = vector.shape_cast %reduce_sum3A_265 : vector<1xi32> to vector<1x1xi32>
    %slice3A_267 = vector.extract_strided_slice %and3A_244 {offsets = [0, 0], sizes = [1, 6], strides = [1, 1]} : vector<1x16xi32> to vector<1x6xi32>
    %reduce_sum3A_268 = arith.constant dense<0> : vector<1xi32>
    %reduce_sum3A_269 = vector.multi_reduction <add>, %slice3A_267, %reduce_sum3A_268 [1] : vector<1x6xi32> to vector<1xi32>
    %broadcast_in_dim3A_270 = vector.shape_cast %reduce_sum3A_269 : vector<1xi32> to vector<1x1xi32>
    %slice3A_271 = vector.extract_strided_slice %and3A_244 {offsets = [0, 0], sizes = [1, 7], strides = [1, 1]} : vector<1x16xi32> to vector<1x7xi32>
    %reduce_sum3A_272 = arith.constant dense<0> : vector<1xi32>
    %reduce_sum3A_273 = vector.multi_reduction <add>, %slice3A_271, %reduce_sum3A_272 [1] : vector<1x7xi32> to vector<1xi32>
    %broadcast_in_dim3A_274 = vector.shape_cast %reduce_sum3A_273 : vector<1xi32> to vector<1x1xi32>
    %slice3A_275 = vector.extract_strided_slice %and3A_244 {offsets = [0, 0], sizes = [1, 8], strides = [1, 1]} : vector<1x16xi32> to vector<1x8xi32>
    %reduce_sum3A_276 = arith.constant dense<0> : vector<1xi32>
    %reduce_sum3A_277 = vector.multi_reduction <add>, %slice3A_275, %reduce_sum3A_276 [1] : vector<1x8xi32> to vector<1xi32>
    %broadcast_in_dim3A_278 = vector.shape_cast %reduce_sum3A_277 : vector<1xi32> to vector<1x1xi32>
    %slice3A_279 = vector.extract_strided_slice %and3A_244 {offsets = [0, 0], sizes = [1, 9], strides = [1, 1]} : vector<1x16xi32> to vector<1x9xi32>
    %reduce_sum3A_280 = arith.constant dense<0> : vector<1xi32>
    %reduce_sum3A_281 = vector.multi_reduction <add>, %slice3A_279, %reduce_sum3A_280 [1] : vector<1x9xi32> to vector<1xi32>
    %broadcast_in_dim3A_282 = vector.shape_cast %reduce_sum3A_281 : vector<1xi32> to vector<1x1xi32>
    %slice3A_283 = vector.extract_strided_slice %and3A_244 {offsets = [0, 0], sizes = [1, 10], strides = [1, 1]} : vector<1x16xi32> to vector<1x10xi32>
    %reduce_sum3A_284 = arith.constant dense<0> : vector<1xi32>
    %reduce_sum3A_285 = vector.multi_reduction <add>, %slice3A_283, %reduce_sum3A_284 [1] : vector<1x10xi32> to vector<1xi32>
    %broadcast_in_dim3A_286 = vector.shape_cast %reduce_sum3A_285 : vector<1xi32> to vector<1x1xi32>
    %slice3A_287 = vector.extract_strided_slice %and3A_244 {offsets = [0, 0], sizes = [1, 11], strides = [1, 1]} : vector<1x16xi32> to vector<1x11xi32>
    %reduce_sum3A_288 = arith.constant dense<0> : vector<1xi32>
    %reduce_sum3A_289 = vector.multi_reduction <add>, %slice3A_287, %reduce_sum3A_288 [1] : vector<1x11xi32> to vector<1xi32>
    %broadcast_in_dim3A_290 = vector.shape_cast %reduce_sum3A_289 : vector<1xi32> to vector<1x1xi32>
    %slice3A_291 = vector.extract_strided_slice %and3A_244 {offsets = [0, 0], sizes = [1, 12], strides = [1, 1]} : vector<1x16xi32> to vector<1x12xi32>
    %reduce_sum3A_292 = arith.constant dense<0> : vector<1xi32>
    %reduce_sum3A_293 = vector.multi_reduction <add>, %slice3A_291, %reduce_sum3A_292 [1] : vector<1x12xi32> to vector<1xi32>
    %broadcast_in_dim3A_294 = vector.shape_cast %reduce_sum3A_293 : vector<1xi32> to vector<1x1xi32>
    %slice3A_295 = vector.extract_strided_slice %and3A_244 {offsets = [0, 0], sizes = [1, 13], strides = [1, 1]} : vector<1x16xi32> to vector<1x13xi32>
    %reduce_sum3A_296 = arith.constant dense<0> : vector<1xi32>
    %reduce_sum3A_297 = vector.multi_reduction <add>, %slice3A_295, %reduce_sum3A_296 [1] : vector<1x13xi32> to vector<1xi32>
    %broadcast_in_dim3A_298 = vector.shape_cast %reduce_sum3A_297 : vector<1xi32> to vector<1x1xi32>
    %slice3A_299 = vector.extract_strided_slice %and3A_244 {offsets = [0, 0], sizes = [1, 14], strides = [1, 1]} : vector<1x16xi32> to vector<1x14xi32>
    %reduce_sum3A_300 = arith.constant dense<0> : vector<1xi32>
    %reduce_sum3A_301 = vector.multi_reduction <add>, %slice3A_299, %reduce_sum3A_300 [1] : vector<1x14xi32> to vector<1xi32>
    %broadcast_in_dim3A_302 = vector.shape_cast %reduce_sum3A_301 : vector<1xi32> to vector<1x1xi32>
    %slice3A_303 = vector.extract_strided_slice %and3A_244 {offsets = [0, 0], sizes = [1, 15], strides = [1, 1]} : vector<1x16xi32> to vector<1x15xi32>
    %reduce_sum3A_304 = arith.constant dense<0> : vector<1xi32>
    %reduce_sum3A_305 = vector.multi_reduction <add>, %slice3A_303, %reduce_sum3A_304 [1] : vector<1x15xi32> to vector<1xi32>
    %broadcast_in_dim3A_306 = vector.shape_cast %reduce_sum3A_305 : vector<1xi32> to vector<1x1xi32>
    %concatenate3A_307 = tpu.concatenate %broadcast_in_dim3A_246, %broadcast_in_dim3A_250, %broadcast_in_dim3A_254, %broadcast_in_dim3A_258, %broadcast_in_dim3A_262, %broadcast_in_dim3A_266, %broadcast_in_dim3A_270, %broadcast_in_dim3A_274, %broadcast_in_dim3A_278, %broadcast_in_dim3A_282, %broadcast_in_dim3A_286, %broadcast_in_dim3A_290, %broadcast_in_dim3A_294, %broadcast_in_dim3A_298, %broadcast_in_dim3A_302, %broadcast_in_dim3A_306 in 1 : vector<1x1xi32>, vector<1x1xi32>, vector<1x1xi32>, vector<1x1xi32>, vector<1x1xi32>, vector<1x1xi32>, vector<1x1xi32>, vector<1x1xi32>, vector<1x1xi32>, vector<1x1xi32>, vector<1x1xi32>, vector<1x1xi32>, vector<1x1xi32>, vector<1x1xi32>, vector<1x1xi32>, vector<1x1xi32> -> vector<1x16xi32>
    %add3A_308 = vector.broadcast %concatenate3A_307 : vector<1x16xi32> to vector<32x16xi32>
    %add3A_309 = arith.addi %add3A_308, %concatenate3A_237 : vector<32x16xi32>
    %convert_element_type3A_310 = arith.sitofp %add3A_309 : vector<32x16xi32> to vector<32x16xf32>
    %iota3A = tpu.iota {dimensions = array<i32: 0>} : vector<256x256xi32>
    %iota3A_311 = tpu.iota {dimensions = array<i32: 1>} : vector<256x256xi32>
    %lt3A = arith.cmpi slt, %iota3A_311, %iota3A : vector<256x256xi32>
    %convert_element_type3A_312 = arith.extui %lt3A : vector<256x256xi1> to vector<256x256xi32>
    %convert_element_type3A_313 = arith.sitofp %convert_element_type3A_312 : vector<256x256xi32> to vector<256x256xf32>
    %convert_element_type3A_314 = arith.truncf %convert_element_type3A_313 : vector<256x256xf32> to vector<256x256xbf16>
    %iota3A_315 = tpu.iota {dimensions = array<i32: 1>} : vector<256x16xi32>
    %get3A_316 = arith.constant 0 : index
    %get3A_317 = arith.constant 0 : index
    %get3A_318 = arith.constant 0 : index
    %get3A_319 = vector.load %arg1[%get3A_316, %get3A_317, %get3A_318] : memref<32x256x1xi32, #tpu.memory_space<vmem>>, vector<1x256x1xi32>
    %get3A_320 = vector.shape_cast %get3A_319 : vector<1x256x1xi32> to vector<256x1xi32>
    %broadcast_in_dim3A_321 = vector.shape_cast %get3A_320 : vector<256x1xi32> to vector<256x1xi32>
    %broadcast_in_dim3A_322 = vector.broadcast %broadcast_in_dim3A_321 : vector<256x1xi32> to vector<256x16xi32>
    %eq3A_323 = arith.cmpi eq, %broadcast_in_dim3A_322, %iota3A_315 : vector<256x16xi32>
    %convert_element_type3A_324 = arith.extui %eq3A_323 : vector<256x16xi1> to vector<256x16xi32>
    %convert_element_type3A_325 = arith.sitofp %convert_element_type3A_324 : vector<256x16xi32> to vector<256x16xf32>
    %convert_element_type3A_326 = arith.extui %eq3A_323 : vector<256x16xi1> to vector<256x16xi32>
    %convert_element_type3A_327 = arith.sitofp %convert_element_type3A_326 : vector<256x16xi32> to vector<256x16xf32>
    %convert_element_type3A_328 = arith.truncf %convert_element_type3A_327 : vector<256x16xf32> to vector<256x16xbf16>
    %dot_general3A = arith.constant dense<0.000000e+00> : vector<256x16xf32>
    %dot_general3A_329 = tpu.matmul %convert_element_type3A_314, %convert_element_type3A_328, %dot_general3A {dimension_numbers = #tpu.dot_dimension_numbers<[1], [0], [0], [1], [0, 0, 1, 1], [], []>, transpose_lhs_hint = false} : vector<256x256xbf16>, vector<256x16xbf16>, vector<256x16xf32> -> vector<256x16xf32>
    %mul3A = arith.mulf %dot_general3A_329, %convert_element_type3A_325 : vector<256x16xf32>
    %reduce_sum3A_330 = arith.constant dense<0.000000e+00> : vector<256xf32>
    %reduce_sum3A_331 = vector.multi_reduction <add>, %mul3A, %reduce_sum3A_330 [1] : vector<256x16xf32> to vector<256xf32>
    %broadcast_in_dim3A_332 = vector.shape_cast %reduce_sum3A_331 : vector<256xf32> to vector<256x1xf32>
    %slice3A_333 = vector.extract_strided_slice %convert_element_type3A_310 {offsets = [0, 0], sizes = [1, 16], strides = [1, 1]} : vector<32x16xf32> to vector<1x16xf32>
    %mul3A_334 = vector.broadcast %slice3A_333 : vector<1x16xf32> to vector<256x16xf32>
    %mul3A_335 = arith.mulf %convert_element_type3A_325, %mul3A_334 : vector<256x16xf32>
    %reduce_sum3A_336 = arith.constant dense<0.000000e+00> : vector<256xf32>
    %reduce_sum3A_337 = vector.multi_reduction <add>, %mul3A_335, %reduce_sum3A_336 [1] : vector<256x16xf32> to vector<256xf32>
    %broadcast_in_dim3A_338 = vector.shape_cast %reduce_sum3A_337 : vector<256xf32> to vector<256x1xf32>
    %add3A_339 = arith.addf %broadcast_in_dim3A_332, %broadcast_in_dim3A_338 : vector<256x1xf32>
    %add3A_340 = arith.constant 5.000000e-01 : f32
    %add3A_341 = vector.broadcast %add3A_340 : f32 to vector<256x1xf32>
    %add3A_342 = arith.addf %add3A_339, %add3A_341 : vector<256x1xf32>
    %convert_element_type3A_343 = arith.fptosi %add3A_342 : vector<256x1xf32> to vector<256x1xi32>
    %swap3A = arith.constant 0 : index
    %swap3A_344 = arith.constant 0 : index
    %swap3A_345 = arith.constant 0 : index
    %swap3A_346 = vector.load %arg2[%swap3A, %swap3A_344, %swap3A_345] : memref<32x256x1xi32, #tpu.memory_space<vmem>>, vector<1x256x1xi32>
    %swap3A_347 = vector.shape_cast %swap3A_346 : vector<1x256x1xi32> to vector<256x1xi32>
    %swap3A_348 = vector.shape_cast %convert_element_type3A_343 : vector<256x1xi32> to vector<1x256x1xi32>
    tpu.vector_store %arg2[%swap3A, %swap3A_344, %swap3A_345], %swap3A_348 {strides = array<i32>} : memref<32x256x1xi32, #tpu.memory_space<vmem>>, vector<1x256x1xi32>,
    %get3A_349 = arith.constant 1 : index
    %get3A_350 = arith.constant 0 : index
    %get3A_351 = arith.constant 0 : index
    %get3A_352 = vector.load %arg1[%get3A_349, %get3A_350, %get3A_351] : memref<32x256x1xi32, #tpu.memory_space<vmem>>, vector<1x256x1xi32>
    %get3A_353 = vector.shape_cast %get3A_352 : vector<1x256x1xi32> to vector<256x1xi32>
    %broadcast_in_dim3A_354 = vector.shape_cast %get3A_353 : vector<256x1xi32> to vector<256x1xi32>
    %broadcast_in_dim3A_355 = vector.broadcast %broadcast_in_dim3A_354 : vector<256x1xi32> to vector<256x16xi32>
    %eq3A_356 = arith.cmpi eq, %broadcast_in_dim3A_355, %iota3A_315 : vector<256x16xi32>
    %convert_element_type3A_357 = arith.extui %eq3A_356 : vector<256x16xi1> to vector<256x16xi32>
    %convert_element_type3A_358 = arith.sitofp %convert_element_type3A_357 : vector<256x16xi32> to vector<256x16xf32>
    %convert_element_type3A_359 = arith.extui %eq3A_356 : vector<256x16xi1> to vector<256x16xi32>
    %convert_element_type3A_360 = arith.sitofp %convert_element_type3A_359 : vector<256x16xi32> to vector<256x16xf32>
    %convert_element_type3A_361 = arith.truncf %convert_element_type3A_360 : vector<256x16xf32> to vector<256x16xbf16>
    %dot_general3A_362 = arith.constant dense<0.000000e+00> : vector<256x16xf32>
    %dot_general3A_363 = tpu.matmul %convert_element_type3A_314, %convert_element_type3A_361, %dot_general3A_362 {dimension_numbers = #tpu.dot_dimension_numbers<[1], [0], [0], [1], [0, 0, 1, 1], [], []>, transpose_lhs_hint = false} : vector<256x256xbf16>, vector<256x16xbf16>, vector<256x16xf32> -> vector<256x16xf32>
    %mul3A_364 = arith.mulf %dot_general3A_363, %convert_element_type3A_358 : vector<256x16xf32>
    %reduce_sum3A_365 = arith.constant dense<0.000000e+00> : vector<256xf32>
    %reduce_sum3A_366 = vector.multi_reduction <add>, %mul3A_364, %reduce_sum3A_365 [1] : vector<256x16xf32> to vector<256xf32>
    %broadcast_in_dim3A_367 = vector.shape_cast %reduce_sum3A_366 : vector<256xf32> to vector<256x1xf32>
    %slice3A_368 = vector.extract_strided_slice %convert_element_type3A_310 {offsets = [1, 0], sizes = [1, 16], strides = [1, 1]} : vector<32x16xf32> to vector<1x16xf32>
    %mul3A_369 = vector.broadcast %slice3A_368 : vector<1x16xf32> to vector<256x16xf32>
    %mul3A_370 = arith.mulf %convert_element_type3A_358, %mul3A_369 : vector<256x16xf32>
    %reduce_sum3A_371 = arith.constant dense<0.000000e+00> : vector<256xf32>
    %reduce_sum3A_372 = vector.multi_reduction <add>, %mul3A_370, %reduce_sum3A_371 [1] : vector<256x16xf32> to vector<256xf32>
    %broadcast_in_dim3A_373 = vector.shape_cast %reduce_sum3A_372 : vector<256xf32> to vector<256x1xf32>
    %add3A_374 = arith.addf %broadcast_in_dim3A_367, %broadcast_in_dim3A_373 : vector<256x1xf32>
    %add3A_375 = arith.constant 5.000000e-01 : f32
    %add3A_376 = vector.broadcast %add3A_375 : f32 to vector<256x1xf32>
    %add3A_377 = arith.addf %add3A_374, %add3A_376 : vector<256x1xf32>
    %convert_element_type3A_378 = arith.fptosi %add3A_377 : vector<256x1xf32> to vector<256x1xi32>
    %swap3A_379 = arith.constant 1 : index
    %swap3A_380 = arith.constant 0 : index
    %swap3A_381 = arith.constant 0 : index
    %swap3A_382 = vector.load %arg2[%swap3A_379, %swap3A_380, %swap3A_381] : memref<32x256x1xi32, #tpu.memory_space<vmem>>, vector<1x256x1xi32>
    %swap3A_383 = vector.shape_cast %swap3A_382 : vector<1x256x1xi32> to vector<256x1xi32>
    %swap3A_384 = vector.shape_cast %convert_element_type3A_378 : vector<256x1xi32> to vector<1x256x1xi32>
    tpu.vector_store %arg2[%swap3A_379, %swap3A_380, %swap3A_381], %swap3A_384 {strides = array<i32>} : memref<32x256x1xi32, #tpu.memory_space<vmem>>, vector<1x256x1xi32>,
    %get3A_385 = arith.constant 2 : index
    %get3A_386 = arith.constant 0 : index
    %get3A_387 = arith.constant 0 : index
    %get3A_388 = vector.load %arg1[%get3A_385, %get3A_386, %get3A_387] : memref<32x256x1xi32, #tpu.memory_space<vmem>>, vector<1x256x1xi32>
    %get3A_389 = vector.shape_cast %get3A_388 : vector<1x256x1xi32> to vector<256x1xi32>
    %broadcast_in_dim3A_390 = vector.shape_cast %get3A_389 : vector<256x1xi32> to vector<256x1xi32>
    %broadcast_in_dim3A_391 = vector.broadcast %broadcast_in_dim3A_390 : vector<256x1xi32> to vector<256x16xi32>
    %eq3A_392 = arith.cmpi eq, %broadcast_in_dim3A_391, %iota3A_315 : vector<256x16xi32>
    %convert_element_type3A_393 = arith.extui %eq3A_392 : vector<256x16xi1> to vector<256x16xi32>
    %convert_element_type3A_394 = arith.sitofp %convert_element_type3A_393 : vector<256x16xi32> to vector<256x16xf32>
    %convert_element_type3A_395 = arith.extui %eq3A_392 : vector<256x16xi1> to vector<256x16xi32>
    %convert_element_type3A_396 = arith.sitofp %convert_element_type3A_395 : vector<256x16xi32> to vector<256x16xf32>
    %convert_element_type3A_397 = arith.truncf %convert_element_type3A_396 : vector<256x16xf32> to vector<256x16xbf16>
    %dot_general3A_398 = arith.constant dense<0.000000e+00> : vector<256x16xf32>
    %dot_general3A_399 = tpu.matmul %convert_element_type3A_314, %convert_element_type3A_397, %dot_general3A_398 {dimension_numbers = #tpu.dot_dimension_numbers<[1], [0], [0], [1], [0, 0, 1, 1], [], []>, transpose_lhs_hint = false} : vector<256x256xbf16>, vector<256x16xbf16>, vector<256x16xf32> -> vector<256x16xf32>
    %mul3A_400 = arith.mulf %dot_general3A_399, %convert_element_type3A_394 : vector<256x16xf32>
    %reduce_sum3A_401 = arith.constant dense<0.000000e+00> : vector<256xf32>
    %reduce_sum3A_402 = vector.multi_reduction <add>, %mul3A_400, %reduce_sum3A_401 [1] : vector<256x16xf32> to vector<256xf32>
    %broadcast_in_dim3A_403 = vector.shape_cast %reduce_sum3A_402 : vector<256xf32> to vector<256x1xf32>
    %slice3A_404 = vector.extract_strided_slice %convert_element_type3A_310 {offsets = [2, 0], sizes = [1, 16], strides = [1, 1]} : vector<32x16xf32> to vector<1x16xf32>
    %mul3A_405 = vector.broadcast %slice3A_404 : vector<1x16xf32> to vector<256x16xf32>
    %mul3A_406 = arith.mulf %convert_element_type3A_394, %mul3A_405 : vector<256x16xf32>
    %reduce_sum3A_407 = arith.constant dense<0.000000e+00> : vector<256xf32>
    %reduce_sum3A_408 = vector.multi_reduction <add>, %mul3A_406, %reduce_sum3A_407 [1] : vector<256x16xf32> to vector<256xf32>
    %broadcast_in_dim3A_409 = vector.shape_cast %reduce_sum3A_408 : vector<256xf32> to vector<256x1xf32>
    %add3A_410 = arith.addf %broadcast_in_dim3A_403, %broadcast_in_dim3A_409 : vector<256x1xf32>
    %add3A_411 = arith.constant 5.000000e-01 : f32
    %add3A_412 = vector.broadcast %add3A_411 : f32 to vector<256x1xf32>
    %add3A_413 = arith.addf %add3A_410, %add3A_412 : vector<256x1xf32>
    %convert_element_type3A_414 = arith.fptosi %add3A_413 : vector<256x1xf32> to vector<256x1xi32>
    %swap3A_415 = arith.constant 2 : index
    %swap3A_416 = arith.constant 0 : index
    %swap3A_417 = arith.constant 0 : index
    %swap3A_418 = vector.load %arg2[%swap3A_415, %swap3A_416, %swap3A_417] : memref<32x256x1xi32, #tpu.memory_space<vmem>>, vector<1x256x1xi32>
    %swap3A_419 = vector.shape_cast %swap3A_418 : vector<1x256x1xi32> to vector<256x1xi32>
    %swap3A_420 = vector.shape_cast %convert_element_type3A_414 : vector<256x1xi32> to vector<1x256x1xi32>
    tpu.vector_store %arg2[%swap3A_415, %swap3A_416, %swap3A_417], %swap3A_420 {strides = array<i32>} : memref<32x256x1xi32, #tpu.memory_space<vmem>>, vector<1x256x1xi32>,
    %get3A_421 = arith.constant 3 : index
    %get3A_422 = arith.constant 0 : index
    %get3A_423 = arith.constant 0 : index
    %get3A_424 = vector.load %arg1[%get3A_421, %get3A_422, %get3A_423] : memref<32x256x1xi32, #tpu.memory_space<vmem>>, vector<1x256x1xi32>
    %get3A_425 = vector.shape_cast %get3A_424 : vector<1x256x1xi32> to vector<256x1xi32>
    %broadcast_in_dim3A_426 = vector.shape_cast %get3A_425 : vector<256x1xi32> to vector<256x1xi32>
    %broadcast_in_dim3A_427 = vector.broadcast %broadcast_in_dim3A_426 : vector<256x1xi32> to vector<256x16xi32>
    %eq3A_428 = arith.cmpi eq, %broadcast_in_dim3A_427, %iota3A_315 : vector<256x16xi32>
    %convert_element_type3A_429 = arith.extui %eq3A_428 : vector<256x16xi1> to vector<256x16xi32>
    %convert_element_type3A_430 = arith.sitofp %convert_element_type3A_429 : vector<256x16xi32> to vector<256x16xf32>
    %convert_element_type3A_431 = arith.extui %eq3A_428 : vector<256x16xi1> to vector<256x16xi32>
    %convert_element_type3A_432 = arith.sitofp %convert_element_type3A_431 : vector<256x16xi32> to vector<256x16xf32>
    %convert_element_type3A_433 = arith.truncf %convert_element_type3A_432 : vector<256x16xf32> to vector<256x16xbf16>
    %dot_general3A_434 = arith.constant dense<0.000000e+00> : vector<256x16xf32>
    %dot_general3A_435 = tpu.matmul %convert_element_type3A_314, %convert_element_type3A_433, %dot_general3A_434 {dimension_numbers = #tpu.dot_dimension_numbers<[1], [0], [0], [1], [0, 0, 1, 1], [], []>, transpose_lhs_hint = false} : vector<256x256xbf16>, vector<256x16xbf16>, vector<256x16xf32> -> vector<256x16xf32>
    %mul3A_436 = arith.mulf %dot_general3A_435, %convert_element_type3A_430 : vector<256x16xf32>
    %reduce_sum3A_437 = arith.constant dense<0.000000e+00> : vector<256xf32>
    %reduce_sum3A_438 = vector.multi_reduction <add>, %mul3A_436, %reduce_sum3A_437 [1] : vector<256x16xf32> to vector<256xf32>
    %broadcast_in_dim3A_439 = vector.shape_cast %reduce_sum3A_438 : vector<256xf32> to vector<256x1xf32>
    %slice3A_440 = vector.extract_strided_slice %convert_element_type3A_310 {offsets = [3, 0], sizes = [1, 16], strides = [1, 1]} : vector<32x16xf32> to vector<1x16xf32>
    %mul3A_441 = vector.broadcast %slice3A_440 : vector<1x16xf32> to vector<256x16xf32>
    %mul3A_442 = arith.mulf %convert_element_type3A_430, %mul3A_441 : vector<256x16xf32>
    %reduce_sum3A_443 = arith.constant dense<0.000000e+00> : vector<256xf32>
    %reduce_sum3A_444 = vector.multi_reduction <add>, %mul3A_442, %reduce_sum3A_443 [1] : vector<256x16xf32> to vector<256xf32>
    %broadcast_in_dim3A_445 = vector.shape_cast %reduce_sum3A_444 : vector<256xf32> to vector<256x1xf32>
    %add3A_446 = arith.addf %broadcast_in_dim3A_439, %broadcast_in_dim3A_445 : vector<256x1xf32>
    %add3A_447 = arith.constant 5.000000e-01 : f32
    %add3A_448 = vector.broadcast %add3A_447 : f32 to vector<256x1xf32>
    %add3A_449 = arith.addf %add3A_446, %add3A_448 : vector<256x1xf32>
    %convert_element_type3A_450 = arith.fptosi %add3A_449 : vector<256x1xf32> to vector<256x1xi32>
    %swap3A_451 = arith.constant 3 : index
    %swap3A_452 = arith.constant 0 : index
    %swap3A_453 = arith.constant 0 : index
    %swap3A_454 = vector.load %arg2[%swap3A_451, %swap3A_452, %swap3A_453] : memref<32x256x1xi32, #tpu.memory_space<vmem>>, vector<1x256x1xi32>
    %swap3A_455 = vector.shape_cast %swap3A_454 : vector<1x256x1xi32> to vector<256x1xi32>
    %swap3A_456 = vector.shape_cast %convert_element_type3A_450 : vector<256x1xi32> to vector<1x256x1xi32>
    tpu.vector_store %arg2[%swap3A_451, %swap3A_452, %swap3A_453], %swap3A_456 {strides = array<i32>} : memref<32x256x1xi32, #tpu.memory_space<vmem>>, vector<1x256x1xi32>,
    %get3A_457 = arith.constant 4 : index
    %get3A_458 = arith.constant 0 : index
    %get3A_459 = arith.constant 0 : index
    %get3A_460 = vector.load %arg1[%get3A_457, %get3A_458, %get3A_459] : memref<32x256x1xi32, #tpu.memory_space<vmem>>, vector<1x256x1xi32>
    %get3A_461 = vector.shape_cast %get3A_460 : vector<1x256x1xi32> to vector<256x1xi32>
    %broadcast_in_dim3A_462 = vector.shape_cast %get3A_461 : vector<256x1xi32> to vector<256x1xi32>
    %broadcast_in_dim3A_463 = vector.broadcast %broadcast_in_dim3A_462 : vector<256x1xi32> to vector<256x16xi32>
    %eq3A_464 = arith.cmpi eq, %broadcast_in_dim3A_463, %iota3A_315 : vector<256x16xi32>
    %convert_element_type3A_465 = arith.extui %eq3A_464 : vector<256x16xi1> to vector<256x16xi32>
    %convert_element_type3A_466 = arith.sitofp %convert_element_type3A_465 : vector<256x16xi32> to vector<256x16xf32>
    %convert_element_type3A_467 = arith.extui %eq3A_464 : vector<256x16xi1> to vector<256x16xi32>
    %convert_element_type3A_468 = arith.sitofp %convert_element_type3A_467 : vector<256x16xi32> to vector<256x16xf32>
    %convert_element_type3A_469 = arith.truncf %convert_element_type3A_468 : vector<256x16xf32> to vector<256x16xbf16>
    %dot_general3A_470 = arith.constant dense<0.000000e+00> : vector<256x16xf32>
    %dot_general3A_471 = tpu.matmul %convert_element_type3A_314, %convert_element_type3A_469, %dot_general3A_470 {dimension_numbers = #tpu.dot_dimension_numbers<[1], [0], [0], [1], [0, 0, 1, 1], [], []>, transpose_lhs_hint = false} : vector<256x256xbf16>, vector<256x16xbf16>, vector<256x16xf32> -> vector<256x16xf32>
    %mul3A_472 = arith.mulf %dot_general3A_471, %convert_element_type3A_466 : vector<256x16xf32>
    %reduce_sum3A_473 = arith.constant dense<0.000000e+00> : vector<256xf32>
    %reduce_sum3A_474 = vector.multi_reduction <add>, %mul3A_472, %reduce_sum3A_473 [1] : vector<256x16xf32> to vector<256xf32>
    %broadcast_in_dim3A_475 = vector.shape_cast %reduce_sum3A_474 : vector<256xf32> to vector<256x1xf32>
    %slice3A_476 = vector.extract_strided_slice %convert_element_type3A_310 {offsets = [4, 0], sizes = [1, 16], strides = [1, 1]} : vector<32x16xf32> to vector<1x16xf32>
    %mul3A_477 = vector.broadcast %slice3A_476 : vector<1x16xf32> to vector<256x16xf32>
    %mul3A_478 = arith.mulf %convert_element_type3A_466, %mul3A_477 : vector<256x16xf32>
    %reduce_sum3A_479 = arith.constant dense<0.000000e+00> : vector<256xf32>
    %reduce_sum3A_480 = vector.multi_reduction <add>, %mul3A_478, %reduce_sum3A_479 [1] : vector<256x16xf32> to vector<256xf32>
    %broadcast_in_dim3A_481 = vector.shape_cast %reduce_sum3A_480 : vector<256xf32> to vector<256x1xf32>
    %add3A_482 = arith.addf %broadcast_in_dim3A_475, %broadcast_in_dim3A_481 : vector<256x1xf32>
    %add3A_483 = arith.constant 5.000000e-01 : f32
    %add3A_484 = vector.broadcast %add3A_483 : f32 to vector<256x1xf32>
    %add3A_485 = arith.addf %add3A_482, %add3A_484 : vector<256x1xf32>
    %convert_element_type3A_486 = arith.fptosi %add3A_485 : vector<256x1xf32> to vector<256x1xi32>
    %swap3A_487 = arith.constant 4 : index
    %swap3A_488 = arith.constant 0 : index
    %swap3A_489 = arith.constant 0 : index
    %swap3A_490 = vector.load %arg2[%swap3A_487, %swap3A_488, %swap3A_489] : memref<32x256x1xi32, #tpu.memory_space<vmem>>, vector<1x256x1xi32>
    %swap3A_491 = vector.shape_cast %swap3A_490 : vector<1x256x1xi32> to vector<256x1xi32>
    %swap3A_492 = vector.shape_cast %convert_element_type3A_486 : vector<256x1xi32> to vector<1x256x1xi32>
    tpu.vector_store %arg2[%swap3A_487, %swap3A_488, %swap3A_489], %swap3A_492 {strides = array<i32>} : memref<32x256x1xi32, #tpu.memory_space<vmem>>, vector<1x256x1xi32>,
    %get3A_493 = arith.constant 5 : index
    %get3A_494 = arith.constant 0 : index
    %get3A_495 = arith.constant 0 : index
    %get3A_496 = vector.load %arg1[%get3A_493, %get3A_494, %get3A_495] : memref<32x256x1xi32, #tpu.memory_space<vmem>>, vector<1x256x1xi32>
    %get3A_497 = vector.shape_cast %get3A_496 : vector<1x256x1xi32> to vector<256x1xi32>
    %broadcast_in_dim3A_498 = vector.shape_cast %get3A_497 : vector<256x1xi32> to vector<256x1xi32>
    %broadcast_in_dim3A_499 = vector.broadcast %broadcast_in_dim3A_498 : vector<256x1xi32> to vector<256x16xi32>
    %eq3A_500 = arith.cmpi eq, %broadcast_in_dim3A_499, %iota3A_315 : vector<256x16xi32>
    %convert_element_type3A_501 = arith.extui %eq3A_500 : vector<256x16xi1> to vector<256x16xi32>
    %convert_element_type3A_502 = arith.sitofp %convert_element_type3A_501 : vector<256x16xi32> to vector<256x16xf32>
    %convert_element_type3A_503 = arith.extui %eq3A_500 : vector<256x16xi1> to vector<256x16xi32>
    %convert_element_type3A_504 = arith.sitofp %convert_element_type3A_503 : vector<256x16xi32> to vector<256x16xf32>
    %convert_element_type3A_505 = arith.truncf %convert_element_type3A_504 : vector<256x16xf32> to vector<256x16xbf16>
    %dot_general3A_506 = arith.constant dense<0.000000e+00> : vector<256x16xf32>
    %dot_general3A_507 = tpu.matmul %convert_element_type3A_314, %convert_element_type3A_505, %dot_general3A_506 {dimension_numbers = #tpu.dot_dimension_numbers<[1], [0], [0], [1], [0, 0, 1, 1], [], []>, transpose_lhs_hint = false} : vector<256x256xbf16>, vector<256x16xbf16>, vector<256x16xf32> -> vector<256x16xf32>
    %mul3A_508 = arith.mulf %dot_general3A_507, %convert_element_type3A_502 : vector<256x16xf32>
    %reduce_sum3A_509 = arith.constant dense<0.000000e+00> : vector<256xf32>
    %reduce_sum3A_510 = vector.multi_reduction <add>, %mul3A_508, %reduce_sum3A_509 [1] : vector<256x16xf32> to vector<256xf32>
    %broadcast_in_dim3A_511 = vector.shape_cast %reduce_sum3A_510 : vector<256xf32> to vector<256x1xf32>
    %slice3A_512 = vector.extract_strided_slice %convert_element_type3A_310 {offsets = [5, 0], sizes = [1, 16], strides = [1, 1]} : vector<32x16xf32> to vector<1x16xf32>
    %mul3A_513 = vector.broadcast %slice3A_512 : vector<1x16xf32> to vector<256x16xf32>
    %mul3A_514 = arith.mulf %convert_element_type3A_502, %mul3A_513 : vector<256x16xf32>
    %reduce_sum3A_515 = arith.constant dense<0.000000e+00> : vector<256xf32>
    %reduce_sum3A_516 = vector.multi_reduction <add>, %mul3A_514, %reduce_sum3A_515 [1] : vector<256x16xf32> to vector<256xf32>
    %broadcast_in_dim3A_517 = vector.shape_cast %reduce_sum3A_516 : vector<256xf32> to vector<256x1xf32>
    %add3A_518 = arith.addf %broadcast_in_dim3A_511, %broadcast_in_dim3A_517 : vector<256x1xf32>
    %add3A_519 = arith.constant 5.000000e-01 : f32
    %add3A_520 = vector.broadcast %add3A_519 : f32 to vector<256x1xf32>
    %add3A_521 = arith.addf %add3A_518, %add3A_520 : vector<256x1xf32>
    %convert_element_type3A_522 = arith.fptosi %add3A_521 : vector<256x1xf32> to vector<256x1xi32>
    %swap3A_523 = arith.constant 5 : index
    %swap3A_524 = arith.constant 0 : index
    %swap3A_525 = arith.constant 0 : index
    %swap3A_526 = vector.load %arg2[%swap3A_523, %swap3A_524, %swap3A_525] : memref<32x256x1xi32, #tpu.memory_space<vmem>>, vector<1x256x1xi32>
    %swap3A_527 = vector.shape_cast %swap3A_526 : vector<1x256x1xi32> to vector<256x1xi32>
    %swap3A_528 = vector.shape_cast %convert_element_type3A_522 : vector<256x1xi32> to vector<1x256x1xi32>
    tpu.vector_store %arg2[%swap3A_523, %swap3A_524, %swap3A_525], %swap3A_528 {strides = array<i32>} : memref<32x256x1xi32, #tpu.memory_space<vmem>>, vector<1x256x1xi32>,
    %get3A_529 = arith.constant 6 : index
    %get3A_530 = arith.constant 0 : index
    %get3A_531 = arith.constant 0 : index
    %get3A_532 = vector.load %arg1[%get3A_529, %get3A_530, %get3A_531] : memref<32x256x1xi32, #tpu.memory_space<vmem>>, vector<1x256x1xi32>
    %get3A_533 = vector.shape_cast %get3A_532 : vector<1x256x1xi32> to vector<256x1xi32>
    %broadcast_in_dim3A_534 = vector.shape_cast %get3A_533 : vector<256x1xi32> to vector<256x1xi32>
    %broadcast_in_dim3A_535 = vector.broadcast %broadcast_in_dim3A_534 : vector<256x1xi32> to vector<256x16xi32>
    %eq3A_536 = arith.cmpi eq, %broadcast_in_dim3A_535, %iota3A_315 : vector<256x16xi32>
    %convert_element_type3A_537 = arith.extui %eq3A_536 : vector<256x16xi1> to vector<256x16xi32>
    %convert_element_type3A_538 = arith.sitofp %convert_element_type3A_537 : vector<256x16xi32> to vector<256x16xf32>
    %convert_element_type3A_539 = arith.extui %eq3A_536 : vector<256x16xi1> to vector<256x16xi32>
    %convert_element_type3A_540 = arith.sitofp %convert_element_type3A_539 : vector<256x16xi32> to vector<256x16xf32>
    %convert_element_type3A_541 = arith.truncf %convert_element_type3A_540 : vector<256x16xf32> to vector<256x16xbf16>
    %dot_general3A_542 = arith.constant dense<0.000000e+00> : vector<256x16xf32>
    %dot_general3A_543 = tpu.matmul %convert_element_type3A_314, %convert_element_type3A_541, %dot_general3A_542 {dimension_numbers = #tpu.dot_dimension_numbers<[1], [0], [0], [1], [0, 0, 1, 1], [], []>, transpose_lhs_hint = false} : vector<256x256xbf16>, vector<256x16xbf16>, vector<256x16xf32> -> vector<256x16xf32>
    %mul3A_544 = arith.mulf %dot_general3A_543, %convert_element_type3A_538 : vector<256x16xf32>
    %reduce_sum3A_545 = arith.constant dense<0.000000e+00> : vector<256xf32>
    %reduce_sum3A_546 = vector.multi_reduction <add>, %mul3A_544, %reduce_sum3A_545 [1] : vector<256x16xf32> to vector<256xf32>
    %broadcast_in_dim3A_547 = vector.shape_cast %reduce_sum3A_546 : vector<256xf32> to vector<256x1xf32>
    %slice3A_548 = vector.extract_strided_slice %convert_element_type3A_310 {offsets = [6, 0], sizes = [1, 16], strides = [1, 1]} : vector<32x16xf32> to vector<1x16xf32>
    %mul3A_549 = vector.broadcast %slice3A_548 : vector<1x16xf32> to vector<256x16xf32>
    %mul3A_550 = arith.mulf %convert_element_type3A_538, %mul3A_549 : vector<256x16xf32>
    %reduce_sum3A_551 = arith.constant dense<0.000000e+00> : vector<256xf32>
    %reduce_sum3A_552 = vector.multi_reduction <add>, %mul3A_550, %reduce_sum3A_551 [1] : vector<256x16xf32> to vector<256xf32>
    %broadcast_in_dim3A_553 = vector.shape_cast %reduce_sum3A_552 : vector<256xf32> to vector<256x1xf32>
    %add3A_554 = arith.addf %broadcast_in_dim3A_547, %broadcast_in_dim3A_553 : vector<256x1xf32>
    %add3A_555 = arith.constant 5.000000e-01 : f32
    %add3A_556 = vector.broadcast %add3A_555 : f32 to vector<256x1xf32>
    %add3A_557 = arith.addf %add3A_554, %add3A_556 : vector<256x1xf32>
    %convert_element_type3A_558 = arith.fptosi %add3A_557 : vector<256x1xf32> to vector<256x1xi32>
    %swap3A_559 = arith.constant 6 : index
    %swap3A_560 = arith.constant 0 : index
    %swap3A_561 = arith.constant 0 : index
    %swap3A_562 = vector.load %arg2[%swap3A_559, %swap3A_560, %swap3A_561] : memref<32x256x1xi32, #tpu.memory_space<vmem>>, vector<1x256x1xi32>
    %swap3A_563 = vector.shape_cast %swap3A_562 : vector<1x256x1xi32> to vector<256x1xi32>
    %swap3A_564 = vector.shape_cast %convert_element_type3A_558 : vector<256x1xi32> to vector<1x256x1xi32>
    tpu.vector_store %arg2[%swap3A_559, %swap3A_560, %swap3A_561], %swap3A_564 {strides = array<i32>} : memref<32x256x1xi32, #tpu.memory_space<vmem>>, vector<1x256x1xi32>,
    %get3A_565 = arith.constant 7 : index
    %get3A_566 = arith.constant 0 : index
    %get3A_567 = arith.constant 0 : index
    %get3A_568 = vector.load %arg1[%get3A_565, %get3A_566, %get3A_567] : memref<32x256x1xi32, #tpu.memory_space<vmem>>, vector<1x256x1xi32>
    %get3A_569 = vector.shape_cast %get3A_568 : vector<1x256x1xi32> to vector<256x1xi32>
    %broadcast_in_dim3A_570 = vector.shape_cast %get3A_569 : vector<256x1xi32> to vector<256x1xi32>
    %broadcast_in_dim3A_571 = vector.broadcast %broadcast_in_dim3A_570 : vector<256x1xi32> to vector<256x16xi32>
    %eq3A_572 = arith.cmpi eq, %broadcast_in_dim3A_571, %iota3A_315 : vector<256x16xi32>
    %convert_element_type3A_573 = arith.extui %eq3A_572 : vector<256x16xi1> to vector<256x16xi32>
    %convert_element_type3A_574 = arith.sitofp %convert_element_type3A_573 : vector<256x16xi32> to vector<256x16xf32>
    %convert_element_type3A_575 = arith.extui %eq3A_572 : vector<256x16xi1> to vector<256x16xi32>
    %convert_element_type3A_576 = arith.sitofp %convert_element_type3A_575 : vector<256x16xi32> to vector<256x16xf32>
    %convert_element_type3A_577 = arith.truncf %convert_element_type3A_576 : vector<256x16xf32> to vector<256x16xbf16>
    %dot_general3A_578 = arith.constant dense<0.000000e+00> : vector<256x16xf32>
    %dot_general3A_579 = tpu.matmul %convert_element_type3A_314, %convert_element_type3A_577, %dot_general3A_578 {dimension_numbers = #tpu.dot_dimension_numbers<[1], [0], [0], [1], [0, 0, 1, 1], [], []>, transpose_lhs_hint = false} : vector<256x256xbf16>, vector<256x16xbf16>, vector<256x16xf32> -> vector<256x16xf32>
    %mul3A_580 = arith.mulf %dot_general3A_579, %convert_element_type3A_574 : vector<256x16xf32>
    %reduce_sum3A_581 = arith.constant dense<0.000000e+00> : vector<256xf32>
    %reduce_sum3A_582 = vector.multi_reduction <add>, %mul3A_580, %reduce_sum3A_581 [1] : vector<256x16xf32> to vector<256xf32>
    %broadcast_in_dim3A_583 = vector.shape_cast %reduce_sum3A_582 : vector<256xf32> to vector<256x1xf32>
    %slice3A_584 = vector.extract_strided_slice %convert_element_type3A_310 {offsets = [7, 0], sizes = [1, 16], strides = [1, 1]} : vector<32x16xf32> to vector<1x16xf32>
    %mul3A_585 = vector.broadcast %slice3A_584 : vector<1x16xf32> to vector<256x16xf32>
    %mul3A_586 = arith.mulf %convert_element_type3A_574, %mul3A_585 : vector<256x16xf32>
    %reduce_sum3A_587 = arith.constant dense<0.000000e+00> : vector<256xf32>
    %reduce_sum3A_588 = vector.multi_reduction <add>, %mul3A_586, %reduce_sum3A_587 [1] : vector<256x16xf32> to vector<256xf32>
    %broadcast_in_dim3A_589 = vector.shape_cast %reduce_sum3A_588 : vector<256xf32> to vector<256x1xf32>
    %add3A_590 = arith.addf %broadcast_in_dim3A_583, %broadcast_in_dim3A_589 : vector<256x1xf32>
    %add3A_591 = arith.constant 5.000000e-01 : f32
    %add3A_592 = vector.broadcast %add3A_591 : f32 to vector<256x1xf32>
    %add3A_593 = arith.addf %add3A_590, %add3A_592 : vector<256x1xf32>
    %convert_element_type3A_594 = arith.fptosi %add3A_593 : vector<256x1xf32> to vector<256x1xi32>
    %swap3A_595 = arith.constant 7 : index
    %swap3A_596 = arith.constant 0 : index
    %swap3A_597 = arith.constant 0 : index
    %swap3A_598 = vector.load %arg2[%swap3A_595, %swap3A_596, %swap3A_597] : memref<32x256x1xi32, #tpu.memory_space<vmem>>, vector<1x256x1xi32>
    %swap3A_599 = vector.shape_cast %swap3A_598 : vector<1x256x1xi32> to vector<256x1xi32>
    %swap3A_600 = vector.shape_cast %convert_element_type3A_594 : vector<256x1xi32> to vector<1x256x1xi32>
    tpu.vector_store %arg2[%swap3A_595, %swap3A_596, %swap3A_597], %swap3A_600 {strides = array<i32>} : memref<32x256x1xi32, #tpu.memory_space<vmem>>, vector<1x256x1xi32>,
    %get3A_601 = arith.constant 8 : index
    %get3A_602 = arith.constant 0 : index
    %get3A_603 = arith.constant 0 : index
    %get3A_604 = vector.load %arg1[%get3A_601, %get3A_602, %get3A_603] : memref<32x256x1xi32, #tpu.memory_space<vmem>>, vector<1x256x1xi32>
    %get3A_605 = vector.shape_cast %get3A_604 : vector<1x256x1xi32> to vector<256x1xi32>
    %broadcast_in_dim3A_606 = vector.shape_cast %get3A_605 : vector<256x1xi32> to vector<256x1xi32>
    %broadcast_in_dim3A_607 = vector.broadcast %broadcast_in_dim3A_606 : vector<256x1xi32> to vector<256x16xi32>
    %eq3A_608 = arith.cmpi eq, %broadcast_in_dim3A_607, %iota3A_315 : vector<256x16xi32>
    %convert_element_type3A_609 = arith.extui %eq3A_608 : vector<256x16xi1> to vector<256x16xi32>
    %convert_element_type3A_610 = arith.sitofp %convert_element_type3A_609 : vector<256x16xi32> to vector<256x16xf32>
    %convert_element_type3A_611 = arith.extui %eq3A_608 : vector<256x16xi1> to vector<256x16xi32>
    %convert_element_type3A_612 = arith.sitofp %convert_element_type3A_611 : vector<256x16xi32> to vector<256x16xf32>
    %convert_element_type3A_613 = arith.truncf %convert_element_type3A_612 : vector<256x16xf32> to vector<256x16xbf16>
    %dot_general3A_614 = arith.constant dense<0.000000e+00> : vector<256x16xf32>
    %dot_general3A_615 = tpu.matmul %convert_element_type3A_314, %convert_element_type3A_613, %dot_general3A_614 {dimension_numbers = #tpu.dot_dimension_numbers<[1], [0], [0], [1], [0, 0, 1, 1], [], []>, transpose_lhs_hint = false} : vector<256x256xbf16>, vector<256x16xbf16>, vector<256x16xf32> -> vector<256x16xf32>
    %mul3A_616 = arith.mulf %dot_general3A_615, %convert_element_type3A_610 : vector<256x16xf32>
    %reduce_sum3A_617 = arith.constant dense<0.000000e+00> : vector<256xf32>
    %reduce_sum3A_618 = vector.multi_reduction <add>, %mul3A_616, %reduce_sum3A_617 [1] : vector<256x16xf32> to vector<256xf32>
    %broadcast_in_dim3A_619 = vector.shape_cast %reduce_sum3A_618 : vector<256xf32> to vector<256x1xf32>
    %slice3A_620 = vector.extract_strided_slice %convert_element_type3A_310 {offsets = [8, 0], sizes = [1, 16], strides = [1, 1]} : vector<32x16xf32> to vector<1x16xf32>
    %mul3A_621 = vector.broadcast %slice3A_620 : vector<1x16xf32> to vector<256x16xf32>
    %mul3A_622 = arith.mulf %convert_element_type3A_610, %mul3A_621 : vector<256x16xf32>
    %reduce_sum3A_623 = arith.constant dense<0.000000e+00> : vector<256xf32>
    %reduce_sum3A_624 = vector.multi_reduction <add>, %mul3A_622, %reduce_sum3A_623 [1] : vector<256x16xf32> to vector<256xf32>
    %broadcast_in_dim3A_625 = vector.shape_cast %reduce_sum3A_624 : vector<256xf32> to vector<256x1xf32>
    %add3A_626 = arith.addf %broadcast_in_dim3A_619, %broadcast_in_dim3A_625 : vector<256x1xf32>
    %add3A_627 = arith.constant 5.000000e-01 : f32
    %add3A_628 = vector.broadcast %add3A_627 : f32 to vector<256x1xf32>
    %add3A_629 = arith.addf %add3A_626, %add3A_628 : vector<256x1xf32>
    %convert_element_type3A_630 = arith.fptosi %add3A_629 : vector<256x1xf32> to vector<256x1xi32>
    %swap3A_631 = arith.constant 8 : index
    %swap3A_632 = arith.constant 0 : index
    %swap3A_633 = arith.constant 0 : index
    %swap3A_634 = vector.load %arg2[%swap3A_631, %swap3A_632, %swap3A_633] : memref<32x256x1xi32, #tpu.memory_space<vmem>>, vector<1x256x1xi32>
    %swap3A_635 = vector.shape_cast %swap3A_634 : vector<1x256x1xi32> to vector<256x1xi32>
    %swap3A_636 = vector.shape_cast %convert_element_type3A_630 : vector<256x1xi32> to vector<1x256x1xi32>
    tpu.vector_store %arg2[%swap3A_631, %swap3A_632, %swap3A_633], %swap3A_636 {strides = array<i32>} : memref<32x256x1xi32, #tpu.memory_space<vmem>>, vector<1x256x1xi32>,
    %get3A_637 = arith.constant 9 : index
    %get3A_638 = arith.constant 0 : index
    %get3A_639 = arith.constant 0 : index
    %get3A_640 = vector.load %arg1[%get3A_637, %get3A_638, %get3A_639] : memref<32x256x1xi32, #tpu.memory_space<vmem>>, vector<1x256x1xi32>
    %get3A_641 = vector.shape_cast %get3A_640 : vector<1x256x1xi32> to vector<256x1xi32>
    %broadcast_in_dim3A_642 = vector.shape_cast %get3A_641 : vector<256x1xi32> to vector<256x1xi32>
    %broadcast_in_dim3A_643 = vector.broadcast %broadcast_in_dim3A_642 : vector<256x1xi32> to vector<256x16xi32>
    %eq3A_644 = arith.cmpi eq, %broadcast_in_dim3A_643, %iota3A_315 : vector<256x16xi32>
    %convert_element_type3A_645 = arith.extui %eq3A_644 : vector<256x16xi1> to vector<256x16xi32>
    %convert_element_type3A_646 = arith.sitofp %convert_element_type3A_645 : vector<256x16xi32> to vector<256x16xf32>
    %convert_element_type3A_647 = arith.extui %eq3A_644 : vector<256x16xi1> to vector<256x16xi32>
    %convert_element_type3A_648 = arith.sitofp %convert_element_type3A_647 : vector<256x16xi32> to vector<256x16xf32>
    %convert_element_type3A_649 = arith.truncf %convert_element_type3A_648 : vector<256x16xf32> to vector<256x16xbf16>
    %dot_general3A_650 = arith.constant dense<0.000000e+00> : vector<256x16xf32>
    %dot_general3A_651 = tpu.matmul %convert_element_type3A_314, %convert_element_type3A_649, %dot_general3A_650 {dimension_numbers = #tpu.dot_dimension_numbers<[1], [0], [0], [1], [0, 0, 1, 1], [], []>, transpose_lhs_hint = false} : vector<256x256xbf16>, vector<256x16xbf16>, vector<256x16xf32> -> vector<256x16xf32>
    %mul3A_652 = arith.mulf %dot_general3A_651, %convert_element_type3A_646 : vector<256x16xf32>
    %reduce_sum3A_653 = arith.constant dense<0.000000e+00> : vector<256xf32>
    %reduce_sum3A_654 = vector.multi_reduction <add>, %mul3A_652, %reduce_sum3A_653 [1] : vector<256x16xf32> to vector<256xf32>
    %broadcast_in_dim3A_655 = vector.shape_cast %reduce_sum3A_654 : vector<256xf32> to vector<256x1xf32>
    %slice3A_656 = vector.extract_strided_slice %convert_element_type3A_310 {offsets = [9, 0], sizes = [1, 16], strides = [1, 1]} : vector<32x16xf32> to vector<1x16xf32>
    %mul3A_657 = vector.broadcast %slice3A_656 : vector<1x16xf32> to vector<256x16xf32>
    %mul3A_658 = arith.mulf %convert_element_type3A_646, %mul3A_657 : vector<256x16xf32>
    %reduce_sum3A_659 = arith.constant dense<0.000000e+00> : vector<256xf32>
    %reduce_sum3A_660 = vector.multi_reduction <add>, %mul3A_658, %reduce_sum3A_659 [1] : vector<256x16xf32> to vector<256xf32>
    %broadcast_in_dim3A_661 = vector.shape_cast %reduce_sum3A_660 : vector<256xf32> to vector<256x1xf32>
    %add3A_662 = arith.addf %broadcast_in_dim3A_655, %broadcast_in_dim3A_661 : vector<256x1xf32>
    %add3A_663 = arith.constant 5.000000e-01 : f32
    %add3A_664 = vector.broadcast %add3A_663 : f32 to vector<256x1xf32>
    %add3A_665 = arith.addf %add3A_662, %add3A_664 : vector<256x1xf32>
    %convert_element_type3A_666 = arith.fptosi %add3A_665 : vector<256x1xf32> to vector<256x1xi32>
    %swap3A_667 = arith.constant 9 : index
    %swap3A_668 = arith.constant 0 : index
    %swap3A_669 = arith.constant 0 : index
    %swap3A_670 = vector.load %arg2[%swap3A_667, %swap3A_668, %swap3A_669] : memref<32x256x1xi32, #tpu.memory_space<vmem>>, vector<1x256x1xi32>
    %swap3A_671 = vector.shape_cast %swap3A_670 : vector<1x256x1xi32> to vector<256x1xi32>
    %swap3A_672 = vector.shape_cast %convert_element_type3A_666 : vector<256x1xi32> to vector<1x256x1xi32>
    tpu.vector_store %arg2[%swap3A_667, %swap3A_668, %swap3A_669], %swap3A_672 {strides = array<i32>} : memref<32x256x1xi32, #tpu.memory_space<vmem>>, vector<1x256x1xi32>,
    %get3A_673 = arith.constant 10 : index
    %get3A_674 = arith.constant 0 : index
    %get3A_675 = arith.constant 0 : index
    %get3A_676 = vector.load %arg1[%get3A_673, %get3A_674, %get3A_675] : memref<32x256x1xi32, #tpu.memory_space<vmem>>, vector<1x256x1xi32>
    %get3A_677 = vector.shape_cast %get3A_676 : vector<1x256x1xi32> to vector<256x1xi32>
    %broadcast_in_dim3A_678 = vector.shape_cast %get3A_677 : vector<256x1xi32> to vector<256x1xi32>
    %broadcast_in_dim3A_679 = vector.broadcast %broadcast_in_dim3A_678 : vector<256x1xi32> to vector<256x16xi32>
    %eq3A_680 = arith.cmpi eq, %broadcast_in_dim3A_679, %iota3A_315 : vector<256x16xi32>
    %convert_element_type3A_681 = arith.extui %eq3A_680 : vector<256x16xi1> to vector<256x16xi32>
    %convert_element_type3A_682 = arith.sitofp %convert_element_type3A_681 : vector<256x16xi32> to vector<256x16xf32>
    %convert_element_type3A_683 = arith.extui %eq3A_680 : vector<256x16xi1> to vector<256x16xi32>
    %convert_element_type3A_684 = arith.sitofp %convert_element_type3A_683 : vector<256x16xi32> to vector<256x16xf32>
    %convert_element_type3A_685 = arith.truncf %convert_element_type3A_684 : vector<256x16xf32> to vector<256x16xbf16>
    %dot_general3A_686 = arith.constant dense<0.000000e+00> : vector<256x16xf32>
    %dot_general3A_687 = tpu.matmul %convert_element_type3A_314, %convert_element_type3A_685, %dot_general3A_686 {dimension_numbers = #tpu.dot_dimension_numbers<[1], [0], [0], [1], [0, 0, 1, 1], [], []>, transpose_lhs_hint = false} : vector<256x256xbf16>, vector<256x16xbf16>, vector<256x16xf32> -> vector<256x16xf32>
    %mul3A_688 = arith.mulf %dot_general3A_687, %convert_element_type3A_682 : vector<256x16xf32>
    %reduce_sum3A_689 = arith.constant dense<0.000000e+00> : vector<256xf32>
    %reduce_sum3A_690 = vector.multi_reduction <add>, %mul3A_688, %reduce_sum3A_689 [1] : vector<256x16xf32> to vector<256xf32>
    %broadcast_in_dim3A_691 = vector.shape_cast %reduce_sum3A_690 : vector<256xf32> to vector<256x1xf32>
    %slice3A_692 = vector.extract_strided_slice %convert_element_type3A_310 {offsets = [10, 0], sizes = [1, 16], strides = [1, 1]} : vector<32x16xf32> to vector<1x16xf32>
    %mul3A_693 = vector.broadcast %slice3A_692 : vector<1x16xf32> to vector<256x16xf32>
    %mul3A_694 = arith.mulf %convert_element_type3A_682, %mul3A_693 : vector<256x16xf32>
    %reduce_sum3A_695 = arith.constant dense<0.000000e+00> : vector<256xf32>
    %reduce_sum3A_696 = vector.multi_reduction <add>, %mul3A_694, %reduce_sum3A_695 [1] : vector<256x16xf32> to vector<256xf32>
    %broadcast_in_dim3A_697 = vector.shape_cast %reduce_sum3A_696 : vector<256xf32> to vector<256x1xf32>
    %add3A_698 = arith.addf %broadcast_in_dim3A_691, %broadcast_in_dim3A_697 : vector<256x1xf32>
    %add3A_699 = arith.constant 5.000000e-01 : f32
    %add3A_700 = vector.broadcast %add3A_699 : f32 to vector<256x1xf32>
    %add3A_701 = arith.addf %add3A_698, %add3A_700 : vector<256x1xf32>
    %convert_element_type3A_702 = arith.fptosi %add3A_701 : vector<256x1xf32> to vector<256x1xi32>
    %swap3A_703 = arith.constant 10 : index
    %swap3A_704 = arith.constant 0 : index
    %swap3A_705 = arith.constant 0 : index
    %swap3A_706 = vector.load %arg2[%swap3A_703, %swap3A_704, %swap3A_705] : memref<32x256x1xi32, #tpu.memory_space<vmem>>, vector<1x256x1xi32>
    %swap3A_707 = vector.shape_cast %swap3A_706 : vector<1x256x1xi32> to vector<256x1xi32>
    %swap3A_708 = vector.shape_cast %convert_element_type3A_702 : vector<256x1xi32> to vector<1x256x1xi32>
    tpu.vector_store %arg2[%swap3A_703, %swap3A_704, %swap3A_705], %swap3A_708 {strides = array<i32>} : memref<32x256x1xi32, #tpu.memory_space<vmem>>, vector<1x256x1xi32>,
    %get3A_709 = arith.constant 11 : index
    %get3A_710 = arith.constant 0 : index
    %get3A_711 = arith.constant 0 : index
    %get3A_712 = vector.load %arg1[%get3A_709, %get3A_710, %get3A_711] : memref<32x256x1xi32, #tpu.memory_space<vmem>>, vector<1x256x1xi32>
    %get3A_713 = vector.shape_cast %get3A_712 : vector<1x256x1xi32> to vector<256x1xi32>
    %broadcast_in_dim3A_714 = vector.shape_cast %get3A_713 : vector<256x1xi32> to vector<256x1xi32>
    %broadcast_in_dim3A_715 = vector.broadcast %broadcast_in_dim3A_714 : vector<256x1xi32> to vector<256x16xi32>
    %eq3A_716 = arith.cmpi eq, %broadcast_in_dim3A_715, %iota3A_315 : vector<256x16xi32>
    %convert_element_type3A_717 = arith.extui %eq3A_716 : vector<256x16xi1> to vector<256x16xi32>
    %convert_element_type3A_718 = arith.sitofp %convert_element_type3A_717 : vector<256x16xi32> to vector<256x16xf32>
    %convert_element_type3A_719 = arith.extui %eq3A_716 : vector<256x16xi1> to vector<256x16xi32>
    %convert_element_type3A_720 = arith.sitofp %convert_element_type3A_719 : vector<256x16xi32> to vector<256x16xf32>
    %convert_element_type3A_721 = arith.truncf %convert_element_type3A_720 : vector<256x16xf32> to vector<256x16xbf16>
    %dot_general3A_722 = arith.constant dense<0.000000e+00> : vector<256x16xf32>
    %dot_general3A_723 = tpu.matmul %convert_element_type3A_314, %convert_element_type3A_721, %dot_general3A_722 {dimension_numbers = #tpu.dot_dimension_numbers<[1], [0], [0], [1], [0, 0, 1, 1], [], []>, transpose_lhs_hint = false} : vector<256x256xbf16>, vector<256x16xbf16>, vector<256x16xf32> -> vector<256x16xf32>
    %mul3A_724 = arith.mulf %dot_general3A_723, %convert_element_type3A_718 : vector<256x16xf32>
    %reduce_sum3A_725 = arith.constant dense<0.000000e+00> : vector<256xf32>
    %reduce_sum3A_726 = vector.multi_reduction <add>, %mul3A_724, %reduce_sum3A_725 [1] : vector<256x16xf32> to vector<256xf32>
    %broadcast_in_dim3A_727 = vector.shape_cast %reduce_sum3A_726 : vector<256xf32> to vector<256x1xf32>
    %slice3A_728 = vector.extract_strided_slice %convert_element_type3A_310 {offsets = [11, 0], sizes = [1, 16], strides = [1, 1]} : vector<32x16xf32> to vector<1x16xf32>
    %mul3A_729 = vector.broadcast %slice3A_728 : vector<1x16xf32> to vector<256x16xf32>
    %mul3A_730 = arith.mulf %convert_element_type3A_718, %mul3A_729 : vector<256x16xf32>
    %reduce_sum3A_731 = arith.constant dense<0.000000e+00> : vector<256xf32>
    %reduce_sum3A_732 = vector.multi_reduction <add>, %mul3A_730, %reduce_sum3A_731 [1] : vector<256x16xf32> to vector<256xf32>
    %broadcast_in_dim3A_733 = vector.shape_cast %reduce_sum3A_732 : vector<256xf32> to vector<256x1xf32>
    %add3A_734 = arith.addf %broadcast_in_dim3A_727, %broadcast_in_dim3A_733 : vector<256x1xf32>
    %add3A_735 = arith.constant 5.000000e-01 : f32
    %add3A_736 = vector.broadcast %add3A_735 : f32 to vector<256x1xf32>
    %add3A_737 = arith.addf %add3A_734, %add3A_736 : vector<256x1xf32>
    %convert_element_type3A_738 = arith.fptosi %add3A_737 : vector<256x1xf32> to vector<256x1xi32>
    %swap3A_739 = arith.constant 11 : index
    %swap3A_740 = arith.constant 0 : index
    %swap3A_741 = arith.constant 0 : index
    %swap3A_742 = vector.load %arg2[%swap3A_739, %swap3A_740, %swap3A_741] : memref<32x256x1xi32, #tpu.memory_space<vmem>>, vector<1x256x1xi32>
    %swap3A_743 = vector.shape_cast %swap3A_742 : vector<1x256x1xi32> to vector<256x1xi32>
    %swap3A_744 = vector.shape_cast %convert_element_type3A_738 : vector<256x1xi32> to vector<1x256x1xi32>
    tpu.vector_store %arg2[%swap3A_739, %swap3A_740, %swap3A_741], %swap3A_744 {strides = array<i32>} : memref<32x256x1xi32, #tpu.memory_space<vmem>>, vector<1x256x1xi32>,
    %get3A_745 = arith.constant 12 : index
    %get3A_746 = arith.constant 0 : index
    %get3A_747 = arith.constant 0 : index
    %get3A_748 = vector.load %arg1[%get3A_745, %get3A_746, %get3A_747] : memref<32x256x1xi32, #tpu.memory_space<vmem>>, vector<1x256x1xi32>
    %get3A_749 = vector.shape_cast %get3A_748 : vector<1x256x1xi32> to vector<256x1xi32>
    %broadcast_in_dim3A_750 = vector.shape_cast %get3A_749 : vector<256x1xi32> to vector<256x1xi32>
    %broadcast_in_dim3A_751 = vector.broadcast %broadcast_in_dim3A_750 : vector<256x1xi32> to vector<256x16xi32>
    %eq3A_752 = arith.cmpi eq, %broadcast_in_dim3A_751, %iota3A_315 : vector<256x16xi32>
    %convert_element_type3A_753 = arith.extui %eq3A_752 : vector<256x16xi1> to vector<256x16xi32>
    %convert_element_type3A_754 = arith.sitofp %convert_element_type3A_753 : vector<256x16xi32> to vector<256x16xf32>
    %convert_element_type3A_755 = arith.extui %eq3A_752 : vector<256x16xi1> to vector<256x16xi32>
    %convert_element_type3A_756 = arith.sitofp %convert_element_type3A_755 : vector<256x16xi32> to vector<256x16xf32>
    %convert_element_type3A_757 = arith.truncf %convert_element_type3A_756 : vector<256x16xf32> to vector<256x16xbf16>
    %dot_general3A_758 = arith.constant dense<0.000000e+00> : vector<256x16xf32>
    %dot_general3A_759 = tpu.matmul %convert_element_type3A_314, %convert_element_type3A_757, %dot_general3A_758 {dimension_numbers = #tpu.dot_dimension_numbers<[1], [0], [0], [1], [0, 0, 1, 1], [], []>, transpose_lhs_hint = false} : vector<256x256xbf16>, vector<256x16xbf16>, vector<256x16xf32> -> vector<256x16xf32>
    %mul3A_760 = arith.mulf %dot_general3A_759, %convert_element_type3A_754 : vector<256x16xf32>
    %reduce_sum3A_761 = arith.constant dense<0.000000e+00> : vector<256xf32>
    %reduce_sum3A_762 = vector.multi_reduction <add>, %mul3A_760, %reduce_sum3A_761 [1] : vector<256x16xf32> to vector<256xf32>
    %broadcast_in_dim3A_763 = vector.shape_cast %reduce_sum3A_762 : vector<256xf32> to vector<256x1xf32>
    %slice3A_764 = vector.extract_strided_slice %convert_element_type3A_310 {offsets = [12, 0], sizes = [1, 16], strides = [1, 1]} : vector<32x16xf32> to vector<1x16xf32>
    %mul3A_765 = vector.broadcast %slice3A_764 : vector<1x16xf32> to vector<256x16xf32>
    %mul3A_766 = arith.mulf %convert_element_type3A_754, %mul3A_765 : vector<256x16xf32>
    %reduce_sum3A_767 = arith.constant dense<0.000000e+00> : vector<256xf32>
    %reduce_sum3A_768 = vector.multi_reduction <add>, %mul3A_766, %reduce_sum3A_767 [1] : vector<256x16xf32> to vector<256xf32>
    %broadcast_in_dim3A_769 = vector.shape_cast %reduce_sum3A_768 : vector<256xf32> to vector<256x1xf32>
    %add3A_770 = arith.addf %broadcast_in_dim3A_763, %broadcast_in_dim3A_769 : vector<256x1xf32>
    %add3A_771 = arith.constant 5.000000e-01 : f32
    %add3A_772 = vector.broadcast %add3A_771 : f32 to vector<256x1xf32>
    %add3A_773 = arith.addf %add3A_770, %add3A_772 : vector<256x1xf32>
    %convert_element_type3A_774 = arith.fptosi %add3A_773 : vector<256x1xf32> to vector<256x1xi32>
    %swap3A_775 = arith.constant 12 : index
    %swap3A_776 = arith.constant 0 : index
    %swap3A_777 = arith.constant 0 : index
    %swap3A_778 = vector.load %arg2[%swap3A_775, %swap3A_776, %swap3A_777] : memref<32x256x1xi32, #tpu.memory_space<vmem>>, vector<1x256x1xi32>
    %swap3A_779 = vector.shape_cast %swap3A_778 : vector<1x256x1xi32> to vector<256x1xi32>
    %swap3A_780 = vector.shape_cast %convert_element_type3A_774 : vector<256x1xi32> to vector<1x256x1xi32>
    tpu.vector_store %arg2[%swap3A_775, %swap3A_776, %swap3A_777], %swap3A_780 {strides = array<i32>} : memref<32x256x1xi32, #tpu.memory_space<vmem>>, vector<1x256x1xi32>,
    %get3A_781 = arith.constant 13 : index
    %get3A_782 = arith.constant 0 : index
    %get3A_783 = arith.constant 0 : index
    %get3A_784 = vector.load %arg1[%get3A_781, %get3A_782, %get3A_783] : memref<32x256x1xi32, #tpu.memory_space<vmem>>, vector<1x256x1xi32>
    %get3A_785 = vector.shape_cast %get3A_784 : vector<1x256x1xi32> to vector<256x1xi32>
    %broadcast_in_dim3A_786 = vector.shape_cast %get3A_785 : vector<256x1xi32> to vector<256x1xi32>
    %broadcast_in_dim3A_787 = vector.broadcast %broadcast_in_dim3A_786 : vector<256x1xi32> to vector<256x16xi32>
    %eq3A_788 = arith.cmpi eq, %broadcast_in_dim3A_787, %iota3A_315 : vector<256x16xi32>
    %convert_element_type3A_789 = arith.extui %eq3A_788 : vector<256x16xi1> to vector<256x16xi32>
    %convert_element_type3A_790 = arith.sitofp %convert_element_type3A_789 : vector<256x16xi32> to vector<256x16xf32>
    %convert_element_type3A_791 = arith.extui %eq3A_788 : vector<256x16xi1> to vector<256x16xi32>
    %convert_element_type3A_792 = arith.sitofp %convert_element_type3A_791 : vector<256x16xi32> to vector<256x16xf32>
    %convert_element_type3A_793 = arith.truncf %convert_element_type3A_792 : vector<256x16xf32> to vector<256x16xbf16>
    %dot_general3A_794 = arith.constant dense<0.000000e+00> : vector<256x16xf32>
    %dot_general3A_795 = tpu.matmul %convert_element_type3A_314, %convert_element_type3A_793, %dot_general3A_794 {dimension_numbers = #tpu.dot_dimension_numbers<[1], [0], [0], [1], [0, 0, 1, 1], [], []>, transpose_lhs_hint = false} : vector<256x256xbf16>, vector<256x16xbf16>, vector<256x16xf32> -> vector<256x16xf32>
    %mul3A_796 = arith.mulf %dot_general3A_795, %convert_element_type3A_790 : vector<256x16xf32>
    %reduce_sum3A_797 = arith.constant dense<0.000000e+00> : vector<256xf32>
    %reduce_sum3A_798 = vector.multi_reduction <add>, %mul3A_796, %reduce_sum3A_797 [1] : vector<256x16xf32> to vector<256xf32>
    %broadcast_in_dim3A_799 = vector.shape_cast %reduce_sum3A_798 : vector<256xf32> to vector<256x1xf32>
    %slice3A_800 = vector.extract_strided_slice %convert_element_type3A_310 {offsets = [13, 0], sizes = [1, 16], strides = [1, 1]} : vector<32x16xf32> to vector<1x16xf32>
    %mul3A_801 = vector.broadcast %slice3A_800 : vector<1x16xf32> to vector<256x16xf32>
    %mul3A_802 = arith.mulf %convert_element_type3A_790, %mul3A_801 : vector<256x16xf32>
    %reduce_sum3A_803 = arith.constant dense<0.000000e+00> : vector<256xf32>
    %reduce_sum3A_804 = vector.multi_reduction <add>, %mul3A_802, %reduce_sum3A_803 [1] : vector<256x16xf32> to vector<256xf32>
    %broadcast_in_dim3A_805 = vector.shape_cast %reduce_sum3A_804 : vector<256xf32> to vector<256x1xf32>
    %add3A_806 = arith.addf %broadcast_in_dim3A_799, %broadcast_in_dim3A_805 : vector<256x1xf32>
    %add3A_807 = arith.constant 5.000000e-01 : f32
    %add3A_808 = vector.broadcast %add3A_807 : f32 to vector<256x1xf32>
    %add3A_809 = arith.addf %add3A_806, %add3A_808 : vector<256x1xf32>
    %convert_element_type3A_810 = arith.fptosi %add3A_809 : vector<256x1xf32> to vector<256x1xi32>
    %swap3A_811 = arith.constant 13 : index
    %swap3A_812 = arith.constant 0 : index
    %swap3A_813 = arith.constant 0 : index
    %swap3A_814 = vector.load %arg2[%swap3A_811, %swap3A_812, %swap3A_813] : memref<32x256x1xi32, #tpu.memory_space<vmem>>, vector<1x256x1xi32>
    %swap3A_815 = vector.shape_cast %swap3A_814 : vector<1x256x1xi32> to vector<256x1xi32>
    %swap3A_816 = vector.shape_cast %convert_element_type3A_810 : vector<256x1xi32> to vector<1x256x1xi32>
    tpu.vector_store %arg2[%swap3A_811, %swap3A_812, %swap3A_813], %swap3A_816 {strides = array<i32>} : memref<32x256x1xi32, #tpu.memory_space<vmem>>, vector<1x256x1xi32>,
    %get3A_817 = arith.constant 14 : index
    %get3A_818 = arith.constant 0 : index
    %get3A_819 = arith.constant 0 : index
    %get3A_820 = vector.load %arg1[%get3A_817, %get3A_818, %get3A_819] : memref<32x256x1xi32, #tpu.memory_space<vmem>>, vector<1x256x1xi32>
    %get3A_821 = vector.shape_cast %get3A_820 : vector<1x256x1xi32> to vector<256x1xi32>
    %broadcast_in_dim3A_822 = vector.shape_cast %get3A_821 : vector<256x1xi32> to vector<256x1xi32>
    %broadcast_in_dim3A_823 = vector.broadcast %broadcast_in_dim3A_822 : vector<256x1xi32> to vector<256x16xi32>
    %eq3A_824 = arith.cmpi eq, %broadcast_in_dim3A_823, %iota3A_315 : vector<256x16xi32>
    %convert_element_type3A_825 = arith.extui %eq3A_824 : vector<256x16xi1> to vector<256x16xi32>
    %convert_element_type3A_826 = arith.sitofp %convert_element_type3A_825 : vector<256x16xi32> to vector<256x16xf32>
    %convert_element_type3A_827 = arith.extui %eq3A_824 : vector<256x16xi1> to vector<256x16xi32>
    %convert_element_type3A_828 = arith.sitofp %convert_element_type3A_827 : vector<256x16xi32> to vector<256x16xf32>
    %convert_element_type3A_829 = arith.truncf %convert_element_type3A_828 : vector<256x16xf32> to vector<256x16xbf16>
    %dot_general3A_830 = arith.constant dense<0.000000e+00> : vector<256x16xf32>
    %dot_general3A_831 = tpu.matmul %convert_element_type3A_314, %convert_element_type3A_829, %dot_general3A_830 {dimension_numbers = #tpu.dot_dimension_numbers<[1], [0], [0], [1], [0, 0, 1, 1], [], []>, transpose_lhs_hint = false} : vector<256x256xbf16>, vector<256x16xbf16>, vector<256x16xf32> -> vector<256x16xf32>
    %mul3A_832 = arith.mulf %dot_general3A_831, %convert_element_type3A_826 : vector<256x16xf32>
    %reduce_sum3A_833 = arith.constant dense<0.000000e+00> : vector<256xf32>
    %reduce_sum3A_834 = vector.multi_reduction <add>, %mul3A_832, %reduce_sum3A_833 [1] : vector<256x16xf32> to vector<256xf32>
    %broadcast_in_dim3A_835 = vector.shape_cast %reduce_sum3A_834 : vector<256xf32> to vector<256x1xf32>
    %slice3A_836 = vector.extract_strided_slice %convert_element_type3A_310 {offsets = [14, 0], sizes = [1, 16], strides = [1, 1]} : vector<32x16xf32> to vector<1x16xf32>
    %mul3A_837 = vector.broadcast %slice3A_836 : vector<1x16xf32> to vector<256x16xf32>
    %mul3A_838 = arith.mulf %convert_element_type3A_826, %mul3A_837 : vector<256x16xf32>
    %reduce_sum3A_839 = arith.constant dense<0.000000e+00> : vector<256xf32>
    %reduce_sum3A_840 = vector.multi_reduction <add>, %mul3A_838, %reduce_sum3A_839 [1] : vector<256x16xf32> to vector<256xf32>
    %broadcast_in_dim3A_841 = vector.shape_cast %reduce_sum3A_840 : vector<256xf32> to vector<256x1xf32>
    %add3A_842 = arith.addf %broadcast_in_dim3A_835, %broadcast_in_dim3A_841 : vector<256x1xf32>
    %add3A_843 = arith.constant 5.000000e-01 : f32
    %add3A_844 = vector.broadcast %add3A_843 : f32 to vector<256x1xf32>
    %add3A_845 = arith.addf %add3A_842, %add3A_844 : vector<256x1xf32>
    %convert_element_type3A_846 = arith.fptosi %add3A_845 : vector<256x1xf32> to vector<256x1xi32>
    %swap3A_847 = arith.constant 14 : index
    %swap3A_848 = arith.constant 0 : index
    %swap3A_849 = arith.constant 0 : index
    %swap3A_850 = vector.load %arg2[%swap3A_847, %swap3A_848, %swap3A_849] : memref<32x256x1xi32, #tpu.memory_space<vmem>>, vector<1x256x1xi32>
    %swap3A_851 = vector.shape_cast %swap3A_850 : vector<1x256x1xi32> to vector<256x1xi32>
    %swap3A_852 = vector.shape_cast %convert_element_type3A_846 : vector<256x1xi32> to vector<1x256x1xi32>
    tpu.vector_store %arg2[%swap3A_847, %swap3A_848, %swap3A_849], %swap3A_852 {strides = array<i32>} : memref<32x256x1xi32, #tpu.memory_space<vmem>>, vector<1x256x1xi32>,
    %get3A_853 = arith.constant 15 : index
    %get3A_854 = arith.constant 0 : index
    %get3A_855 = arith.constant 0 : index
    %get3A_856 = vector.load %arg1[%get3A_853, %get3A_854, %get3A_855] : memref<32x256x1xi32, #tpu.memory_space<vmem>>, vector<1x256x1xi32>
    %get3A_857 = vector.shape_cast %get3A_856 : vector<1x256x1xi32> to vector<256x1xi32>
    %broadcast_in_dim3A_858 = vector.shape_cast %get3A_857 : vector<256x1xi32> to vector<256x1xi32>
    %broadcast_in_dim3A_859 = vector.broadcast %broadcast_in_dim3A_858 : vector<256x1xi32> to vector<256x16xi32>
    %eq3A_860 = arith.cmpi eq, %broadcast_in_dim3A_859, %iota3A_315 : vector<256x16xi32>
    %convert_element_type3A_861 = arith.extui %eq3A_860 : vector<256x16xi1> to vector<256x16xi32>
    %convert_element_type3A_862 = arith.sitofp %convert_element_type3A_861 : vector<256x16xi32> to vector<256x16xf32>
    %convert_element_type3A_863 = arith.extui %eq3A_860 : vector<256x16xi1> to vector<256x16xi32>
    %convert_element_type3A_864 = arith.sitofp %convert_element_type3A_863 : vector<256x16xi32> to vector<256x16xf32>
    %convert_element_type3A_865 = arith.truncf %convert_element_type3A_864 : vector<256x16xf32> to vector<256x16xbf16>
    %dot_general3A_866 = arith.constant dense<0.000000e+00> : vector<256x16xf32>
    %dot_general3A_867 = tpu.matmul %convert_element_type3A_314, %convert_element_type3A_865, %dot_general3A_866 {dimension_numbers = #tpu.dot_dimension_numbers<[1], [0], [0], [1], [0, 0, 1, 1], [], []>, transpose_lhs_hint = false} : vector<256x256xbf16>, vector<256x16xbf16>, vector<256x16xf32> -> vector<256x16xf32>
    %mul3A_868 = arith.mulf %dot_general3A_867, %convert_element_type3A_862 : vector<256x16xf32>
    %reduce_sum3A_869 = arith.constant dense<0.000000e+00> : vector<256xf32>
    %reduce_sum3A_870 = vector.multi_reduction <add>, %mul3A_868, %reduce_sum3A_869 [1] : vector<256x16xf32> to vector<256xf32>
    %broadcast_in_dim3A_871 = vector.shape_cast %reduce_sum3A_870 : vector<256xf32> to vector<256x1xf32>
    %slice3A_872 = vector.extract_strided_slice %convert_element_type3A_310 {offsets = [15, 0], sizes = [1, 16], strides = [1, 1]} : vector<32x16xf32> to vector<1x16xf32>
    %mul3A_873 = vector.broadcast %slice3A_872 : vector<1x16xf32> to vector<256x16xf32>
    %mul3A_874 = arith.mulf %convert_element_type3A_862, %mul3A_873 : vector<256x16xf32>
    %reduce_sum3A_875 = arith.constant dense<0.000000e+00> : vector<256xf32>
    %reduce_sum3A_876 = vector.multi_reduction <add>, %mul3A_874, %reduce_sum3A_875 [1] : vector<256x16xf32> to vector<256xf32>
    %broadcast_in_dim3A_877 = vector.shape_cast %reduce_sum3A_876 : vector<256xf32> to vector<256x1xf32>
    %add3A_878 = arith.addf %broadcast_in_dim3A_871, %broadcast_in_dim3A_877 : vector<256x1xf32>
    %add3A_879 = arith.constant 5.000000e-01 : f32
    %add3A_880 = vector.broadcast %add3A_879 : f32 to vector<256x1xf32>
    %add3A_881 = arith.addf %add3A_878, %add3A_880 : vector<256x1xf32>
    %convert_element_type3A_882 = arith.fptosi %add3A_881 : vector<256x1xf32> to vector<256x1xi32>
    %swap3A_883 = arith.constant 15 : index
    %swap3A_884 = arith.constant 0 : index
    %swap3A_885 = arith.constant 0 : index
    %swap3A_886 = vector.load %arg2[%swap3A_883, %swap3A_884, %swap3A_885] : memref<32x256x1xi32, #tpu.memory_space<vmem>>, vector<1x256x1xi32>
    %swap3A_887 = vector.shape_cast %swap3A_886 : vector<1x256x1xi32> to vector<256x1xi32>
    %swap3A_888 = vector.shape_cast %convert_element_type3A_882 : vector<256x1xi32> to vector<1x256x1xi32>
    tpu.vector_store %arg2[%swap3A_883, %swap3A_884, %swap3A_885], %swap3A_888 {strides = array<i32>} : memref<32x256x1xi32, #tpu.memory_space<vmem>>, vector<1x256x1xi32>,
    %get3A_889 = arith.constant 16 : index
    %get3A_890 = arith.constant 0 : index
    %get3A_891 = arith.constant 0 : index
    %get3A_892 = vector.load %arg1[%get3A_889, %get3A_890, %get3A_891] : memref<32x256x1xi32, #tpu.memory_space<vmem>>, vector<1x256x1xi32>
    %get3A_893 = vector.shape_cast %get3A_892 : vector<1x256x1xi32> to vector<256x1xi32>
    %broadcast_in_dim3A_894 = vector.shape_cast %get3A_893 : vector<256x1xi32> to vector<256x1xi32>
    %broadcast_in_dim3A_895 = vector.broadcast %broadcast_in_dim3A_894 : vector<256x1xi32> to vector<256x16xi32>
    %eq3A_896 = arith.cmpi eq, %broadcast_in_dim3A_895, %iota3A_315 : vector<256x16xi32>
    %convert_element_type3A_897 = arith.extui %eq3A_896 : vector<256x16xi1> to vector<256x16xi32>
    %convert_element_type3A_898 = arith.sitofp %convert_element_type3A_897 : vector<256x16xi32> to vector<256x16xf32>
    %convert_element_type3A_899 = arith.extui %eq3A_896 : vector<256x16xi1> to vector<256x16xi32>
    %convert_element_type3A_900 = arith.sitofp %convert_element_type3A_899 : vector<256x16xi32> to vector<256x16xf32>
    %convert_element_type3A_901 = arith.truncf %convert_element_type3A_900 : vector<256x16xf32> to vector<256x16xbf16>
    %dot_general3A_902 = arith.constant dense<0.000000e+00> : vector<256x16xf32>
    %dot_general3A_903 = tpu.matmul %convert_element_type3A_314, %convert_element_type3A_901, %dot_general3A_902 {dimension_numbers = #tpu.dot_dimension_numbers<[1], [0], [0], [1], [0, 0, 1, 1], [], []>, transpose_lhs_hint = false} : vector<256x256xbf16>, vector<256x16xbf16>, vector<256x16xf32> -> vector<256x16xf32>
    %mul3A_904 = arith.mulf %dot_general3A_903, %convert_element_type3A_898 : vector<256x16xf32>
    %reduce_sum3A_905 = arith.constant dense<0.000000e+00> : vector<256xf32>
    %reduce_sum3A_906 = vector.multi_reduction <add>, %mul3A_904, %reduce_sum3A_905 [1] : vector<256x16xf32> to vector<256xf32>
    %broadcast_in_dim3A_907 = vector.shape_cast %reduce_sum3A_906 : vector<256xf32> to vector<256x1xf32>
    %slice3A_908 = vector.extract_strided_slice %convert_element_type3A_310 {offsets = [16, 0], sizes = [1, 16], strides = [1, 1]} : vector<32x16xf32> to vector<1x16xf32>
    %mul3A_909 = vector.broadcast %slice3A_908 : vector<1x16xf32> to vector<256x16xf32>
    %mul3A_910 = arith.mulf %convert_element_type3A_898, %mul3A_909 : vector<256x16xf32>
    %reduce_sum3A_911 = arith.constant dense<0.000000e+00> : vector<256xf32>
    %reduce_sum3A_912 = vector.multi_reduction <add>, %mul3A_910, %reduce_sum3A_911 [1] : vector<256x16xf32> to vector<256xf32>
    %broadcast_in_dim3A_913 = vector.shape_cast %reduce_sum3A_912 : vector<256xf32> to vector<256x1xf32>
    %add3A_914 = arith.addf %broadcast_in_dim3A_907, %broadcast_in_dim3A_913 : vector<256x1xf32>
    %add3A_915 = arith.constant 5.000000e-01 : f32
    %add3A_916 = vector.broadcast %add3A_915 : f32 to vector<256x1xf32>
    %add3A_917 = arith.addf %add3A_914, %add3A_916 : vector<256x1xf32>
    %convert_element_type3A_918 = arith.fptosi %add3A_917 : vector<256x1xf32> to vector<256x1xi32>
    %swap3A_919 = arith.constant 16 : index
    %swap3A_920 = arith.constant 0 : index
    %swap3A_921 = arith.constant 0 : index
    %swap3A_922 = vector.load %arg2[%swap3A_919, %swap3A_920, %swap3A_921] : memref<32x256x1xi32, #tpu.memory_space<vmem>>, vector<1x256x1xi32>
    %swap3A_923 = vector.shape_cast %swap3A_922 : vector<1x256x1xi32> to vector<256x1xi32>
    %swap3A_924 = vector.shape_cast %convert_element_type3A_918 : vector<256x1xi32> to vector<1x256x1xi32>
    tpu.vector_store %arg2[%swap3A_919, %swap3A_920, %swap3A_921], %swap3A_924 {strides = array<i32>} : memref<32x256x1xi32, #tpu.memory_space<vmem>>, vector<1x256x1xi32>,
    %get3A_925 = arith.constant 17 : index
    %get3A_926 = arith.constant 0 : index
    %get3A_927 = arith.constant 0 : index
    %get3A_928 = vector.load %arg1[%get3A_925, %get3A_926, %get3A_927] : memref<32x256x1xi32, #tpu.memory_space<vmem>>, vector<1x256x1xi32>
    %get3A_929 = vector.shape_cast %get3A_928 : vector<1x256x1xi32> to vector<256x1xi32>
    %broadcast_in_dim3A_930 = vector.shape_cast %get3A_929 : vector<256x1xi32> to vector<256x1xi32>
    %broadcast_in_dim3A_931 = vector.broadcast %broadcast_in_dim3A_930 : vector<256x1xi32> to vector<256x16xi32>
    %eq3A_932 = arith.cmpi eq, %broadcast_in_dim3A_931, %iota3A_315 : vector<256x16xi32>
    %convert_element_type3A_933 = arith.extui %eq3A_932 : vector<256x16xi1> to vector<256x16xi32>
    %convert_element_type3A_934 = arith.sitofp %convert_element_type3A_933 : vector<256x16xi32> to vector<256x16xf32>
    %convert_element_type3A_935 = arith.extui %eq3A_932 : vector<256x16xi1> to vector<256x16xi32>
    %convert_element_type3A_936 = arith.sitofp %convert_element_type3A_935 : vector<256x16xi32> to vector<256x16xf32>
    %convert_element_type3A_937 = arith.truncf %convert_element_type3A_936 : vector<256x16xf32> to vector<256x16xbf16>
    %dot_general3A_938 = arith.constant dense<0.000000e+00> : vector<256x16xf32>
    %dot_general3A_939 = tpu.matmul %convert_element_type3A_314, %convert_element_type3A_937, %dot_general3A_938 {dimension_numbers = #tpu.dot_dimension_numbers<[1], [0], [0], [1], [0, 0, 1, 1], [], []>, transpose_lhs_hint = false} : vector<256x256xbf16>, vector<256x16xbf16>, vector<256x16xf32> -> vector<256x16xf32>
    %mul3A_940 = arith.mulf %dot_general3A_939, %convert_element_type3A_934 : vector<256x16xf32>
    %reduce_sum3A_941 = arith.constant dense<0.000000e+00> : vector<256xf32>
    %reduce_sum3A_942 = vector.multi_reduction <add>, %mul3A_940, %reduce_sum3A_941 [1] : vector<256x16xf32> to vector<256xf32>
    %broadcast_in_dim3A_943 = vector.shape_cast %reduce_sum3A_942 : vector<256xf32> to vector<256x1xf32>
    %slice3A_944 = vector.extract_strided_slice %convert_element_type3A_310 {offsets = [17, 0], sizes = [1, 16], strides = [1, 1]} : vector<32x16xf32> to vector<1x16xf32>
    %mul3A_945 = vector.broadcast %slice3A_944 : vector<1x16xf32> to vector<256x16xf32>
    %mul3A_946 = arith.mulf %convert_element_type3A_934, %mul3A_945 : vector<256x16xf32>
    %reduce_sum3A_947 = arith.constant dense<0.000000e+00> : vector<256xf32>
    %reduce_sum3A_948 = vector.multi_reduction <add>, %mul3A_946, %reduce_sum3A_947 [1] : vector<256x16xf32> to vector<256xf32>
    %broadcast_in_dim3A_949 = vector.shape_cast %reduce_sum3A_948 : vector<256xf32> to vector<256x1xf32>
    %add3A_950 = arith.addf %broadcast_in_dim3A_943, %broadcast_in_dim3A_949 : vector<256x1xf32>
    %add3A_951 = arith.constant 5.000000e-01 : f32
    %add3A_952 = vector.broadcast %add3A_951 : f32 to vector<256x1xf32>
    %add3A_953 = arith.addf %add3A_950, %add3A_952 : vector<256x1xf32>
    %convert_element_type3A_954 = arith.fptosi %add3A_953 : vector<256x1xf32> to vector<256x1xi32>
    %swap3A_955 = arith.constant 17 : index
    %swap3A_956 = arith.constant 0 : index
    %swap3A_957 = arith.constant 0 : index
    %swap3A_958 = vector.load %arg2[%swap3A_955, %swap3A_956, %swap3A_957] : memref<32x256x1xi32, #tpu.memory_space<vmem>>, vector<1x256x1xi32>
    %swap3A_959 = vector.shape_cast %swap3A_958 : vector<1x256x1xi32> to vector<256x1xi32>
    %swap3A_960 = vector.shape_cast %convert_element_type3A_954 : vector<256x1xi32> to vector<1x256x1xi32>
    tpu.vector_store %arg2[%swap3A_955, %swap3A_956, %swap3A_957], %swap3A_960 {strides = array<i32>} : memref<32x256x1xi32, #tpu.memory_space<vmem>>, vector<1x256x1xi32>,
    %get3A_961 = arith.constant 18 : index
    %get3A_962 = arith.constant 0 : index
    %get3A_963 = arith.constant 0 : index
    %get3A_964 = vector.load %arg1[%get3A_961, %get3A_962, %get3A_963] : memref<32x256x1xi32, #tpu.memory_space<vmem>>, vector<1x256x1xi32>
    %get3A_965 = vector.shape_cast %get3A_964 : vector<1x256x1xi32> to vector<256x1xi32>
    %broadcast_in_dim3A_966 = vector.shape_cast %get3A_965 : vector<256x1xi32> to vector<256x1xi32>
    %broadcast_in_dim3A_967 = vector.broadcast %broadcast_in_dim3A_966 : vector<256x1xi32> to vector<256x16xi32>
    %eq3A_968 = arith.cmpi eq, %broadcast_in_dim3A_967, %iota3A_315 : vector<256x16xi32>
    %convert_element_type3A_969 = arith.extui %eq3A_968 : vector<256x16xi1> to vector<256x16xi32>
    %convert_element_type3A_970 = arith.sitofp %convert_element_type3A_969 : vector<256x16xi32> to vector<256x16xf32>
    %convert_element_type3A_971 = arith.extui %eq3A_968 : vector<256x16xi1> to vector<256x16xi32>
    %convert_element_type3A_972 = arith.sitofp %convert_element_type3A_971 : vector<256x16xi32> to vector<256x16xf32>
    %convert_element_type3A_973 = arith.truncf %convert_element_type3A_972 : vector<256x16xf32> to vector<256x16xbf16>
    %dot_general3A_974 = arith.constant dense<0.000000e+00> : vector<256x16xf32>
    %dot_general3A_975 = tpu.matmul %convert_element_type3A_314, %convert_element_type3A_973, %dot_general3A_974 {dimension_numbers = #tpu.dot_dimension_numbers<[1], [0], [0], [1], [0, 0, 1, 1], [], []>, transpose_lhs_hint = false} : vector<256x256xbf16>, vector<256x16xbf16>, vector<256x16xf32> -> vector<256x16xf32>
    %mul3A_976 = arith.mulf %dot_general3A_975, %convert_element_type3A_970 : vector<256x16xf32>
    %reduce_sum3A_977 = arith.constant dense<0.000000e+00> : vector<256xf32>
    %reduce_sum3A_978 = vector.multi_reduction <add>, %mul3A_976, %reduce_sum3A_977 [1] : vector<256x16xf32> to vector<256xf32>
    %broadcast_in_dim3A_979 = vector.shape_cast %reduce_sum3A_978 : vector<256xf32> to vector<256x1xf32>
    %slice3A_980 = vector.extract_strided_slice %convert_element_type3A_310 {offsets = [18, 0], sizes = [1, 16], strides = [1, 1]} : vector<32x16xf32> to vector<1x16xf32>
    %mul3A_981 = vector.broadcast %slice3A_980 : vector<1x16xf32> to vector<256x16xf32>
    %mul3A_982 = arith.mulf %convert_element_type3A_970, %mul3A_981 : vector<256x16xf32>
    %reduce_sum3A_983 = arith.constant dense<0.000000e+00> : vector<256xf32>
    %reduce_sum3A_984 = vector.multi_reduction <add>, %mul3A_982, %reduce_sum3A_983 [1] : vector<256x16xf32> to vector<256xf32>
    %broadcast_in_dim3A_985 = vector.shape_cast %reduce_sum3A_984 : vector<256xf32> to vector<256x1xf32>
    %add3A_986 = arith.addf %broadcast_in_dim3A_979, %broadcast_in_dim3A_985 : vector<256x1xf32>
    %add3A_987 = arith.constant 5.000000e-01 : f32
    %add3A_988 = vector.broadcast %add3A_987 : f32 to vector<256x1xf32>
    %add3A_989 = arith.addf %add3A_986, %add3A_988 : vector<256x1xf32>
    %convert_element_type3A_990 = arith.fptosi %add3A_989 : vector<256x1xf32> to vector<256x1xi32>
    %swap3A_991 = arith.constant 18 : index
    %swap3A_992 = arith.constant 0 : index
    %swap3A_993 = arith.constant 0 : index
    %swap3A_994 = vector.load %arg2[%swap3A_991, %swap3A_992, %swap3A_993] : memref<32x256x1xi32, #tpu.memory_space<vmem>>, vector<1x256x1xi32>
    %swap3A_995 = vector.shape_cast %swap3A_994 : vector<1x256x1xi32> to vector<256x1xi32>
    %swap3A_996 = vector.shape_cast %convert_element_type3A_990 : vector<256x1xi32> to vector<1x256x1xi32>
    tpu.vector_store %arg2[%swap3A_991, %swap3A_992, %swap3A_993], %swap3A_996 {strides = array<i32>} : memref<32x256x1xi32, #tpu.memory_space<vmem>>, vector<1x256x1xi32>,
    %get3A_997 = arith.constant 19 : index
    %get3A_998 = arith.constant 0 : index
    %get3A_999 = arith.constant 0 : index
    %get3A_1000 = vector.load %arg1[%get3A_997, %get3A_998, %get3A_999] : memref<32x256x1xi32, #tpu.memory_space<vmem>>, vector<1x256x1xi32>
    %get3A_1001 = vector.shape_cast %get3A_1000 : vector<1x256x1xi32> to vector<256x1xi32>
    %broadcast_in_dim3A_1002 = vector.shape_cast %get3A_1001 : vector<256x1xi32> to vector<256x1xi32>
    %broadcast_in_dim3A_1003 = vector.broadcast %broadcast_in_dim3A_1002 : vector<256x1xi32> to vector<256x16xi32>
    %eq3A_1004 = arith.cmpi eq, %broadcast_in_dim3A_1003, %iota3A_315 : vector<256x16xi32>
    %convert_element_type3A_1005 = arith.extui %eq3A_1004 : vector<256x16xi1> to vector<256x16xi32>
    %convert_element_type3A_1006 = arith.sitofp %convert_element_type3A_1005 : vector<256x16xi32> to vector<256x16xf32>
    %convert_element_type3A_1007 = arith.extui %eq3A_1004 : vector<256x16xi1> to vector<256x16xi32>
    %convert_element_type3A_1008 = arith.sitofp %convert_element_type3A_1007 : vector<256x16xi32> to vector<256x16xf32>
    %convert_element_type3A_1009 = arith.truncf %convert_element_type3A_1008 : vector<256x16xf32> to vector<256x16xbf16>
    %dot_general3A_1010 = arith.constant dense<0.000000e+00> : vector<256x16xf32>
    %dot_general3A_1011 = tpu.matmul %convert_element_type3A_314, %convert_element_type3A_1009, %dot_general3A_1010 {dimension_numbers = #tpu.dot_dimension_numbers<[1], [0], [0], [1], [0, 0, 1, 1], [], []>, transpose_lhs_hint = false} : vector<256x256xbf16>, vector<256x16xbf16>, vector<256x16xf32> -> vector<256x16xf32>
    %mul3A_1012 = arith.mulf %dot_general3A_1011, %convert_element_type3A_1006 : vector<256x16xf32>
    %reduce_sum3A_1013 = arith.constant dense<0.000000e+00> : vector<256xf32>
    %reduce_sum3A_1014 = vector.multi_reduction <add>, %mul3A_1012, %reduce_sum3A_1013 [1] : vector<256x16xf32> to vector<256xf32>
    %broadcast_in_dim3A_1015 = vector.shape_cast %reduce_sum3A_1014 : vector<256xf32> to vector<256x1xf32>
    %slice3A_1016 = vector.extract_strided_slice %convert_element_type3A_310 {offsets = [19, 0], sizes = [1, 16], strides = [1, 1]} : vector<32x16xf32> to vector<1x16xf32>
    %mul3A_1017 = vector.broadcast %slice3A_1016 : vector<1x16xf32> to vector<256x16xf32>
    %mul3A_1018 = arith.mulf %convert_element_type3A_1006, %mul3A_1017 : vector<256x16xf32>
    %reduce_sum3A_1019 = arith.constant dense<0.000000e+00> : vector<256xf32>
    %reduce_sum3A_1020 = vector.multi_reduction <add>, %mul3A_1018, %reduce_sum3A_1019 [1] : vector<256x16xf32> to vector<256xf32>
    %broadcast_in_dim3A_1021 = vector.shape_cast %reduce_sum3A_1020 : vector<256xf32> to vector<256x1xf32>
    %add3A_1022 = arith.addf %broadcast_in_dim3A_1015, %broadcast_in_dim3A_1021 : vector<256x1xf32>
    %add3A_1023 = arith.constant 5.000000e-01 : f32
    %add3A_1024 = vector.broadcast %add3A_1023 : f32 to vector<256x1xf32>
    %add3A_1025 = arith.addf %add3A_1022, %add3A_1024 : vector<256x1xf32>
    %convert_element_type3A_1026 = arith.fptosi %add3A_1025 : vector<256x1xf32> to vector<256x1xi32>
    %swap3A_1027 = arith.constant 19 : index
    %swap3A_1028 = arith.constant 0 : index
    %swap3A_1029 = arith.constant 0 : index
    %swap3A_1030 = vector.load %arg2[%swap3A_1027, %swap3A_1028, %swap3A_1029] : memref<32x256x1xi32, #tpu.memory_space<vmem>>, vector<1x256x1xi32>
    %swap3A_1031 = vector.shape_cast %swap3A_1030 : vector<1x256x1xi32> to vector<256x1xi32>
    %swap3A_1032 = vector.shape_cast %convert_element_type3A_1026 : vector<256x1xi32> to vector<1x256x1xi32>
    tpu.vector_store %arg2[%swap3A_1027, %swap3A_1028, %swap3A_1029], %swap3A_1032 {strides = array<i32>} : memref<32x256x1xi32, #tpu.memory_space<vmem>>, vector<1x256x1xi32>,
    %get3A_1033 = arith.constant 20 : index
    %get3A_1034 = arith.constant 0 : index
    %get3A_1035 = arith.constant 0 : index
    %get3A_1036 = vector.load %arg1[%get3A_1033, %get3A_1034, %get3A_1035] : memref<32x256x1xi32, #tpu.memory_space<vmem>>, vector<1x256x1xi32>
    %get3A_1037 = vector.shape_cast %get3A_1036 : vector<1x256x1xi32> to vector<256x1xi32>
    %broadcast_in_dim3A_1038 = vector.shape_cast %get3A_1037 : vector<256x1xi32> to vector<256x1xi32>
    %broadcast_in_dim3A_1039 = vector.broadcast %broadcast_in_dim3A_1038 : vector<256x1xi32> to vector<256x16xi32>
    %eq3A_1040 = arith.cmpi eq, %broadcast_in_dim3A_1039, %iota3A_315 : vector<256x16xi32>
    %convert_element_type3A_1041 = arith.extui %eq3A_1040 : vector<256x16xi1> to vector<256x16xi32>
    %convert_element_type3A_1042 = arith.sitofp %convert_element_type3A_1041 : vector<256x16xi32> to vector<256x16xf32>
    %convert_element_type3A_1043 = arith.extui %eq3A_1040 : vector<256x16xi1> to vector<256x16xi32>
    %convert_element_type3A_1044 = arith.sitofp %convert_element_type3A_1043 : vector<256x16xi32> to vector<256x16xf32>
    %convert_element_type3A_1045 = arith.truncf %convert_element_type3A_1044 : vector<256x16xf32> to vector<256x16xbf16>
    %dot_general3A_1046 = arith.constant dense<0.000000e+00> : vector<256x16xf32>
    %dot_general3A_1047 = tpu.matmul %convert_element_type3A_314, %convert_element_type3A_1045, %dot_general3A_1046 {dimension_numbers = #tpu.dot_dimension_numbers<[1], [0], [0], [1], [0, 0, 1, 1], [], []>, transpose_lhs_hint = false} : vector<256x256xbf16>, vector<256x16xbf16>, vector<256x16xf32> -> vector<256x16xf32>
    %mul3A_1048 = arith.mulf %dot_general3A_1047, %convert_element_type3A_1042 : vector<256x16xf32>
    %reduce_sum3A_1049 = arith.constant dense<0.000000e+00> : vector<256xf32>
    %reduce_sum3A_1050 = vector.multi_reduction <add>, %mul3A_1048, %reduce_sum3A_1049 [1] : vector<256x16xf32> to vector<256xf32>
    %broadcast_in_dim3A_1051 = vector.shape_cast %reduce_sum3A_1050 : vector<256xf32> to vector<256x1xf32>
    %slice3A_1052 = vector.extract_strided_slice %convert_element_type3A_310 {offsets = [20, 0], sizes = [1, 16], strides = [1, 1]} : vector<32x16xf32> to vector<1x16xf32>
    %mul3A_1053 = vector.broadcast %slice3A_1052 : vector<1x16xf32> to vector<256x16xf32>
    %mul3A_1054 = arith.mulf %convert_element_type3A_1042, %mul3A_1053 : vector<256x16xf32>
    %reduce_sum3A_1055 = arith.constant dense<0.000000e+00> : vector<256xf32>
    %reduce_sum3A_1056 = vector.multi_reduction <add>, %mul3A_1054, %reduce_sum3A_1055 [1] : vector<256x16xf32> to vector<256xf32>
    %broadcast_in_dim3A_1057 = vector.shape_cast %reduce_sum3A_1056 : vector<256xf32> to vector<256x1xf32>
    %add3A_1058 = arith.addf %broadcast_in_dim3A_1051, %broadcast_in_dim3A_1057 : vector<256x1xf32>
    %add3A_1059 = arith.constant 5.000000e-01 : f32
    %add3A_1060 = vector.broadcast %add3A_1059 : f32 to vector<256x1xf32>
    %add3A_1061 = arith.addf %add3A_1058, %add3A_1060 : vector<256x1xf32>
    %convert_element_type3A_1062 = arith.fptosi %add3A_1061 : vector<256x1xf32> to vector<256x1xi32>
    %swap3A_1063 = arith.constant 20 : index
    %swap3A_1064 = arith.constant 0 : index
    %swap3A_1065 = arith.constant 0 : index
    %swap3A_1066 = vector.load %arg2[%swap3A_1063, %swap3A_1064, %swap3A_1065] : memref<32x256x1xi32, #tpu.memory_space<vmem>>, vector<1x256x1xi32>
    %swap3A_1067 = vector.shape_cast %swap3A_1066 : vector<1x256x1xi32> to vector<256x1xi32>
    %swap3A_1068 = vector.shape_cast %convert_element_type3A_1062 : vector<256x1xi32> to vector<1x256x1xi32>
    tpu.vector_store %arg2[%swap3A_1063, %swap3A_1064, %swap3A_1065], %swap3A_1068 {strides = array<i32>} : memref<32x256x1xi32, #tpu.memory_space<vmem>>, vector<1x256x1xi32>,
    %get3A_1069 = arith.constant 21 : index
    %get3A_1070 = arith.constant 0 : index
    %get3A_1071 = arith.constant 0 : index
    %get3A_1072 = vector.load %arg1[%get3A_1069, %get3A_1070, %get3A_1071] : memref<32x256x1xi32, #tpu.memory_space<vmem>>, vector<1x256x1xi32>
    %get3A_1073 = vector.shape_cast %get3A_1072 : vector<1x256x1xi32> to vector<256x1xi32>
    %broadcast_in_dim3A_1074 = vector.shape_cast %get3A_1073 : vector<256x1xi32> to vector<256x1xi32>
    %broadcast_in_dim3A_1075 = vector.broadcast %broadcast_in_dim3A_1074 : vector<256x1xi32> to vector<256x16xi32>
    %eq3A_1076 = arith.cmpi eq, %broadcast_in_dim3A_1075, %iota3A_315 : vector<256x16xi32>
    %convert_element_type3A_1077 = arith.extui %eq3A_1076 : vector<256x16xi1> to vector<256x16xi32>
    %convert_element_type3A_1078 = arith.sitofp %convert_element_type3A_1077 : vector<256x16xi32> to vector<256x16xf32>
    %convert_element_type3A_1079 = arith.extui %eq3A_1076 : vector<256x16xi1> to vector<256x16xi32>
    %convert_element_type3A_1080 = arith.sitofp %convert_element_type3A_1079 : vector<256x16xi32> to vector<256x16xf32>
    %convert_element_type3A_1081 = arith.truncf %convert_element_type3A_1080 : vector<256x16xf32> to vector<256x16xbf16>
    %dot_general3A_1082 = arith.constant dense<0.000000e+00> : vector<256x16xf32>
    %dot_general3A_1083 = tpu.matmul %convert_element_type3A_314, %convert_element_type3A_1081, %dot_general3A_1082 {dimension_numbers = #tpu.dot_dimension_numbers<[1], [0], [0], [1], [0, 0, 1, 1], [], []>, transpose_lhs_hint = false} : vector<256x256xbf16>, vector<256x16xbf16>, vector<256x16xf32> -> vector<256x16xf32>
    %mul3A_1084 = arith.mulf %dot_general3A_1083, %convert_element_type3A_1078 : vector<256x16xf32>
    %reduce_sum3A_1085 = arith.constant dense<0.000000e+00> : vector<256xf32>
    %reduce_sum3A_1086 = vector.multi_reduction <add>, %mul3A_1084, %reduce_sum3A_1085 [1] : vector<256x16xf32> to vector<256xf32>
    %broadcast_in_dim3A_1087 = vector.shape_cast %reduce_sum3A_1086 : vector<256xf32> to vector<256x1xf32>
    %slice3A_1088 = vector.extract_strided_slice %convert_element_type3A_310 {offsets = [21, 0], sizes = [1, 16], strides = [1, 1]} : vector<32x16xf32> to vector<1x16xf32>
    %mul3A_1089 = vector.broadcast %slice3A_1088 : vector<1x16xf32> to vector<256x16xf32>
    %mul3A_1090 = arith.mulf %convert_element_type3A_1078, %mul3A_1089 : vector<256x16xf32>
    %reduce_sum3A_1091 = arith.constant dense<0.000000e+00> : vector<256xf32>
    %reduce_sum3A_1092 = vector.multi_reduction <add>, %mul3A_1090, %reduce_sum3A_1091 [1] : vector<256x16xf32> to vector<256xf32>
    %broadcast_in_dim3A_1093 = vector.shape_cast %reduce_sum3A_1092 : vector<256xf32> to vector<256x1xf32>
    %add3A_1094 = arith.addf %broadcast_in_dim3A_1087, %broadcast_in_dim3A_1093 : vector<256x1xf32>
    %add3A_1095 = arith.constant 5.000000e-01 : f32
    %add3A_1096 = vector.broadcast %add3A_1095 : f32 to vector<256x1xf32>
    %add3A_1097 = arith.addf %add3A_1094, %add3A_1096 : vector<256x1xf32>
    %convert_element_type3A_1098 = arith.fptosi %add3A_1097 : vector<256x1xf32> to vector<256x1xi32>
    %swap3A_1099 = arith.constant 21 : index
    %swap3A_1100 = arith.constant 0 : index
    %swap3A_1101 = arith.constant 0 : index
    %swap3A_1102 = vector.load %arg2[%swap3A_1099, %swap3A_1100, %swap3A_1101] : memref<32x256x1xi32, #tpu.memory_space<vmem>>, vector<1x256x1xi32>
    %swap3A_1103 = vector.shape_cast %swap3A_1102 : vector<1x256x1xi32> to vector<256x1xi32>
    %swap3A_1104 = vector.shape_cast %convert_element_type3A_1098 : vector<256x1xi32> to vector<1x256x1xi32>
    tpu.vector_store %arg2[%swap3A_1099, %swap3A_1100, %swap3A_1101], %swap3A_1104 {strides = array<i32>} : memref<32x256x1xi32, #tpu.memory_space<vmem>>, vector<1x256x1xi32>,
    %get3A_1105 = arith.constant 22 : index
    %get3A_1106 = arith.constant 0 : index
    %get3A_1107 = arith.constant 0 : index
    %get3A_1108 = vector.load %arg1[%get3A_1105, %get3A_1106, %get3A_1107] : memref<32x256x1xi32, #tpu.memory_space<vmem>>, vector<1x256x1xi32>
    %get3A_1109 = vector.shape_cast %get3A_1108 : vector<1x256x1xi32> to vector<256x1xi32>
    %broadcast_in_dim3A_1110 = vector.shape_cast %get3A_1109 : vector<256x1xi32> to vector<256x1xi32>
    %broadcast_in_dim3A_1111 = vector.broadcast %broadcast_in_dim3A_1110 : vector<256x1xi32> to vector<256x16xi32>
    %eq3A_1112 = arith.cmpi eq, %broadcast_in_dim3A_1111, %iota3A_315 : vector<256x16xi32>
    %convert_element_type3A_1113 = arith.extui %eq3A_1112 : vector<256x16xi1> to vector<256x16xi32>
    %convert_element_type3A_1114 = arith.sitofp %convert_element_type3A_1113 : vector<256x16xi32> to vector<256x16xf32>
    %convert_element_type3A_1115 = arith.extui %eq3A_1112 : vector<256x16xi1> to vector<256x16xi32>
    %convert_element_type3A_1116 = arith.sitofp %convert_element_type3A_1115 : vector<256x16xi32> to vector<256x16xf32>
    %convert_element_type3A_1117 = arith.truncf %convert_element_type3A_1116 : vector<256x16xf32> to vector<256x16xbf16>
    %dot_general3A_1118 = arith.constant dense<0.000000e+00> : vector<256x16xf32>
    %dot_general3A_1119 = tpu.matmul %convert_element_type3A_314, %convert_element_type3A_1117, %dot_general3A_1118 {dimension_numbers = #tpu.dot_dimension_numbers<[1], [0], [0], [1], [0, 0, 1, 1], [], []>, transpose_lhs_hint = false} : vector<256x256xbf16>, vector<256x16xbf16>, vector<256x16xf32> -> vector<256x16xf32>
    %mul3A_1120 = arith.mulf %dot_general3A_1119, %convert_element_type3A_1114 : vector<256x16xf32>
    %reduce_sum3A_1121 = arith.constant dense<0.000000e+00> : vector<256xf32>
    %reduce_sum3A_1122 = vector.multi_reduction <add>, %mul3A_1120, %reduce_sum3A_1121 [1] : vector<256x16xf32> to vector<256xf32>
    %broadcast_in_dim3A_1123 = vector.shape_cast %reduce_sum3A_1122 : vector<256xf32> to vector<256x1xf32>
    %slice3A_1124 = vector.extract_strided_slice %convert_element_type3A_310 {offsets = [22, 0], sizes = [1, 16], strides = [1, 1]} : vector<32x16xf32> to vector<1x16xf32>
    %mul3A_1125 = vector.broadcast %slice3A_1124 : vector<1x16xf32> to vector<256x16xf32>
    %mul3A_1126 = arith.mulf %convert_element_type3A_1114, %mul3A_1125 : vector<256x16xf32>
    %reduce_sum3A_1127 = arith.constant dense<0.000000e+00> : vector<256xf32>
    %reduce_sum3A_1128 = vector.multi_reduction <add>, %mul3A_1126, %reduce_sum3A_1127 [1] : vector<256x16xf32> to vector<256xf32>
    %broadcast_in_dim3A_1129 = vector.shape_cast %reduce_sum3A_1128 : vector<256xf32> to vector<256x1xf32>
    %add3A_1130 = arith.addf %broadcast_in_dim3A_1123, %broadcast_in_dim3A_1129 : vector<256x1xf32>
    %add3A_1131 = arith.constant 5.000000e-01 : f32
    %add3A_1132 = vector.broadcast %add3A_1131 : f32 to vector<256x1xf32>
    %add3A_1133 = arith.addf %add3A_1130, %add3A_1132 : vector<256x1xf32>
    %convert_element_type3A_1134 = arith.fptosi %add3A_1133 : vector<256x1xf32> to vector<256x1xi32>
    %swap3A_1135 = arith.constant 22 : index
    %swap3A_1136 = arith.constant 0 : index
    %swap3A_1137 = arith.constant 0 : index
    %swap3A_1138 = vector.load %arg2[%swap3A_1135, %swap3A_1136, %swap3A_1137] : memref<32x256x1xi32, #tpu.memory_space<vmem>>, vector<1x256x1xi32>
    %swap3A_1139 = vector.shape_cast %swap3A_1138 : vector<1x256x1xi32> to vector<256x1xi32>
    %swap3A_1140 = vector.shape_cast %convert_element_type3A_1134 : vector<256x1xi32> to vector<1x256x1xi32>
    tpu.vector_store %arg2[%swap3A_1135, %swap3A_1136, %swap3A_1137], %swap3A_1140 {strides = array<i32>} : memref<32x256x1xi32, #tpu.memory_space<vmem>>, vector<1x256x1xi32>,
    %get3A_1141 = arith.constant 23 : index
    %get3A_1142 = arith.constant 0 : index
    %get3A_1143 = arith.constant 0 : index
    %get3A_1144 = vector.load %arg1[%get3A_1141, %get3A_1142, %get3A_1143] : memref<32x256x1xi32, #tpu.memory_space<vmem>>, vector<1x256x1xi32>
    %get3A_1145 = vector.shape_cast %get3A_1144 : vector<1x256x1xi32> to vector<256x1xi32>
    %broadcast_in_dim3A_1146 = vector.shape_cast %get3A_1145 : vector<256x1xi32> to vector<256x1xi32>
    %broadcast_in_dim3A_1147 = vector.broadcast %broadcast_in_dim3A_1146 : vector<256x1xi32> to vector<256x16xi32>
    %eq3A_1148 = arith.cmpi eq, %broadcast_in_dim3A_1147, %iota3A_315 : vector<256x16xi32>
    %convert_element_type3A_1149 = arith.extui %eq3A_1148 : vector<256x16xi1> to vector<256x16xi32>
    %convert_element_type3A_1150 = arith.sitofp %convert_element_type3A_1149 : vector<256x16xi32> to vector<256x16xf32>
    %convert_element_type3A_1151 = arith.extui %eq3A_1148 : vector<256x16xi1> to vector<256x16xi32>
    %convert_element_type3A_1152 = arith.sitofp %convert_element_type3A_1151 : vector<256x16xi32> to vector<256x16xf32>
    %convert_element_type3A_1153 = arith.truncf %convert_element_type3A_1152 : vector<256x16xf32> to vector<256x16xbf16>
    %dot_general3A_1154 = arith.constant dense<0.000000e+00> : vector<256x16xf32>
    %dot_general3A_1155 = tpu.matmul %convert_element_type3A_314, %convert_element_type3A_1153, %dot_general3A_1154 {dimension_numbers = #tpu.dot_dimension_numbers<[1], [0], [0], [1], [0, 0, 1, 1], [], []>, transpose_lhs_hint = false} : vector<256x256xbf16>, vector<256x16xbf16>, vector<256x16xf32> -> vector<256x16xf32>
    %mul3A_1156 = arith.mulf %dot_general3A_1155, %convert_element_type3A_1150 : vector<256x16xf32>
    %reduce_sum3A_1157 = arith.constant dense<0.000000e+00> : vector<256xf32>
    %reduce_sum3A_1158 = vector.multi_reduction <add>, %mul3A_1156, %reduce_sum3A_1157 [1] : vector<256x16xf32> to vector<256xf32>
    %broadcast_in_dim3A_1159 = vector.shape_cast %reduce_sum3A_1158 : vector<256xf32> to vector<256x1xf32>
    %slice3A_1160 = vector.extract_strided_slice %convert_element_type3A_310 {offsets = [23, 0], sizes = [1, 16], strides = [1, 1]} : vector<32x16xf32> to vector<1x16xf32>
    %mul3A_1161 = vector.broadcast %slice3A_1160 : vector<1x16xf32> to vector<256x16xf32>
    %mul3A_1162 = arith.mulf %convert_element_type3A_1150, %mul3A_1161 : vector<256x16xf32>
    %reduce_sum3A_1163 = arith.constant dense<0.000000e+00> : vector<256xf32>
    %reduce_sum3A_1164 = vector.multi_reduction <add>, %mul3A_1162, %reduce_sum3A_1163 [1] : vector<256x16xf32> to vector<256xf32>
    %broadcast_in_dim3A_1165 = vector.shape_cast %reduce_sum3A_1164 : vector<256xf32> to vector<256x1xf32>
    %add3A_1166 = arith.addf %broadcast_in_dim3A_1159, %broadcast_in_dim3A_1165 : vector<256x1xf32>
    %add3A_1167 = arith.constant 5.000000e-01 : f32
    %add3A_1168 = vector.broadcast %add3A_1167 : f32 to vector<256x1xf32>
    %add3A_1169 = arith.addf %add3A_1166, %add3A_1168 : vector<256x1xf32>
    %convert_element_type3A_1170 = arith.fptosi %add3A_1169 : vector<256x1xf32> to vector<256x1xi32>
    %swap3A_1171 = arith.constant 23 : index
    %swap3A_1172 = arith.constant 0 : index
    %swap3A_1173 = arith.constant 0 : index
    %swap3A_1174 = vector.load %arg2[%swap3A_1171, %swap3A_1172, %swap3A_1173] : memref<32x256x1xi32, #tpu.memory_space<vmem>>, vector<1x256x1xi32>
    %swap3A_1175 = vector.shape_cast %swap3A_1174 : vector<1x256x1xi32> to vector<256x1xi32>
    %swap3A_1176 = vector.shape_cast %convert_element_type3A_1170 : vector<256x1xi32> to vector<1x256x1xi32>
    tpu.vector_store %arg2[%swap3A_1171, %swap3A_1172, %swap3A_1173], %swap3A_1176 {strides = array<i32>} : memref<32x256x1xi32, #tpu.memory_space<vmem>>, vector<1x256x1xi32>,
    %get3A_1177 = arith.constant 24 : index
    %get3A_1178 = arith.constant 0 : index
    %get3A_1179 = arith.constant 0 : index
    %get3A_1180 = vector.load %arg1[%get3A_1177, %get3A_1178, %get3A_1179] : memref<32x256x1xi32, #tpu.memory_space<vmem>>, vector<1x256x1xi32>
    %get3A_1181 = vector.shape_cast %get3A_1180 : vector<1x256x1xi32> to vector<256x1xi32>
    %broadcast_in_dim3A_1182 = vector.shape_cast %get3A_1181 : vector<256x1xi32> to vector<256x1xi32>
    %broadcast_in_dim3A_1183 = vector.broadcast %broadcast_in_dim3A_1182 : vector<256x1xi32> to vector<256x16xi32>
    %eq3A_1184 = arith.cmpi eq, %broadcast_in_dim3A_1183, %iota3A_315 : vector<256x16xi32>
    %convert_element_type3A_1185 = arith.extui %eq3A_1184 : vector<256x16xi1> to vector<256x16xi32>
    %convert_element_type3A_1186 = arith.sitofp %convert_element_type3A_1185 : vector<256x16xi32> to vector<256x16xf32>
    %convert_element_type3A_1187 = arith.extui %eq3A_1184 : vector<256x16xi1> to vector<256x16xi32>
    %convert_element_type3A_1188 = arith.sitofp %convert_element_type3A_1187 : vector<256x16xi32> to vector<256x16xf32>
    %convert_element_type3A_1189 = arith.truncf %convert_element_type3A_1188 : vector<256x16xf32> to vector<256x16xbf16>
    %dot_general3A_1190 = arith.constant dense<0.000000e+00> : vector<256x16xf32>
    %dot_general3A_1191 = tpu.matmul %convert_element_type3A_314, %convert_element_type3A_1189, %dot_general3A_1190 {dimension_numbers = #tpu.dot_dimension_numbers<[1], [0], [0], [1], [0, 0, 1, 1], [], []>, transpose_lhs_hint = false} : vector<256x256xbf16>, vector<256x16xbf16>, vector<256x16xf32> -> vector<256x16xf32>
    %mul3A_1192 = arith.mulf %dot_general3A_1191, %convert_element_type3A_1186 : vector<256x16xf32>
    %reduce_sum3A_1193 = arith.constant dense<0.000000e+00> : vector<256xf32>
    %reduce_sum3A_1194 = vector.multi_reduction <add>, %mul3A_1192, %reduce_sum3A_1193 [1] : vector<256x16xf32> to vector<256xf32>
    %broadcast_in_dim3A_1195 = vector.shape_cast %reduce_sum3A_1194 : vector<256xf32> to vector<256x1xf32>
    %slice3A_1196 = vector.extract_strided_slice %convert_element_type3A_310 {offsets = [24, 0], sizes = [1, 16], strides = [1, 1]} : vector<32x16xf32> to vector<1x16xf32>
    %mul3A_1197 = vector.broadcast %slice3A_1196 : vector<1x16xf32> to vector<256x16xf32>
    %mul3A_1198 = arith.mulf %convert_element_type3A_1186, %mul3A_1197 : vector<256x16xf32>
    %reduce_sum3A_1199 = arith.constant dense<0.000000e+00> : vector<256xf32>
    %reduce_sum3A_1200 = vector.multi_reduction <add>, %mul3A_1198, %reduce_sum3A_1199 [1] : vector<256x16xf32> to vector<256xf32>
    %broadcast_in_dim3A_1201 = vector.shape_cast %reduce_sum3A_1200 : vector<256xf32> to vector<256x1xf32>
    %add3A_1202 = arith.addf %broadcast_in_dim3A_1195, %broadcast_in_dim3A_1201 : vector<256x1xf32>
    %add3A_1203 = arith.constant 5.000000e-01 : f32
    %add3A_1204 = vector.broadcast %add3A_1203 : f32 to vector<256x1xf32>
    %add3A_1205 = arith.addf %add3A_1202, %add3A_1204 : vector<256x1xf32>
    %convert_element_type3A_1206 = arith.fptosi %add3A_1205 : vector<256x1xf32> to vector<256x1xi32>
    %swap3A_1207 = arith.constant 24 : index
    %swap3A_1208 = arith.constant 0 : index
    %swap3A_1209 = arith.constant 0 : index
    %swap3A_1210 = vector.load %arg2[%swap3A_1207, %swap3A_1208, %swap3A_1209] : memref<32x256x1xi32, #tpu.memory_space<vmem>>, vector<1x256x1xi32>
    %swap3A_1211 = vector.shape_cast %swap3A_1210 : vector<1x256x1xi32> to vector<256x1xi32>
    %swap3A_1212 = vector.shape_cast %convert_element_type3A_1206 : vector<256x1xi32> to vector<1x256x1xi32>
    tpu.vector_store %arg2[%swap3A_1207, %swap3A_1208, %swap3A_1209], %swap3A_1212 {strides = array<i32>} : memref<32x256x1xi32, #tpu.memory_space<vmem>>, vector<1x256x1xi32>,
    %get3A_1213 = arith.constant 25 : index
    %get3A_1214 = arith.constant 0 : index
    %get3A_1215 = arith.constant 0 : index
    %get3A_1216 = vector.load %arg1[%get3A_1213, %get3A_1214, %get3A_1215] : memref<32x256x1xi32, #tpu.memory_space<vmem>>, vector<1x256x1xi32>
    %get3A_1217 = vector.shape_cast %get3A_1216 : vector<1x256x1xi32> to vector<256x1xi32>
    %broadcast_in_dim3A_1218 = vector.shape_cast %get3A_1217 : vector<256x1xi32> to vector<256x1xi32>
    %broadcast_in_dim3A_1219 = vector.broadcast %broadcast_in_dim3A_1218 : vector<256x1xi32> to vector<256x16xi32>
    %eq3A_1220 = arith.cmpi eq, %broadcast_in_dim3A_1219, %iota3A_315 : vector<256x16xi32>
    %convert_element_type3A_1221 = arith.extui %eq3A_1220 : vector<256x16xi1> to vector<256x16xi32>
    %convert_element_type3A_1222 = arith.sitofp %convert_element_type3A_1221 : vector<256x16xi32> to vector<256x16xf32>
    %convert_element_type3A_1223 = arith.extui %eq3A_1220 : vector<256x16xi1> to vector<256x16xi32>
    %convert_element_type3A_1224 = arith.sitofp %convert_element_type3A_1223 : vector<256x16xi32> to vector<256x16xf32>
    %convert_element_type3A_1225 = arith.truncf %convert_element_type3A_1224 : vector<256x16xf32> to vector<256x16xbf16>
    %dot_general3A_1226 = arith.constant dense<0.000000e+00> : vector<256x16xf32>
    %dot_general3A_1227 = tpu.matmul %convert_element_type3A_314, %convert_element_type3A_1225, %dot_general3A_1226 {dimension_numbers = #tpu.dot_dimension_numbers<[1], [0], [0], [1], [0, 0, 1, 1], [], []>, transpose_lhs_hint = false} : vector<256x256xbf16>, vector<256x16xbf16>, vector<256x16xf32> -> vector<256x16xf32>
    %mul3A_1228 = arith.mulf %dot_general3A_1227, %convert_element_type3A_1222 : vector<256x16xf32>
    %reduce_sum3A_1229 = arith.constant dense<0.000000e+00> : vector<256xf32>
    %reduce_sum3A_1230 = vector.multi_reduction <add>, %mul3A_1228, %reduce_sum3A_1229 [1] : vector<256x16xf32> to vector<256xf32>
    %broadcast_in_dim3A_1231 = vector.shape_cast %reduce_sum3A_1230 : vector<256xf32> to vector<256x1xf32>
    %slice3A_1232 = vector.extract_strided_slice %convert_element_type3A_310 {offsets = [25, 0], sizes = [1, 16], strides = [1, 1]} : vector<32x16xf32> to vector<1x16xf32>
    %mul3A_1233 = vector.broadcast %slice3A_1232 : vector<1x16xf32> to vector<256x16xf32>
    %mul3A_1234 = arith.mulf %convert_element_type3A_1222, %mul3A_1233 : vector<256x16xf32>
    %reduce_sum3A_1235 = arith.constant dense<0.000000e+00> : vector<256xf32>
    %reduce_sum3A_1236 = vector.multi_reduction <add>, %mul3A_1234, %reduce_sum3A_1235 [1] : vector<256x16xf32> to vector<256xf32>
    %broadcast_in_dim3A_1237 = vector.shape_cast %reduce_sum3A_1236 : vector<256xf32> to vector<256x1xf32>
    %add3A_1238 = arith.addf %broadcast_in_dim3A_1231, %broadcast_in_dim3A_1237 : vector<256x1xf32>
    %add3A_1239 = arith.constant 5.000000e-01 : f32
    %add3A_1240 = vector.broadcast %add3A_1239 : f32 to vector<256x1xf32>
    %add3A_1241 = arith.addf %add3A_1238, %add3A_1240 : vector<256x1xf32>
    %convert_element_type3A_1242 = arith.fptosi %add3A_1241 : vector<256x1xf32> to vector<256x1xi32>
    %swap3A_1243 = arith.constant 25 : index
    %swap3A_1244 = arith.constant 0 : index
    %swap3A_1245 = arith.constant 0 : index
    %swap3A_1246 = vector.load %arg2[%swap3A_1243, %swap3A_1244, %swap3A_1245] : memref<32x256x1xi32, #tpu.memory_space<vmem>>, vector<1x256x1xi32>
    %swap3A_1247 = vector.shape_cast %swap3A_1246 : vector<1x256x1xi32> to vector<256x1xi32>
    %swap3A_1248 = vector.shape_cast %convert_element_type3A_1242 : vector<256x1xi32> to vector<1x256x1xi32>
    tpu.vector_store %arg2[%swap3A_1243, %swap3A_1244, %swap3A_1245], %swap3A_1248 {strides = array<i32>} : memref<32x256x1xi32, #tpu.memory_space<vmem>>, vector<1x256x1xi32>,
    %get3A_1249 = arith.constant 26 : index
    %get3A_1250 = arith.constant 0 : index
    %get3A_1251 = arith.constant 0 : index
    %get3A_1252 = vector.load %arg1[%get3A_1249, %get3A_1250, %get3A_1251] : memref<32x256x1xi32, #tpu.memory_space<vmem>>, vector<1x256x1xi32>
    %get3A_1253 = vector.shape_cast %get3A_1252 : vector<1x256x1xi32> to vector<256x1xi32>
    %broadcast_in_dim3A_1254 = vector.shape_cast %get3A_1253 : vector<256x1xi32> to vector<256x1xi32>
    %broadcast_in_dim3A_1255 = vector.broadcast %broadcast_in_dim3A_1254 : vector<256x1xi32> to vector<256x16xi32>
    %eq3A_1256 = arith.cmpi eq, %broadcast_in_dim3A_1255, %iota3A_315 : vector<256x16xi32>
    %convert_element_type3A_1257 = arith.extui %eq3A_1256 : vector<256x16xi1> to vector<256x16xi32>
    %convert_element_type3A_1258 = arith.sitofp %convert_element_type3A_1257 : vector<256x16xi32> to vector<256x16xf32>
    %convert_element_type3A_1259 = arith.extui %eq3A_1256 : vector<256x16xi1> to vector<256x16xi32>
    %convert_element_type3A_1260 = arith.sitofp %convert_element_type3A_1259 : vector<256x16xi32> to vector<256x16xf32>
    %convert_element_type3A_1261 = arith.truncf %convert_element_type3A_1260 : vector<256x16xf32> to vector<256x16xbf16>
    %dot_general3A_1262 = arith.constant dense<0.000000e+00> : vector<256x16xf32>
    %dot_general3A_1263 = tpu.matmul %convert_element_type3A_314, %convert_element_type3A_1261, %dot_general3A_1262 {dimension_numbers = #tpu.dot_dimension_numbers<[1], [0], [0], [1], [0, 0, 1, 1], [], []>, transpose_lhs_hint = false} : vector<256x256xbf16>, vector<256x16xbf16>, vector<256x16xf32> -> vector<256x16xf32>
    %mul3A_1264 = arith.mulf %dot_general3A_1263, %convert_element_type3A_1258 : vector<256x16xf32>
    %reduce_sum3A_1265 = arith.constant dense<0.000000e+00> : vector<256xf32>
    %reduce_sum3A_1266 = vector.multi_reduction <add>, %mul3A_1264, %reduce_sum3A_1265 [1] : vector<256x16xf32> to vector<256xf32>
    %broadcast_in_dim3A_1267 = vector.shape_cast %reduce_sum3A_1266 : vector<256xf32> to vector<256x1xf32>
    %slice3A_1268 = vector.extract_strided_slice %convert_element_type3A_310 {offsets = [26, 0], sizes = [1, 16], strides = [1, 1]} : vector<32x16xf32> to vector<1x16xf32>
    %mul3A_1269 = vector.broadcast %slice3A_1268 : vector<1x16xf32> to vector<256x16xf32>
    %mul3A_1270 = arith.mulf %convert_element_type3A_1258, %mul3A_1269 : vector<256x16xf32>
    %reduce_sum3A_1271 = arith.constant dense<0.000000e+00> : vector<256xf32>
    %reduce_sum3A_1272 = vector.multi_reduction <add>, %mul3A_1270, %reduce_sum3A_1271 [1] : vector<256x16xf32> to vector<256xf32>
    %broadcast_in_dim3A_1273 = vector.shape_cast %reduce_sum3A_1272 : vector<256xf32> to vector<256x1xf32>
    %add3A_1274 = arith.addf %broadcast_in_dim3A_1267, %broadcast_in_dim3A_1273 : vector<256x1xf32>
    %add3A_1275 = arith.constant 5.000000e-01 : f32
    %add3A_1276 = vector.broadcast %add3A_1275 : f32 to vector<256x1xf32>
    %add3A_1277 = arith.addf %add3A_1274, %add3A_1276 : vector<256x1xf32>
    %convert_element_type3A_1278 = arith.fptosi %add3A_1277 : vector<256x1xf32> to vector<256x1xi32>
    %swap3A_1279 = arith.constant 26 : index
    %swap3A_1280 = arith.constant 0 : index
    %swap3A_1281 = arith.constant 0 : index
    %swap3A_1282 = vector.load %arg2[%swap3A_1279, %swap3A_1280, %swap3A_1281] : memref<32x256x1xi32, #tpu.memory_space<vmem>>, vector<1x256x1xi32>
    %swap3A_1283 = vector.shape_cast %swap3A_1282 : vector<1x256x1xi32> to vector<256x1xi32>
    %swap3A_1284 = vector.shape_cast %convert_element_type3A_1278 : vector<256x1xi32> to vector<1x256x1xi32>
    tpu.vector_store %arg2[%swap3A_1279, %swap3A_1280, %swap3A_1281], %swap3A_1284 {strides = array<i32>} : memref<32x256x1xi32, #tpu.memory_space<vmem>>, vector<1x256x1xi32>,
    %get3A_1285 = arith.constant 27 : index
    %get3A_1286 = arith.constant 0 : index
    %get3A_1287 = arith.constant 0 : index
    %get3A_1288 = vector.load %arg1[%get3A_1285, %get3A_1286, %get3A_1287] : memref<32x256x1xi32, #tpu.memory_space<vmem>>, vector<1x256x1xi32>
    %get3A_1289 = vector.shape_cast %get3A_1288 : vector<1x256x1xi32> to vector<256x1xi32>
    %broadcast_in_dim3A_1290 = vector.shape_cast %get3A_1289 : vector<256x1xi32> to vector<256x1xi32>
    %broadcast_in_dim3A_1291 = vector.broadcast %broadcast_in_dim3A_1290 : vector<256x1xi32> to vector<256x16xi32>
    %eq3A_1292 = arith.cmpi eq, %broadcast_in_dim3A_1291, %iota3A_315 : vector<256x16xi32>
    %convert_element_type3A_1293 = arith.extui %eq3A_1292 : vector<256x16xi1> to vector<256x16xi32>
    %convert_element_type3A_1294 = arith.sitofp %convert_element_type3A_1293 : vector<256x16xi32> to vector<256x16xf32>
    %convert_element_type3A_1295 = arith.extui %eq3A_1292 : vector<256x16xi1> to vector<256x16xi32>
    %convert_element_type3A_1296 = arith.sitofp %convert_element_type3A_1295 : vector<256x16xi32> to vector<256x16xf32>
    %convert_element_type3A_1297 = arith.truncf %convert_element_type3A_1296 : vector<256x16xf32> to vector<256x16xbf16>
    %dot_general3A_1298 = arith.constant dense<0.000000e+00> : vector<256x16xf32>
    %dot_general3A_1299 = tpu.matmul %convert_element_type3A_314, %convert_element_type3A_1297, %dot_general3A_1298 {dimension_numbers = #tpu.dot_dimension_numbers<[1], [0], [0], [1], [0, 0, 1, 1], [], []>, transpose_lhs_hint = false} : vector<256x256xbf16>, vector<256x16xbf16>, vector<256x16xf32> -> vector<256x16xf32>
    %mul3A_1300 = arith.mulf %dot_general3A_1299, %convert_element_type3A_1294 : vector<256x16xf32>
    %reduce_sum3A_1301 = arith.constant dense<0.000000e+00> : vector<256xf32>
    %reduce_sum3A_1302 = vector.multi_reduction <add>, %mul3A_1300, %reduce_sum3A_1301 [1] : vector<256x16xf32> to vector<256xf32>
    %broadcast_in_dim3A_1303 = vector.shape_cast %reduce_sum3A_1302 : vector<256xf32> to vector<256x1xf32>
    %slice3A_1304 = vector.extract_strided_slice %convert_element_type3A_310 {offsets = [27, 0], sizes = [1, 16], strides = [1, 1]} : vector<32x16xf32> to vector<1x16xf32>
    %mul3A_1305 = vector.broadcast %slice3A_1304 : vector<1x16xf32> to vector<256x16xf32>
    %mul3A_1306 = arith.mulf %convert_element_type3A_1294, %mul3A_1305 : vector<256x16xf32>
    %reduce_sum3A_1307 = arith.constant dense<0.000000e+00> : vector<256xf32>
    %reduce_sum3A_1308 = vector.multi_reduction <add>, %mul3A_1306, %reduce_sum3A_1307 [1] : vector<256x16xf32> to vector<256xf32>
    %broadcast_in_dim3A_1309 = vector.shape_cast %reduce_sum3A_1308 : vector<256xf32> to vector<256x1xf32>
    %add3A_1310 = arith.addf %broadcast_in_dim3A_1303, %broadcast_in_dim3A_1309 : vector<256x1xf32>
    %add3A_1311 = arith.constant 5.000000e-01 : f32
    %add3A_1312 = vector.broadcast %add3A_1311 : f32 to vector<256x1xf32>
    %add3A_1313 = arith.addf %add3A_1310, %add3A_1312 : vector<256x1xf32>
    %convert_element_type3A_1314 = arith.fptosi %add3A_1313 : vector<256x1xf32> to vector<256x1xi32>
    %swap3A_1315 = arith.constant 27 : index
    %swap3A_1316 = arith.constant 0 : index
    %swap3A_1317 = arith.constant 0 : index
    %swap3A_1318 = vector.load %arg2[%swap3A_1315, %swap3A_1316, %swap3A_1317] : memref<32x256x1xi32, #tpu.memory_space<vmem>>, vector<1x256x1xi32>
    %swap3A_1319 = vector.shape_cast %swap3A_1318 : vector<1x256x1xi32> to vector<256x1xi32>
    %swap3A_1320 = vector.shape_cast %convert_element_type3A_1314 : vector<256x1xi32> to vector<1x256x1xi32>
    tpu.vector_store %arg2[%swap3A_1315, %swap3A_1316, %swap3A_1317], %swap3A_1320 {strides = array<i32>} : memref<32x256x1xi32, #tpu.memory_space<vmem>>, vector<1x256x1xi32>,
    %get3A_1321 = arith.constant 28 : index
    %get3A_1322 = arith.constant 0 : index
    %get3A_1323 = arith.constant 0 : index
    %get3A_1324 = vector.load %arg1[%get3A_1321, %get3A_1322, %get3A_1323] : memref<32x256x1xi32, #tpu.memory_space<vmem>>, vector<1x256x1xi32>
    %get3A_1325 = vector.shape_cast %get3A_1324 : vector<1x256x1xi32> to vector<256x1xi32>
    %broadcast_in_dim3A_1326 = vector.shape_cast %get3A_1325 : vector<256x1xi32> to vector<256x1xi32>
    %broadcast_in_dim3A_1327 = vector.broadcast %broadcast_in_dim3A_1326 : vector<256x1xi32> to vector<256x16xi32>
    %eq3A_1328 = arith.cmpi eq, %broadcast_in_dim3A_1327, %iota3A_315 : vector<256x16xi32>
    %convert_element_type3A_1329 = arith.extui %eq3A_1328 : vector<256x16xi1> to vector<256x16xi32>
    %convert_element_type3A_1330 = arith.sitofp %convert_element_type3A_1329 : vector<256x16xi32> to vector<256x16xf32>
    %convert_element_type3A_1331 = arith.extui %eq3A_1328 : vector<256x16xi1> to vector<256x16xi32>
    %convert_element_type3A_1332 = arith.sitofp %convert_element_type3A_1331 : vector<256x16xi32> to vector<256x16xf32>
    %convert_element_type3A_1333 = arith.truncf %convert_element_type3A_1332 : vector<256x16xf32> to vector<256x16xbf16>
    %dot_general3A_1334 = arith.constant dense<0.000000e+00> : vector<256x16xf32>
    %dot_general3A_1335 = tpu.matmul %convert_element_type3A_314, %convert_element_type3A_1333, %dot_general3A_1334 {dimension_numbers = #tpu.dot_dimension_numbers<[1], [0], [0], [1], [0, 0, 1, 1], [], []>, transpose_lhs_hint = false} : vector<256x256xbf16>, vector<256x16xbf16>, vector<256x16xf32> -> vector<256x16xf32>
    %mul3A_1336 = arith.mulf %dot_general3A_1335, %convert_element_type3A_1330 : vector<256x16xf32>
    %reduce_sum3A_1337 = arith.constant dense<0.000000e+00> : vector<256xf32>
    %reduce_sum3A_1338 = vector.multi_reduction <add>, %mul3A_1336, %reduce_sum3A_1337 [1] : vector<256x16xf32> to vector<256xf32>
    %broadcast_in_dim3A_1339 = vector.shape_cast %reduce_sum3A_1338 : vector<256xf32> to vector<256x1xf32>
    %slice3A_1340 = vector.extract_strided_slice %convert_element_type3A_310 {offsets = [28, 0], sizes = [1, 16], strides = [1, 1]} : vector<32x16xf32> to vector<1x16xf32>
    %mul3A_1341 = vector.broadcast %slice3A_1340 : vector<1x16xf32> to vector<256x16xf32>
    %mul3A_1342 = arith.mulf %convert_element_type3A_1330, %mul3A_1341 : vector<256x16xf32>
    %reduce_sum3A_1343 = arith.constant dense<0.000000e+00> : vector<256xf32>
    %reduce_sum3A_1344 = vector.multi_reduction <add>, %mul3A_1342, %reduce_sum3A_1343 [1] : vector<256x16xf32> to vector<256xf32>
    %broadcast_in_dim3A_1345 = vector.shape_cast %reduce_sum3A_1344 : vector<256xf32> to vector<256x1xf32>
    %add3A_1346 = arith.addf %broadcast_in_dim3A_1339, %broadcast_in_dim3A_1345 : vector<256x1xf32>
    %add3A_1347 = arith.constant 5.000000e-01 : f32
    %add3A_1348 = vector.broadcast %add3A_1347 : f32 to vector<256x1xf32>
    %add3A_1349 = arith.addf %add3A_1346, %add3A_1348 : vector<256x1xf32>
    %convert_element_type3A_1350 = arith.fptosi %add3A_1349 : vector<256x1xf32> to vector<256x1xi32>
    %swap3A_1351 = arith.constant 28 : index
    %swap3A_1352 = arith.constant 0 : index
    %swap3A_1353 = arith.constant 0 : index
    %swap3A_1354 = vector.load %arg2[%swap3A_1351, %swap3A_1352, %swap3A_1353] : memref<32x256x1xi32, #tpu.memory_space<vmem>>, vector<1x256x1xi32>
    %swap3A_1355 = vector.shape_cast %swap3A_1354 : vector<1x256x1xi32> to vector<256x1xi32>
    %swap3A_1356 = vector.shape_cast %convert_element_type3A_1350 : vector<256x1xi32> to vector<1x256x1xi32>
    tpu.vector_store %arg2[%swap3A_1351, %swap3A_1352, %swap3A_1353], %swap3A_1356 {strides = array<i32>} : memref<32x256x1xi32, #tpu.memory_space<vmem>>, vector<1x256x1xi32>,
    %get3A_1357 = arith.constant 29 : index
    %get3A_1358 = arith.constant 0 : index
    %get3A_1359 = arith.constant 0 : index
    %get3A_1360 = vector.load %arg1[%get3A_1357, %get3A_1358, %get3A_1359] : memref<32x256x1xi32, #tpu.memory_space<vmem>>, vector<1x256x1xi32>
    %get3A_1361 = vector.shape_cast %get3A_1360 : vector<1x256x1xi32> to vector<256x1xi32>
    %broadcast_in_dim3A_1362 = vector.shape_cast %get3A_1361 : vector<256x1xi32> to vector<256x1xi32>
    %broadcast_in_dim3A_1363 = vector.broadcast %broadcast_in_dim3A_1362 : vector<256x1xi32> to vector<256x16xi32>
    %eq3A_1364 = arith.cmpi eq, %broadcast_in_dim3A_1363, %iota3A_315 : vector<256x16xi32>
    %convert_element_type3A_1365 = arith.extui %eq3A_1364 : vector<256x16xi1> to vector<256x16xi32>
    %convert_element_type3A_1366 = arith.sitofp %convert_element_type3A_1365 : vector<256x16xi32> to vector<256x16xf32>
    %convert_element_type3A_1367 = arith.extui %eq3A_1364 : vector<256x16xi1> to vector<256x16xi32>
    %convert_element_type3A_1368 = arith.sitofp %convert_element_type3A_1367 : vector<256x16xi32> to vector<256x16xf32>
    %convert_element_type3A_1369 = arith.truncf %convert_element_type3A_1368 : vector<256x16xf32> to vector<256x16xbf16>
    %dot_general3A_1370 = arith.constant dense<0.000000e+00> : vector<256x16xf32>
    %dot_general3A_1371 = tpu.matmul %convert_element_type3A_314, %convert_element_type3A_1369, %dot_general3A_1370 {dimension_numbers = #tpu.dot_dimension_numbers<[1], [0], [0], [1], [0, 0, 1, 1], [], []>, transpose_lhs_hint = false} : vector<256x256xbf16>, vector<256x16xbf16>, vector<256x16xf32> -> vector<256x16xf32>
    %mul3A_1372 = arith.mulf %dot_general3A_1371, %convert_element_type3A_1366 : vector<256x16xf32>
    %reduce_sum3A_1373 = arith.constant dense<0.000000e+00> : vector<256xf32>
    %reduce_sum3A_1374 = vector.multi_reduction <add>, %mul3A_1372, %reduce_sum3A_1373 [1] : vector<256x16xf32> to vector<256xf32>
    %broadcast_in_dim3A_1375 = vector.shape_cast %reduce_sum3A_1374 : vector<256xf32> to vector<256x1xf32>
    %slice3A_1376 = vector.extract_strided_slice %convert_element_type3A_310 {offsets = [29, 0], sizes = [1, 16], strides = [1, 1]} : vector<32x16xf32> to vector<1x16xf32>
    %mul3A_1377 = vector.broadcast %slice3A_1376 : vector<1x16xf32> to vector<256x16xf32>
    %mul3A_1378 = arith.mulf %convert_element_type3A_1366, %mul3A_1377 : vector<256x16xf32>
    %reduce_sum3A_1379 = arith.constant dense<0.000000e+00> : vector<256xf32>
    %reduce_sum3A_1380 = vector.multi_reduction <add>, %mul3A_1378, %reduce_sum3A_1379 [1] : vector<256x16xf32> to vector<256xf32>
    %broadcast_in_dim3A_1381 = vector.shape_cast %reduce_sum3A_1380 : vector<256xf32> to vector<256x1xf32>
    %add3A_1382 = arith.addf %broadcast_in_dim3A_1375, %broadcast_in_dim3A_1381 : vector<256x1xf32>
    %add3A_1383 = arith.constant 5.000000e-01 : f32
    %add3A_1384 = vector.broadcast %add3A_1383 : f32 to vector<256x1xf32>
    %add3A_1385 = arith.addf %add3A_1382, %add3A_1384 : vector<256x1xf32>
    %convert_element_type3A_1386 = arith.fptosi %add3A_1385 : vector<256x1xf32> to vector<256x1xi32>
    %swap3A_1387 = arith.constant 29 : index
    %swap3A_1388 = arith.constant 0 : index
    %swap3A_1389 = arith.constant 0 : index
    %swap3A_1390 = vector.load %arg2[%swap3A_1387, %swap3A_1388, %swap3A_1389] : memref<32x256x1xi32, #tpu.memory_space<vmem>>, vector<1x256x1xi32>
    %swap3A_1391 = vector.shape_cast %swap3A_1390 : vector<1x256x1xi32> to vector<256x1xi32>
    %swap3A_1392 = vector.shape_cast %convert_element_type3A_1386 : vector<256x1xi32> to vector<1x256x1xi32>
    tpu.vector_store %arg2[%swap3A_1387, %swap3A_1388, %swap3A_1389], %swap3A_1392 {strides = array<i32>} : memref<32x256x1xi32, #tpu.memory_space<vmem>>, vector<1x256x1xi32>,
    %get3A_1393 = arith.constant 30 : index
    %get3A_1394 = arith.constant 0 : index
    %get3A_1395 = arith.constant 0 : index
    %get3A_1396 = vector.load %arg1[%get3A_1393, %get3A_1394, %get3A_1395] : memref<32x256x1xi32, #tpu.memory_space<vmem>>, vector<1x256x1xi32>
    %get3A_1397 = vector.shape_cast %get3A_1396 : vector<1x256x1xi32> to vector<256x1xi32>
    %broadcast_in_dim3A_1398 = vector.shape_cast %get3A_1397 : vector<256x1xi32> to vector<256x1xi32>
    %broadcast_in_dim3A_1399 = vector.broadcast %broadcast_in_dim3A_1398 : vector<256x1xi32> to vector<256x16xi32>
    %eq3A_1400 = arith.cmpi eq, %broadcast_in_dim3A_1399, %iota3A_315 : vector<256x16xi32>
    %convert_element_type3A_1401 = arith.extui %eq3A_1400 : vector<256x16xi1> to vector<256x16xi32>
    %convert_element_type3A_1402 = arith.sitofp %convert_element_type3A_1401 : vector<256x16xi32> to vector<256x16xf32>
    %convert_element_type3A_1403 = arith.extui %eq3A_1400 : vector<256x16xi1> to vector<256x16xi32>
    %convert_element_type3A_1404 = arith.sitofp %convert_element_type3A_1403 : vector<256x16xi32> to vector<256x16xf32>
    %convert_element_type3A_1405 = arith.truncf %convert_element_type3A_1404 : vector<256x16xf32> to vector<256x16xbf16>
    %dot_general3A_1406 = arith.constant dense<0.000000e+00> : vector<256x16xf32>
    %dot_general3A_1407 = tpu.matmul %convert_element_type3A_314, %convert_element_type3A_1405, %dot_general3A_1406 {dimension_numbers = #tpu.dot_dimension_numbers<[1], [0], [0], [1], [0, 0, 1, 1], [], []>, transpose_lhs_hint = false} : vector<256x256xbf16>, vector<256x16xbf16>, vector<256x16xf32> -> vector<256x16xf32>
    %mul3A_1408 = arith.mulf %dot_general3A_1407, %convert_element_type3A_1402 : vector<256x16xf32>
    %reduce_sum3A_1409 = arith.constant dense<0.000000e+00> : vector<256xf32>
    %reduce_sum3A_1410 = vector.multi_reduction <add>, %mul3A_1408, %reduce_sum3A_1409 [1] : vector<256x16xf32> to vector<256xf32>
    %broadcast_in_dim3A_1411 = vector.shape_cast %reduce_sum3A_1410 : vector<256xf32> to vector<256x1xf32>
    %slice3A_1412 = vector.extract_strided_slice %convert_element_type3A_310 {offsets = [30, 0], sizes = [1, 16], strides = [1, 1]} : vector<32x16xf32> to vector<1x16xf32>
    %mul3A_1413 = vector.broadcast %slice3A_1412 : vector<1x16xf32> to vector<256x16xf32>
    %mul3A_1414 = arith.mulf %convert_element_type3A_1402, %mul3A_1413 : vector<256x16xf32>
    %reduce_sum3A_1415 = arith.constant dense<0.000000e+00> : vector<256xf32>
    %reduce_sum3A_1416 = vector.multi_reduction <add>, %mul3A_1414, %reduce_sum3A_1415 [1] : vector<256x16xf32> to vector<256xf32>
    %broadcast_in_dim3A_1417 = vector.shape_cast %reduce_sum3A_1416 : vector<256xf32> to vector<256x1xf32>
    %add3A_1418 = arith.addf %broadcast_in_dim3A_1411, %broadcast_in_dim3A_1417 : vector<256x1xf32>
    %add3A_1419 = arith.constant 5.000000e-01 : f32
    %add3A_1420 = vector.broadcast %add3A_1419 : f32 to vector<256x1xf32>
    %add3A_1421 = arith.addf %add3A_1418, %add3A_1420 : vector<256x1xf32>
    %convert_element_type3A_1422 = arith.fptosi %add3A_1421 : vector<256x1xf32> to vector<256x1xi32>
    %swap3A_1423 = arith.constant 30 : index
    %swap3A_1424 = arith.constant 0 : index
    %swap3A_1425 = arith.constant 0 : index
    %swap3A_1426 = vector.load %arg2[%swap3A_1423, %swap3A_1424, %swap3A_1425] : memref<32x256x1xi32, #tpu.memory_space<vmem>>, vector<1x256x1xi32>
    %swap3A_1427 = vector.shape_cast %swap3A_1426 : vector<1x256x1xi32> to vector<256x1xi32>
    %swap3A_1428 = vector.shape_cast %convert_element_type3A_1422 : vector<256x1xi32> to vector<1x256x1xi32>
    tpu.vector_store %arg2[%swap3A_1423, %swap3A_1424, %swap3A_1425], %swap3A_1428 {strides = array<i32>} : memref<32x256x1xi32, #tpu.memory_space<vmem>>, vector<1x256x1xi32>,
    %get3A_1429 = arith.constant 31 : index
    %get3A_1430 = arith.constant 0 : index
    %get3A_1431 = arith.constant 0 : index
    %get3A_1432 = vector.load %arg1[%get3A_1429, %get3A_1430, %get3A_1431] : memref<32x256x1xi32, #tpu.memory_space<vmem>>, vector<1x256x1xi32>
    %get3A_1433 = vector.shape_cast %get3A_1432 : vector<1x256x1xi32> to vector<256x1xi32>
    %broadcast_in_dim3A_1434 = vector.shape_cast %get3A_1433 : vector<256x1xi32> to vector<256x1xi32>
    %broadcast_in_dim3A_1435 = vector.broadcast %broadcast_in_dim3A_1434 : vector<256x1xi32> to vector<256x16xi32>
    %eq3A_1436 = arith.cmpi eq, %broadcast_in_dim3A_1435, %iota3A_315 : vector<256x16xi32>
    %convert_element_type3A_1437 = arith.extui %eq3A_1436 : vector<256x16xi1> to vector<256x16xi32>
    %convert_element_type3A_1438 = arith.sitofp %convert_element_type3A_1437 : vector<256x16xi32> to vector<256x16xf32>
    %convert_element_type3A_1439 = arith.extui %eq3A_1436 : vector<256x16xi1> to vector<256x16xi32>
    %convert_element_type3A_1440 = arith.sitofp %convert_element_type3A_1439 : vector<256x16xi32> to vector<256x16xf32>
    %convert_element_type3A_1441 = arith.truncf %convert_element_type3A_1440 : vector<256x16xf32> to vector<256x16xbf16>
    %dot_general3A_1442 = arith.constant dense<0.000000e+00> : vector<256x16xf32>
    %dot_general3A_1443 = tpu.matmul %convert_element_type3A_314, %convert_element_type3A_1441, %dot_general3A_1442 {dimension_numbers = #tpu.dot_dimension_numbers<[1], [0], [0], [1], [0, 0, 1, 1], [], []>, transpose_lhs_hint = false} : vector<256x256xbf16>, vector<256x16xbf16>, vector<256x16xf32> -> vector<256x16xf32>
    %mul3A_1444 = arith.mulf %dot_general3A_1443, %convert_element_type3A_1438 : vector<256x16xf32>
    %reduce_sum3A_1445 = arith.constant dense<0.000000e+00> : vector<256xf32>
    %reduce_sum3A_1446 = vector.multi_reduction <add>, %mul3A_1444, %reduce_sum3A_1445 [1] : vector<256x16xf32> to vector<256xf32>
    %broadcast_in_dim3A_1447 = vector.shape_cast %reduce_sum3A_1446 : vector<256xf32> to vector<256x1xf32>
    %slice3A_1448 = vector.extract_strided_slice %convert_element_type3A_310 {offsets = [31, 0], sizes = [1, 16], strides = [1, 1]} : vector<32x16xf32> to vector<1x16xf32>
    %mul3A_1449 = vector.broadcast %slice3A_1448 : vector<1x16xf32> to vector<256x16xf32>
    %mul3A_1450 = arith.mulf %convert_element_type3A_1438, %mul3A_1449 : vector<256x16xf32>
    %reduce_sum3A_1451 = arith.constant dense<0.000000e+00> : vector<256xf32>
    %reduce_sum3A_1452 = vector.multi_reduction <add>, %mul3A_1450, %reduce_sum3A_1451 [1] : vector<256x16xf32> to vector<256xf32>
    %broadcast_in_dim3A_1453 = vector.shape_cast %reduce_sum3A_1452 : vector<256xf32> to vector<256x1xf32>
    %add3A_1454 = arith.addf %broadcast_in_dim3A_1447, %broadcast_in_dim3A_1453 : vector<256x1xf32>
    %add3A_1455 = arith.constant 5.000000e-01 : f32
    %add3A_1456 = vector.broadcast %add3A_1455 : f32 to vector<256x1xf32>
    %add3A_1457 = arith.addf %add3A_1454, %add3A_1456 : vector<256x1xf32>
    %convert_element_type3A_1458 = arith.fptosi %add3A_1457 : vector<256x1xf32> to vector<256x1xi32>
    %swap3A_1459 = arith.constant 31 : index
    %swap3A_1460 = arith.constant 0 : index
    %swap3A_1461 = arith.constant 0 : index
    %swap3A_1462 = vector.load %arg2[%swap3A_1459, %swap3A_1460, %swap3A_1461] : memref<32x256x1xi32, #tpu.memory_space<vmem>>, vector<1x256x1xi32>
    %swap3A_1463 = vector.shape_cast %swap3A_1462 : vector<1x256x1xi32> to vector<256x1xi32>
    %swap3A_1464 = vector.shape_cast %convert_element_type3A_1458 : vector<256x1xi32> to vector<1x256x1xi32>
    tpu.vector_store %arg2[%swap3A_1459, %swap3A_1460, %swap3A_1461], %swap3A_1464 {strides = array<i32>} : memref<32x256x1xi32, #tpu.memory_space<vmem>>, vector<1x256x1xi32>,
    %iota3A_1465 = tpu.iota {dimensions = array<i32: 0>} : vector<80x16xi32>
    %mul3A_1466 = arith.constant 128 : i32
    %mul3A_1467 = vector.broadcast %mul3A_1466 : i32 to vector<80x16xi32>
    %mul3A_1468 = arith.muli %iota3A_1465, %mul3A_1467 : vector<80x16xi32>
    %ge3A = vector.broadcast %concatenate3A_307 : vector<1x16xi32> to vector<80x16xi32>
    %ge3A_1469 = arith.cmpi sge, %mul3A_1468, %ge3A : vector<80x16xi32>
    %convert_element_type3A_1470 = arith.extui %ge3A_1469 : vector<80x16xi1> to vector<80x16xi32>
    %reduce_sum3A_1471 = arith.constant dense<0> : vector<80xi32>
    %reduce_sum3A_1472 = vector.multi_reduction <add>, %convert_element_type3A_1470, %reduce_sum3A_1471 [1] : vector<80x16xi32> to vector<80xi32>
    %broadcast_in_dim3A_1473 = vector.shape_cast %reduce_sum3A_1472 : vector<80xi32> to vector<80x1xi32>
    %sub3A = arith.constant 1 : i32
    %sub3A_1474 = vector.broadcast %sub3A : i32 to vector<80x1xi32>
    %sub3A_1475 = arith.subi %broadcast_in_dim3A_1473, %sub3A_1474 : vector<80x1xi32>
    %swap3A_1476 = arith.constant 0 : index
    %swap3A_1477 = arith.constant 0 : index
    %swap3A_1478 = vector.load %arg3[%swap3A_1476, %swap3A_1477] : memref<80x1xi32, #tpu.memory_space<vmem>>, vector<80x1xi32>
    tpu.vector_store %arg3[%swap3A_1476, %swap3A_1477], %sub3A_1475 {strides = array<i32>} : memref<80x1xi32, #tpu.memory_space<vmem>>, vector<80x1xi32>,
    return
  }
}

module attributes {stable_mosaic.version = 14 : i64} {
  func.func @_ffn_body(%arg0: i32, %arg1: memref<80xi32, #tpu.memory_space<smem>>, %arg2: memref<128x2048xf32, #tpu.memory_space<vmem>>, %arg3: memref<2048x2048xbf16, #tpu.memory_space<vmem>>, %arg4: memref<1x2048xf32, #tpu.memory_space<vmem>>, %arg5: memref<1x2048x100xbf16, #tpu.memory_space<vmem>>, %arg6: memref<1x1x100xf32, #tpu.memory_space<vmem>>, %arg7: memref<1x100x2048xbf16, #tpu.memory_space<vmem>>, %arg8: memref<1x1x2048xf32, #tpu.memory_space<vmem>>, %arg9: memref<128x2048xf32, #tpu.memory_space<vmem>>) attributes {dimension_semantics = [#tpu.dimension_semantics<arbitrary>], iteration_bounds = array<i64: 80>, scalar_prefetch = 1 : i64, scratch_operands = 0 : i64, tpu.core_type = #tpu.core_type<tc>, window_params = [{transform_indices = @transform_0, window_bounds = array<i64: 128, 2048>}, {pipeline_mode = #tpu.pipeline_mode<synchronous>, transform_indices = @transform_1, window_bounds = array<i64: 2048, 2048>}, {pipeline_mode = #tpu.pipeline_mode<synchronous>, transform_indices = @transform_2, window_bounds = array<i64: 1, 2048>}, {transform_indices = @transform_3, window_bounds = array<i64: 1, 2048, 100>}, {transform_indices = @transform_4, window_bounds = array<i64: 1, 1, 100>}, {transform_indices = @transform_5, window_bounds = array<i64: 1, 100, 2048>}, {transform_indices = @transform_6, window_bounds = array<i64: 1, 1, 2048>}, {transform_indices = @transform_7, window_bounds = array<i64: 128, 2048>}]} {
    %get3A = arith.constant 0 : index
    %get3A_0 = arith.constant 0 : index
    %get3A_1 = vector.load %arg2[%get3A, %get3A_0] : memref<128x2048xf32, #tpu.memory_space<vmem>>, vector<128x2048xf32>
    %convert_element_type3A = arith.truncf %get3A_1 : vector<128x2048xf32> to vector<128x2048xbf16>
    %get3A_2 = arith.constant 0 : index
    %get3A_3 = arith.constant 0 : index
    %get3A_4 = vector.load %arg3[%get3A_2, %get3A_3] : memref<2048x2048xbf16, #tpu.memory_space<vmem>>, vector<2048x2048xbf16>
    %dot_general3A = arith.constant dense<0.000000e+00> : vector<128x2048xf32>
    %dot_general3A_5 = tpu.matmul %convert_element_type3A, %get3A_4, %dot_general3A {dimension_numbers = #tpu.dot_dimension_numbers<[1], [0], [0], [1], [0, 0, 1, 1], [], []>, transpose_lhs_hint = false} : vector<128x2048xbf16>, vector<2048x2048xbf16>, vector<128x2048xf32> -> vector<128x2048xf32>
    %get3A_6 = arith.constant 0 : index
    %get3A_7 = arith.constant 0 : index
    %get3A_8 = vector.load %arg4[%get3A_6, %get3A_7] : memref<1x2048xf32, #tpu.memory_space<vmem>>, vector<1x2048xf32>
    %add3A = vector.broadcast %get3A_8 : vector<1x2048xf32> to vector<128x2048xf32>
    %add3A_9 = arith.addf %dot_general3A_5, %add3A : vector<128x2048xf32>
    %max3A = arith.constant 0.000000e+00 : f32
    %max3A_10 = vector.broadcast %max3A : f32 to vector<128x2048xf32>
    %max3A_11 = arith.maximumf %add3A_9, %max3A_10 : vector<128x2048xf32>
    %convert_element_type3A_12 = arith.truncf %max3A_11 : vector<128x2048xf32> to vector<128x2048xbf16>
    %get3A_13 = arith.constant 0 : index
    %get3A_14 = arith.constant 0 : index
    %get3A_15 = arith.constant 0 : index
    %get3A_16 = vector.load %arg5[%get3A_13, %get3A_14, %get3A_15] : memref<1x2048x100xbf16, #tpu.memory_space<vmem>>, vector<1x2048x100xbf16>
    %get3A_17 = vector.shape_cast %get3A_16 : vector<1x2048x100xbf16> to vector<2048x100xbf16>
    %dot_general3A_18 = arith.constant dense<0.000000e+00> : vector<128x100xf32>
    %dot_general3A_19 = tpu.matmul %convert_element_type3A_12, %get3A_17, %dot_general3A_18 {dimension_numbers = #tpu.dot_dimension_numbers<[1], [0], [0], [1], [0, 0, 1, 1], [], []>, transpose_lhs_hint = false} : vector<128x2048xbf16>, vector<2048x100xbf16>, vector<128x100xf32> -> vector<128x100xf32>
    %get3A_20 = arith.constant 0 : index
    %get3A_21 = arith.constant 0 : index
    %get3A_22 = arith.constant 0 : index
    %get3A_23 = vector.load %arg6[%get3A_20, %get3A_21, %get3A_22] : memref<1x1x100xf32, #tpu.memory_space<vmem>>, vector<1x1x100xf32>
    %get3A_24 = vector.shape_cast %get3A_23 : vector<1x1x100xf32> to vector<1x100xf32>
    %add3A_25 = vector.broadcast %get3A_24 : vector<1x100xf32> to vector<128x100xf32>
    %add3A_26 = arith.addf %dot_general3A_19, %add3A_25 : vector<128x100xf32>
    %max3A_27 = arith.constant 0.000000e+00 : f32
    %max3A_28 = vector.broadcast %max3A_27 : f32 to vector<128x100xf32>
    %max3A_29 = arith.maximumf %add3A_26, %max3A_28 : vector<128x100xf32>
    %convert_element_type3A_30 = arith.truncf %max3A_29 : vector<128x100xf32> to vector<128x100xbf16>
    %get3A_31 = arith.constant 0 : index
    %get3A_32 = arith.constant 0 : index
    %get3A_33 = arith.constant 0 : index
    %get3A_34 = vector.load %arg7[%get3A_31, %get3A_32, %get3A_33] : memref<1x100x2048xbf16, #tpu.memory_space<vmem>>, vector<1x100x2048xbf16>
    %get3A_35 = vector.shape_cast %get3A_34 : vector<1x100x2048xbf16> to vector<100x2048xbf16>
    %dot_general3A_36 = arith.constant dense<0.000000e+00> : vector<128x2048xf32>
    %dot_general3A_37 = tpu.matmul %convert_element_type3A_30, %get3A_35, %dot_general3A_36 {dimension_numbers = #tpu.dot_dimension_numbers<[1], [0], [0], [1], [0, 0, 1, 1], [], []>, transpose_lhs_hint = false} : vector<128x100xbf16>, vector<100x2048xbf16>, vector<128x2048xf32> -> vector<128x2048xf32>
    %get3A_38 = arith.constant 0 : index
    %get3A_39 = arith.constant 0 : index
    %get3A_40 = arith.constant 0 : index
    %get3A_41 = vector.load %arg8[%get3A_38, %get3A_39, %get3A_40] : memref<1x1x2048xf32, #tpu.memory_space<vmem>>, vector<1x1x2048xf32>
    %get3A_42 = vector.shape_cast %get3A_41 : vector<1x1x2048xf32> to vector<1x2048xf32>
    %add3A_43 = vector.broadcast %get3A_42 : vector<1x2048xf32> to vector<128x2048xf32>
    %add3A_44 = arith.addf %dot_general3A_37, %add3A_43 : vector<128x2048xf32>
    %swap3A = arith.constant 0 : index
    %swap3A_45 = arith.constant 0 : index
    %swap3A_46 = vector.load %arg9[%swap3A, %swap3A_45] : memref<128x2048xf32, #tpu.memory_space<vmem>>, vector<128x2048xf32>
    tpu.vector_store %arg9[%swap3A, %swap3A_45], %add3A_44 {strides = array<i32>} : memref<128x2048xf32, #tpu.memory_space<vmem>>, vector<128x2048xf32>,
    return
  }
  func.func @transform_0(%arg0: i32, %arg1: memref<80xi32, #tpu.memory_space<smem>>) -> (i32, i32) {
    %c0_i32 = arith.constant 0 : i32
    %c0_i32_0 = arith.constant 0 : i32
    return %arg0, %c0_i32 : i32, i32
  }
  func.func @transform_1(%arg0: i32, %arg1: memref<80xi32, #tpu.memory_space<smem>>) -> (i32, i32) {
    %c0_i32 = arith.constant 0 : i32
    %c0_i32_0 = arith.constant 0 : i32
    %c0_i32_1 = arith.constant 0 : i32
    return %c0_i32, %c0_i32_0 : i32, i32
  }
  func.func @transform_2(%arg0: i32, %arg1: memref<80xi32, #tpu.memory_space<smem>>) -> (i32, i32) {
    %c0_i32 = arith.constant 0 : i32
    %c0_i32_0 = arith.constant 0 : i32
    %c0_i32_1 = arith.constant 0 : i32
    return %c0_i32, %c0_i32_0 : i32, i32
  }
  func.func @transform_3(%arg0: i32, %arg1: memref<80xi32, #tpu.memory_space<smem>>) -> (i32, i32, i32) {
    %get3A = arith.index_cast %arg0 : i32 to index
    %get3A_0 = memref.load %arg1[%get3A] : memref<80xi32, #tpu.memory_space<smem>>
    %c0_i32 = arith.constant 0 : i32
    %c0_i32_1 = arith.constant 0 : i32
    %c0_i32_2 = arith.constant 0 : i32
    return %get3A_0, %c0_i32, %c0_i32_1 : i32, i32, i32
  }
  func.func @transform_4(%arg0: i32, %arg1: memref<80xi32, #tpu.memory_space<smem>>) -> (i32, i32, i32) {
    %get3A = arith.index_cast %arg0 : i32 to index
    %get3A_0 = memref.load %arg1[%get3A] : memref<80xi32, #tpu.memory_space<smem>>
    %c0_i32 = arith.constant 0 : i32
    %c0_i32_1 = arith.constant 0 : i32
    %c0_i32_2 = arith.constant 0 : i32
    return %get3A_0, %c0_i32, %c0_i32_1 : i32, i32, i32
  }
  func.func @transform_5(%arg0: i32, %arg1: memref<80xi32, #tpu.memory_space<smem>>) -> (i32, i32, i32) {
    %get3A = arith.index_cast %arg0 : i32 to index
    %get3A_0 = memref.load %arg1[%get3A] : memref<80xi32, #tpu.memory_space<smem>>
    %c0_i32 = arith.constant 0 : i32
    %c0_i32_1 = arith.constant 0 : i32
    %c0_i32_2 = arith.constant 0 : i32
    return %get3A_0, %c0_i32, %c0_i32_1 : i32, i32, i32
  }
  func.func @transform_6(%arg0: i32, %arg1: memref<80xi32, #tpu.memory_space<smem>>) -> (i32, i32, i32) {
    %get3A = arith.index_cast %arg0 : i32 to index
    %get3A_0 = memref.load %arg1[%get3A] : memref<80xi32, #tpu.memory_space<smem>>
    %c0_i32 = arith.constant 0 : i32
    %c0_i32_1 = arith.constant 0 : i32
    %c0_i32_2 = arith.constant 0 : i32
    return %get3A_0, %c0_i32, %c0_i32_1 : i32, i32, i32
  }
  func.func @transform_7(%arg0: i32, %arg1: memref<80xi32, #tpu.memory_space<smem>>) -> (i32, i32) {
    %c0_i32 = arith.constant 0 : i32
    %c0_i32_0 = arith.constant 0 : i32
    return %arg0, %c0_i32 : i32, i32
  }
}

</mosaic_0001>

<sc_bundles>
// kernel: kernel.6.cloned.1.call-start
scs
__scs_entry_jumppad:
0x0: {  	(pc) =	sbr.rel $0x88, $3  }
0x1: {  	(tag) =	ssettag $0x0;
	lr =	simm.s32 $0x1  }
0x2: {  	[smem:$0x3F99] =	sst lr;
	_ =	strace $0xD0000000  }
0x3: {  	_ = 	snop  }
0x4: {  	_ = 	snop  }
0x5: {  	_ = 	snop  }
0x6: {  	_ = 	snop  }
0x7: {  	_ = 	snop  }
__scs_overlays_trampoline_lowered:
0x8: {  	[smem:$0x3FA8] =	sst s0  }
0x9: {  	[smem:$0x3FA9] =	sst s1  }
0xa: {  	[smem:$0x3FAA] =	sst s2  }
0xb: {  	[smem:$0x3FAB] =	sst s3  }
0xc: {  	[smem:$0x3FAC] =	sst s4  }
0xd: {  	[smem:$0x3FAD] =	sst s5  }
0xe: {  	[smem:$0x3FAE] =	sst s6  }
0xf: {  	[smem:$0x3FAF] =	sst s7  }
0x10: {  	[smem:$0x3FB0] =	sst s8  }
0x11: {  	[smem:$0x3FB1] =	sst s9;
	s0 =	simm.s32 @!p0 $0x0  }
0x12: {  	s1 =	sld [smem:$0x3F97];
	s0 =	simm.s32 @p0 $0x1  }
0x13: {  	[smem:$0x3FB2] =	sst s0;
	s0 =	simm.s32 @!p1 $0x0  }
0x14: {  	s2 =	sld [smem:$0x3F96];
	s0 =	simm.s32 @p1 $0x1  }
0x15: {  	[smem:$0x3FB3] =	sst s0;
	s0 =	simm.s32 @!p2 $0x0  }
0x16: {  	s3 =	sld [smem:$0x3FDB];
	s0 =	simm.s32 @p2 $0x1  }
0x17: {  	s4 =	simm.s32 $0x1BF5;
	[smem:$0x3FB5] =	sst s0  }
0x18: {  	s0 =	sld [smem:$0x3F98];
	_ =	swait.ge [sflag:s4], $0x0  }
0x19: {  	s7 =	sld [smem:$0x3F99]  }
0x1a: {  	s8 =	sadd.s32 $0xFFFFE003, lr  }
0x1b: {  	s9 =	sadd.s32 $0xFFFFFEF7, lr;
	s5 =	simm.s32 $0xFFFFFFFF;
	p2 =	slt.u32 s8, $0xFFFFF086  }
0x1c: {  	p1 =	slt.u32 s9, $0xF7A;
	s5 =	simm.s32 @!p2 $0x0  }
0x1d: {  	s5 =	simm.s32 @p1 $0x1;
	p0 =	seq.s32 s7, s2  }
0x1e: {  	s7 =	smul.u32 @!p0 $0xF7A, s2;
	p2 =	seq.s32 @!p0 s5, $0x0  }
0x1f: {  	s9 =	smul.u32 $0xF7A, s1;
	s8 =	simm.s32 @!p0 $0x1BF5;
	p2 =	por !p2, p0  }
0x20: {  	[sflag:s8] =	ssyncset.s32 @!p0 $0xFFFFF086;
	s6 =	sadd.s32 @!p0 s3, s7;
	s7 =	simm.s32 @!p0 $0x108  }
0x21: {  	s3 =	sadd.s32 s3, s9;
	s6 =	sadd.s32 @!p0 $0x88, s6;
	s7 =	simm.s32 @p2 $0x1082  }
0x22: {  	[simem:s7], [sflag:s8] =	dma.local @!p0 [hbm:s6], $0xF7A  }
0x23: {  	s9 =	sor.u32 $0xD0000000, s2;
	s6 =	simm.s32 $0x108;
	_ =	swait.ge @!p0 [sflag:s8], $0x0  }
0x24: {  	s3 =	sadd.s32 $0x88, s3;
	s6 =	simm.s32 @!p1 $0x1082;
	[sflag:s4] =	ssyncset.s32 $0xFFFFF086  }
0x25: {  	[simem:s6], [sflag:s4] =	dma.local [hbm:s3], $0xF7A  }
0x26: {  	[smem:$0x3F99] =	sst s1;
	(tag) =	ssettag s2;
	_ =	strace s9  }
0x27: {  	s1 =	sld [smem:$0x3FA9]  }
0x28: {  	s2 =	sld [smem:$0x3FAA]  }
0x29: {  	s4 =	sld [smem:$0x3FAC]  }
0x2a: {  	p0 =	seq.s32 s5, $0x0;
	s5 =	sld [smem:$0x3FAD]  }
0x2b: {  	s6 =	sld [smem:$0x3FAE]  }
0x2c: {  	s7 =	sld [smem:$0x3FAF]  }
0x2d: {  	s3 =	simm.s32 $0x108;
	s8 =	sld [smem:$0x3FB0]  }
0x2e: {  	s3 =	simm.s32 @!p0 $0x1082;
	s9 =	sld [smem:$0x3FB1]  }
0x2f: {  	lr =	sadd.s32 s0, s3;
	s0 =	sld [smem:$0x3FA8]  }
0x30: {  	s3 =	sld [smem:$0x3FAB]  }
0x31: {  	[smem:$0x3FB4] =	sst s10  }
0x32: {  	s10 =	sld [smem:$0x3FB2];
	_ =	sdelay $0x3  }
0x33: {  	p0 =	seq.s32 s10, $0x1;
	s10 =	sld [smem:$0x3FB4];
	_ =	sdelay $0x3  }
0x34: {  	[smem:$0x3FB4] =	sst s10  }
0x35: {  	s10 =	sld [smem:$0x3FB3];
	_ =	sdelay $0x3  }
0x36: {  	p1 =	seq.s32 s10, $0x1;
	s10 =	sld [smem:$0x3FB4];
	_ =	sdelay $0x3  }
0x37: {  	[smem:$0x3FB4] =	sst s10  }
0x38: {  	s10 =	sld [smem:$0x3FB5]  }
0x39: {  	_ = 	snop;
	(pc) =	sbr.ind lr, $3  }
0x3a: {  	_ = 	snop  }
0x3b: {  	_ = 	snop  }
0x3c: {  	p2 =	seq.s32 s10, $0x1;
	s10 =	sld [smem:$0x3FB4]  }
0x3d: {  	_ =	shalt  }
0x3e: {  	_ =	shalt  }
0x3f: {  	_ =	shalt  }
0x40: {  	_ =	shalt  }
0x41: {  	_ =	shalt  }
0x42: {  	_ =	shalt  }
0x43: {  	_ =	shalt  }
0x44: {  	_ =	shalt  }
0x45: {  	_ =	shalt  }
0x46: {  	_ =	shalt  }
0x47: {  	_ =	shalt  }
0x48: {  	_ =	shalt  }
0x49: {  	_ =	shalt  }
0x4a: {  	_ =	shalt  }
0x4b: {  	_ =	shalt  }
0x4c: {  	_ =	shalt  }
0x4d: {  	_ =	shalt  }
0x4e: {  	_ =	shalt  }
0x4f: {  	_ =	shalt  }
0x50: {  	_ =	shalt  }
0x51: {  	_ =	shalt  }
0x52: {  	_ =	shalt  }
0x53: {  	_ =	shalt  }
0x54: {  	_ =	shalt  }
0x55: {  	_ =	shalt  }
0x56: {  	_ =	shalt  }
0x57: {  	_ =	shalt  }
0x58: {  	_ =	shalt  }
0x59: {  	_ =	shalt  }
0x5a: {  	_ =	shalt  }
0x5b: {  	_ =	shalt  }
0x5c: {  	_ =	shalt  }
0x5d: {  	_ =	shalt  }
0x5e: {  	_ =	shalt  }
0x5f: {  	_ =	shalt  }
0x60: {  	_ =	shalt  }
0x61: {  	_ =	shalt  }
0x62: {  	_ =	shalt  }
0x63: {  	_ =	shalt  }
0x64: {  	_ =	shalt  }
0x65: {  	_ =	shalt  }
0x66: {  	_ =	shalt  }
0x67: {  	_ =	shalt  }
0x68: {  	_ =	shalt  }
0x69: {  	_ =	shalt  }
0x6a: {  	_ =	shalt  }
0x6b: {  	_ =	shalt  }
0x6c: {  	_ =	shalt  }
0x6d: {  	_ =	shalt  }
0x6e: {  	_ =	shalt  }
0x6f: {  	_ =	shalt  }
0x70: {  	_ =	shalt  }
0x71: {  	_ =	shalt  }
0x72: {  	_ =	shalt  }
0x73: {  	_ =	shalt  }
0x74: {  	_ =	shalt  }
0x75: {  	_ =	shalt  }
0x76: {  	_ =	shalt  }
0x77: {  	_ =	shalt  }
0x78: {  	_ =	shalt  }
0x79: {  	_ =	shalt  }
0x7a: {  	_ =	shalt  }
0x7b: {  	_ =	shalt  }
0x7c: {  	_ =	shalt  }
0x7d: {  	_ =	shalt  }
0x7e: {  	_ =	shalt  }
0x7f: {  	_ =	shalt  }
0x80: {  	_ =	shalt  }
0x81: {  	_ =	shalt  }
0x82: {  	_ =	shalt  }
0x83: {  	_ =	shalt  }
0x84: {  	_ =	shalt  }
0x85: {  	_ =	shalt  }
0x86: {  	_ =	shalt  }
0x87: {  	_ =	shalt  }
.Lfunc_end0:
.L_simem_size_0:
called_computation_lowered:
.L_overlay_start_0:
0x88: {  	s2 =	sld [smem:$0x3FD9]  }
0x89: {  	s3 =	sld [smem:$0x3FFE];
	_ =	sdelay $0x1  }
0x8a: {  	s1 =	srdreg.scid  }
0x8b: {  	s0 =	sand.u32 $0x1, s1  }
0x8c: {  	s17 =	sshll.u32 s0, $0xA;
	s2 =	sadd.s32 s3, s2  }
0x8d: {  	s2 =	sadd.s32 s2, s17  }
0x8e: {  	[smem:$0x3FC0] =	sst s2  }
0x8f: {  	_ = 	snop  }
0x90: {  	s2 =	sld [smem:$0x3FC9];
	(tm) =	ssettm $0x1  }
0x91: {  	s18 =	sld [smem:$0x3FFB];
	_ =	sdelay $0x3  }
0x92: {  	_ =	strace s18  }
0x93: {  	s3 =	sld [smem:$0x3FFC];
	_ =	sdelay $0x3  }
0x94: {  	_ =	strace s3  }
0x95: {  	s3 =	sld [smem:$0x3FFD];
	_ =	sdelay $0x3  }
0x96: {  	_ =	strace s3  }
0x97: {  	_ =	strace $0x8FFFFFFF  }
0x98: {  	s19 =	sld [smem:$0x3FDB];
	_ =	sdelay $0x1  }
0x99: {  	s4 =	simm.s32 $_scs_section_size  }
0x9a: {  	s5 =	simm.s32 $_size__tile_overlayer_lowered;
	s6 =	simm.s32 $_tile_overlayer_lowered  }
0x9b: {  	s22 =	simm.s32 $0x1BFF;
	s21 =	sshll.u32 s6, $0x1;
	s3 =	sadd.s32 s4, s19  }
0x9c: {  	s7 =	simm.s32 $0x0;
	s20 =	sshll.u32 s5, $0x1;
	s5 =	sadd.s32 s21, s3  }
0x9d: {  	[timem:s7], [sflag:s22] =	dma.local [hbm:s5], s20  }
0x9e: {  	_ =	swait.ge [sflag:s22], s20  }
0x9f: {  	s4 =	ssub.s32 $0x0, s20;
	[sflag:s22] =	ssyncset.done $0x0  }
0xa0: {  	[sflag:s22] =	ssyncadd.s32 s4;
	_ =	sdelay $0x1  }
0xa1: {  	s23 =	simm.s32 $0x1B8B  }
0xa2: {  	_ =	swait.ge [sflag:s23], $0x1  }
0xa3: {  	[sflag:s23] =	ssyncset.done $0x0  }
0xa4: {  	s25 =	simm.s32 $0x1B8E;
	s24 =	sld [smem:$0x3FFE];
	[sflag:s23] =	ssyncadd.s32 $0xFFFFFFFF  }
0xa5: {  	s26 =	simm.s32 $execute0_lowered;
	[smem:$0x3FD2] =	sst s25  }
0xa6: {  	s5 =	sshll.u32 s26, $0x1;
	_ =	strace $0x80000046;
	[dreg:$0x1] =	wrdreg $0xFFFFFFFF  }
0xa7: {  	s28 =	simm.s32 $_size_execute0_lowered;
	s3 =	sadd.s32 s3, s5;
	[dreg:$0x0] =	wrdreg $0x0  }
0xa8: {  	s5 =	sshll.u32 s28, $0x1;
	[dreg:$0x2] =	wrdreg s3  }
0xa9: {  	[dreg:$0x3] =	wrdreg s5  }
0xaa: {  	[dreg:$0x4] =	wrdreg $0xC0  }
0xab: {  	_ =	task [dreg:s7], $0x5FFFF  }
0xac: {  	[dreg:$0x1] =	wrdreg $0xFFFFFFFF  }
0xad: {  	[dreg:$0x0] =	wrdreg $0x60  }
0xae: {  	[dreg:$0x2] =	wrdreg s24  }
0xaf: {  	[dreg:$0x3] =	wrdreg s2  }
0xb0: {  	[dreg:$0x4] =	wrdreg $0x9  }
0xb1: {  	_ =	task.clear_ibuf [dreg:s7], $0x5FFFF;
	_ =	strace $0x90000046  }
0xb2: {  	s29 =	simm.s32 $0x9;
	_ =	strace $0x80000048  }
0xb3: {  	_ =	swait.ge [sflag:s29], $0x1  }
0xb4: {  	[sflag:s29] =	ssyncadd.s32 $0xFFFFFFFF  }
0xb5: {  	_ =	strace $0x90000048  }
0xb6: {  	_ =	sfence  }
0xb7: {  	s30 =	sld [smem:$0x0];
	_ =	sdelay $0x2  }
0xb8: {  	s31 =	sshll.u32 s1, $0xD;
	s1 =	sshrl.u32 s1, $0x2  }
0xb9: {  	s3 =	sand.u32 $0x4000, s31;
	s1 =	sadd.s32 s1, s30  }
0xba: {  	s0 =	sor.u32 s3, s0;
	s1 =	sshll.u32 s1, $0x11  }
0xbb: {  	s0 =	sor.u32 s1, s0  }
0xbc: {  	s0 =	sadd.s32 $0x8F2B, s0  }
0xbd: {  	[sflag:s0] =	ssyncadd.remote.s32 $0x1  }
0xbe: {  	_ =	sfence.sel $0xFFFF  }
0xbf: {  	[dreg:$0x0] =	wrdreg $0xFFFFFFFF;
	(pc) =	sbr.abs _section_cstart, $3  }
0xc0: {  	[dreg:$0x1] =	wrdreg $0xFFFFFFFF  }
0xc1: {  	_ =	task.clear_ibuf [dreg:s7], $0x2FFFF;
	_ =	strace $0x9FFFFFFF  }
0xc2: {  	(tm) =	ssettm $0x7FFFFFFF  }
0xc3: {  	_ =	shalt  }
tec
execute0_lowered:
.L_overlay_start_1:
0x0: {  	(tag) =	ssettag $0x1  }
0x1: {  	s0 =	srdreg.scid  }
0x2: {  	s2 =	stileid.u32;
	s0 =	sand.u32 $0x1, s0  }
0x3: {  	s1 =	rddreg [dreg:$0x0];
	s2 =	sshll.u32 s2, $0x9;
	s3 =	sshll.u32 s0, $0x8  }
0x4: {  	s4 =	rddreg [dreg:$0x1];
	s3 =	sor.u32 s3, s2  }
0x5: {  	s2 =	simm.s32 $0x0;
	s5 =	sshrl.u32 s3, $0x3;
	s3 =	sshll.u32 s3, $0x8  }
0x6: {  	[smem:$0x7FF] =	sst s2;
	s5 =	sadd.s32 s5, s1;
	s12 =	sadd.s32 s4, s3  }
0x7: {  	_ =	strace $0x80000047;
	s5 =	sadd.s32 $0x1C00, s5;
	[dreg:$0x13] =	wrdreg s12  }
0x8: {  	s3 =	sadd.s32 $0x1000, s12;
	[dreg:$0x3] =	wrdreg s5  }
0x9: {  	s16 =	sadd.s32 $0x2000, s12;
	[dreg:$0x4] =	wrdreg s3  }
0xa: {  	s14 =	simm.s32 $0x100;
	s17 =	sadd.s32 $0x3000, s12;
	[dreg:$0x5] =	wrdreg s16  }
0xb: {  	s15 =	simm.s32 $0x8100;
	s18 =	sadd.s32 $0x4000, s12;
	[dreg:$0x6] =	wrdreg s17  }
0xc: {  	s6 =	sadd.s32 $0x2200, s1;
	s19 =	sadd.s32 $0x5000, s12;
	[dreg:$0x7] =	wrdreg s18  }
0xd: {  	s7 =	sadd.s32 $0x2300, s1;
	s20 =	sadd.s32 $0x6000, s12;
	[dreg:$0x8] =	wrdreg s19  }
0xe: {  	s8 =	sadd.s32 $0x2400, s1;
	s22 =	sadd.s32 $0x7000, s12;
	[dreg:$0x9] =	wrdreg s20  }
0xf: {  	s9 =	sadd.s32 $0x2500, s1;
	s23 =	sadd.s32 $0x8000, s12;
	[dreg:$0xa] =	wrdreg s22  }
0x10: {  	s10 =	sadd.s32 $0x2600, s1;
	s24 =	sadd.s32 $0x9000, s12;
	[dreg:$0xb] =	wrdreg s23  }
0x11: {  	s11 =	sadd.s32 $0x2700, s1;
	s25 =	sadd.s32 $0xA000, s12;
	[dreg:$0xc] =	wrdreg s24  }
0x12: {  	s0 =	ssub.s32 $0x2, s0;
	s26 =	sadd.s32 $0xB000, s12;
	[dreg:$0xd] =	wrdreg s25  }
0x13: {  	s21 =	sshrl.u32 s0, $0x1;
	s28 =	sadd.s32 $0xC000, s12;
	[dreg:$0xe] =	wrdreg s26  }
0x14: {  	s0 =	ssub.s32 s0, s21;
	s29 =	sadd.s32 $0xD000, s12;
	[dreg:$0xf] =	wrdreg s28  }
0x15: {  	s4 =	sadd.s32 $0x2000, s1;
	s30 =	sadd.s32 $0xE000, s12;
	[dreg:$0x10] =	wrdreg s29  }
0x16: {  	v2 =	vlaneseq.u32;
	s31 =	sadd.s32 $0xF000, s12;
	s12 =	smax.u32 s0, $0x1;
	[dreg:$0x11] =	wrdreg s30  }
0x17: {  	vm0 =	vmmov $0xffff;
	v1 =	vshrl.u32 v2, $0x3;
	s0 =	simm.s32 $0x3;
	s5 =	sadd.s32 $0x2100, s1;
	[dreg:$0x12] =	wrdreg s31  }
0x18: {  	v0 =	vand.u32 $0x7, v2;
	v2 =	vor.u32 $0x8, v2;
	v1 =	vmul.u32 $0x8, v1;
	s16 =	simm.s32 $0x1;
	s3 =	simm.s32 $0x2;
	s1 =	simm.s32 $0x4  }
.LBB2_1:
0x19: {  	[dreg:$0x14] =	wrdreg s12  }
0x1a: {  	s13 =	rddreg [dreg:$0x3];
	s21 =	simm.s32 $0x5  }
0x1b: {  	[tilespmem:s2], [sflag:$0x5] =	stream.linear.gather [hbm4b:s13+s2], $0x100, $0x38;
	[tilespmem:$0x10100] =	vst v63  }
0x1c: {  	_ =	swait.ge [sflag:s21], $0x100  }
0x1d: {  	[sflag:s21] =	ssyncset.done $0x0  }
0x1e: {  	s17 =	rddreg [dreg:$0x13];
	[sflag:s21] =	ssyncadd.s32 $0xFFFFFF00  }
0x1f: {  	[tilespmem:s14], [sflag:$0x1] =	stream.linear.gather [hbm4b:s17+s2], $0x8000, $0x38;
	[tilespmem:$0x10100] =	vst v63  }
0x20: {  	s22 =	rddreg [dreg:$0x4]  }
0x21: {  	[tilespmem:s15], [sflag:$0x2] =	stream.linear.gather [hbm4b:s22+s2], $0x8000, $0x38;
	[tilespmem:$0x10100] =	vst v63  }
0x22: {  	_ =	swait.ge [sflag:s16], $0x8000  }
0x23: {  	[sflag:s16] =	ssyncset.done $0x0  }
0x24: {  	[sflag:s16] =	ssyncadd.s32 $0xFFFF8000  }
0x25: {  	v3 =	vld [tilespmem:$0x0];
	_ =	sdelay $0x4  }
0x26: {  	v4 =	vshll.u32 v3, $0x4  }
0x27: {  	v3 =	vand.u32 $0x7, v3;
	v4 =	vand.u32 $0xFFFFFF80, v4  }
0x28: {  	v3 =	vor.u32 v3, v4  }
0x29: {  	v4 =	vperm.xlane v3, v0;
	_ =	sdelay $0x1  }
0x2a: {  	v4 =	vadd.s32 v1, v4;
	_ =	sdelay $0x4  }
0x2b: {  	[hbm4b:s4+s2] =	stream.indirect_vreg.scatter [tilespmem:s14], [sflag:$0x3], $0x80, v4, vm0, $0xb8;
	[tilespmem:$0x10100] =	vst v63  }
0x2c: {  	s23 =	simm.s32 $0x900  }
0x2d: {  	[hbm4b:s5+s2] =	stream.indirect_vreg.scatter [tilespmem:s23], [sflag:$0x3], $0x80, v4, vm0, $0xb8;
	[tilespmem:$0x10100] =	vst v63  }
0x2e: {  	s24 =	simm.s32 $0x1100  }
0x2f: {  	[hbm4b:s6+s2] =	stream.indirect_vreg.scatter [tilespmem:s24], [sflag:$0x3], $0x80, v4, vm0, $0xb8;
	[tilespmem:$0x10100] =	vst v63  }
0x30: {  	s25 =	simm.s32 $0x1900  }
0x31: {  	[hbm4b:s7+s2] =	stream.indirect_vreg.scatter [tilespmem:s25], [sflag:$0x3], $0x80, v4, vm0, $0xb8;
	[tilespmem:$0x10100] =	vst v63  }
0x32: {  	s26 =	simm.s32 $0x2100  }
0x33: {  	[hbm4b:s8+s2] =	stream.indirect_vreg.scatter [tilespmem:s26], [sflag:$0x3], $0x80, v4, vm0, $0xb8;
	[tilespmem:$0x10100] =	vst v63  }
0x34: {  	s28 =	simm.s32 $0x2900;
	v3 =	vperm.xlane v3, v2  }
0x35: {  	[hbm4b:s9+s2] =	stream.indirect_vreg.scatter [tilespmem:s28], [sflag:$0x3], $0x80, v4, vm0, $0xb8;
	[tilespmem:$0x10100] =	vst v63  }
0x36: {  	s29 =	simm.s32 $0x3100;
	v3 =	vadd.s32 v1, v3  }
0x37: {  	[hbm4b:s10+s2] =	stream.indirect_vreg.scatter [tilespmem:s29], [sflag:$0x3], $0x80, v4, vm0, $0xb8;
	[tilespmem:$0x10100] =	vst v63  }
0x38: {  	s30 =	simm.s32 $0x3900  }
0x39: {  	[hbm4b:s11+s2] =	stream.indirect_vreg.scatter [tilespmem:s30], [sflag:$0x3], $0x80, v4, vm0, $0xb8;
	[tilespmem:$0x10100] =	vst v63  }
0x3a: {  	s31 =	simm.s32 $0x4100  }
0x3b: {  	[hbm4b:s4+s2] =	stream.indirect_vreg.scatter [tilespmem:s31], [sflag:$0x3], $0x80, v3, vm0, $0xb8;
	[tilespmem:$0x10100] =	vst v63  }
0x3c: {  	s18 =	simm.s32 $0x4900  }
0x3d: {  	[hbm4b:s5+s2] =	stream.indirect_vreg.scatter [tilespmem:s18], [sflag:$0x3], $0x80, v3, vm0, $0xb8;
	[tilespmem:$0x10100] =	vst v63  }
0x3e: {  	s19 =	simm.s32 $0x5100  }
0x3f: {  	[hbm4b:s6+s2] =	stream.indirect_vreg.scatter [tilespmem:s19], [sflag:$0x3], $0x80, v3, vm0, $0xb8;
	[tilespmem:$0x10100] =	vst v63  }
0x40: {  	s20 =	simm.s32 $0x5900  }
0x41: {  	[hbm4b:s7+s2] =	stream.indirect_vreg.scatter [tilespmem:s20], [sflag:$0x3], $0x80, v3, vm0, $0xb8;
	[tilespmem:$0x10100] =	vst v63  }
0x42: {  	s21 =	simm.s32 $0x6100  }
0x43: {  	[hbm4b:s8+s2] =	stream.indirect_vreg.scatter [tilespmem:s21], [sflag:$0x3], $0x80, v3, vm0, $0xb8;
	[tilespmem:$0x10100] =	vst v63  }
0x44: {  	s18 =	simm.s32 $0x6900  }
0x45: {  	[hbm4b:s9+s2] =	stream.indirect_vreg.scatter [tilespmem:s18], [sflag:$0x3], $0x80, v3, vm0, $0xb8;
	[tilespmem:$0x10100] =	vst v63  }
0x46: {  	s19 =	simm.s32 $0x7100  }
0x47: {  	[hbm4b:s10+s2] =	stream.indirect_vreg.scatter [tilespmem:s19], [sflag:$0x3], $0x80, v3, vm0, $0xb8;
	[tilespmem:$0x10100] =	vst v63  }
0x48: {  	s20 =	simm.s32 $0x7900  }
0x49: {  	[hbm4b:s11+s2] =	stream.indirect_vreg.scatter [tilespmem:s20], [sflag:$0x3], $0x80, v3, vm0, $0xb8;
	[tilespmem:$0x10100] =	vst v63  }
0x4a: {  	_ =	swait.ge [sflag:s0], $0x8000  }
0x4b: {  	[sflag:s0] =	ssyncset.done $0x0  }
0x4c: {  	s21 =	rddreg [dreg:$0x5];
	[sflag:s0] =	ssyncadd.s32 $0xFFFF8000  }
0x4d: {  	[tilespmem:s14], [sflag:$0x1] =	stream.linear.gather [hbm4b:s21+s2], $0x8000, $0x38;
	[tilespmem:$0x10100] =	vst v63  }
0x4e: {  	_ =	swait.ge [sflag:s3], $0x8000  }
0x4f: {  	[sflag:s3] =	ssyncset.done $0x0  }
0x50: {  	[sflag:s3] =	ssyncadd.s32 $0xFFFF8000  }
0x51: {  	v3 =	vld [tilespmem:$0x10];
	_ =	sdelay $0x4  }
0x52: {  	v49 =	vshll.u32 v3, $0x4  }
0x53: {  	v3 =	vand.u32 $0x7, v3;
	v4 =	vand.u32 $0xFFFFFF80, v49  }
0x54: {  	v3 =	vor.u32 v3, v4  }
0x55: {  	v4 =	vperm.xlane v3, v0;
	_ =	sdelay $0x1  }
0x56: {  	v4 =	vadd.s32 v1, v4;
	_ =	sdelay $0x4  }
0x57: {  	[hbm4b:s4+s2] =	stream.indirect_vreg.scatter [tilespmem:s15], [sflag:$0x4], $0x80, v4, vm0, $0xb8;
	[tilespmem:$0x10100] =	vst v63  }
0x58: {  	s19 =	simm.s32 $0x8900  }
0x59: {  	[hbm4b:s5+s2] =	stream.indirect_vreg.scatter [tilespmem:s19], [sflag:$0x4], $0x80, v4, vm0, $0xb8;
	[tilespmem:$0x10100] =	vst v63  }
0x5a: {  	s20 =	simm.s32 $0x9100  }
0x5b: {  	[hbm4b:s6+s2] =	stream.indirect_vreg.scatter [tilespmem:s20], [sflag:$0x4], $0x80, v4, vm0, $0xb8;
	[tilespmem:$0x10100] =	vst v63  }
0x5c: {  	s21 =	simm.s32 $0x9900  }
0x5d: {  	[hbm4b:s7+s2] =	stream.indirect_vreg.scatter [tilespmem:s21], [sflag:$0x4], $0x80, v4, vm0, $0xb8;
	[tilespmem:$0x10100] =	vst v63  }
0x5e: {  	s19 =	simm.s32 $0xA100  }
0x5f: {  	[hbm4b:s8+s2] =	stream.indirect_vreg.scatter [tilespmem:s19], [sflag:$0x4], $0x80, v4, vm0, $0xb8;
	[tilespmem:$0x10100] =	vst v63  }
0x60: {  	v3 =	vperm.xlane v3, v2;
	s20 =	simm.s32 $0xA900  }
0x61: {  	[hbm4b:s9+s2] =	stream.indirect_vreg.scatter [tilespmem:s20], [sflag:$0x4], $0x80, v4, vm0, $0xb8;
	[tilespmem:$0x10100] =	vst v63  }
0x62: {  	v3 =	vadd.s32 v1, v3;
	s21 =	simm.s32 $0xB100  }
0x63: {  	[hbm4b:s10+s2] =	stream.indirect_vreg.scatter [tilespmem:s21], [sflag:$0x4], $0x80, v4, vm0, $0xb8;
	[tilespmem:$0x10100] =	vst v63  }
0x64: {  	s21 =	simm.s32 $0xB900  }
0x65: {  	[hbm4b:s11+s2] =	stream.indirect_vreg.scatter [tilespmem:s21], [sflag:$0x4], $0x80, v4, vm0, $0xb8;
	[tilespmem:$0x10100] =	vst v63  }
0x66: {  	s21 =	simm.s32 $0xC100  }
0x67: {  	[hbm4b:s4+s2] =	stream.indirect_vreg.scatter [tilespmem:s21], [sflag:$0x4], $0x80, v3, vm0, $0xb8;
	[tilespmem:$0x10100] =	vst v63  }
0x68: {  	s21 =	simm.s32 $0xC900  }
0x69: {  	[hbm4b:s5+s2] =	stream.indirect_vreg.scatter [tilespmem:s21], [sflag:$0x4], $0x80, v3, vm0, $0xb8;
	[tilespmem:$0x10100] =	vst v63  }
0x6a: {  	s21 =	simm.s32 $0xD100  }
0x6b: {  	[hbm4b:s6+s2] =	stream.indirect_vreg.scatter [tilespmem:s21], [sflag:$0x4], $0x80, v3, vm0, $0xb8;
	[tilespmem:$0x10100] =	vst v63  }
0x6c: {  	s21 =	simm.s32 $0xD900  }
0x6d: {  	[hbm4b:s7+s2] =	stream.indirect_vreg.scatter [tilespmem:s21], [sflag:$0x4], $0x80, v3, vm0, $0xb8;
	[tilespmem:$0x10100] =	vst v63  }
0x6e: {  	s21 =	simm.s32 $0xE100  }
0x6f: {  	[hbm4b:s8+s2] =	stream.indirect_vreg.scatter [tilespmem:s21], [sflag:$0x4], $0x80, v3, vm0, $0xb8;
	[tilespmem:$0x10100] =	vst v63  }
0x70: {  	s21 =	simm.s32 $0xE900  }
0x71: {  	[hbm4b:s9+s2] =	stream.indirect_vreg.scatter [tilespmem:s21], [sflag:$0x4], $0x80, v3, vm0, $0xb8;
	[tilespmem:$0x10100] =	vst v63  }
0x72: {  	s21 =	simm.s32 $0xF100  }
0x73: {  	[hbm4b:s10+s2] =	stream.indirect_vreg.scatter [tilespmem:s21], [sflag:$0x4], $0x80, v3, vm0, $0xb8;
	[tilespmem:$0x10100] =	vst v63  }
0x74: {  	s21 =	simm.s32 $0xF900  }
0x75: {  	[hbm4b:s11+s2] =	stream.indirect_vreg.scatter [tilespmem:s21], [sflag:$0x4], $0x80, v3, vm0, $0xb8;
	[tilespmem:$0x10100] =	vst v63  }
0x76: {  	_ =	swait.ge [sflag:s1], $0x8000  }
0x77: {  	[sflag:s1] =	ssyncset.done $0x0  }
0x78: {  	s13 =	rddreg [dreg:$0x6];
	[sflag:s1] =	ssyncadd.s32 $0xFFFF8000  }
0x79: {  	[tilespmem:s15], [sflag:$0x2] =	stream.linear.gather [hbm4b:s13+s2], $0x8000, $0x38;
	[tilespmem:$0x10100] =	vst v63  }
0x7a: {  	_ =	swait.ge [sflag:s16], $0x8000  }
0x7b: {  	[sflag:s16] =	ssyncset.done $0x0  }
0x7c: {  	[sflag:s16] =	ssyncadd.s32 $0xFFFF8000  }
0x7d: {  	v3 =	vld [tilespmem:$0x20];
	_ =	sdelay $0x4  }
0x7e: {  	v50 =	vshll.u32 v3, $0x4  }
0x7f: {  	v3 =	vand.u32 $0x7, v3;
	v4 =	vand.u32 $0xFFFFFF80, v50  }
0x80: {  	v3 =	vor.u32 v3, v4  }
0x81: {  	v4 =	vperm.xlane v3, v0;
	_ =	sdelay $0x1  }
0x82: {  	v4 =	vadd.s32 v1, v4;
	_ =	sdelay $0x4  }
0x83: {  	[hbm4b:s4+s2] =	stream.indirect_vreg.scatter [tilespmem:s14], [sflag:$0x3], $0x80, v4, vm0, $0xb8;
	[tilespmem:$0x10100] =	vst v63  }
0x84: {  	s22 =	simm.s32 $0x900  }
0x85: {  	[hbm4b:s5+s2] =	stream.indirect_vreg.scatter [tilespmem:s22], [sflag:$0x3], $0x80, v4, vm0, $0xb8;
	[tilespmem:$0x10100] =	vst v63  }
0x86: {  	s23 =	simm.s32 $0x1100  }
0x87: {  	[hbm4b:s6+s2] =	stream.indirect_vreg.scatter [tilespmem:s23], [sflag:$0x3], $0x80, v4, vm0, $0xb8;
	[tilespmem:$0x10100] =	vst v63  }
0x88: {  	s24 =	simm.s32 $0x1900  }
0x89: {  	[hbm4b:s7+s2] =	stream.indirect_vreg.scatter [tilespmem:s24], [sflag:$0x3], $0x80, v4, vm0, $0xb8;
	[tilespmem:$0x10100] =	vst v63  }
0x8a: {  	s17 =	simm.s32 $0x2100  }
0x8b: {  	[hbm4b:s8+s2] =	stream.indirect_vreg.scatter [tilespmem:s17], [sflag:$0x3], $0x80, v4, vm0, $0xb8;
	[tilespmem:$0x10100] =	vst v63  }
0x8c: {  	s12 =	simm.s32 $0x2900;
	v3 =	vperm.xlane v3, v2  }
0x8d: {  	[hbm4b:s9+s2] =	stream.indirect_vreg.scatter [tilespmem:s12], [sflag:$0x3], $0x80, v4, vm0, $0xb8;
	[tilespmem:$0x10100] =	vst v63  }
0x8e: {  	s25 =	simm.s32 $0x3100;
	v3 =	vadd.s32 v1, v3  }
0x8f: {  	[hbm4b:s10+s2] =	stream.indirect_vreg.scatter [tilespmem:s25], [sflag:$0x3], $0x80, v4, vm0, $0xb8;
	[tilespmem:$0x10100] =	vst v63  }
0x90: {  	s26 =	simm.s32 $0x3900  }
0x91: {  	[hbm4b:s11+s2] =	stream.indirect_vreg.scatter [tilespmem:s26], [sflag:$0x3], $0x80, v4, vm0, $0xb8;
	[tilespmem:$0x10100] =	vst v63  }
0x92: {  	s28 =	simm.s32 $0x4100  }
0x93: {  	[hbm4b:s4+s2] =	stream.indirect_vreg.scatter [tilespmem:s28], [sflag:$0x3], $0x80, v3, vm0, $0xb8;
	[tilespmem:$0x10100] =	vst v63  }
0x94: {  	s29 =	simm.s32 $0x4900  }
0x95: {  	[hbm4b:s5+s2] =	stream.indirect_vreg.scatter [tilespmem:s29], [sflag:$0x3], $0x80, v3, vm0, $0xb8;
	[tilespmem:$0x10100] =	vst v63  }
0x96: {  	s30 =	simm.s32 $0x5100  }
0x97: {  	[hbm4b:s6+s2] =	stream.indirect_vreg.scatter [tilespmem:s30], [sflag:$0x3], $0x80, v3, vm0, $0xb8;
	[tilespmem:$0x10100] =	vst v63  }
0x98: {  	s31 =	simm.s32 $0x5900  }
0x99: {  	[hbm4b:s7+s2] =	stream.indirect_vreg.scatter [tilespmem:s31], [sflag:$0x3], $0x80, v3, vm0, $0xb8;
	[tilespmem:$0x10100] =	vst v63  }
0x9a: {  	s30 =	simm.s32 $0x6100  }
0x9b: {  	[hbm4b:s8+s2] =	stream.indirect_vreg.scatter [tilespmem:s30], [sflag:$0x3], $0x80, v3, vm0, $0xb8;
	[tilespmem:$0x10100] =	vst v63  }
0x9c: {  	s31 =	simm.s32 $0x6900  }
0x9d: {  	[hbm4b:s9+s2] =	stream.indirect_vreg.scatter [tilespmem:s31], [sflag:$0x3], $0x80, v3, vm0, $0xb8;
	[tilespmem:$0x10100] =	vst v63  }
0x9e: {  	s13 =	simm.s32 $0x7100  }
0x9f: {  	[hbm4b:s10+s2] =	stream.indirect_vreg.scatter [tilespmem:s13], [sflag:$0x3], $0x80, v3, vm0, $0xb8;
	[tilespmem:$0x10100] =	vst v63  }
0xa0: {  	s18 =	simm.s32 $0x7900  }
0xa1: {  	[hbm4b:s11+s2] =	stream.indirect_vreg.scatter [tilespmem:s18], [sflag:$0x3], $0x80, v3, vm0, $0xb8;
	[tilespmem:$0x10100] =	vst v63  }
0xa2: {  	_ =	swait.ge [sflag:s0], $0x8000  }
0xa3: {  	[sflag:s0] =	ssyncset.done $0x0  }
0xa4: {  	s13 =	rddreg [dreg:$0x7];
	[sflag:s0] =	ssyncadd.s32 $0xFFFF8000  }
0xa5: {  	[tilespmem:s14], [sflag:$0x1] =	stream.linear.gather [hbm4b:s13+s2], $0x8000, $0x38;
	[tilespmem:$0x10100] =	vst v63  }
0xa6: {  	_ =	swait.ge [sflag:s3], $0x8000  }
0xa7: {  	[sflag:s3] =	ssyncset.done $0x0  }
0xa8: {  	[sflag:s3] =	ssyncadd.s32 $0xFFFF8000  }
0xa9: {  	v3 =	vld [tilespmem:$0x30];
	_ =	sdelay $0x4  }
0xaa: {  	v51 =	vshll.u32 v3, $0x4  }
0xab: {  	v3 =	vand.u32 $0x7, v3;
	v4 =	vand.u32 $0xFFFFFF80, v51  }
0xac: {  	v3 =	vor.u32 v3, v4  }
0xad: {  	v4 =	vperm.xlane v3, v0;
	_ =	sdelay $0x1  }
0xae: {  	v4 =	vadd.s32 v1, v4;
	_ =	sdelay $0x4  }
0xaf: {  	[hbm4b:s4+s2] =	stream.indirect_vreg.scatter [tilespmem:s15], [sflag:$0x4], $0x80, v4, vm0, $0xb8;
	[tilespmem:$0x10100] =	vst v63  }
0xb0: {  	s13 =	simm.s32 $0x8900  }
0xb1: {  	[hbm4b:s5+s2] =	stream.indirect_vreg.scatter [tilespmem:s13], [sflag:$0x4], $0x80, v4, vm0, $0xb8;
	[tilespmem:$0x10100] =	vst v63  }
0xb2: {  	s13 =	simm.s32 $0x9100  }
0xb3: {  	[hbm4b:s6+s2] =	stream.indirect_vreg.scatter [tilespmem:s13], [sflag:$0x4], $0x80, v4, vm0, $0xb8;
	[tilespmem:$0x10100] =	vst v63  }
0xb4: {  	s13 =	simm.s32 $0x9900  }
0xb5: {  	[hbm4b:s7+s2] =	stream.indirect_vreg.scatter [tilespmem:s13], [sflag:$0x4], $0x80, v4, vm0, $0xb8;
	[tilespmem:$0x10100] =	vst v63  }
0xb6: {  	s19 =	simm.s32 $0xA100  }
0xb7: {  	[hbm4b:s8+s2] =	stream.indirect_vreg.scatter [tilespmem:s19], [sflag:$0x4], $0x80, v4, vm0, $0xb8;
	[tilespmem:$0x10100] =	vst v63  }
0xb8: {  	s20 =	simm.s32 $0xA900;
	v3 =	vperm.xlane v3, v2  }
0xb9: {  	[hbm4b:s9+s2] =	stream.indirect_vreg.scatter [tilespmem:s20], [sflag:$0x4], $0x80, v4, vm0, $0xb8;
	[tilespmem:$0x10100] =	vst v63  }
0xba: {  	v3 =	vadd.s32 v1, v3;
	s19 =	simm.s32 $0xB100  }
0xbb: {  	[hbm4b:s10+s2] =	stream.indirect_vreg.scatter [tilespmem:s19], [sflag:$0x4], $0x80, v4, vm0, $0xb8;
	[tilespmem:$0x10100] =	vst v63  }
0xbc: {  	s20 =	simm.s32 $0xB900  }
0xbd: {  	[hbm4b:s11+s2] =	stream.indirect_vreg.scatter [tilespmem:s20], [sflag:$0x4], $0x80, v4, vm0, $0xb8;
	[tilespmem:$0x10100] =	vst v63  }
0xbe: {  	s13 =	simm.s32 $0xC100  }
0xbf: {  	[hbm4b:s4+s2] =	stream.indirect_vreg.scatter [tilespmem:s13], [sflag:$0x4], $0x80, v3, vm0, $0xb8;
	[tilespmem:$0x10100] =	vst v63  }
0xc0: {  	s13 =	simm.s32 $0xC900  }
0xc1: {  	[hbm4b:s5+s2] =	stream.indirect_vreg.scatter [tilespmem:s13], [sflag:$0x4], $0x80, v3, vm0, $0xb8;
	[tilespmem:$0x10100] =	vst v63  }
0xc2: {  	s13 =	simm.s32 $0xD100  }
0xc3: {  	[hbm4b:s6+s2] =	stream.indirect_vreg.scatter [tilespmem:s13], [sflag:$0x4], $0x80, v3, vm0, $0xb8;
	[tilespmem:$0x10100] =	vst v63  }
0xc4: {  	s13 =	simm.s32 $0xD900  }
0xc5: {  	[hbm4b:s7+s2] =	stream.indirect_vreg.scatter [tilespmem:s13], [sflag:$0x4], $0x80, v3, vm0, $0xb8;
	[tilespmem:$0x10100] =	vst v63  }
0xc6: {  	s13 =	simm.s32 $0xE100  }
0xc7: {  	[hbm4b:s8+s2] =	stream.indirect_vreg.scatter [tilespmem:s13], [sflag:$0x4], $0x80, v3, vm0, $0xb8;
	[tilespmem:$0x10100] =	vst v63  }
0xc8: {  	s13 =	simm.s32 $0xE900  }
0xc9: {  	[hbm4b:s9+s2] =	stream.indirect_vreg.scatter [tilespmem:s13], [sflag:$0x4], $0x80, v3, vm0, $0xb8;
	[tilespmem:$0x10100] =	vst v63  }
0xca: {  	s13 =	simm.s32 $0xF100  }
0xcb: {  	[hbm4b:s10+s2] =	stream.indirect_vreg.scatter [tilespmem:s13], [sflag:$0x4], $0x80, v3, vm0, $0xb8;
	[tilespmem:$0x10100] =	vst v63  }
0xcc: {  	s21 =	simm.s32 $0xF900  }
0xcd: {  	[hbm4b:s11+s2] =	stream.indirect_vreg.scatter [tilespmem:s21], [sflag:$0x4], $0x80, v3, vm0, $0xb8;
	[tilespmem:$0x10100] =	vst v63  }
0xce: {  	_ =	swait.ge [sflag:s1], $0x8000  }
0xcf: {  	[sflag:s1] =	ssyncset.done $0x0  }
0xd0: {  	s13 =	rddreg [dreg:$0x8];
	[sflag:s1] =	ssyncadd.s32 $0xFFFF8000  }
0xd1: {  	[tilespmem:s15], [sflag:$0x2] =	stream.linear.gather [hbm4b:s13+s2], $0x8000, $0x38;
	[tilespmem:$0x10100] =	vst v63  }
0xd2: {  	_ =	swait.ge [sflag:s16], $0x8000  }
0xd3: {  	[sflag:s16] =	ssyncset.done $0x0  }
0xd4: {  	[sflag:s16] =	ssyncadd.s32 $0xFFFF8000  }
0xd5: {  	v3 =	vld [tilespmem:$0x40];
	_ =	sdelay $0x4  }
0xd6: {  	v52 =	vshll.u32 v3, $0x4  }
0xd7: {  	v3 =	vand.u32 $0x7, v3;
	v4 =	vand.u32 $0xFFFFFF80, v52  }
0xd8: {  	v3 =	vor.u32 v3, v4  }
0xd9: {  	v4 =	vperm.xlane v3, v0;
	_ =	sdelay $0x1  }
0xda: {  	v4 =	vadd.s32 v1, v4;
	_ =	sdelay $0x4  }
0xdb: {  	[hbm4b:s4+s2] =	stream.indirect_vreg.scatter [tilespmem:s14], [sflag:$0x3], $0x80, v4, vm0, $0xb8;
	[tilespmem:$0x10100] =	vst v63  }
0xdc: {  	s22 =	simm.s32 $0x900  }
0xdd: {  	[hbm4b:s5+s2] =	stream.indirect_vreg.scatter [tilespmem:s22], [sflag:$0x3], $0x80, v4, vm0, $0xb8;
	[tilespmem:$0x10100] =	vst v63  }
0xde: {  	s23 =	simm.s32 $0x1100  }
0xdf: {  	[hbm4b:s6+s2] =	stream.indirect_vreg.scatter [tilespmem:s23], [sflag:$0x3], $0x80, v4, vm0, $0xb8;
	[tilespmem:$0x10100] =	vst v63  }
0xe0: {  	s24 =	simm.s32 $0x1900  }
0xe1: {  	[hbm4b:s7+s2] =	stream.indirect_vreg.scatter [tilespmem:s24], [sflag:$0x3], $0x80, v4, vm0, $0xb8;
	[tilespmem:$0x10100] =	vst v63  }
0xe2: {  	s13 =	simm.s32 $0x2100  }
0xe3: {  	[hbm4b:s8+s2] =	stream.indirect_vreg.scatter [tilespmem:s13], [sflag:$0x3], $0x80, v4, vm0, $0xb8;
	[tilespmem:$0x10100] =	vst v63  }
0xe4: {  	v3 =	vperm.xlane v3, v2;
	s13 =	simm.s32 $0x2900  }
0xe5: {  	[hbm4b:s9+s2] =	stream.indirect_vreg.scatter [tilespmem:s13], [sflag:$0x3], $0x80, v4, vm0, $0xb8;
	[tilespmem:$0x10100] =	vst v63  }
0xe6: {  	s17 =	simm.s32 $0x3100;
	v3 =	vadd.s32 v1, v3  }
0xe7: {  	[hbm4b:s10+s2] =	stream.indirect_vreg.scatter [tilespmem:s17], [sflag:$0x3], $0x80, v4, vm0, $0xb8;
	[tilespmem:$0x10100] =	vst v63  }
0xe8: {  	s12 =	simm.s32 $0x3900  }
0xe9: {  	[hbm4b:s11+s2] =	stream.indirect_vreg.scatter [tilespmem:s12], [sflag:$0x3], $0x80, v4, vm0, $0xb8;
	[tilespmem:$0x10100] =	vst v63  }
0xea: {  	s25 =	simm.s32 $0x4100  }
0xeb: {  	[hbm4b:s4+s2] =	stream.indirect_vreg.scatter [tilespmem:s25], [sflag:$0x3], $0x80, v3, vm0, $0xb8;
	[tilespmem:$0x10100] =	vst v63  }
0xec: {  	s26 =	simm.s32 $0x4900  }
0xed: {  	[hbm4b:s5+s2] =	stream.indirect_vreg.scatter [tilespmem:s26], [sflag:$0x3], $0x80, v3, vm0, $0xb8;
	[tilespmem:$0x10100] =	vst v63  }
0xee: {  	s28 =	simm.s32 $0x5100  }
0xef: {  	[hbm4b:s6+s2] =	stream.indirect_vreg.scatter [tilespmem:s28], [sflag:$0x3], $0x80, v3, vm0, $0xb8;
	[tilespmem:$0x10100] =	vst v63  }
0xf0: {  	s29 =	simm.s32 $0x5900  }
0xf1: {  	[hbm4b:s7+s2] =	stream.indirect_vreg.scatter [tilespmem:s29], [sflag:$0x3], $0x80, v3, vm0, $0xb8;
	[tilespmem:$0x10100] =	vst v63  }
0xf2: {  	s30 =	simm.s32 $0x6100  }
0xf3: {  	[hbm4b:s8+s2] =	stream.indirect_vreg.scatter [tilespmem:s30], [sflag:$0x3], $0x80, v3, vm0, $0xb8;
	[tilespmem:$0x10100] =	vst v63  }
0xf4: {  	s31 =	simm.s32 $0x6900  }
0xf5: {  	[hbm4b:s9+s2] =	stream.indirect_vreg.scatter [tilespmem:s31], [sflag:$0x3], $0x80, v3, vm0, $0xb8;
	[tilespmem:$0x10100] =	vst v63  }
0xf6: {  	s13 =	simm.s32 $0x7100  }
0xf7: {  	[hbm4b:s10+s2] =	stream.indirect_vreg.scatter [tilespmem:s13], [sflag:$0x3], $0x80, v3, vm0, $0xb8;
	[tilespmem:$0x10100] =	vst v63  }
0xf8: {  	s18 =	simm.s32 $0x7900  }
0xf9: {  	[hbm4b:s11+s2] =	stream.indirect_vreg.scatter [tilespmem:s18], [sflag:$0x3], $0x80, v3, vm0, $0xb8;
	[tilespmem:$0x10100] =	vst v63  }
0xfa: {  	_ =	swait.ge [sflag:s0], $0x8000  }
0xfb: {  	[sflag:s0] =	ssyncset.done $0x0  }
0xfc: {  	s13 =	rddreg [dreg:$0x9];
	[sflag:s0] =	ssyncadd.s32 $0xFFFF8000  }
0xfd: {  	[tilespmem:s14], [sflag:$0x1] =	stream.linear.gather [hbm4b:s13+s2], $0x8000, $0x38;
	[tilespmem:$0x10100] =	vst v63  }
0xfe: {  	_ =	swait.ge [sflag:s3], $0x8000  }
0xff: {  	[sflag:s3] =	ssyncset.done $0x0  }
0x100: {  	[sflag:s3] =	ssyncadd.s32 $0xFFFF8000  }
0x101: {  	v3 =	vld [tilespmem:$0x50];
	_ =	sdelay $0x4  }
0x102: {  	v53 =	vshll.u32 v3, $0x4  }
0x103: {  	v3 =	vand.u32 $0x7, v3;
	v4 =	vand.u32 $0xFFFFFF80, v53  }
0x104: {  	v3 =	vor.u32 v3, v4  }
0x105: {  	v4 =	vperm.xlane v3, v0;
	_ =	sdelay $0x1  }
0x106: {  	v4 =	vadd.s32 v1, v4;
	_ =	sdelay $0x4  }
0x107: {  	[hbm4b:s4+s2] =	stream.indirect_vreg.scatter [tilespmem:s15], [sflag:$0x4], $0x80, v4, vm0, $0xb8;
	[tilespmem:$0x10100] =	vst v63  }
0x108: {  	s13 =	simm.s32 $0x8900  }
0x109: {  	[hbm4b:s5+s2] =	stream.indirect_vreg.scatter [tilespmem:s13], [sflag:$0x4], $0x80, v4, vm0, $0xb8;
	[tilespmem:$0x10100] =	vst v63  }
0x10a: {  	s13 =	simm.s32 $0x9100  }
0x10b: {  	[hbm4b:s6+s2] =	stream.indirect_vreg.scatter [tilespmem:s13], [sflag:$0x4], $0x80, v4, vm0, $0xb8;
	[tilespmem:$0x10100] =	vst v63  }
0x10c: {  	s13 =	simm.s32 $0x9900  }
0x10d: {  	[hbm4b:s7+s2] =	stream.indirect_vreg.scatter [tilespmem:s13], [sflag:$0x4], $0x80, v4, vm0, $0xb8;
	[tilespmem:$0x10100] =	vst v63  }
0x10e: {  	s13 =	simm.s32 $0xA100  }
0x10f: {  	[hbm4b:s8+s2] =	stream.indirect_vreg.scatter [tilespmem:s13], [sflag:$0x4], $0x80, v4, vm0, $0xb8;
	[tilespmem:$0x10100] =	vst v63  }
0x110: {  	v3 =	vperm.xlane v3, v2;
	s13 =	simm.s32 $0xA900  }
0x111: {  	[hbm4b:s9+s2] =	stream.indirect_vreg.scatter [tilespmem:s13], [sflag:$0x4], $0x80, v4, vm0, $0xb8;
	[tilespmem:$0x10100] =	vst v63  }
0x112: {  	s19 =	simm.s32 $0xB100;
	v3 =	vadd.s32 v1, v3  }
0x113: {  	[hbm4b:s10+s2] =	stream.indirect_vreg.scatter [tilespmem:s19], [sflag:$0x4], $0x80, v4, vm0, $0xb8;
	[tilespmem:$0x10100] =	vst v63  }
0x114: {  	s20 =	simm.s32 $0xB900  }
0x115: {  	[hbm4b:s11+s2] =	stream.indirect_vreg.scatter [tilespmem:s20], [sflag:$0x4], $0x80, v4, vm0, $0xb8;
	[tilespmem:$0x10100] =	vst v63  }
0x116: {  	s13 =	simm.s32 $0xC100  }
0x117: {  	[hbm4b:s4+s2] =	stream.indirect_vreg.scatter [tilespmem:s13], [sflag:$0x4], $0x80, v3, vm0, $0xb8;
	[tilespmem:$0x10100] =	vst v63  }
0x118: {  	s13 =	simm.s32 $0xC900  }
0x119: {  	[hbm4b:s5+s2] =	stream.indirect_vreg.scatter [tilespmem:s13], [sflag:$0x4], $0x80, v3, vm0, $0xb8;
	[tilespmem:$0x10100] =	vst v63  }
0x11a: {  	s13 =	simm.s32 $0xD100  }
0x11b: {  	[hbm4b:s6+s2] =	stream.indirect_vreg.scatter [tilespmem:s13], [sflag:$0x4], $0x80, v3, vm0, $0xb8;
	[tilespmem:$0x10100] =	vst v63  }
0x11c: {  	s13 =	simm.s32 $0xD900  }
0x11d: {  	[hbm4b:s7+s2] =	stream.indirect_vreg.scatter [tilespmem:s13], [sflag:$0x4], $0x80, v3, vm0, $0xb8;
	[tilespmem:$0x10100] =	vst v63  }
0x11e: {  	s13 =	simm.s32 $0xE100  }
0x11f: {  	[hbm4b:s8+s2] =	stream.indirect_vreg.scatter [tilespmem:s13], [sflag:$0x4], $0x80, v3, vm0, $0xb8;
	[tilespmem:$0x10100] =	vst v63  }
0x120: {  	s13 =	simm.s32 $0xE900  }
0x121: {  	[hbm4b:s9+s2] =	stream.indirect_vreg.scatter [tilespmem:s13], [sflag:$0x4], $0x80, v3, vm0, $0xb8;
	[tilespmem:$0x10100] =	vst v63  }
0x122: {  	s13 =	simm.s32 $0xF100  }
0x123: {  	[hbm4b:s10+s2] =	stream.indirect_vreg.scatter [tilespmem:s13], [sflag:$0x4], $0x80, v3, vm0, $0xb8;
	[tilespmem:$0x10100] =	vst v63  }
0x124: {  	s21 =	simm.s32 $0xF900  }
0x125: {  	[hbm4b:s11+s2] =	stream.indirect_vreg.scatter [tilespmem:s21], [sflag:$0x4], $0x80, v3, vm0, $0xb8;
	[tilespmem:$0x10100] =	vst v63  }
0x126: {  	_ =	swait.ge [sflag:s1], $0x8000  }
0x127: {  	[sflag:s1] =	ssyncset.done $0x0  }
0x128: {  	s13 =	rddreg [dreg:$0xa];
	[sflag:s1] =	ssyncadd.s32 $0xFFFF8000  }
0x129: {  	[tilespmem:s15], [sflag:$0x2] =	stream.linear.gather [hbm4b:s13+s2], $0x8000, $0x38;
	[tilespmem:$0x10100] =	vst v63  }
0x12a: {  	_ =	swait.ge [sflag:s16], $0x8000  }
0x12b: {  	[sflag:s16] =	ssyncset.done $0x0  }
0x12c: {  	[sflag:s16] =	ssyncadd.s32 $0xFFFF8000  }
0x12d: {  	v3 =	vld [tilespmem:$0x60];
	_ =	sdelay $0x4  }
0x12e: {  	v54 =	vshll.u32 v3, $0x4  }
0x12f: {  	v3 =	vand.u32 $0x7, v3;
	v4 =	vand.u32 $0xFFFFFF80, v54  }
0x130: {  	v3 =	vor.u32 v3, v4  }
0x131: {  	v4 =	vperm.xlane v3, v0;
	_ =	sdelay $0x1  }
0x132: {  	v4 =	vadd.s32 v1, v4;
	_ =	sdelay $0x4  }
0x133: {  	[hbm4b:s4+s2] =	stream.indirect_vreg.scatter [tilespmem:s14], [sflag:$0x3], $0x80, v4, vm0, $0xb8;
	[tilespmem:$0x10100] =	vst v63  }
0x134: {  	s22 =	simm.s32 $0x900  }
0x135: {  	[hbm4b:s5+s2] =	stream.indirect_vreg.scatter [tilespmem:s22], [sflag:$0x3], $0x80, v4, vm0, $0xb8;
	[tilespmem:$0x10100] =	vst v63  }
0x136: {  	s23 =	simm.s32 $0x1100  }
0x137: {  	[hbm4b:s6+s2] =	stream.indirect_vreg.scatter [tilespmem:s23], [sflag:$0x3], $0x80, v4, vm0, $0xb8;
	[tilespmem:$0x10100] =	vst v63  }
0x138: {  	s24 =	simm.s32 $0x1900  }
0x139: {  	[hbm4b:s7+s2] =	stream.indirect_vreg.scatter [tilespmem:s24], [sflag:$0x3], $0x80, v4, vm0, $0xb8;
	[tilespmem:$0x10100] =	vst v63  }
0x13a: {  	s13 =	simm.s32 $0x2100  }
0x13b: {  	[hbm4b:s8+s2] =	stream.indirect_vreg.scatter [tilespmem:s13], [sflag:$0x3], $0x80, v4, vm0, $0xb8;
	[tilespmem:$0x10100] =	vst v63  }
0x13c: {  	v3 =	vperm.xlane v3, v2;
	s13 =	simm.s32 $0x2900  }
0x13d: {  	[hbm4b:s9+s2] =	stream.indirect_vreg.scatter [tilespmem:s13], [sflag:$0x3], $0x80, v4, vm0, $0xb8;
	[tilespmem:$0x10100] =	vst v63  }
0x13e: {  	s17 =	simm.s32 $0x3100;
	v3 =	vadd.s32 v1, v3  }
0x13f: {  	[hbm4b:s10+s2] =	stream.indirect_vreg.scatter [tilespmem:s17], [sflag:$0x3], $0x80, v4, vm0, $0xb8;
	[tilespmem:$0x10100] =	vst v63  }
0x140: {  	s12 =	simm.s32 $0x3900  }
0x141: {  	[hbm4b:s11+s2] =	stream.indirect_vreg.scatter [tilespmem:s12], [sflag:$0x3], $0x80, v4, vm0, $0xb8;
	[tilespmem:$0x10100] =	vst v63  }
0x142: {  	s25 =	simm.s32 $0x4100  }
0x143: {  	[hbm4b:s4+s2] =	stream.indirect_vreg.scatter [tilespmem:s25], [sflag:$0x3], $0x80, v3, vm0, $0xb8;
	[tilespmem:$0x10100] =	vst v63  }
0x144: {  	s26 =	simm.s32 $0x4900  }
0x145: {  	[hbm4b:s5+s2] =	stream.indirect_vreg.scatter [tilespmem:s26], [sflag:$0x3], $0x80, v3, vm0, $0xb8;
	[tilespmem:$0x10100] =	vst v63  }
0x146: {  	s28 =	simm.s32 $0x5100  }
0x147: {  	[hbm4b:s6+s2] =	stream.indirect_vreg.scatter [tilespmem:s28], [sflag:$0x3], $0x80, v3, vm0, $0xb8;
	[tilespmem:$0x10100] =	vst v63  }
0x148: {  	s29 =	simm.s32 $0x5900  }
0x149: {  	[hbm4b:s7+s2] =	stream.indirect_vreg.scatter [tilespmem:s29], [sflag:$0x3], $0x80, v3, vm0, $0xb8;
	[tilespmem:$0x10100] =	vst v63  }
0x14a: {  	s30 =	simm.s32 $0x6100  }
0x14b: {  	[hbm4b:s8+s2] =	stream.indirect_vreg.scatter [tilespmem:s30], [sflag:$0x3], $0x80, v3, vm0, $0xb8;
	[tilespmem:$0x10100] =	vst v63  }
0x14c: {  	s31 =	simm.s32 $0x6900  }
0x14d: {  	[hbm4b:s9+s2] =	stream.indirect_vreg.scatter [tilespmem:s31], [sflag:$0x3], $0x80, v3, vm0, $0xb8;
	[tilespmem:$0x10100] =	vst v63  }
0x14e: {  	s13 =	simm.s32 $0x7100  }
0x14f: {  	[hbm4b:s10+s2] =	stream.indirect_vreg.scatter [tilespmem:s13], [sflag:$0x3], $0x80, v3, vm0, $0xb8;
	[tilespmem:$0x10100] =	vst v63  }
0x150: {  	s18 =	simm.s32 $0x7900  }
0x151: {  	[hbm4b:s11+s2] =	stream.indirect_vreg.scatter [tilespmem:s18], [sflag:$0x3], $0x80, v3, vm0, $0xb8;
	[tilespmem:$0x10100] =	vst v63  }
0x152: {  	_ =	swait.ge [sflag:s0], $0x8000  }
0x153: {  	[sflag:s0] =	ssyncset.done $0x0  }
0x154: {  	s13 =	rddreg [dreg:$0xb];
	[sflag:s0] =	ssyncadd.s32 $0xFFFF8000  }
0x155: {  	[tilespmem:s14], [sflag:$0x1] =	stream.linear.gather [hbm4b:s13+s2], $0x8000, $0x38;
	[tilespmem:$0x10100] =	vst v63  }
0x156: {  	_ =	swait.ge [sflag:s3], $0x8000  }
0x157: {  	[sflag:s3] =	ssyncset.done $0x0  }
0x158: {  	[sflag:s3] =	ssyncadd.s32 $0xFFFF8000  }
0x159: {  	v3 =	vld [tilespmem:$0x70];
	_ =	sdelay $0x4  }
0x15a: {  	v55 =	vshll.u32 v3, $0x4  }
0x15b: {  	v3 =	vand.u32 $0x7, v3;
	v4 =	vand.u32 $0xFFFFFF80, v55  }
0x15c: {  	v3 =	vor.u32 v3, v4  }
0x15d: {  	v4 =	vperm.xlane v3, v0;
	_ =	sdelay $0x1  }
0x15e: {  	v4 =	vadd.s32 v1, v4;
	_ =	sdelay $0x4  }
0x15f: {  	[hbm4b:s4+s2] =	stream.indirect_vreg.scatter [tilespmem:s15], [sflag:$0x4], $0x80, v4, vm0, $0xb8;
	[tilespmem:$0x10100] =	vst v63  }
0x160: {  	s13 =	simm.s32 $0x8900  }
0x161: {  	[hbm4b:s5+s2] =	stream.indirect_vreg.scatter [tilespmem:s13], [sflag:$0x4], $0x80, v4, vm0, $0xb8;
	[tilespmem:$0x10100] =	vst v63  }
0x162: {  	s13 =	simm.s32 $0x9100  }
0x163: {  	[hbm4b:s6+s2] =	stream.indirect_vreg.scatter [tilespmem:s13], [sflag:$0x4], $0x80, v4, vm0, $0xb8;
	[tilespmem:$0x10100] =	vst v63  }
0x164: {  	s13 =	simm.s32 $0x9900  }
0x165: {  	[hbm4b:s7+s2] =	stream.indirect_vreg.scatter [tilespmem:s13], [sflag:$0x4], $0x80, v4, vm0, $0xb8;
	[tilespmem:$0x10100] =	vst v63  }
0x166: {  	s13 =	simm.s32 $0xA100  }
0x167: {  	[hbm4b:s8+s2] =	stream.indirect_vreg.scatter [tilespmem:s13], [sflag:$0x4], $0x80, v4, vm0, $0xb8;
	[tilespmem:$0x10100] =	vst v63  }
0x168: {  	v3 =	vperm.xlane v3, v2;
	s13 =	simm.s32 $0xA900  }
0x169: {  	[hbm4b:s9+s2] =	stream.indirect_vreg.scatter [tilespmem:s13], [sflag:$0x4], $0x80, v4, vm0, $0xb8;
	[tilespmem:$0x10100] =	vst v63  }
0x16a: {  	s19 =	simm.s32 $0xB100;
	v3 =	vadd.s32 v1, v3  }
0x16b: {  	[hbm4b:s10+s2] =	stream.indirect_vreg.scatter [tilespmem:s19], [sflag:$0x4], $0x80, v4, vm0, $0xb8;
	[tilespmem:$0x10100] =	vst v63  }
0x16c: {  	s20 =	simm.s32 $0xB900  }
0x16d: {  	[hbm4b:s11+s2] =	stream.indirect_vreg.scatter [tilespmem:s20], [sflag:$0x4], $0x80, v4, vm0, $0xb8;
	[tilespmem:$0x10100] =	vst v63  }
0x16e: {  	s13 =	simm.s32 $0xC100  }
0x16f: {  	[hbm4b:s4+s2] =	stream.indirect_vreg.scatter [tilespmem:s13], [sflag:$0x4], $0x80, v3, vm0, $0xb8;
	[tilespmem:$0x10100] =	vst v63  }
0x170: {  	s13 =	simm.s32 $0xC900  }
0x171: {  	[hbm4b:s5+s2] =	stream.indirect_vreg.scatter [tilespmem:s13], [sflag:$0x4], $0x80, v3, vm0, $0xb8;
	[tilespmem:$0x10100] =	vst v63  }
0x172: {  	s13 =	simm.s32 $0xD100  }
0x173: {  	[hbm4b:s6+s2] =	stream.indirect_vreg.scatter [tilespmem:s13], [sflag:$0x4], $0x80, v3, vm0, $0xb8;
	[tilespmem:$0x10100] =	vst v63  }
0x174: {  	s13 =	simm.s32 $0xD900  }
0x175: {  	[hbm4b:s7+s2] =	stream.indirect_vreg.scatter [tilespmem:s13], [sflag:$0x4], $0x80, v3, vm0, $0xb8;
	[tilespmem:$0x10100] =	vst v63  }
0x176: {  	s13 =	simm.s32 $0xE100  }
0x177: {  	[hbm4b:s8+s2] =	stream.indirect_vreg.scatter [tilespmem:s13], [sflag:$0x4], $0x80, v3, vm0, $0xb8;
	[tilespmem:$0x10100] =	vst v63  }
0x178: {  	s13 =	simm.s32 $0xE900  }
0x179: {  	[hbm4b:s9+s2] =	stream.indirect_vreg.scatter [tilespmem:s13], [sflag:$0x4], $0x80, v3, vm0, $0xb8;
	[tilespmem:$0x10100] =	vst v63  }
0x17a: {  	s13 =	simm.s32 $0xF100  }
0x17b: {  	[hbm4b:s10+s2] =	stream.indirect_vreg.scatter [tilespmem:s13], [sflag:$0x4], $0x80, v3, vm0, $0xb8;
	[tilespmem:$0x10100] =	vst v63  }
0x17c: {  	s21 =	simm.s32 $0xF900  }
0x17d: {  	[hbm4b:s11+s2] =	stream.indirect_vreg.scatter [tilespmem:s21], [sflag:$0x4], $0x80, v3, vm0, $0xb8;
	[tilespmem:$0x10100] =	vst v63  }
0x17e: {  	_ =	swait.ge [sflag:s1], $0x8000  }
0x17f: {  	[sflag:s1] =	ssyncset.done $0x0  }
0x180: {  	s13 =	rddreg [dreg:$0xc];
	[sflag:s1] =	ssyncadd.s32 $0xFFFF8000  }
0x181: {  	[tilespmem:s15], [sflag:$0x2] =	stream.linear.gather [hbm4b:s13+s2], $0x8000, $0x38;
	[tilespmem:$0x10100] =	vst v63  }
0x182: {  	_ =	swait.ge [sflag:s16], $0x8000  }
0x183: {  	[sflag:s16] =	ssyncset.done $0x0  }
0x184: {  	[sflag:s16] =	ssyncadd.s32 $0xFFFF8000  }
0x185: {  	v3 =	vld [tilespmem:$0x80];
	_ =	sdelay $0x4  }
0x186: {  	v56 =	vshll.u32 v3, $0x4  }
0x187: {  	v3 =	vand.u32 $0x7, v3;
	v4 =	vand.u32 $0xFFFFFF80, v56  }
0x188: {  	v3 =	vor.u32 v3, v4  }
0x189: {  	v4 =	vperm.xlane v3, v0;
	_ =	sdelay $0x1  }
0x18a: {  	v4 =	vadd.s32 v1, v4;
	_ =	sdelay $0x4  }
0x18b: {  	[hbm4b:s4+s2] =	stream.indirect_vreg.scatter [tilespmem:s14], [sflag:$0x3], $0x80, v4, vm0, $0xb8;
	[tilespmem:$0x10100] =	vst v63  }
0x18c: {  	s22 =	simm.s32 $0x900  }
0x18d: {  	[hbm4b:s5+s2] =	stream.indirect_vreg.scatter [tilespmem:s22], [sflag:$0x3], $0x80, v4, vm0, $0xb8;
	[tilespmem:$0x10100] =	vst v63  }
0x18e: {  	s23 =	simm.s32 $0x1100  }
0x18f: {  	[hbm4b:s6+s2] =	stream.indirect_vreg.scatter [tilespmem:s23], [sflag:$0x3], $0x80, v4, vm0, $0xb8;
	[tilespmem:$0x10100] =	vst v63  }
0x190: {  	s24 =	simm.s32 $0x1900  }
0x191: {  	[hbm4b:s7+s2] =	stream.indirect_vreg.scatter [tilespmem:s24], [sflag:$0x3], $0x80, v4, vm0, $0xb8;
	[tilespmem:$0x10100] =	vst v63  }
0x192: {  	s13 =	simm.s32 $0x2100  }
0x193: {  	[hbm4b:s8+s2] =	stream.indirect_vreg.scatter [tilespmem:s13], [sflag:$0x3], $0x80, v4, vm0, $0xb8;
	[tilespmem:$0x10100] =	vst v63  }
0x194: {  	v3 =	vperm.xlane v3, v2;
	s13 =	simm.s32 $0x2900  }
0x195: {  	[hbm4b:s9+s2] =	stream.indirect_vreg.scatter [tilespmem:s13], [sflag:$0x3], $0x80, v4, vm0, $0xb8;
	[tilespmem:$0x10100] =	vst v63  }
0x196: {  	s17 =	simm.s32 $0x3100;
	v3 =	vadd.s32 v1, v3  }
0x197: {  	[hbm4b:s10+s2] =	stream.indirect_vreg.scatter [tilespmem:s17], [sflag:$0x3], $0x80, v4, vm0, $0xb8;
	[tilespmem:$0x10100] =	vst v63  }
0x198: {  	s12 =	simm.s32 $0x3900  }
0x199: {  	[hbm4b:s11+s2] =	stream.indirect_vreg.scatter [tilespmem:s12], [sflag:$0x3], $0x80, v4, vm0, $0xb8;
	[tilespmem:$0x10100] =	vst v63  }
0x19a: {  	s25 =	simm.s32 $0x4100  }
0x19b: {  	[hbm4b:s4+s2] =	stream.indirect_vreg.scatter [tilespmem:s25], [sflag:$0x3], $0x80, v3, vm0, $0xb8;
	[tilespmem:$0x10100] =	vst v63  }
0x19c: {  	s26 =	simm.s32 $0x4900  }
0x19d: {  	[hbm4b:s5+s2] =	stream.indirect_vreg.scatter [tilespmem:s26], [sflag:$0x3], $0x80, v3, vm0, $0xb8;
	[tilespmem:$0x10100] =	vst v63  }
0x19e: {  	s28 =	simm.s32 $0x5100  }
0x19f: {  	[hbm4b:s6+s2] =	stream.indirect_vreg.scatter [tilespmem:s28], [sflag:$0x3], $0x80, v3, vm0, $0xb8;
	[tilespmem:$0x10100] =	vst v63  }
0x1a0: {  	s29 =	simm.s32 $0x5900  }
0x1a1: {  	[hbm4b:s7+s2] =	stream.indirect_vreg.scatter [tilespmem:s29], [sflag:$0x3], $0x80, v3, vm0, $0xb8;
	[tilespmem:$0x10100] =	vst v63  }
0x1a2: {  	s30 =	simm.s32 $0x6100  }
0x1a3: {  	[hbm4b:s8+s2] =	stream.indirect_vreg.scatter [tilespmem:s30], [sflag:$0x3], $0x80, v3, vm0, $0xb8;
	[tilespmem:$0x10100] =	vst v63  }
0x1a4: {  	s31 =	simm.s32 $0x6900  }
0x1a5: {  	[hbm4b:s9+s2] =	stream.indirect_vreg.scatter [tilespmem:s31], [sflag:$0x3], $0x80, v3, vm0, $0xb8;
	[tilespmem:$0x10100] =	vst v63  }
0x1a6: {  	s13 =	simm.s32 $0x7100  }
0x1a7: {  	[hbm4b:s10+s2] =	stream.indirect_vreg.scatter [tilespmem:s13], [sflag:$0x3], $0x80, v3, vm0, $0xb8;
	[tilespmem:$0x10100] =	vst v63  }
0x1a8: {  	s18 =	simm.s32 $0x7900  }
0x1a9: {  	[hbm4b:s11+s2] =	stream.indirect_vreg.scatter [tilespmem:s18], [sflag:$0x3], $0x80, v3, vm0, $0xb8;
	[tilespmem:$0x10100] =	vst v63  }
0x1aa: {  	_ =	swait.ge [sflag:s0], $0x8000  }
0x1ab: {  	[sflag:s0] =	ssyncset.done $0x0  }
0x1ac: {  	s13 =	rddreg [dreg:$0xd];
	[sflag:s0] =	ssyncadd.s32 $0xFFFF8000  }
0x1ad: {  	[tilespmem:s14], [sflag:$0x1] =	stream.linear.gather [hbm4b:s13+s2], $0x8000, $0x38;
	[tilespmem:$0x10100] =	vst v63  }
0x1ae: {  	_ =	swait.ge [sflag:s3], $0x8000  }
0x1af: {  	[sflag:s3] =	ssyncset.done $0x0  }
0x1b0: {  	[sflag:s3] =	ssyncadd.s32 $0xFFFF8000  }
0x1b1: {  	v3 =	vld [tilespmem:$0x90];
	_ =	sdelay $0x4  }
0x1b2: {  	v57 =	vshll.u32 v3, $0x4  }
0x1b3: {  	v3 =	vand.u32 $0x7, v3;
	v4 =	vand.u32 $0xFFFFFF80, v57  }
0x1b4: {  	v3 =	vor.u32 v3, v4  }
0x1b5: {  	v4 =	vperm.xlane v3, v0;
	_ =	sdelay $0x1  }
0x1b6: {  	v4 =	vadd.s32 v1, v4;
	_ =	sdelay $0x4  }
0x1b7: {  	[hbm4b:s4+s2] =	stream.indirect_vreg.scatter [tilespmem:s15], [sflag:$0x4], $0x80, v4, vm0, $0xb8;
	[tilespmem:$0x10100] =	vst v63  }
0x1b8: {  	s13 =	simm.s32 $0x8900  }
0x1b9: {  	[hbm4b:s5+s2] =	stream.indirect_vreg.scatter [tilespmem:s13], [sflag:$0x4], $0x80, v4, vm0, $0xb8;
	[tilespmem:$0x10100] =	vst v63  }
0x1ba: {  	s13 =	simm.s32 $0x9100  }
0x1bb: {  	[hbm4b:s6+s2] =	stream.indirect_vreg.scatter [tilespmem:s13], [sflag:$0x4], $0x80, v4, vm0, $0xb8;
	[tilespmem:$0x10100] =	vst v63  }
0x1bc: {  	s13 =	simm.s32 $0x9900  }
0x1bd: {  	[hbm4b:s7+s2] =	stream.indirect_vreg.scatter [tilespmem:s13], [sflag:$0x4], $0x80, v4, vm0, $0xb8;
	[tilespmem:$0x10100] =	vst v63  }
0x1be: {  	s13 =	simm.s32 $0xA100  }
0x1bf: {  	[hbm4b:s8+s2] =	stream.indirect_vreg.scatter [tilespmem:s13], [sflag:$0x4], $0x80, v4, vm0, $0xb8;
	[tilespmem:$0x10100] =	vst v63  }
0x1c0: {  	v3 =	vperm.xlane v3, v2;
	s13 =	simm.s32 $0xA900  }
0x1c1: {  	[hbm4b:s9+s2] =	stream.indirect_vreg.scatter [tilespmem:s13], [sflag:$0x4], $0x80, v4, vm0, $0xb8;
	[tilespmem:$0x10100] =	vst v63  }
0x1c2: {  	s19 =	simm.s32 $0xB100;
	v3 =	vadd.s32 v1, v3  }
0x1c3: {  	[hbm4b:s10+s2] =	stream.indirect_vreg.scatter [tilespmem:s19], [sflag:$0x4], $0x80, v4, vm0, $0xb8;
	[tilespmem:$0x10100] =	vst v63  }
0x1c4: {  	s20 =	simm.s32 $0xB900  }
0x1c5: {  	[hbm4b:s11+s2] =	stream.indirect_vreg.scatter [tilespmem:s20], [sflag:$0x4], $0x80, v4, vm0, $0xb8;
	[tilespmem:$0x10100] =	vst v63  }
0x1c6: {  	s13 =	simm.s32 $0xC100  }
0x1c7: {  	[hbm4b:s4+s2] =	stream.indirect_vreg.scatter [tilespmem:s13], [sflag:$0x4], $0x80, v3, vm0, $0xb8;
	[tilespmem:$0x10100] =	vst v63  }
0x1c8: {  	s13 =	simm.s32 $0xC900  }
0x1c9: {  	[hbm4b:s5+s2] =	stream.indirect_vreg.scatter [tilespmem:s13], [sflag:$0x4], $0x80, v3, vm0, $0xb8;
	[tilespmem:$0x10100] =	vst v63  }
0x1ca: {  	s13 =	simm.s32 $0xD100  }
0x1cb: {  	[hbm4b:s6+s2] =	stream.indirect_vreg.scatter [tilespmem:s13], [sflag:$0x4], $0x80, v3, vm0, $0xb8;
	[tilespmem:$0x10100] =	vst v63  }
0x1cc: {  	s13 =	simm.s32 $0xD900  }
0x1cd: {  	[hbm4b:s7+s2] =	stream.indirect_vreg.scatter [tilespmem:s13], [sflag:$0x4], $0x80, v3, vm0, $0xb8;
	[tilespmem:$0x10100] =	vst v63  }
0x1ce: {  	s13 =	simm.s32 $0xE100  }
0x1cf: {  	[hbm4b:s8+s2] =	stream.indirect_vreg.scatter [tilespmem:s13], [sflag:$0x4], $0x80, v3, vm0, $0xb8;
	[tilespmem:$0x10100] =	vst v63  }
0x1d0: {  	s13 =	simm.s32 $0xE900  }
0x1d1: {  	[hbm4b:s9+s2] =	stream.indirect_vreg.scatter [tilespmem:s13], [sflag:$0x4], $0x80, v3, vm0, $0xb8;
	[tilespmem:$0x10100] =	vst v63  }
0x1d2: {  	s13 =	simm.s32 $0xF100  }
0x1d3: {  	[hbm4b:s10+s2] =	stream.indirect_vreg.scatter [tilespmem:s13], [sflag:$0x4], $0x80, v3, vm0, $0xb8;
	[tilespmem:$0x10100] =	vst v63  }
0x1d4: {  	s21 =	simm.s32 $0xF900  }
0x1d5: {  	[hbm4b:s11+s2] =	stream.indirect_vreg.scatter [tilespmem:s21], [sflag:$0x4], $0x80, v3, vm0, $0xb8;
	[tilespmem:$0x10100] =	vst v63  }
0x1d6: {  	_ =	swait.ge [sflag:s1], $0x8000  }
0x1d7: {  	[sflag:s1] =	ssyncset.done $0x0  }
0x1d8: {  	s13 =	rddreg [dreg:$0xe];
	[sflag:s1] =	ssyncadd.s32 $0xFFFF8000  }
0x1d9: {  	[tilespmem:s15], [sflag:$0x2] =	stream.linear.gather [hbm4b:s13+s2], $0x8000, $0x38;
	[tilespmem:$0x10100] =	vst v63  }
0x1da: {  	_ =	swait.ge [sflag:s16], $0x8000  }
0x1db: {  	[sflag:s16] =	ssyncset.done $0x0  }
0x1dc: {  	[sflag:s16] =	ssyncadd.s32 $0xFFFF8000  }
0x1dd: {  	v3 =	vld [tilespmem:$0xA0];
	_ =	sdelay $0x4  }
0x1de: {  	v58 =	vshll.u32 v3, $0x4  }
0x1df: {  	v3 =	vand.u32 $0x7, v3;
	v4 =	vand.u32 $0xFFFFFF80, v58  }
0x1e0: {  	v3 =	vor.u32 v3, v4  }
0x1e1: {  	v4 =	vperm.xlane v3, v0;
	_ =	sdelay $0x1  }
0x1e2: {  	v4 =	vadd.s32 v1, v4;
	_ =	sdelay $0x4  }
0x1e3: {  	[hbm4b:s4+s2] =	stream.indirect_vreg.scatter [tilespmem:s14], [sflag:$0x3], $0x80, v4, vm0, $0xb8;
	[tilespmem:$0x10100] =	vst v63  }
0x1e4: {  	s22 =	simm.s32 $0x900  }
0x1e5: {  	[hbm4b:s5+s2] =	stream.indirect_vreg.scatter [tilespmem:s22], [sflag:$0x3], $0x80, v4, vm0, $0xb8;
	[tilespmem:$0x10100] =	vst v63  }
0x1e6: {  	s23 =	simm.s32 $0x1100  }
0x1e7: {  	[hbm4b:s6+s2] =	stream.indirect_vreg.scatter [tilespmem:s23], [sflag:$0x3], $0x80, v4, vm0, $0xb8;
	[tilespmem:$0x10100] =	vst v63  }
0x1e8: {  	s24 =	simm.s32 $0x1900  }
0x1e9: {  	[hbm4b:s7+s2] =	stream.indirect_vreg.scatter [tilespmem:s24], [sflag:$0x3], $0x80, v4, vm0, $0xb8;
	[tilespmem:$0x10100] =	vst v63  }
0x1ea: {  	s13 =	simm.s32 $0x2100  }
0x1eb: {  	[hbm4b:s8+s2] =	stream.indirect_vreg.scatter [tilespmem:s13], [sflag:$0x3], $0x80, v4, vm0, $0xb8;
	[tilespmem:$0x10100] =	vst v63  }
0x1ec: {  	v3 =	vperm.xlane v3, v2;
	s13 =	simm.s32 $0x2900  }
0x1ed: {  	[hbm4b:s9+s2] =	stream.indirect_vreg.scatter [tilespmem:s13], [sflag:$0x3], $0x80, v4, vm0, $0xb8;
	[tilespmem:$0x10100] =	vst v63  }
0x1ee: {  	s17 =	simm.s32 $0x3100;
	v3 =	vadd.s32 v1, v3  }
0x1ef: {  	[hbm4b:s10+s2] =	stream.indirect_vreg.scatter [tilespmem:s17], [sflag:$0x3], $0x80, v4, vm0, $0xb8;
	[tilespmem:$0x10100] =	vst v63  }
0x1f0: {  	s12 =	simm.s32 $0x3900  }
0x1f1: {  	[hbm4b:s11+s2] =	stream.indirect_vreg.scatter [tilespmem:s12], [sflag:$0x3], $0x80, v4, vm0, $0xb8;
	[tilespmem:$0x10100] =	vst v63  }
0x1f2: {  	s25 =	simm.s32 $0x4100  }
0x1f3: {  	[hbm4b:s4+s2] =	stream.indirect_vreg.scatter [tilespmem:s25], [sflag:$0x3], $0x80, v3, vm0, $0xb8;
	[tilespmem:$0x10100] =	vst v63  }
0x1f4: {  	s26 =	simm.s32 $0x4900  }
0x1f5: {  	[hbm4b:s5+s2] =	stream.indirect_vreg.scatter [tilespmem:s26], [sflag:$0x3], $0x80, v3, vm0, $0xb8;
	[tilespmem:$0x10100] =	vst v63  }
0x1f6: {  	s28 =	simm.s32 $0x5100  }
0x1f7: {  	[hbm4b:s6+s2] =	stream.indirect_vreg.scatter [tilespmem:s28], [sflag:$0x3], $0x80, v3, vm0, $0xb8;
	[tilespmem:$0x10100] =	vst v63  }
0x1f8: {  	s29 =	simm.s32 $0x5900  }
0x1f9: {  	[hbm4b:s7+s2] =	stream.indirect_vreg.scatter [tilespmem:s29], [sflag:$0x3], $0x80, v3, vm0, $0xb8;
	[tilespmem:$0x10100] =	vst v63  }
0x1fa: {  	s30 =	simm.s32 $0x6100  }
0x1fb: {  	[hbm4b:s8+s2] =	stream.indirect_vreg.scatter [tilespmem:s30], [sflag:$0x3], $0x80, v3, vm0, $0xb8;
	[tilespmem:$0x10100] =	vst v63  }
0x1fc: {  	s31 =	simm.s32 $0x6900  }
0x1fd: {  	[hbm4b:s9+s2] =	stream.indirect_vreg.scatter [tilespmem:s31], [sflag:$0x3], $0x80, v3, vm0, $0xb8;
	[tilespmem:$0x10100] =	vst v63  }
0x1fe: {  	s31 =	simm.s32 $0x7100  }
0x1ff: {  	[hbm4b:s10+s2] =	stream.indirect_vreg.scatter [tilespmem:s31], [sflag:$0x3], $0x80, v3, vm0, $0xb8;
	[tilespmem:$0x10100] =	vst v63  }
0x200: {  	s18 =	simm.s32 $0x7900  }
0x201: {  	[hbm4b:s11+s2] =	stream.indirect_vreg.scatter [tilespmem:s18], [sflag:$0x3], $0x80, v3, vm0, $0xb8;
	[tilespmem:$0x10100] =	vst v63  }
0x202: {  	_ =	swait.ge [sflag:s0], $0x8000  }
0x203: {  	[sflag:s0] =	ssyncset.done $0x0  }
0x204: {  	s31 =	rddreg [dreg:$0xf];
	[sflag:s0] =	ssyncadd.s32 $0xFFFF8000  }
0x205: {  	[tilespmem:s14], [sflag:$0x1] =	stream.linear.gather [hbm4b:s31+s2], $0x8000, $0x38;
	[tilespmem:$0x10100] =	vst v63  }
0x206: {  	_ =	swait.ge [sflag:s3], $0x8000  }
0x207: {  	[sflag:s3] =	ssyncset.done $0x0  }
0x208: {  	[sflag:s3] =	ssyncadd.s32 $0xFFFF8000  }
0x209: {  	v3 =	vld [tilespmem:$0xB0];
	_ =	sdelay $0x4  }
0x20a: {  	v59 =	vshll.u32 v3, $0x4  }
0x20b: {  	v3 =	vand.u32 $0x7, v3;
	v4 =	vand.u32 $0xFFFFFF80, v59  }
0x20c: {  	v3 =	vor.u32 v3, v4  }
0x20d: {  	v4 =	vperm.xlane v3, v0;
	_ =	sdelay $0x1  }
0x20e: {  	v4 =	vadd.s32 v1, v4;
	_ =	sdelay $0x4  }
0x20f: {  	[hbm4b:s4+s2] =	stream.indirect_vreg.scatter [tilespmem:s15], [sflag:$0x4], $0x80, v4, vm0, $0xb8;
	[tilespmem:$0x10100] =	vst v63  }
0x210: {  	s18 =	simm.s32 $0x8900  }
0x211: {  	[hbm4b:s5+s2] =	stream.indirect_vreg.scatter [tilespmem:s18], [sflag:$0x4], $0x80, v4, vm0, $0xb8;
	[tilespmem:$0x10100] =	vst v63  }
0x212: {  	s31 =	simm.s32 $0x9100  }
0x213: {  	[hbm4b:s6+s2] =	stream.indirect_vreg.scatter [tilespmem:s31], [sflag:$0x4], $0x80, v4, vm0, $0xb8;
	[tilespmem:$0x10100] =	vst v63  }
0x214: {  	s18 =	simm.s32 $0x9900  }
0x215: {  	[hbm4b:s7+s2] =	stream.indirect_vreg.scatter [tilespmem:s18], [sflag:$0x4], $0x80, v4, vm0, $0xb8;
	[tilespmem:$0x10100] =	vst v63  }
0x216: {  	s31 =	simm.s32 $0xA100  }
0x217: {  	[hbm4b:s8+s2] =	stream.indirect_vreg.scatter [tilespmem:s31], [sflag:$0x4], $0x80, v4, vm0, $0xb8;
	[tilespmem:$0x10100] =	vst v63  }
0x218: {  	v3 =	vperm.xlane v3, v2;
	s18 =	simm.s32 $0xA900  }
0x219: {  	[hbm4b:s9+s2] =	stream.indirect_vreg.scatter [tilespmem:s18], [sflag:$0x4], $0x80, v4, vm0, $0xb8;
	[tilespmem:$0x10100] =	vst v63  }
0x21a: {  	s19 =	simm.s32 $0xB100;
	v3 =	vadd.s32 v1, v3  }
0x21b: {  	[hbm4b:s10+s2] =	stream.indirect_vreg.scatter [tilespmem:s19], [sflag:$0x4], $0x80, v4, vm0, $0xb8;
	[tilespmem:$0x10100] =	vst v63  }
0x21c: {  	s20 =	simm.s32 $0xB900  }
0x21d: {  	[hbm4b:s11+s2] =	stream.indirect_vreg.scatter [tilespmem:s20], [sflag:$0x4], $0x80, v4, vm0, $0xb8;
	[tilespmem:$0x10100] =	vst v63  }
0x21e: {  	s20 =	simm.s32 $0xC100  }
0x21f: {  	[hbm4b:s4+s2] =	stream.indirect_vreg.scatter [tilespmem:s20], [sflag:$0x4], $0x80, v3, vm0, $0xb8;
	[tilespmem:$0x10100] =	vst v63  }
0x220: {  	s31 =	simm.s32 $0xC900  }
0x221: {  	[hbm4b:s5+s2] =	stream.indirect_vreg.scatter [tilespmem:s31], [sflag:$0x4], $0x80, v3, vm0, $0xb8;
	[tilespmem:$0x10100] =	vst v63  }
0x222: {  	s18 =	simm.s32 $0xD100  }
0x223: {  	[hbm4b:s6+s2] =	stream.indirect_vreg.scatter [tilespmem:s18], [sflag:$0x4], $0x80, v3, vm0, $0xb8;
	[tilespmem:$0x10100] =	vst v63  }
0x224: {  	s19 =	simm.s32 $0xD900  }
0x225: {  	[hbm4b:s7+s2] =	stream.indirect_vreg.scatter [tilespmem:s19], [sflag:$0x4], $0x80, v3, vm0, $0xb8;
	[tilespmem:$0x10100] =	vst v63  }
0x226: {  	s20 =	simm.s32 $0xE100  }
0x227: {  	[hbm4b:s8+s2] =	stream.indirect_vreg.scatter [tilespmem:s20], [sflag:$0x4], $0x80, v3, vm0, $0xb8;
	[tilespmem:$0x10100] =	vst v63  }
0x228: {  	s31 =	simm.s32 $0xE900  }
0x229: {  	[hbm4b:s9+s2] =	stream.indirect_vreg.scatter [tilespmem:s31], [sflag:$0x4], $0x80, v3, vm0, $0xb8;
	[tilespmem:$0x10100] =	vst v63  }
0x22a: {  	s18 =	simm.s32 $0xF100  }
0x22b: {  	[hbm4b:s10+s2] =	stream.indirect_vreg.scatter [tilespmem:s18], [sflag:$0x4], $0x80, v3, vm0, $0xb8;
	[tilespmem:$0x10100] =	vst v63  }
0x22c: {  	s21 =	simm.s32 $0xF900  }
0x22d: {  	[hbm4b:s11+s2] =	stream.indirect_vreg.scatter [tilespmem:s21], [sflag:$0x4], $0x80, v3, vm0, $0xb8;
	[tilespmem:$0x10100] =	vst v63  }
0x22e: {  	_ =	swait.ge [sflag:s1], $0x8000  }
0x22f: {  	[sflag:s1] =	ssyncset.done $0x0  }
0x230: {  	s19 =	rddreg [dreg:$0x10];
	[sflag:s1] =	ssyncadd.s32 $0xFFFF8000  }
0x231: {  	[tilespmem:s15], [sflag:$0x2] =	stream.linear.gather [hbm4b:s19+s2], $0x8000, $0x38;
	[tilespmem:$0x10100] =	vst v63  }
0x232: {  	_ =	swait.ge [sflag:s16], $0x8000  }
0x233: {  	[sflag:s16] =	ssyncset.done $0x0  }
0x234: {  	[sflag:s16] =	ssyncadd.s32 $0xFFFF8000  }
0x235: {  	v3 =	vld [tilespmem:$0xC0];
	_ =	sdelay $0x4  }
0x236: {  	v60 =	vshll.u32 v3, $0x4  }
0x237: {  	v3 =	vand.u32 $0x7, v3;
	v4 =	vand.u32 $0xFFFFFF80, v60  }
0x238: {  	v3 =	vor.u32 v3, v4  }
0x239: {  	v4 =	vperm.xlane v3, v0;
	_ =	sdelay $0x1  }
0x23a: {  	v4 =	vadd.s32 v1, v4;
	_ =	sdelay $0x4  }
0x23b: {  	[hbm4b:s4+s2] =	stream.indirect_vreg.scatter [tilespmem:s14], [sflag:$0x3], $0x80, v4, vm0, $0xb8;
	[tilespmem:$0x10100] =	vst v63  }
0x23c: {  	s22 =	simm.s32 $0x900  }
0x23d: {  	[hbm4b:s5+s2] =	stream.indirect_vreg.scatter [tilespmem:s22], [sflag:$0x3], $0x80, v4, vm0, $0xb8;
	[tilespmem:$0x10100] =	vst v63  }
0x23e: {  	s23 =	simm.s32 $0x1100  }
0x23f: {  	[hbm4b:s6+s2] =	stream.indirect_vreg.scatter [tilespmem:s23], [sflag:$0x3], $0x80, v4, vm0, $0xb8;
	[tilespmem:$0x10100] =	vst v63  }
0x240: {  	s24 =	simm.s32 $0x1900  }
0x241: {  	[hbm4b:s7+s2] =	stream.indirect_vreg.scatter [tilespmem:s24], [sflag:$0x3], $0x80, v4, vm0, $0xb8;
	[tilespmem:$0x10100] =	vst v63  }
0x242: {  	s20 =	simm.s32 $0x2100  }
0x243: {  	[hbm4b:s8+s2] =	stream.indirect_vreg.scatter [tilespmem:s20], [sflag:$0x3], $0x80, v4, vm0, $0xb8;
	[tilespmem:$0x10100] =	vst v63  }
0x244: {  	s21 =	simm.s32 $0x2900;
	v3 =	vperm.xlane v3, v2  }
0x245: {  	[hbm4b:s9+s2] =	stream.indirect_vreg.scatter [tilespmem:s21], [sflag:$0x3], $0x80, v4, vm0, $0xb8;
	[tilespmem:$0x10100] =	vst v63  }
0x246: {  	s17 =	simm.s32 $0x3100;
	v3 =	vadd.s32 v1, v3  }
0x247: {  	[hbm4b:s10+s2] =	stream.indirect_vreg.scatter [tilespmem:s17], [sflag:$0x3], $0x80, v4, vm0, $0xb8;
	[tilespmem:$0x10100] =	vst v63  }
0x248: {  	s12 =	simm.s32 $0x3900  }
0x249: {  	[hbm4b:s11+s2] =	stream.indirect_vreg.scatter [tilespmem:s12], [sflag:$0x3], $0x80, v4, vm0, $0xb8;
	[tilespmem:$0x10100] =	vst v63  }
0x24a: {  	s25 =	simm.s32 $0x4100  }
0x24b: {  	[hbm4b:s4+s2] =	stream.indirect_vreg.scatter [tilespmem:s25], [sflag:$0x3], $0x80, v3, vm0, $0xb8;
	[tilespmem:$0x10100] =	vst v63  }
0x24c: {  	s26 =	simm.s32 $0x4900  }
0x24d: {  	[hbm4b:s5+s2] =	stream.indirect_vreg.scatter [tilespmem:s26], [sflag:$0x3], $0x80, v3, vm0, $0xb8;
	[tilespmem:$0x10100] =	vst v63  }
0x24e: {  	s28 =	simm.s32 $0x5100  }
0x24f: {  	[hbm4b:s6+s2] =	stream.indirect_vreg.scatter [tilespmem:s28], [sflag:$0x3], $0x80, v3, vm0, $0xb8;
	[tilespmem:$0x10100] =	vst v63  }
0x250: {  	s29 =	simm.s32 $0x5900  }
0x251: {  	[hbm4b:s7+s2] =	stream.indirect_vreg.scatter [tilespmem:s29], [sflag:$0x3], $0x80, v3, vm0, $0xb8;
	[tilespmem:$0x10100] =	vst v63  }
0x252: {  	s30 =	simm.s32 $0x6100  }
0x253: {  	[hbm4b:s8+s2] =	stream.indirect_vreg.scatter [tilespmem:s30], [sflag:$0x3], $0x80, v3, vm0, $0xb8;
	[tilespmem:$0x10100] =	vst v63  }
0x254: {  	s22 =	simm.s32 $0x6900  }
0x255: {  	[hbm4b:s9+s2] =	stream.indirect_vreg.scatter [tilespmem:s22], [sflag:$0x3], $0x80, v3, vm0, $0xb8;
	[tilespmem:$0x10100] =	vst v63  }
0x256: {  	s23 =	simm.s32 $0x7100  }
0x257: {  	[hbm4b:s10+s2] =	stream.indirect_vreg.scatter [tilespmem:s23], [sflag:$0x3], $0x80, v3, vm0, $0xb8;
	[tilespmem:$0x10100] =	vst v63  }
0x258: {  	s24 =	simm.s32 $0x7900  }
0x259: {  	[hbm4b:s11+s2] =	stream.indirect_vreg.scatter [tilespmem:s24], [sflag:$0x3], $0x80, v3, vm0, $0xb8;
	[tilespmem:$0x10100] =	vst v63  }
0x25a: {  	_ =	swait.ge [sflag:s0], $0x8000  }
0x25b: {  	[sflag:s0] =	ssyncset.done $0x0  }
0x25c: {  	s25 =	rddreg [dreg:$0x11];
	[sflag:s0] =	ssyncadd.s32 $0xFFFF8000  }
0x25d: {  	[tilespmem:s14], [sflag:$0x1] =	stream.linear.gather [hbm4b:s25+s2], $0x8000, $0x38;
	[tilespmem:$0x10100] =	vst v63  }
0x25e: {  	_ =	swait.ge [sflag:s3], $0x8000  }
0x25f: {  	[sflag:s3] =	ssyncset.done $0x0  }
0x260: {  	[sflag:s3] =	ssyncadd.s32 $0xFFFF8000  }
0x261: {  	v3 =	vld [tilespmem:$0xD0];
	_ =	sdelay $0x4  }
0x262: {  	v61 =	vshll.u32 v3, $0x4  }
0x263: {  	v3 =	vand.u32 $0x7, v3;
	v4 =	vand.u32 $0xFFFFFF80, v61  }
0x264: {  	v3 =	vor.u32 v3, v4  }
0x265: {  	v4 =	vperm.xlane v3, v0;
	_ =	sdelay $0x1  }
0x266: {  	v4 =	vadd.s32 v1, v4;
	_ =	sdelay $0x4  }
0x267: {  	[hbm4b:s4+s2] =	stream.indirect_vreg.scatter [tilespmem:s15], [sflag:$0x4], $0x80, v4, vm0, $0xb8;
	[tilespmem:$0x10100] =	vst v63  }
0x268: {  	s26 =	simm.s32 $0x8900  }
0x269: {  	[hbm4b:s5+s2] =	stream.indirect_vreg.scatter [tilespmem:s26], [sflag:$0x4], $0x80, v4, vm0, $0xb8;
	[tilespmem:$0x10100] =	vst v63  }
0x26a: {  	s28 =	simm.s32 $0x9100  }
0x26b: {  	[hbm4b:s6+s2] =	stream.indirect_vreg.scatter [tilespmem:s28], [sflag:$0x4], $0x80, v4, vm0, $0xb8;
	[tilespmem:$0x10100] =	vst v63  }
0x26c: {  	s29 =	simm.s32 $0x9900  }
0x26d: {  	[hbm4b:s7+s2] =	stream.indirect_vreg.scatter [tilespmem:s29], [sflag:$0x4], $0x80, v4, vm0, $0xb8;
	[tilespmem:$0x10100] =	vst v63  }
0x26e: {  	s30 =	simm.s32 $0xA100  }
0x26f: {  	[hbm4b:s8+s2] =	stream.indirect_vreg.scatter [tilespmem:s30], [sflag:$0x4], $0x80, v4, vm0, $0xb8;
	[tilespmem:$0x10100] =	vst v63  }
0x270: {  	s31 =	simm.s32 $0xA900;
	v3 =	vperm.xlane v3, v2  }
0x271: {  	[hbm4b:s9+s2] =	stream.indirect_vreg.scatter [tilespmem:s31], [sflag:$0x4], $0x80, v4, vm0, $0xb8;
	[tilespmem:$0x10100] =	vst v63  }
0x272: {  	s19 =	simm.s32 $0xB100;
	v3 =	vadd.s32 v1, v3  }
0x273: {  	[hbm4b:s10+s2] =	stream.indirect_vreg.scatter [tilespmem:s19], [sflag:$0x4], $0x80, v4, vm0, $0xb8;
	[tilespmem:$0x10100] =	vst v63  }
0x274: {  	s20 =	simm.s32 $0xB900  }
0x275: {  	[hbm4b:s11+s2] =	stream.indirect_vreg.scatter [tilespmem:s20], [sflag:$0x4], $0x80, v4, vm0, $0xb8;
	[tilespmem:$0x10100] =	vst v63  }
0x276: {  	s21 =	simm.s32 $0xC100  }
0x277: {  	[hbm4b:s4+s2] =	stream.indirect_vreg.scatter [tilespmem:s21], [sflag:$0x4], $0x80, v3, vm0, $0xb8;
	[tilespmem:$0x10100] =	vst v63  }
0x278: {  	s22 =	simm.s32 $0xC900  }
0x279: {  	[hbm4b:s5+s2] =	stream.indirect_vreg.scatter [tilespmem:s22], [sflag:$0x4], $0x80, v3, vm0, $0xb8;
	[tilespmem:$0x10100] =	vst v63  }
0x27a: {  	s23 =	simm.s32 $0xD100  }
0x27b: {  	[hbm4b:s6+s2] =	stream.indirect_vreg.scatter [tilespmem:s23], [sflag:$0x4], $0x80, v3, vm0, $0xb8;
	[tilespmem:$0x10100] =	vst v63  }
0x27c: {  	s24 =	simm.s32 $0xD900  }
0x27d: {  	[hbm4b:s7+s2] =	stream.indirect_vreg.scatter [tilespmem:s24], [sflag:$0x4], $0x80, v3, vm0, $0xb8;
	[tilespmem:$0x10100] =	vst v63  }
0x27e: {  	s25 =	simm.s32 $0xE100  }
0x27f: {  	[hbm4b:s8+s2] =	stream.indirect_vreg.scatter [tilespmem:s25], [sflag:$0x4], $0x80, v3, vm0, $0xb8;
	[tilespmem:$0x10100] =	vst v63  }
0x280: {  	s26 =	simm.s32 $0xE900  }
0x281: {  	[hbm4b:s9+s2] =	stream.indirect_vreg.scatter [tilespmem:s26], [sflag:$0x4], $0x80, v3, vm0, $0xb8;
	[tilespmem:$0x10100] =	vst v63  }
0x282: {  	s28 =	simm.s32 $0xF100  }
0x283: {  	[hbm4b:s10+s2] =	stream.indirect_vreg.scatter [tilespmem:s28], [sflag:$0x4], $0x80, v3, vm0, $0xb8;
	[tilespmem:$0x10100] =	vst v63  }
0x284: {  	s31 =	simm.s32 $0xF900  }
0x285: {  	[hbm4b:s11+s2] =	stream.indirect_vreg.scatter [tilespmem:s31], [sflag:$0x4], $0x80, v3, vm0, $0xb8;
	[tilespmem:$0x10100] =	vst v63  }
0x286: {  	_ =	swait.ge [sflag:s1], $0x8000  }
0x287: {  	[sflag:s1] =	ssyncset.done $0x0  }
0x288: {  	s13 =	rddreg [dreg:$0x12];
	[sflag:s1] =	ssyncadd.s32 $0xFFFF8000  }
0x289: {  	[tilespmem:s15], [sflag:$0x2] =	stream.linear.gather [hbm4b:s13+s2], $0x8000, $0x38;
	[tilespmem:$0x10100] =	vst v63  }
0x28a: {  	_ =	swait.ge [sflag:s16], $0x8000  }
0x28b: {  	[sflag:s16] =	ssyncset.done $0x0  }
0x28c: {  	[sflag:s16] =	ssyncadd.s32 $0xFFFF8000  }
0x28d: {  	v3 =	vld [tilespmem:$0xE0];
	_ =	sdelay $0x4  }
0x28e: {  	v62 =	vshll.u32 v3, $0x4  }
0x28f: {  	v3 =	vand.u32 $0x7, v3;
	v4 =	vand.u32 $0xFFFFFF80, v62  }
0x290: {  	v3 =	vor.u32 v3, v4  }
0x291: {  	v4 =	vperm.xlane v3, v0;
	_ =	sdelay $0x1  }
0x292: {  	v4 =	vadd.s32 v1, v4;
	_ =	sdelay $0x4  }
0x293: {  	[hbm4b:s4+s2] =	stream.indirect_vreg.scatter [tilespmem:s14], [sflag:$0x3], $0x80, v4, vm0, $0xb8;
	[tilespmem:$0x10100] =	vst v63  }
0x294: {  	s13 =	simm.s32 $0x900  }
0x295: {  	[hbm4b:s5+s2] =	stream.indirect_vreg.scatter [tilespmem:s13], [sflag:$0x3], $0x80, v4, vm0, $0xb8;
	[tilespmem:$0x10100] =	vst v63  }
0x296: {  	s13 =	simm.s32 $0x1100  }
0x297: {  	[hbm4b:s6+s2] =	stream.indirect_vreg.scatter [tilespmem:s13], [sflag:$0x3], $0x80, v4, vm0, $0xb8;
	[tilespmem:$0x10100] =	vst v63  }
0x298: {  	s13 =	simm.s32 $0x1900  }
0x299: {  	[hbm4b:s7+s2] =	stream.indirect_vreg.scatter [tilespmem:s13], [sflag:$0x3], $0x80, v4, vm0, $0xb8;
	[tilespmem:$0x10100] =	vst v63  }
0x29a: {  	s13 =	simm.s32 $0x2100  }
0x29b: {  	[hbm4b:s8+s2] =	stream.indirect_vreg.scatter [tilespmem:s13], [sflag:$0x3], $0x80, v4, vm0, $0xb8;
	[tilespmem:$0x10100] =	vst v63  }
0x29c: {  	v3 =	vperm.xlane v3, v2;
	s13 =	simm.s32 $0x2900  }
0x29d: {  	[hbm4b:s9+s2] =	stream.indirect_vreg.scatter [tilespmem:s13], [sflag:$0x3], $0x80, v4, vm0, $0xb8;
	[tilespmem:$0x10100] =	vst v63  }
0x29e: {  	v3 =	vadd.s32 v1, v3;
	s13 =	simm.s32 $0x3100  }
0x29f: {  	[hbm4b:s10+s2] =	stream.indirect_vreg.scatter [tilespmem:s13], [sflag:$0x3], $0x80, v4, vm0, $0xb8;
	[tilespmem:$0x10100] =	vst v63  }
0x2a0: {  	s13 =	simm.s32 $0x3900  }
0x2a1: {  	[hbm4b:s11+s2] =	stream.indirect_vreg.scatter [tilespmem:s13], [sflag:$0x3], $0x80, v4, vm0, $0xb8;
	[tilespmem:$0x10100] =	vst v63  }
0x2a2: {  	s13 =	simm.s32 $0x4100  }
0x2a3: {  	[hbm4b:s4+s2] =	stream.indirect_vreg.scatter [tilespmem:s13], [sflag:$0x3], $0x80, v3, vm0, $0xb8;
	[tilespmem:$0x10100] =	vst v63  }
0x2a4: {  	s13 =	simm.s32 $0x4900  }
0x2a5: {  	[hbm4b:s5+s2] =	stream.indirect_vreg.scatter [tilespmem:s13], [sflag:$0x3], $0x80, v3, vm0, $0xb8;
	[tilespmem:$0x10100] =	vst v63  }
0x2a6: {  	s13 =	simm.s32 $0x5100  }
0x2a7: {  	[hbm4b:s6+s2] =	stream.indirect_vreg.scatter [tilespmem:s13], [sflag:$0x3], $0x80, v3, vm0, $0xb8;
	[tilespmem:$0x10100] =	vst v63  }
0x2a8: {  	s13 =	simm.s32 $0x5900  }
0x2a9: {  	[hbm4b:s7+s2] =	stream.indirect_vreg.scatter [tilespmem:s13], [sflag:$0x3], $0x80, v3, vm0, $0xb8;
	[tilespmem:$0x10100] =	vst v63  }
0x2aa: {  	s13 =	simm.s32 $0x6100  }
0x2ab: {  	[hbm4b:s8+s2] =	stream.indirect_vreg.scatter [tilespmem:s13], [sflag:$0x3], $0x80, v3, vm0, $0xb8;
	[tilespmem:$0x10100] =	vst v63  }
0x2ac: {  	s13 =	simm.s32 $0x6900  }
0x2ad: {  	[hbm4b:s9+s2] =	stream.indirect_vreg.scatter [tilespmem:s13], [sflag:$0x3], $0x80, v3, vm0, $0xb8;
	[tilespmem:$0x10100] =	vst v63  }
0x2ae: {  	s13 =	simm.s32 $0x7100  }
0x2af: {  	[hbm4b:s10+s2] =	stream.indirect_vreg.scatter [tilespmem:s13], [sflag:$0x3], $0x80, v3, vm0, $0xb8;
	[tilespmem:$0x10100] =	vst v63  }
0x2b0: {  	s13 =	simm.s32 $0x7900  }
0x2b1: {  	[hbm4b:s11+s2] =	stream.indirect_vreg.scatter [tilespmem:s13], [sflag:$0x3], $0x80, v3, vm0, $0xb8;
	[tilespmem:$0x10100] =	vst v63  }
0x2b2: {  	_ =	swait.ge [sflag:s3], $0x8000  }
0x2b3: {  	[sflag:s3] =	ssyncset.done $0x0  }
0x2b4: {  	[sflag:s3] =	ssyncadd.s32 $0xFFFF8000  }
0x2b5: {  	v3 =	vld [tilespmem:$0xF0];
	_ =	sdelay $0x4  }
0x2b6: {  	v63 =	vshll.u32 v3, $0x4  }
0x2b7: {  	v3 =	vand.u32 $0x7, v3;
	v4 =	vand.u32 $0xFFFFFF80, v63  }
0x2b8: {  	v3 =	vor.u32 v3, v4  }
0x2b9: {  	v4 =	vperm.xlane v3, v0;
	_ =	sdelay $0x1  }
0x2ba: {  	v4 =	vadd.s32 v1, v4;
	_ =	sdelay $0x4  }
0x2bb: {  	[hbm4b:s4+s2] =	stream.indirect_vreg.scatter [tilespmem:s15], [sflag:$0x4], $0x80, v4, vm0, $0xb8;
	[tilespmem:$0x10100] =	vst v63  }
0x2bc: {  	s12 =	simm.s32 $0x8900  }
0x2bd: {  	[hbm4b:s5+s2] =	stream.indirect_vreg.scatter [tilespmem:s12], [sflag:$0x4], $0x80, v4, vm0, $0xb8;
	[tilespmem:$0x10100] =	vst v63  }
0x2be: {  	s17 =	simm.s32 $0x9100  }
0x2bf: {  	[hbm4b:s6+s2] =	stream.indirect_vreg.scatter [tilespmem:s17], [sflag:$0x4], $0x80, v4, vm0, $0xb8;
	[tilespmem:$0x10100] =	vst v63  }
0x2c0: {  	s18 =	simm.s32 $0x9900  }
0x2c1: {  	[hbm4b:s7+s2] =	stream.indirect_vreg.scatter [tilespmem:s18], [sflag:$0x4], $0x80, v4, vm0, $0xb8;
	[tilespmem:$0x10100] =	vst v63  }
0x2c2: {  	s29 =	simm.s32 $0xA100  }
0x2c3: {  	[hbm4b:s8+s2] =	stream.indirect_vreg.scatter [tilespmem:s29], [sflag:$0x4], $0x80, v4, vm0, $0xb8;
	[tilespmem:$0x10100] =	vst v63  }
0x2c4: {  	s30 =	simm.s32 $0xA900;
	v3 =	vperm.xlane v3, v2  }
0x2c5: {  	[hbm4b:s9+s2] =	stream.indirect_vreg.scatter [tilespmem:s30], [sflag:$0x4], $0x80, v4, vm0, $0xb8;
	[tilespmem:$0x10100] =	vst v63  }
0x2c6: {  	s19 =	simm.s32 $0xB100;
	v3 =	vadd.s32 v1, v3  }
0x2c7: {  	[hbm4b:s10+s2] =	stream.indirect_vreg.scatter [tilespmem:s19], [sflag:$0x4], $0x80, v4, vm0, $0xb8;
	[tilespmem:$0x10100] =	vst v63  }
0x2c8: {  	s20 =	simm.s32 $0xB900  }
0x2c9: {  	[hbm4b:s11+s2] =	stream.indirect_vreg.scatter [tilespmem:s20], [sflag:$0x4], $0x80, v4, vm0, $0xb8;
	[tilespmem:$0x10100] =	vst v63  }
0x2ca: {  	s21 =	simm.s32 $0xC100  }
0x2cb: {  	[hbm4b:s4+s2] =	stream.indirect_vreg.scatter [tilespmem:s21], [sflag:$0x4], $0x80, v3, vm0, $0xb8;
	[tilespmem:$0x10100] =	vst v63  }
0x2cc: {  	s22 =	simm.s32 $0xC900  }
0x2cd: {  	[hbm4b:s5+s2] =	stream.indirect_vreg.scatter [tilespmem:s22], [sflag:$0x4], $0x80, v3, vm0, $0xb8;
	[tilespmem:$0x10100] =	vst v63  }
0x2ce: {  	s23 =	simm.s32 $0xD100  }
0x2cf: {  	[hbm4b:s6+s2] =	stream.indirect_vreg.scatter [tilespmem:s23], [sflag:$0x4], $0x80, v3, vm0, $0xb8;
	[tilespmem:$0x10100] =	vst v63  }
0x2d0: {  	s24 =	simm.s32 $0xD900  }
0x2d1: {  	[hbm4b:s7+s2] =	stream.indirect_vreg.scatter [tilespmem:s24], [sflag:$0x4], $0x80, v3, vm0, $0xb8;
	[tilespmem:$0x10100] =	vst v63  }
0x2d2: {  	s25 =	simm.s32 $0xE100  }
0x2d3: {  	[hbm4b:s8+s2] =	stream.indirect_vreg.scatter [tilespmem:s25], [sflag:$0x4], $0x80, v3, vm0, $0xb8;
	[tilespmem:$0x10100] =	vst v63  }
0x2d4: {  	s26 =	simm.s32 $0xE900  }
0x2d5: {  	[hbm4b:s9+s2] =	stream.indirect_vreg.scatter [tilespmem:s26], [sflag:$0x4], $0x80, v3, vm0, $0xb8;
	[tilespmem:$0x10100] =	vst v63  }
0x2d6: {  	s28 =	simm.s32 $0xF100  }
0x2d7: {  	[hbm4b:s10+s2] =	stream.indirect_vreg.scatter [tilespmem:s28], [sflag:$0x4], $0x80, v3, vm0, $0xb8;
	[tilespmem:$0x10100] =	vst v63  }
0x2d8: {  	s31 =	simm.s32 $0xF900;
	s13 =	rddreg [dreg:$0x14]  }
0x2d9: {  	[hbm4b:s11+s2] =	stream.indirect_vreg.scatter [tilespmem:s31], [sflag:$0x4], $0x80, v3, vm0, $0xb8;
	[tilespmem:$0x10100] =	vst v63  }
0x2da: {  	p0 =	sne.s32 s13, $0x1;
	_ =	swait.ge [sflag:s0], $0x8000  }
.Ltmp0:
0x2db: {  	[sflag:s0] =	ssyncset.done $0x0;
	(pc) =	sbr.rel @p0 .LBB2_1-.Ltmp0, $4  }
0x2dc: {  	[sflag:s0] =	ssyncadd.s32 $0xFFFF8000  }
0x2dd: {  	_ =	swait.ge [sflag:s1], $0x8000  }
0x2de: {  	[sflag:s1] =	ssyncset.done $0x0  }
0x2df: {  	s12 =	sadd.s32 $0xFFFFFFFF, s13;
	[sflag:s1] =	ssyncadd.s32 $0xFFFF8000  }
0x2e0: {  	_ =	sfence.sel $0x180000  }
0x2e1: {  	[bflag:$0x0] =	sbarrier.arrive $0xFFFF  }
0x2e2: {  	_ =	strace $0x90000047  }
0x2e3: {  	s0 =	stileid.u32;
	[bflag:$0x2] =	sbarrier.arrive $0xFFFF  }
0x2e4: {  	p0 =	sne.s32 s0, $0x0;
	s0 =	rddreg [dreg:$0x2]  }
0x2e5: {  	s0 =	sadd.s32 @!p0 $0x100000, s0  }
0x2e6: {  	[sflag:s0] =	ssyncadd.tile.s32 @!p0 $0x1;
	_ =	shalt  }
.Lfunc_end2:
_tile_overlayer_lowered:
.L_overlay_start_2:
0x2e7: {  	(tag) =	ssettag $0x2  }
0x2e8: {  	s0 =	rddreg [dreg:$0x0];
	s2 =	stileid.u32  }
0x2e9: {  	s1 =	rddreg [dreg:$0x1];
	p0 =	sne.s32 s2, $0x0  }
0x2ea: {  	s3 =	rddreg [dreg:$0x2];
	[bflag:$0x3] =	sbarrier.arrive $0xFFFF;
	s2 =	simm.s32 @!p0 $0x1C05  }
0x2eb: {  	[timem:s3], [sflag:s2] =	dma.local @!p0 [hbm:s0], s1  }
0x2ec: {  	s0 =	simm.s32 @!p0 $0x5  }
0x2ed: {  	_ =	swait.ge @!p0 [sflag:s0], s1  }
0x2ee: {  	s1 =	ssub.s32 @!p0 $0x0, s1;
	[sflag:s0] =	ssyncset.done @!p0 $0x0  }
0x2ef: {  	[sflag:s0] =	ssyncadd.s32 @!p0 s1  }
0x2f0: {  	[bflag:$0x3] =	sbarrier.arrive $0xFFFF  }
0x2f1: {  	_ =	shalt  }

// kernel: kernel.9.cloned.1.call-start
scs
__scs_entry_jumppad:
0x0: {  	(pc) =	sbr.rel $0x88, $3  }
0x1: {  	(tag) =	ssettag $0x0;
	lr =	simm.s32 $0x1  }
0x2: {  	[smem:$0x3F99] =	sst lr;
	_ =	strace $0xD0000000  }
0x3: {  	_ = 	snop  }
0x4: {  	_ = 	snop  }
0x5: {  	_ = 	snop  }
0x6: {  	_ = 	snop  }
0x7: {  	_ = 	snop  }
__scs_overlays_trampoline_lowered:
0x8: {  	[smem:$0x3FA8] =	sst s0  }
0x9: {  	[smem:$0x3FA9] =	sst s1  }
0xa: {  	[smem:$0x3FAA] =	sst s2  }
0xb: {  	[smem:$0x3FAB] =	sst s3  }
0xc: {  	[smem:$0x3FAC] =	sst s4  }
0xd: {  	[smem:$0x3FAD] =	sst s5  }
0xe: {  	[smem:$0x3FAE] =	sst s6  }
0xf: {  	[smem:$0x3FAF] =	sst s7  }
0x10: {  	[smem:$0x3FB0] =	sst s8  }
0x11: {  	[smem:$0x3FB1] =	sst s9;
	s0 =	simm.s32 @!p0 $0x0  }
0x12: {  	s1 =	sld [smem:$0x3F97];
	s0 =	simm.s32 @p0 $0x1  }
0x13: {  	[smem:$0x3FB2] =	sst s0;
	s0 =	simm.s32 @!p1 $0x0  }
0x14: {  	s2 =	sld [smem:$0x3F96];
	s0 =	simm.s32 @p1 $0x1  }
0x15: {  	[smem:$0x3FB3] =	sst s0;
	s0 =	simm.s32 @!p2 $0x0  }
0x16: {  	s3 =	sld [smem:$0x3FDB];
	s0 =	simm.s32 @p2 $0x1  }
0x17: {  	s4 =	simm.s32 $0x1BF5;
	[smem:$0x3FB5] =	sst s0  }
0x18: {  	s0 =	sld [smem:$0x3F98];
	_ =	swait.ge [sflag:s4], $0x0  }
0x19: {  	s7 =	sld [smem:$0x3F99]  }
0x1a: {  	s8 =	sadd.s32 $0xFFFFE003, lr  }
0x1b: {  	s9 =	sadd.s32 $0xFFFFFEF7, lr;
	s5 =	simm.s32 $0xFFFFFFFF;
	p2 =	slt.u32 s8, $0xFFFFF086  }
0x1c: {  	p1 =	slt.u32 s9, $0xF7A;
	s5 =	simm.s32 @!p2 $0x0  }
0x1d: {  	s5 =	simm.s32 @p1 $0x1;
	p0 =	seq.s32 s7, s2  }
0x1e: {  	s7 =	smul.u32 @!p0 $0xF7A, s2;
	p2 =	seq.s32 @!p0 s5, $0x0  }
0x1f: {  	s9 =	smul.u32 $0xF7A, s1;
	s8 =	simm.s32 @!p0 $0x1BF5;
	p2 =	por !p2, p0  }
0x20: {  	[sflag:s8] =	ssyncset.s32 @!p0 $0xFFFFF086;
	s6 =	sadd.s32 @!p0 s3, s7;
	s7 =	simm.s32 @!p0 $0x108  }
0x21: {  	s3 =	sadd.s32 s3, s9;
	s6 =	sadd.s32 @!p0 $0x88, s6;
	s7 =	simm.s32 @p2 $0x1082  }
0x22: {  	[simem:s7], [sflag:s8] =	dma.local @!p0 [hbm:s6], $0xF7A  }
0x23: {  	s9 =	sor.u32 $0xD0000000, s2;
	s6 =	simm.s32 $0x108;
	_ =	swait.ge @!p0 [sflag:s8], $0x0  }
0x24: {  	s3 =	sadd.s32 $0x88, s3;
	s6 =	simm.s32 @!p1 $0x1082;
	[sflag:s4] =	ssyncset.s32 $0xFFFFF086  }
0x25: {  	[simem:s6], [sflag:s4] =	dma.local [hbm:s3], $0xF7A  }
0x26: {  	[smem:$0x3F99] =	sst s1;
	(tag) =	ssettag s2;
	_ =	strace s9  }
0x27: {  	s1 =	sld [smem:$0x3FA9]  }
0x28: {  	s2 =	sld [smem:$0x3FAA]  }
0x29: {  	s4 =	sld [smem:$0x3FAC]  }
0x2a: {  	p0 =	seq.s32 s5, $0x0;
	s5 =	sld [smem:$0x3FAD]  }
0x2b: {  	s6 =	sld [smem:$0x3FAE]  }
0x2c: {  	s7 =	sld [smem:$0x3FAF]  }
0x2d: {  	s3 =	simm.s32 $0x108;
	s8 =	sld [smem:$0x3FB0]  }
0x2e: {  	s3 =	simm.s32 @!p0 $0x1082;
	s9 =	sld [smem:$0x3FB1]  }
0x2f: {  	lr =	sadd.s32 s0, s3;
	s0 =	sld [smem:$0x3FA8]  }
0x30: {  	s3 =	sld [smem:$0x3FAB]  }
0x31: {  	[smem:$0x3FB4] =	sst s10  }
0x32: {  	s10 =	sld [smem:$0x3FB2];
	_ =	sdelay $0x3  }
0x33: {  	p0 =	seq.s32 s10, $0x1;
	s10 =	sld [smem:$0x3FB4];
	_ =	sdelay $0x3  }
0x34: {  	[smem:$0x3FB4] =	sst s10  }
0x35: {  	s10 =	sld [smem:$0x3FB3];
	_ =	sdelay $0x3  }
0x36: {  	p1 =	seq.s32 s10, $0x1;
	s10 =	sld [smem:$0x3FB4];
	_ =	sdelay $0x3  }
0x37: {  	[smem:$0x3FB4] =	sst s10  }
0x38: {  	s10 =	sld [smem:$0x3FB5]  }
0x39: {  	_ = 	snop;
	(pc) =	sbr.ind lr, $3  }
0x3a: {  	_ = 	snop  }
0x3b: {  	_ = 	snop  }
0x3c: {  	p2 =	seq.s32 s10, $0x1;
	s10 =	sld [smem:$0x3FB4]  }
0x3d: {  	_ =	shalt  }
0x3e: {  	_ =	shalt  }
0x3f: {  	_ =	shalt  }
0x40: {  	_ =	shalt  }
0x41: {  	_ =	shalt  }
0x42: {  	_ =	shalt  }
0x43: {  	_ =	shalt  }
0x44: {  	_ =	shalt  }
0x45: {  	_ =	shalt  }
0x46: {  	_ =	shalt  }
0x47: {  	_ =	shalt  }
0x48: {  	_ =	shalt  }
0x49: {  	_ =	shalt  }
0x4a: {  	_ =	shalt  }
0x4b: {  	_ =	shalt  }
0x4c: {  	_ =	shalt  }
0x4d: {  	_ =	shalt  }
0x4e: {  	_ =	shalt  }
0x4f: {  	_ =	shalt  }
0x50: {  	_ =	shalt  }
0x51: {  	_ =	shalt  }
0x52: {  	_ =	shalt  }
0x53: {  	_ =	shalt  }
0x54: {  	_ =	shalt  }
0x55: {  	_ =	shalt  }
0x56: {  	_ =	shalt  }
0x57: {  	_ =	shalt  }
0x58: {  	_ =	shalt  }
0x59: {  	_ =	shalt  }
0x5a: {  	_ =	shalt  }
0x5b: {  	_ =	shalt  }
0x5c: {  	_ =	shalt  }
0x5d: {  	_ =	shalt  }
0x5e: {  	_ =	shalt  }
0x5f: {  	_ =	shalt  }
0x60: {  	_ =	shalt  }
0x61: {  	_ =	shalt  }
0x62: {  	_ =	shalt  }
0x63: {  	_ =	shalt  }
0x64: {  	_ =	shalt  }
0x65: {  	_ =	shalt  }
0x66: {  	_ =	shalt  }
0x67: {  	_ =	shalt  }
0x68: {  	_ =	shalt  }
0x69: {  	_ =	shalt  }
0x6a: {  	_ =	shalt  }
0x6b: {  	_ =	shalt  }
0x6c: {  	_ =	shalt  }
0x6d: {  	_ =	shalt  }
0x6e: {  	_ =	shalt  }
0x6f: {  	_ =	shalt  }
0x70: {  	_ =	shalt  }
0x71: {  	_ =	shalt  }
0x72: {  	_ =	shalt  }
0x73: {  	_ =	shalt  }
0x74: {  	_ =	shalt  }
0x75: {  	_ =	shalt  }
0x76: {  	_ =	shalt  }
0x77: {  	_ =	shalt  }
0x78: {  	_ =	shalt  }
0x79: {  	_ =	shalt  }
0x7a: {  	_ =	shalt  }
0x7b: {  	_ =	shalt  }
0x7c: {  	_ =	shalt  }
0x7d: {  	_ =	shalt  }
0x7e: {  	_ =	shalt  }
0x7f: {  	_ =	shalt  }
0x80: {  	_ =	shalt  }
0x81: {  	_ =	shalt  }
0x82: {  	_ =	shalt  }
0x83: {  	_ =	shalt  }
0x84: {  	_ =	shalt  }
0x85: {  	_ =	shalt  }
0x86: {  	_ =	shalt  }
0x87: {  	_ =	shalt  }
.Lfunc_end0:
.L_simem_size_0:
called_computation.1_lowered:
.L_overlay_start_0:
0x88: {  	s2 =	sld [smem:$0x3FD9]  }
0x89: {  	s3 =	sld [smem:$0x3FFE];
	_ =	sdelay $0x1  }
0x8a: {  	s1 =	srdreg.scid  }
0x8b: {  	s0 =	sand.u32 $0x1, s1  }
0x8c: {  	s17 =	sshll.u32 s0, $0xA;
	s2 =	sadd.s32 s3, s2  }
0x8d: {  	s2 =	sadd.s32 s2, s17  }
0x8e: {  	[smem:$0x3FC0] =	sst s2  }
0x8f: {  	_ = 	snop  }
0x90: {  	s2 =	sld [smem:$0x3FD0];
	(tm) =	ssettm $0x1  }
0x91: {  	s18 =	sld [smem:$0x3FFB];
	_ =	sdelay $0x3  }
0x92: {  	_ =	strace s18  }
0x93: {  	s3 =	sld [smem:$0x3FFC];
	_ =	sdelay $0x3  }
0x94: {  	_ =	strace s3  }
0x95: {  	s3 =	sld [smem:$0x3FFD];
	_ =	sdelay $0x3  }
0x96: {  	_ =	strace s3  }
0x97: {  	_ =	strace $0x8FFFFFFF  }
0x98: {  	s19 =	sld [smem:$0x3FDB];
	_ =	sdelay $0x1  }
0x99: {  	s4 =	simm.s32 $_scs_section_size  }
0x9a: {  	s5 =	simm.s32 $_size__tile_overlayer_lowered;
	s6 =	simm.s32 $_tile_overlayer_lowered  }
0x9b: {  	s22 =	simm.s32 $0x1BFF;
	s21 =	sshll.u32 s6, $0x1;
	s3 =	sadd.s32 s4, s19  }
0x9c: {  	s7 =	simm.s32 $0x0;
	s20 =	sshll.u32 s5, $0x1;
	s5 =	sadd.s32 s21, s3  }
0x9d: {  	[timem:s7], [sflag:s22] =	dma.local [hbm:s5], s20  }
0x9e: {  	_ =	swait.ge [sflag:s22], s20  }
0x9f: {  	s4 =	ssub.s32 $0x0, s20;
	[sflag:s22] =	ssyncset.done $0x0  }
0xa0: {  	[sflag:s22] =	ssyncadd.s32 s4;
	_ =	sdelay $0x1  }
0xa1: {  	s23 =	simm.s32 $0x1B8B  }
0xa2: {  	_ =	swait.ge [sflag:s23], $0x1  }
0xa3: {  	[sflag:s23] =	ssyncset.done $0x0  }
0xa4: {  	s25 =	simm.s32 $0x1B8E;
	s24 =	sld [smem:$0x3FFE];
	[sflag:s23] =	ssyncadd.s32 $0xFFFFFFFF  }
0xa5: {  	s26 =	simm.s32 $execute0_lowered;
	[smem:$0x3FD2] =	sst s25  }
0xa6: {  	s5 =	sshll.u32 s26, $0x1;
	_ =	strace $0x80000049;
	[dreg:$0x1] =	wrdreg $0xFFFFFFFF  }
0xa7: {  	s28 =	simm.s32 $_size_execute0_lowered;
	s3 =	sadd.s32 s3, s5;
	[dreg:$0x0] =	wrdreg $0x0  }
0xa8: {  	s5 =	sshll.u32 s28, $0x1;
	[dreg:$0x2] =	wrdreg s3  }
0xa9: {  	[dreg:$0x3] =	wrdreg s5  }
0xaa: {  	[dreg:$0x4] =	wrdreg $0xC0  }
0xab: {  	_ =	task [dreg:s7], $0x5FFFF  }
0xac: {  	[dreg:$0x1] =	wrdreg $0xFFFFFFFF  }
0xad: {  	[dreg:$0x0] =	wrdreg $0x60  }
0xae: {  	[dreg:$0x2] =	wrdreg s24  }
0xaf: {  	[dreg:$0x3] =	wrdreg s2  }
0xb0: {  	[dreg:$0x4] =	wrdreg $0x9  }
0xb1: {  	_ =	task.clear_ibuf [dreg:s7], $0x5FFFF;
	_ =	strace $0x90000049  }
0xb2: {  	s29 =	simm.s32 $0x9;
	_ =	strace $0x8000004B  }
0xb3: {  	_ =	swait.ge [sflag:s29], $0x1  }
0xb4: {  	[sflag:s29] =	ssyncadd.s32 $0xFFFFFFFF  }
0xb5: {  	_ =	strace $0x9000004B  }
0xb6: {  	_ =	sfence  }
0xb7: {  	s30 =	sld [smem:$0x0];
	_ =	sdelay $0x2  }
0xb8: {  	s31 =	sshll.u32 s1, $0xD;
	s1 =	sshrl.u32 s1, $0x2  }
0xb9: {  	s3 =	sand.u32 $0x4000, s31;
	s1 =	sadd.s32 s1, s30  }
0xba: {  	s0 =	sor.u32 s3, s0;
	s1 =	sshll.u32 s1, $0x11  }
0xbb: {  	s0 =	sor.u32 s1, s0  }
0xbc: {  	s0 =	sadd.s32 $0x8F2B, s0  }
0xbd: {  	[sflag:s0] =	ssyncadd.remote.s32 $0x1  }
0xbe: {  	_ =	sfence.sel $0xFFFF  }
0xbf: {  	[dreg:$0x0] =	wrdreg $0xFFFFFFFF;
	(pc) =	sbr.abs _section_cstart, $3  }
0xc0: {  	[dreg:$0x1] =	wrdreg $0xFFFFFFFF  }
0xc1: {  	_ =	task.clear_ibuf [dreg:s7], $0x2FFFF;
	_ =	strace $0x9FFFFFFF  }
0xc2: {  	(tm) =	ssettm $0x7FFFFFFF  }
0xc3: {  	_ =	shalt  }
tec
execute0_lowered:
.L_overlay_start_1:
0x0: {  	(tag) =	ssettag $0x1  }
0x1: {  	s0 =	srdreg.scid  }
0x2: {  	s2 =	stileid.u32;
	s0 =	sand.u32 $0x1, s0  }
0x3: {  	s1 =	rddreg [dreg:$0x0];
	s2 =	sshll.u32 s2, $0x9;
	s3 =	sshll.u32 s0, $0x8  }
0x4: {  	s4 =	rddreg [dreg:$0x1];
	s3 =	sor.u32 s3, s2  }
0x5: {  	s2 =	simm.s32 $0x0;
	s5 =	sshrl.u32 s3, $0x3;
	s3 =	sshll.u32 s3, $0x8  }
0x6: {  	[smem:$0x7FF] =	sst s2;
	s5 =	sadd.s32 s5, s1;
	s12 =	sadd.s32 s4, s3  }
0x7: {  	_ =	strace $0x8000004A;
	s5 =	sadd.s32 $0x1C00, s5;
	[dreg:$0x13] =	wrdreg s12  }
0x8: {  	s3 =	sadd.s32 $0x1000, s12;
	[dreg:$0x3] =	wrdreg s5  }
0x9: {  	s11 =	sadd.s32 $0x2000, s12;
	[dreg:$0x4] =	wrdreg s3  }
0xa: {  	s31 =	simm.s32 $0x8100;
	s13 =	sadd.s32 $0x3000, s12;
	[dreg:$0x5] =	wrdreg s11  }
0xb: {  	s28 =	simm.s32 $0x3;
	s14 =	sadd.s32 $0x4000, s12;
	[dreg:$0x6] =	wrdreg s13  }
0xc: {  	s29 =	simm.s32 $0x2;
	s15 =	sadd.s32 $0x5000, s12;
	[dreg:$0x7] =	wrdreg s14  }
0xd: {  	s30 =	simm.s32 $0x4;
	s16 =	sadd.s32 $0x6000, s12;
	[dreg:$0x8] =	wrdreg s15  }
0xe: {  	s6 =	sadd.s32 $0x282200, s1;
	s18 =	sadd.s32 $0x7000, s12;
	[dreg:$0x9] =	wrdreg s16  }
0xf: {  	s7 =	sadd.s32 $0x282300, s1;
	s19 =	sadd.s32 $0x8000, s12;
	[dreg:$0xa] =	wrdreg s18  }
0x10: {  	s8 =	sadd.s32 $0x282400, s1;
	s20 =	sadd.s32 $0x9000, s12;
	[dreg:$0xb] =	wrdreg s19  }
0x11: {  	s9 =	sadd.s32 $0x282500, s1;
	s21 =	sadd.s32 $0xA000, s12;
	[dreg:$0xc] =	wrdreg s20  }
0x12: {  	s10 =	sadd.s32 $0x282600, s1;
	s22 =	sadd.s32 $0xB000, s12;
	[dreg:$0xd] =	wrdreg s21  }
0x13: {  	s0 =	ssub.s32 $0x2, s0;
	s23 =	sadd.s32 $0xC000, s12;
	[dreg:$0xe] =	wrdreg s22  }
0x14: {  	s17 =	sshrl.u32 s0, $0x1;
	s24 =	sadd.s32 $0xD000, s12;
	[dreg:$0xf] =	wrdreg s23  }
0x15: {  	s0 =	ssub.s32 s0, s17;
	s25 =	sadd.s32 $0xE000, s12;
	[dreg:$0x10] =	wrdreg s24  }
0x16: {  	v2 =	vlaneseq.u32;
	s4 =	sadd.s32 $0x282000, s1;
	s26 =	sadd.s32 $0xF000, s12;
	[dreg:$0x11] =	wrdreg s25  }
0x17: {  	vm0 =	vmmov $0xffff;
	v1 =	vshrl.u32 v2, $0x3;
	s5 =	sadd.s32 $0x282100, s1;
	s11 =	sadd.s32 $0x282700, s1;
	[dreg:$0x12] =	wrdreg s26  }
0x18: {  	v0 =	vand.u32 $0x7, v2;
	v2 =	vor.u32 $0x8, v2;
	v1 =	vmul.u32 $0x8, v1;
	s16 =	smax.u32 s0, $0x1;
	s14 =	simm.s32 $0x100;
	s26 =	simm.s32 $0x1  }
.LBB2_1:
0x19: {  	s1 =	rddreg [dreg:$0x3];
	s21 =	simm.s32 $0x5  }
0x1a: {  	[tilespmem:s2], [sflag:$0x5] =	stream.linear.gather [hbm4b:s1+s2], $0x100, $0x38;
	[tilespmem:$0x10100] =	vst v63  }
0x1b: {  	_ =	swait.ge [sflag:s21], $0x100  }
0x1c: {  	[sflag:s21] =	ssyncset.done $0x0  }
0x1d: {  	[sflag:s21] =	ssyncadd.s32 $0xFFFFFF00  }
0x1e: {  	v3 =	vld [tilespmem:$0x0];
	_ =	sdelay $0x4  }
0x1f: {  	v4 =	vshll.u32 v3, $0x4  }
0x20: {  	v3 =	vand.u32 $0x7, v3;
	v4 =	vand.u32 $0xFFFFFF80, v4  }
0x21: {  	v3 =	vor.u32 v3, v4  }
0x22: {  	v4 =	vperm.xlane v3, v0;
	_ =	sdelay $0x1  }
0x23: {  	v4 =	vadd.s32 v1, v4;
	_ =	sdelay $0x4  }
0x24: {  	[tilespmem:s14], [sflag:$0x1] =	stream.indirect_vreg.gather [hbm4b:s4+s2], $0x80, v4, vm0, $0xb8;
	[tilespmem:$0x10100] =	vst v63  }
0x25: {  	s0 =	simm.s32 $0x900  }
0x26: {  	[tilespmem:s0], [sflag:$0x1] =	stream.indirect_vreg.gather [hbm4b:s5+s2], $0x80, v4, vm0, $0xb8;
	[tilespmem:$0x10100] =	vst v63  }
0x27: {  	s22 =	simm.s32 $0x1100  }
0x28: {  	[tilespmem:s22], [sflag:$0x1] =	stream.indirect_vreg.gather [hbm4b:s6+s2], $0x80, v4, vm0, $0xb8;
	[tilespmem:$0x10100] =	vst v63  }
0x29: {  	s23 =	simm.s32 $0x1900  }
0x2a: {  	[tilespmem:s23], [sflag:$0x1] =	stream.indirect_vreg.gather [hbm4b:s7+s2], $0x80, v4, vm0, $0xb8;
	[tilespmem:$0x10100] =	vst v63  }
0x2b: {  	s24 =	simm.s32 $0x2100  }
0x2c: {  	[tilespmem:s24], [sflag:$0x1] =	stream.indirect_vreg.gather [hbm4b:s8+s2], $0x80, v4, vm0, $0xb8;
	[tilespmem:$0x10100] =	vst v63  }
0x2d: {  	s25 =	simm.s32 $0x2900;
	v3 =	vperm.xlane v3, v2  }
0x2e: {  	[tilespmem:s25], [sflag:$0x1] =	stream.indirect_vreg.gather [hbm4b:s9+s2], $0x80, v4, vm0, $0xb8;
	[tilespmem:$0x10100] =	vst v63  }
0x2f: {  	s1 =	simm.s32 $0x3100;
	v3 =	vadd.s32 v1, v3  }
0x30: {  	[tilespmem:s1], [sflag:$0x1] =	stream.indirect_vreg.gather [hbm4b:s10+s2], $0x80, v4, vm0, $0xb8;
	[tilespmem:$0x10100] =	vst v63  }
0x31: {  	s3 =	simm.s32 $0x3900  }
0x32: {  	[tilespmem:s3], [sflag:$0x1] =	stream.indirect_vreg.gather [hbm4b:s11+s2], $0x80, v4, vm0, $0xb8;
	[tilespmem:$0x10100] =	vst v63  }
0x33: {  	s12 =	simm.s32 $0x4100  }
0x34: {  	[tilespmem:s12], [sflag:$0x1] =	stream.indirect_vreg.gather [hbm4b:s4+s2], $0x80, v3, vm0, $0xb8;
	[tilespmem:$0x10100] =	vst v63  }
0x35: {  	s15 =	simm.s32 $0x4900  }
0x36: {  	[tilespmem:s15], [sflag:$0x1] =	stream.indirect_vreg.gather [hbm4b:s5+s2], $0x80, v3, vm0, $0xb8;
	[tilespmem:$0x10100] =	vst v63  }
0x37: {  	s18 =	simm.s32 $0x5100  }
0x38: {  	[tilespmem:s18], [sflag:$0x1] =	stream.indirect_vreg.gather [hbm4b:s6+s2], $0x80, v3, vm0, $0xb8;
	[tilespmem:$0x10100] =	vst v63  }
0x39: {  	s19 =	simm.s32 $0x5900  }
0x3a: {  	[tilespmem:s19], [sflag:$0x1] =	stream.indirect_vreg.gather [hbm4b:s7+s2], $0x80, v3, vm0, $0xb8;
	[tilespmem:$0x10100] =	vst v63  }
0x3b: {  	s20 =	simm.s32 $0x6100  }
0x3c: {  	[tilespmem:s20], [sflag:$0x1] =	stream.indirect_vreg.gather [hbm4b:s8+s2], $0x80, v3, vm0, $0xb8;
	[tilespmem:$0x10100] =	vst v63  }
0x3d: {  	s21 =	simm.s32 $0x6900  }
0x3e: {  	[tilespmem:s21], [sflag:$0x1] =	stream.indirect_vreg.gather [hbm4b:s9+s2], $0x80, v3, vm0, $0xb8;
	[tilespmem:$0x10100] =	vst v63  }
0x3f: {  	s22 =	simm.s32 $0x7100  }
0x40: {  	[tilespmem:s22], [sflag:$0x1] =	stream.indirect_vreg.gather [hbm4b:s10+s2], $0x80, v3, vm0, $0xb8;
	[tilespmem:$0x10100] =	vst v63  }
0x41: {  	s23 =	simm.s32 $0x7900  }
0x42: {  	[tilespmem:s23], [sflag:$0x1] =	stream.indirect_vreg.gather [hbm4b:s11+s2], $0x80, v3, vm0, $0xb8;
	[tilespmem:$0x10100] =	vst v63  }
0x43: {  	v3 =	vld [tilespmem:$0x10];
	_ =	sdelay $0x4  }
0x44: {  	v49 =	vshll.u32 v3, $0x4  }
0x45: {  	v3 =	vand.u32 $0x7, v3;
	v4 =	vand.u32 $0xFFFFFF80, v49  }
0x46: {  	v3 =	vor.u32 v3, v4  }
0x47: {  	v4 =	vperm.xlane v3, v0;
	_ =	sdelay $0x1  }
0x48: {  	v4 =	vadd.s32 v1, v4;
	_ =	sdelay $0x4  }
0x49: {  	[tilespmem:s31], [sflag:$0x2] =	stream.indirect_vreg.gather [hbm4b:s4+s2], $0x80, v4, vm0, $0xb8;
	[tilespmem:$0x10100] =	vst v63  }
0x4a: {  	s24 =	simm.s32 $0x8900  }
0x4b: {  	[tilespmem:s24], [sflag:$0x2] =	stream.indirect_vreg.gather [hbm4b:s5+s2], $0x80, v4, vm0, $0xb8;
	[tilespmem:$0x10100] =	vst v63  }
0x4c: {  	s25 =	simm.s32 $0x9100  }
0x4d: {  	[tilespmem:s25], [sflag:$0x2] =	stream.indirect_vreg.gather [hbm4b:s6+s2], $0x80, v4, vm0, $0xb8;
	[tilespmem:$0x10100] =	vst v63  }
0x4e: {  	s0 =	simm.s32 $0x9900  }
0x4f: {  	[tilespmem:s0], [sflag:$0x2] =	stream.indirect_vreg.gather [hbm4b:s7+s2], $0x80, v4, vm0, $0xb8;
	[tilespmem:$0x10100] =	vst v63  }
0x50: {  	s3 =	simm.s32 $0xA100  }
0x51: {  	[tilespmem:s3], [sflag:$0x2] =	stream.indirect_vreg.gather [hbm4b:s8+s2], $0x80, v4, vm0, $0xb8;
	[tilespmem:$0x10100] =	vst v63  }
0x52: {  	s12 =	simm.s32 $0xA900;
	v3 =	vperm.xlane v3, v2  }
0x53: {  	[tilespmem:s12], [sflag:$0x2] =	stream.indirect_vreg.gather [hbm4b:s9+s2], $0x80, v4, vm0, $0xb8;
	[tilespmem:$0x10100] =	vst v63  }
0x54: {  	s18 =	simm.s32 $0xB100;
	v3 =	vadd.s32 v1, v3  }
0x55: {  	[tilespmem:s18], [sflag:$0x2] =	stream.indirect_vreg.gather [hbm4b:s10+s2], $0x80, v4, vm0, $0xb8;
	[tilespmem:$0x10100] =	vst v63  }
0x56: {  	s19 =	simm.s32 $0xB900  }
0x57: {  	[tilespmem:s19], [sflag:$0x2] =	stream.indirect_vreg.gather [hbm4b:s11+s2], $0x80, v4, vm0, $0xb8;
	[tilespmem:$0x10100] =	vst v63  }
0x58: {  	s20 =	simm.s32 $0xC100  }
0x59: {  	[tilespmem:s20], [sflag:$0x2] =	stream.indirect_vreg.gather [hbm4b:s4+s2], $0x80, v3, vm0, $0xb8;
	[tilespmem:$0x10100] =	vst v63  }
0x5a: {  	s21 =	simm.s32 $0xC900  }
0x5b: {  	[tilespmem:s21], [sflag:$0x2] =	stream.indirect_vreg.gather [hbm4b:s5+s2], $0x80, v3, vm0, $0xb8;
	[tilespmem:$0x10100] =	vst v63  }
0x5c: {  	s22 =	simm.s32 $0xD100  }
0x5d: {  	[tilespmem:s22], [sflag:$0x2] =	stream.indirect_vreg.gather [hbm4b:s6+s2], $0x80, v3, vm0, $0xb8;
	[tilespmem:$0x10100] =	vst v63  }
0x5e: {  	s23 =	simm.s32 $0xD900  }
0x5f: {  	[tilespmem:s23], [sflag:$0x2] =	stream.indirect_vreg.gather [hbm4b:s7+s2], $0x80, v3, vm0, $0xb8;
	[tilespmem:$0x10100] =	vst v63  }
0x60: {  	s24 =	simm.s32 $0xE100  }
0x61: {  	[tilespmem:s24], [sflag:$0x2] =	stream.indirect_vreg.gather [hbm4b:s8+s2], $0x80, v3, vm0, $0xb8;
	[tilespmem:$0x10100] =	vst v63  }
0x62: {  	s25 =	simm.s32 $0xE900  }
0x63: {  	[tilespmem:s25], [sflag:$0x2] =	stream.indirect_vreg.gather [hbm4b:s9+s2], $0x80, v3, vm0, $0xb8;
	[tilespmem:$0x10100] =	vst v63  }
0x64: {  	s0 =	simm.s32 $0xF100  }
0x65: {  	[tilespmem:s0], [sflag:$0x2] =	stream.indirect_vreg.gather [hbm4b:s10+s2], $0x80, v3, vm0, $0xb8;
	[tilespmem:$0x10100] =	vst v63  }
0x66: {  	s3 =	simm.s32 $0xF900  }
0x67: {  	[tilespmem:s3], [sflag:$0x2] =	stream.indirect_vreg.gather [hbm4b:s11+s2], $0x80, v3, vm0, $0xb8;
	[tilespmem:$0x10100] =	vst v63  }
0x68: {  	_ =	swait.ge [sflag:s26], $0x8000  }
0x69: {  	[sflag:s26] =	ssyncset.done $0x0  }
0x6a: {  	s12 =	rddreg [dreg:$0x13];
	[sflag:s26] =	ssyncadd.s32 $0xFFFF8000  }
0x6b: {  	[hbm4b:s12+s2] =	stream.linear.scatter [tilespmem:s14], [sflag:$0x3], $0x8000, $0x38;
	[tilespmem:$0x10100] =	vst v63  }
0x6c: {  	_ =	swait.ge [sflag:s28], $0x8000  }
0x6d: {  	[sflag:s28] =	ssyncset.done $0x0  }
0x6e: {  	[sflag:s28] =	ssyncadd.s32 $0xFFFF8000  }
0x6f: {  	v3 =	vld [tilespmem:$0x20];
	_ =	sdelay $0x4  }
0x70: {  	v50 =	vshll.u32 v3, $0x4  }
0x71: {  	v3 =	vand.u32 $0x7, v3;
	v4 =	vand.u32 $0xFFFFFF80, v50  }
0x72: {  	v3 =	vor.u32 v3, v4  }
0x73: {  	v4 =	vperm.xlane v3, v0;
	_ =	sdelay $0x1  }
0x74: {  	v4 =	vadd.s32 v1, v4;
	_ =	sdelay $0x4  }
0x75: {  	[tilespmem:s14], [sflag:$0x1] =	stream.indirect_vreg.gather [hbm4b:s4+s2], $0x80, v4, vm0, $0xb8;
	[tilespmem:$0x10100] =	vst v63  }
0x76: {  	s0 =	simm.s32 $0x900  }
0x77: {  	[tilespmem:s0], [sflag:$0x1] =	stream.indirect_vreg.gather [hbm4b:s5+s2], $0x80, v4, vm0, $0xb8;
	[tilespmem:$0x10100] =	vst v63  }
0x78: {  	s3 =	simm.s32 $0x1100  }
0x79: {  	[tilespmem:s3], [sflag:$0x1] =	stream.indirect_vreg.gather [hbm4b:s6+s2], $0x80, v4, vm0, $0xb8;
	[tilespmem:$0x10100] =	vst v63  }
0x7a: {  	s12 =	simm.s32 $0x1900  }
0x7b: {  	[tilespmem:s12], [sflag:$0x1] =	stream.indirect_vreg.gather [hbm4b:s7+s2], $0x80, v4, vm0, $0xb8;
	[tilespmem:$0x10100] =	vst v63  }
0x7c: {  	s13 =	simm.s32 $0x2100  }
0x7d: {  	[tilespmem:s13], [sflag:$0x1] =	stream.indirect_vreg.gather [hbm4b:s8+s2], $0x80, v4, vm0, $0xb8;
	[tilespmem:$0x10100] =	vst v63  }
0x7e: {  	s17 =	simm.s32 $0x2900;
	v3 =	vperm.xlane v3, v2  }
0x7f: {  	[tilespmem:s17], [sflag:$0x1] =	stream.indirect_vreg.gather [hbm4b:s9+s2], $0x80, v4, vm0, $0xb8;
	[tilespmem:$0x10100] =	vst v63  }
0x80: {  	v3 =	vadd.s32 v1, v3;
	s13 =	simm.s32 $0x3100  }
0x81: {  	[tilespmem:s13], [sflag:$0x1] =	stream.indirect_vreg.gather [hbm4b:s10+s2], $0x80, v4, vm0, $0xb8;
	[tilespmem:$0x10100] =	vst v63  }
0x82: {  	s17 =	simm.s32 $0x3900  }
0x83: {  	[tilespmem:s17], [sflag:$0x1] =	stream.indirect_vreg.gather [hbm4b:s11+s2], $0x80, v4, vm0, $0xb8;
	[tilespmem:$0x10100] =	vst v63  }
0x84: {  	s19 =	simm.s32 $0x4100  }
0x85: {  	[tilespmem:s19], [sflag:$0x1] =	stream.indirect_vreg.gather [hbm4b:s4+s2], $0x80, v3, vm0, $0xb8;
	[tilespmem:$0x10100] =	vst v63  }
0x86: {  	s20 =	simm.s32 $0x4900  }
0x87: {  	[tilespmem:s20], [sflag:$0x1] =	stream.indirect_vreg.gather [hbm4b:s5+s2], $0x80, v3, vm0, $0xb8;
	[tilespmem:$0x10100] =	vst v63  }
0x88: {  	s21 =	simm.s32 $0x5100  }
0x89: {  	[tilespmem:s21], [sflag:$0x1] =	stream.indirect_vreg.gather [hbm4b:s6+s2], $0x80, v3, vm0, $0xb8;
	[tilespmem:$0x10100] =	vst v63  }
0x8a: {  	s22 =	simm.s32 $0x5900  }
0x8b: {  	[tilespmem:s22], [sflag:$0x1] =	stream.indirect_vreg.gather [hbm4b:s7+s2], $0x80, v3, vm0, $0xb8;
	[tilespmem:$0x10100] =	vst v63  }
0x8c: {  	s23 =	simm.s32 $0x6100  }
0x8d: {  	[tilespmem:s23], [sflag:$0x1] =	stream.indirect_vreg.gather [hbm4b:s8+s2], $0x80, v3, vm0, $0xb8;
	[tilespmem:$0x10100] =	vst v63  }
0x8e: {  	s24 =	simm.s32 $0x6900  }
0x8f: {  	[tilespmem:s24], [sflag:$0x1] =	stream.indirect_vreg.gather [hbm4b:s9+s2], $0x80, v3, vm0, $0xb8;
	[tilespmem:$0x10100] =	vst v63  }
0x90: {  	s25 =	simm.s32 $0x7100  }
0x91: {  	[tilespmem:s25], [sflag:$0x1] =	stream.indirect_vreg.gather [hbm4b:s10+s2], $0x80, v3, vm0, $0xb8;
	[tilespmem:$0x10100] =	vst v63  }
0x92: {  	s15 =	simm.s32 $0x7900  }
0x93: {  	[tilespmem:s15], [sflag:$0x1] =	stream.indirect_vreg.gather [hbm4b:s11+s2], $0x80, v3, vm0, $0xb8;
	[tilespmem:$0x10100] =	vst v63  }
0x94: {  	_ =	swait.ge [sflag:s29], $0x8000  }
0x95: {  	[sflag:s29] =	ssyncset.done $0x0  }
0x96: {  	s15 =	rddreg [dreg:$0x4];
	[sflag:s29] =	ssyncadd.s32 $0xFFFF8000  }
0x97: {  	[hbm4b:s15+s2] =	stream.linear.scatter [tilespmem:s31], [sflag:$0x4], $0x8000, $0x38;
	[tilespmem:$0x10100] =	vst v63  }
0x98: {  	_ =	swait.ge [sflag:s30], $0x8000  }
0x99: {  	[sflag:s30] =	ssyncset.done $0x0  }
0x9a: {  	[sflag:s30] =	ssyncadd.s32 $0xFFFF8000  }
0x9b: {  	v3 =	vld [tilespmem:$0x30];
	_ =	sdelay $0x4  }
0x9c: {  	v51 =	vshll.u32 v3, $0x4  }
0x9d: {  	v3 =	vand.u32 $0x7, v3;
	v4 =	vand.u32 $0xFFFFFF80, v51  }
0x9e: {  	v3 =	vor.u32 v3, v4  }
0x9f: {  	v4 =	vperm.xlane v3, v0;
	_ =	sdelay $0x1  }
0xa0: {  	v4 =	vadd.s32 v1, v4;
	_ =	sdelay $0x4  }
0xa1: {  	[tilespmem:s31], [sflag:$0x2] =	stream.indirect_vreg.gather [hbm4b:s4+s2], $0x80, v4, vm0, $0xb8;
	[tilespmem:$0x10100] =	vst v63  }
0xa2: {  	s15 =	simm.s32 $0x8900  }
0xa3: {  	[tilespmem:s15], [sflag:$0x2] =	stream.indirect_vreg.gather [hbm4b:s5+s2], $0x80, v4, vm0, $0xb8;
	[tilespmem:$0x10100] =	vst v63  }
0xa4: {  	s1 =	simm.s32 $0x9100  }
0xa5: {  	[tilespmem:s1], [sflag:$0x2] =	stream.indirect_vreg.gather [hbm4b:s6+s2], $0x80, v4, vm0, $0xb8;
	[tilespmem:$0x10100] =	vst v63  }
0xa6: {  	s1 =	simm.s32 $0x9900  }
0xa7: {  	[tilespmem:s1], [sflag:$0x2] =	stream.indirect_vreg.gather [hbm4b:s7+s2], $0x80, v4, vm0, $0xb8;
	[tilespmem:$0x10100] =	vst v63  }
0xa8: {  	s1 =	simm.s32 $0xA100  }
0xa9: {  	[tilespmem:s1], [sflag:$0x2] =	stream.indirect_vreg.gather [hbm4b:s8+s2], $0x80, v4, vm0, $0xb8;
	[tilespmem:$0x10100] =	vst v63  }
0xaa: {  	v3 =	vperm.xlane v3, v2;
	s1 =	simm.s32 $0xA900  }
0xab: {  	[tilespmem:s1], [sflag:$0x2] =	stream.indirect_vreg.gather [hbm4b:s9+s2], $0x80, v4, vm0, $0xb8;
	[tilespmem:$0x10100] =	vst v63  }
0xac: {  	v3 =	vadd.s32 v1, v3;
	s1 =	simm.s32 $0xB100  }
0xad: {  	[tilespmem:s1], [sflag:$0x2] =	stream.indirect_vreg.gather [hbm4b:s10+s2], $0x80, v4, vm0, $0xb8;
	[tilespmem:$0x10100] =	vst v63  }
0xae: {  	s1 =	simm.s32 $0xB900  }
0xaf: {  	[tilespmem:s1], [sflag:$0x2] =	stream.indirect_vreg.gather [hbm4b:s11+s2], $0x80, v4, vm0, $0xb8;
	[tilespmem:$0x10100] =	vst v63  }
0xb0: {  	s1 =	simm.s32 $0xC100  }
0xb1: {  	[tilespmem:s1], [sflag:$0x2] =	stream.indirect_vreg.gather [hbm4b:s4+s2], $0x80, v3, vm0, $0xb8;
	[tilespmem:$0x10100] =	vst v63  }
0xb2: {  	s1 =	simm.s32 $0xC900  }
0xb3: {  	[tilespmem:s1], [sflag:$0x2] =	stream.indirect_vreg.gather [hbm4b:s5+s2], $0x80, v3, vm0, $0xb8;
	[tilespmem:$0x10100] =	vst v63  }
0xb4: {  	s1 =	simm.s32 $0xD100  }
0xb5: {  	[tilespmem:s1], [sflag:$0x2] =	stream.indirect_vreg.gather [hbm4b:s6+s2], $0x80, v3, vm0, $0xb8;
	[tilespmem:$0x10100] =	vst v63  }
0xb6: {  	s1 =	simm.s32 $0xD900  }
0xb7: {  	[tilespmem:s1], [sflag:$0x2] =	stream.indirect_vreg.gather [hbm4b:s7+s2], $0x80, v3, vm0, $0xb8;
	[tilespmem:$0x10100] =	vst v63  }
0xb8: {  	s1 =	simm.s32 $0xE100  }
0xb9: {  	[tilespmem:s1], [sflag:$0x2] =	stream.indirect_vreg.gather [hbm4b:s8+s2], $0x80, v3, vm0, $0xb8;
	[tilespmem:$0x10100] =	vst v63  }
0xba: {  	s1 =	simm.s32 $0xE900  }
0xbb: {  	[tilespmem:s1], [sflag:$0x2] =	stream.indirect_vreg.gather [hbm4b:s9+s2], $0x80, v3, vm0, $0xb8;
	[tilespmem:$0x10100] =	vst v63  }
0xbc: {  	s1 =	simm.s32 $0xF100  }
0xbd: {  	[tilespmem:s1], [sflag:$0x2] =	stream.indirect_vreg.gather [hbm4b:s10+s2], $0x80, v3, vm0, $0xb8;
	[tilespmem:$0x10100] =	vst v63  }
0xbe: {  	s18 =	simm.s32 $0xF900  }
0xbf: {  	[tilespmem:s18], [sflag:$0x2] =	stream.indirect_vreg.gather [hbm4b:s11+s2], $0x80, v3, vm0, $0xb8;
	[tilespmem:$0x10100] =	vst v63  }
0xc0: {  	_ =	swait.ge [sflag:s26], $0x8000  }
0xc1: {  	[sflag:s26] =	ssyncset.done $0x0  }
0xc2: {  	s1 =	rddreg [dreg:$0x5];
	[sflag:s26] =	ssyncadd.s32 $0xFFFF8000  }
0xc3: {  	[hbm4b:s1+s2] =	stream.linear.scatter [tilespmem:s14], [sflag:$0x3], $0x8000, $0x38;
	[tilespmem:$0x10100] =	vst v63  }
0xc4: {  	_ =	swait.ge [sflag:s28], $0x8000  }
0xc5: {  	[sflag:s28] =	ssyncset.done $0x0  }
0xc6: {  	[sflag:s28] =	ssyncadd.s32 $0xFFFF8000  }
0xc7: {  	v3 =	vld [tilespmem:$0x40];
	_ =	sdelay $0x4  }
0xc8: {  	v52 =	vshll.u32 v3, $0x4  }
0xc9: {  	v3 =	vand.u32 $0x7, v3;
	v4 =	vand.u32 $0xFFFFFF80, v52  }
0xca: {  	v3 =	vor.u32 v3, v4  }
0xcb: {  	v4 =	vperm.xlane v3, v0;
	_ =	sdelay $0x1  }
0xcc: {  	v4 =	vadd.s32 v1, v4;
	_ =	sdelay $0x4  }
0xcd: {  	[tilespmem:s14], [sflag:$0x1] =	stream.indirect_vreg.gather [hbm4b:s4+s2], $0x80, v4, vm0, $0xb8;
	[tilespmem:$0x10100] =	vst v63  }
0xce: {  	_ = 	snop  }
0xcf: {  	[tilespmem:s0], [sflag:$0x1] =	stream.indirect_vreg.gather [hbm4b:s5+s2], $0x80, v4, vm0, $0xb8;
	[tilespmem:$0x10100] =	vst v63  }
0xd0: {  	_ = 	snop  }
0xd1: {  	[tilespmem:s3], [sflag:$0x1] =	stream.indirect_vreg.gather [hbm4b:s6+s2], $0x80, v4, vm0, $0xb8;
	[tilespmem:$0x10100] =	vst v63  }
0xd2: {  	_ = 	snop  }
0xd3: {  	[tilespmem:s12], [sflag:$0x1] =	stream.indirect_vreg.gather [hbm4b:s7+s2], $0x80, v4, vm0, $0xb8;
	[tilespmem:$0x10100] =	vst v63  }
0xd4: {  	s1 =	simm.s32 $0x2100  }
0xd5: {  	[tilespmem:s1], [sflag:$0x1] =	stream.indirect_vreg.gather [hbm4b:s8+s2], $0x80, v4, vm0, $0xb8;
	[tilespmem:$0x10100] =	vst v63  }
0xd6: {  	v3 =	vperm.xlane v3, v2;
	s1 =	simm.s32 $0x2900  }
0xd7: {  	[tilespmem:s1], [sflag:$0x1] =	stream.indirect_vreg.gather [hbm4b:s9+s2], $0x80, v4, vm0, $0xb8;
	[tilespmem:$0x10100] =	vst v63  }
0xd8: {  	v3 =	vadd.s32 v1, v3  }
0xd9: {  	[tilespmem:s13], [sflag:$0x1] =	stream.indirect_vreg.gather [hbm4b:s10+s2], $0x80, v4, vm0, $0xb8;
	[tilespmem:$0x10100] =	vst v63  }
0xda: {  	_ = 	snop  }
0xdb: {  	[tilespmem:s17], [sflag:$0x1] =	stream.indirect_vreg.gather [hbm4b:s11+s2], $0x80, v4, vm0, $0xb8;
	[tilespmem:$0x10100] =	vst v63  }
0xdc: {  	_ = 	snop  }
0xdd: {  	[tilespmem:s19], [sflag:$0x1] =	stream.indirect_vreg.gather [hbm4b:s4+s2], $0x80, v3, vm0, $0xb8;
	[tilespmem:$0x10100] =	vst v63  }
0xde: {  	_ = 	snop  }
0xdf: {  	[tilespmem:s20], [sflag:$0x1] =	stream.indirect_vreg.gather [hbm4b:s5+s2], $0x80, v3, vm0, $0xb8;
	[tilespmem:$0x10100] =	vst v63  }
0xe0: {  	_ = 	snop  }
0xe1: {  	[tilespmem:s21], [sflag:$0x1] =	stream.indirect_vreg.gather [hbm4b:s6+s2], $0x80, v3, vm0, $0xb8;
	[tilespmem:$0x10100] =	vst v63  }
0xe2: {  	_ = 	snop  }
0xe3: {  	[tilespmem:s22], [sflag:$0x1] =	stream.indirect_vreg.gather [hbm4b:s7+s2], $0x80, v3, vm0, $0xb8;
	[tilespmem:$0x10100] =	vst v63  }
0xe4: {  	_ = 	snop  }
0xe5: {  	[tilespmem:s23], [sflag:$0x1] =	stream.indirect_vreg.gather [hbm4b:s8+s2], $0x80, v3, vm0, $0xb8;
	[tilespmem:$0x10100] =	vst v63  }
0xe6: {  	_ = 	snop  }
0xe7: {  	[tilespmem:s24], [sflag:$0x1] =	stream.indirect_vreg.gather [hbm4b:s9+s2], $0x80, v3, vm0, $0xb8;
	[tilespmem:$0x10100] =	vst v63  }
0xe8: {  	_ = 	snop  }
0xe9: {  	[tilespmem:s25], [sflag:$0x1] =	stream.indirect_vreg.gather [hbm4b:s10+s2], $0x80, v3, vm0, $0xb8;
	[tilespmem:$0x10100] =	vst v63  }
0xea: {  	s1 =	simm.s32 $0x7900  }
0xeb: {  	[tilespmem:s1], [sflag:$0x1] =	stream.indirect_vreg.gather [hbm4b:s11+s2], $0x80, v3, vm0, $0xb8;
	[tilespmem:$0x10100] =	vst v63  }
0xec: {  	_ =	swait.ge [sflag:s29], $0x8000  }
0xed: {  	[sflag:s29] =	ssyncset.done $0x0  }
0xee: {  	s1 =	rddreg [dreg:$0x6];
	[sflag:s29] =	ssyncadd.s32 $0xFFFF8000  }
0xef: {  	[hbm4b:s1+s2] =	stream.linear.scatter [tilespmem:s31], [sflag:$0x4], $0x8000, $0x38;
	[tilespmem:$0x10100] =	vst v63  }
0xf0: {  	_ =	swait.ge [sflag:s30], $0x8000  }
0xf1: {  	[sflag:s30] =	ssyncset.done $0x0  }
0xf2: {  	[sflag:s30] =	ssyncadd.s32 $0xFFFF8000  }
0xf3: {  	v3 =	vld [tilespmem:$0x50];
	_ =	sdelay $0x4  }
0xf4: {  	v53 =	vshll.u32 v3, $0x4  }
0xf5: {  	v3 =	vand.u32 $0x7, v3;
	v4 =	vand.u32 $0xFFFFFF80, v53  }
0xf6: {  	v3 =	vor.u32 v3, v4  }
0xf7: {  	v4 =	vperm.xlane v3, v0;
	_ =	sdelay $0x1  }
0xf8: {  	v4 =	vadd.s32 v1, v4;
	_ =	sdelay $0x4  }
0xf9: {  	[tilespmem:s31], [sflag:$0x2] =	stream.indirect_vreg.gather [hbm4b:s4+s2], $0x80, v4, vm0, $0xb8;
	[tilespmem:$0x10100] =	vst v63  }
0xfa: {  	s15 =	simm.s32 $0x8900  }
0xfb: {  	[tilespmem:s15], [sflag:$0x2] =	stream.indirect_vreg.gather [hbm4b:s5+s2], $0x80, v4, vm0, $0xb8;
	[tilespmem:$0x10100] =	vst v63  }
0xfc: {  	s1 =	simm.s32 $0x9100  }
0xfd: {  	[tilespmem:s1], [sflag:$0x2] =	stream.indirect_vreg.gather [hbm4b:s6+s2], $0x80, v4, vm0, $0xb8;
	[tilespmem:$0x10100] =	vst v63  }
0xfe: {  	s1 =	simm.s32 $0x9900  }
0xff: {  	[tilespmem:s1], [sflag:$0x2] =	stream.indirect_vreg.gather [hbm4b:s7+s2], $0x80, v4, vm0, $0xb8;
	[tilespmem:$0x10100] =	vst v63  }
0x100: {  	s1 =	simm.s32 $0xA100  }
0x101: {  	[tilespmem:s1], [sflag:$0x2] =	stream.indirect_vreg.gather [hbm4b:s8+s2], $0x80, v4, vm0, $0xb8;
	[tilespmem:$0x10100] =	vst v63  }
0x102: {  	v3 =	vperm.xlane v3, v2;
	s1 =	simm.s32 $0xA900  }
0x103: {  	[tilespmem:s1], [sflag:$0x2] =	stream.indirect_vreg.gather [hbm4b:s9+s2], $0x80, v4, vm0, $0xb8;
	[tilespmem:$0x10100] =	vst v63  }
0x104: {  	v3 =	vadd.s32 v1, v3;
	s1 =	simm.s32 $0xB100  }
0x105: {  	[tilespmem:s1], [sflag:$0x2] =	stream.indirect_vreg.gather [hbm4b:s10+s2], $0x80, v4, vm0, $0xb8;
	[tilespmem:$0x10100] =	vst v63  }
0x106: {  	s1 =	simm.s32 $0xB900  }
0x107: {  	[tilespmem:s1], [sflag:$0x2] =	stream.indirect_vreg.gather [hbm4b:s11+s2], $0x80, v4, vm0, $0xb8;
	[tilespmem:$0x10100] =	vst v63  }
0x108: {  	s1 =	simm.s32 $0xC100  }
0x109: {  	[tilespmem:s1], [sflag:$0x2] =	stream.indirect_vreg.gather [hbm4b:s4+s2], $0x80, v3, vm0, $0xb8;
	[tilespmem:$0x10100] =	vst v63  }
0x10a: {  	s1 =	simm.s32 $0xC900  }
0x10b: {  	[tilespmem:s1], [sflag:$0x2] =	stream.indirect_vreg.gather [hbm4b:s5+s2], $0x80, v3, vm0, $0xb8;
	[tilespmem:$0x10100] =	vst v63  }
0x10c: {  	s1 =	simm.s32 $0xD100  }
0x10d: {  	[tilespmem:s1], [sflag:$0x2] =	stream.indirect_vreg.gather [hbm4b:s6+s2], $0x80, v3, vm0, $0xb8;
	[tilespmem:$0x10100] =	vst v63  }
0x10e: {  	s1 =	simm.s32 $0xD900  }
0x10f: {  	[tilespmem:s1], [sflag:$0x2] =	stream.indirect_vreg.gather [hbm4b:s7+s2], $0x80, v3, vm0, $0xb8;
	[tilespmem:$0x10100] =	vst v63  }
0x110: {  	s1 =	simm.s32 $0xE100  }
0x111: {  	[tilespmem:s1], [sflag:$0x2] =	stream.indirect_vreg.gather [hbm4b:s8+s2], $0x80, v3, vm0, $0xb8;
	[tilespmem:$0x10100] =	vst v63  }
0x112: {  	s1 =	simm.s32 $0xE900  }
0x113: {  	[tilespmem:s1], [sflag:$0x2] =	stream.indirect_vreg.gather [hbm4b:s9+s2], $0x80, v3, vm0, $0xb8;
	[tilespmem:$0x10100] =	vst v63  }
0x114: {  	s1 =	simm.s32 $0xF100  }
0x115: {  	[tilespmem:s1], [sflag:$0x2] =	stream.indirect_vreg.gather [hbm4b:s10+s2], $0x80, v3, vm0, $0xb8;
	[tilespmem:$0x10100] =	vst v63  }
0x116: {  	s18 =	simm.s32 $0xF900  }
0x117: {  	[tilespmem:s18], [sflag:$0x2] =	stream.indirect_vreg.gather [hbm4b:s11+s2], $0x80, v3, vm0, $0xb8;
	[tilespmem:$0x10100] =	vst v63  }
0x118: {  	_ =	swait.ge [sflag:s26], $0x8000  }
0x119: {  	[sflag:s26] =	ssyncset.done $0x0  }
0x11a: {  	s1 =	rddreg [dreg:$0x7];
	[sflag:s26] =	ssyncadd.s32 $0xFFFF8000  }
0x11b: {  	[hbm4b:s1+s2] =	stream.linear.scatter [tilespmem:s14], [sflag:$0x3], $0x8000, $0x38;
	[tilespmem:$0x10100] =	vst v63  }
0x11c: {  	_ =	swait.ge [sflag:s28], $0x8000  }
0x11d: {  	[sflag:s28] =	ssyncset.done $0x0  }
0x11e: {  	[sflag:s28] =	ssyncadd.s32 $0xFFFF8000  }
0x11f: {  	v3 =	vld [tilespmem:$0x60];
	_ =	sdelay $0x4  }
0x120: {  	v54 =	vshll.u32 v3, $0x4  }
0x121: {  	v3 =	vand.u32 $0x7, v3;
	v4 =	vand.u32 $0xFFFFFF80, v54  }
0x122: {  	v3 =	vor.u32 v3, v4  }
0x123: {  	v4 =	vperm.xlane v3, v0;
	_ =	sdelay $0x1  }
0x124: {  	v4 =	vadd.s32 v1, v4;
	_ =	sdelay $0x4  }
0x125: {  	[tilespmem:s14], [sflag:$0x1] =	stream.indirect_vreg.gather [hbm4b:s4+s2], $0x80, v4, vm0, $0xb8;
	[tilespmem:$0x10100] =	vst v63  }
0x126: {  	s0 =	simm.s32 $0x900  }
0x127: {  	[tilespmem:s0], [sflag:$0x1] =	stream.indirect_vreg.gather [hbm4b:s5+s2], $0x80, v4, vm0, $0xb8;
	[tilespmem:$0x10100] =	vst v63  }
0x128: {  	s3 =	simm.s32 $0x1100  }
0x129: {  	[tilespmem:s3], [sflag:$0x1] =	stream.indirect_vreg.gather [hbm4b:s6+s2], $0x80, v4, vm0, $0xb8;
	[tilespmem:$0x10100] =	vst v63  }
0x12a: {  	s12 =	simm.s32 $0x1900  }
0x12b: {  	[tilespmem:s12], [sflag:$0x1] =	stream.indirect_vreg.gather [hbm4b:s7+s2], $0x80, v4, vm0, $0xb8;
	[tilespmem:$0x10100] =	vst v63  }
0x12c: {  	s1 =	simm.s32 $0x2100  }
0x12d: {  	[tilespmem:s1], [sflag:$0x1] =	stream.indirect_vreg.gather [hbm4b:s8+s2], $0x80, v4, vm0, $0xb8;
	[tilespmem:$0x10100] =	vst v63  }
0x12e: {  	v3 =	vperm.xlane v3, v2;
	s1 =	simm.s32 $0x2900  }
0x12f: {  	[tilespmem:s1], [sflag:$0x1] =	stream.indirect_vreg.gather [hbm4b:s9+s2], $0x80, v4, vm0, $0xb8;
	[tilespmem:$0x10100] =	vst v63  }
0x130: {  	s13 =	simm.s32 $0x3100;
	v3 =	vadd.s32 v1, v3  }
0x131: {  	[tilespmem:s13], [sflag:$0x1] =	stream.indirect_vreg.gather [hbm4b:s10+s2], $0x80, v4, vm0, $0xb8;
	[tilespmem:$0x10100] =	vst v63  }
0x132: {  	s17 =	simm.s32 $0x3900  }
0x133: {  	[tilespmem:s17], [sflag:$0x1] =	stream.indirect_vreg.gather [hbm4b:s11+s2], $0x80, v4, vm0, $0xb8;
	[tilespmem:$0x10100] =	vst v63  }
0x134: {  	s19 =	simm.s32 $0x4100  }
0x135: {  	[tilespmem:s19], [sflag:$0x1] =	stream.indirect_vreg.gather [hbm4b:s4+s2], $0x80, v3, vm0, $0xb8;
	[tilespmem:$0x10100] =	vst v63  }
0x136: {  	s20 =	simm.s32 $0x4900  }
0x137: {  	[tilespmem:s20], [sflag:$0x1] =	stream.indirect_vreg.gather [hbm4b:s5+s2], $0x80, v3, vm0, $0xb8;
	[tilespmem:$0x10100] =	vst v63  }
0x138: {  	s21 =	simm.s32 $0x5100  }
0x139: {  	[tilespmem:s21], [sflag:$0x1] =	stream.indirect_vreg.gather [hbm4b:s6+s2], $0x80, v3, vm0, $0xb8;
	[tilespmem:$0x10100] =	vst v63  }
0x13a: {  	s22 =	simm.s32 $0x5900  }
0x13b: {  	[tilespmem:s22], [sflag:$0x1] =	stream.indirect_vreg.gather [hbm4b:s7+s2], $0x80, v3, vm0, $0xb8;
	[tilespmem:$0x10100] =	vst v63  }
0x13c: {  	s23 =	simm.s32 $0x6100  }
0x13d: {  	[tilespmem:s23], [sflag:$0x1] =	stream.indirect_vreg.gather [hbm4b:s8+s2], $0x80, v3, vm0, $0xb8;
	[tilespmem:$0x10100] =	vst v63  }
0x13e: {  	s24 =	simm.s32 $0x6900  }
0x13f: {  	[tilespmem:s24], [sflag:$0x1] =	stream.indirect_vreg.gather [hbm4b:s9+s2], $0x80, v3, vm0, $0xb8;
	[tilespmem:$0x10100] =	vst v63  }
0x140: {  	s25 =	simm.s32 $0x7100  }
0x141: {  	[tilespmem:s25], [sflag:$0x1] =	stream.indirect_vreg.gather [hbm4b:s10+s2], $0x80, v3, vm0, $0xb8;
	[tilespmem:$0x10100] =	vst v63  }
0x142: {  	s1 =	simm.s32 $0x7900  }
0x143: {  	[tilespmem:s1], [sflag:$0x1] =	stream.indirect_vreg.gather [hbm4b:s11+s2], $0x80, v3, vm0, $0xb8;
	[tilespmem:$0x10100] =	vst v63  }
0x144: {  	_ =	swait.ge [sflag:s29], $0x8000  }
0x145: {  	[sflag:s29] =	ssyncset.done $0x0  }
0x146: {  	s1 =	rddreg [dreg:$0x8];
	[sflag:s29] =	ssyncadd.s32 $0xFFFF8000  }
0x147: {  	[hbm4b:s1+s2] =	stream.linear.scatter [tilespmem:s31], [sflag:$0x4], $0x8000, $0x38;
	[tilespmem:$0x10100] =	vst v63  }
0x148: {  	_ =	swait.ge [sflag:s30], $0x8000  }
0x149: {  	[sflag:s30] =	ssyncset.done $0x0  }
0x14a: {  	[sflag:s30] =	ssyncadd.s32 $0xFFFF8000  }
0x14b: {  	v3 =	vld [tilespmem:$0x70];
	_ =	sdelay $0x4  }
0x14c: {  	v55 =	vshll.u32 v3, $0x4  }
0x14d: {  	v3 =	vand.u32 $0x7, v3;
	v4 =	vand.u32 $0xFFFFFF80, v55  }
0x14e: {  	v3 =	vor.u32 v3, v4  }
0x14f: {  	v4 =	vperm.xlane v3, v0;
	_ =	sdelay $0x1  }
0x150: {  	v4 =	vadd.s32 v1, v4;
	_ =	sdelay $0x4  }
0x151: {  	[tilespmem:s31], [sflag:$0x2] =	stream.indirect_vreg.gather [hbm4b:s4+s2], $0x80, v4, vm0, $0xb8;
	[tilespmem:$0x10100] =	vst v63  }
0x152: {  	s15 =	simm.s32 $0x8900  }
0x153: {  	[tilespmem:s15], [sflag:$0x2] =	stream.indirect_vreg.gather [hbm4b:s5+s2], $0x80, v4, vm0, $0xb8;
	[tilespmem:$0x10100] =	vst v63  }
0x154: {  	s1 =	simm.s32 $0x9100  }
0x155: {  	[tilespmem:s1], [sflag:$0x2] =	stream.indirect_vreg.gather [hbm4b:s6+s2], $0x80, v4, vm0, $0xb8;
	[tilespmem:$0x10100] =	vst v63  }
0x156: {  	s1 =	simm.s32 $0x9900  }
0x157: {  	[tilespmem:s1], [sflag:$0x2] =	stream.indirect_vreg.gather [hbm4b:s7+s2], $0x80, v4, vm0, $0xb8;
	[tilespmem:$0x10100] =	vst v63  }
0x158: {  	s1 =	simm.s32 $0xA100  }
0x159: {  	[tilespmem:s1], [sflag:$0x2] =	stream.indirect_vreg.gather [hbm4b:s8+s2], $0x80, v4, vm0, $0xb8;
	[tilespmem:$0x10100] =	vst v63  }
0x15a: {  	v3 =	vperm.xlane v3, v2;
	s1 =	simm.s32 $0xA900  }
0x15b: {  	[tilespmem:s1], [sflag:$0x2] =	stream.indirect_vreg.gather [hbm4b:s9+s2], $0x80, v4, vm0, $0xb8;
	[tilespmem:$0x10100] =	vst v63  }
0x15c: {  	v3 =	vadd.s32 v1, v3;
	s1 =	simm.s32 $0xB100  }
0x15d: {  	[tilespmem:s1], [sflag:$0x2] =	stream.indirect_vreg.gather [hbm4b:s10+s2], $0x80, v4, vm0, $0xb8;
	[tilespmem:$0x10100] =	vst v63  }
0x15e: {  	s1 =	simm.s32 $0xB900  }
0x15f: {  	[tilespmem:s1], [sflag:$0x2] =	stream.indirect_vreg.gather [hbm4b:s11+s2], $0x80, v4, vm0, $0xb8;
	[tilespmem:$0x10100] =	vst v63  }
0x160: {  	s1 =	simm.s32 $0xC100  }
0x161: {  	[tilespmem:s1], [sflag:$0x2] =	stream.indirect_vreg.gather [hbm4b:s4+s2], $0x80, v3, vm0, $0xb8;
	[tilespmem:$0x10100] =	vst v63  }
0x162: {  	s1 =	simm.s32 $0xC900  }
0x163: {  	[tilespmem:s1], [sflag:$0x2] =	stream.indirect_vreg.gather [hbm4b:s5+s2], $0x80, v3, vm0, $0xb8;
	[tilespmem:$0x10100] =	vst v63  }
0x164: {  	s1 =	simm.s32 $0xD100  }
0x165: {  	[tilespmem:s1], [sflag:$0x2] =	stream.indirect_vreg.gather [hbm4b:s6+s2], $0x80, v3, vm0, $0xb8;
	[tilespmem:$0x10100] =	vst v63  }
0x166: {  	s1 =	simm.s32 $0xD900  }
0x167: {  	[tilespmem:s1], [sflag:$0x2] =	stream.indirect_vreg.gather [hbm4b:s7+s2], $0x80, v3, vm0, $0xb8;
	[tilespmem:$0x10100] =	vst v63  }
0x168: {  	s1 =	simm.s32 $0xE100  }
0x169: {  	[tilespmem:s1], [sflag:$0x2] =	stream.indirect_vreg.gather [hbm4b:s8+s2], $0x80, v3, vm0, $0xb8;
	[tilespmem:$0x10100] =	vst v63  }
0x16a: {  	s1 =	simm.s32 $0xE900  }
0x16b: {  	[tilespmem:s1], [sflag:$0x2] =	stream.indirect_vreg.gather [hbm4b:s9+s2], $0x80, v3, vm0, $0xb8;
	[tilespmem:$0x10100] =	vst v63  }
0x16c: {  	s1 =	simm.s32 $0xF100  }
0x16d: {  	[tilespmem:s1], [sflag:$0x2] =	stream.indirect_vreg.gather [hbm4b:s10+s2], $0x80, v3, vm0, $0xb8;
	[tilespmem:$0x10100] =	vst v63  }
0x16e: {  	s18 =	simm.s32 $0xF900  }
0x16f: {  	[tilespmem:s18], [sflag:$0x2] =	stream.indirect_vreg.gather [hbm4b:s11+s2], $0x80, v3, vm0, $0xb8;
	[tilespmem:$0x10100] =	vst v63  }
0x170: {  	_ =	swait.ge [sflag:s26], $0x8000  }
0x171: {  	[sflag:s26] =	ssyncset.done $0x0  }
0x172: {  	s1 =	rddreg [dreg:$0x9];
	[sflag:s26] =	ssyncadd.s32 $0xFFFF8000  }
0x173: {  	[hbm4b:s1+s2] =	stream.linear.scatter [tilespmem:s14], [sflag:$0x3], $0x8000, $0x38;
	[tilespmem:$0x10100] =	vst v63  }
0x174: {  	_ =	swait.ge [sflag:s28], $0x8000  }
0x175: {  	[sflag:s28] =	ssyncset.done $0x0  }
0x176: {  	[sflag:s28] =	ssyncadd.s32 $0xFFFF8000  }
0x177: {  	v3 =	vld [tilespmem:$0x80];
	_ =	sdelay $0x4  }
0x178: {  	v56 =	vshll.u32 v3, $0x4  }
0x179: {  	v3 =	vand.u32 $0x7, v3;
	v4 =	vand.u32 $0xFFFFFF80, v56  }
0x17a: {  	v3 =	vor.u32 v3, v4  }
0x17b: {  	v4 =	vperm.xlane v3, v0;
	_ =	sdelay $0x1  }
0x17c: {  	v4 =	vadd.s32 v1, v4;
	_ =	sdelay $0x4  }
0x17d: {  	[tilespmem:s14], [sflag:$0x1] =	stream.indirect_vreg.gather [hbm4b:s4+s2], $0x80, v4, vm0, $0xb8;
	[tilespmem:$0x10100] =	vst v63  }
0x17e: {  	s0 =	simm.s32 $0x900  }
0x17f: {  	[tilespmem:s0], [sflag:$0x1] =	stream.indirect_vreg.gather [hbm4b:s5+s2], $0x80, v4, vm0, $0xb8;
	[tilespmem:$0x10100] =	vst v63  }
0x180: {  	s3 =	simm.s32 $0x1100  }
0x181: {  	[tilespmem:s3], [sflag:$0x1] =	stream.indirect_vreg.gather [hbm4b:s6+s2], $0x80, v4, vm0, $0xb8;
	[tilespmem:$0x10100] =	vst v63  }
0x182: {  	s12 =	simm.s32 $0x1900  }
0x183: {  	[tilespmem:s12], [sflag:$0x1] =	stream.indirect_vreg.gather [hbm4b:s7+s2], $0x80, v4, vm0, $0xb8;
	[tilespmem:$0x10100] =	vst v63  }
0x184: {  	s1 =	simm.s32 $0x2100  }
0x185: {  	[tilespmem:s1], [sflag:$0x1] =	stream.indirect_vreg.gather [hbm4b:s8+s2], $0x80, v4, vm0, $0xb8;
	[tilespmem:$0x10100] =	vst v63  }
0x186: {  	v3 =	vperm.xlane v3, v2;
	s1 =	simm.s32 $0x2900  }
0x187: {  	[tilespmem:s1], [sflag:$0x1] =	stream.indirect_vreg.gather [hbm4b:s9+s2], $0x80, v4, vm0, $0xb8;
	[tilespmem:$0x10100] =	vst v63  }
0x188: {  	s13 =	simm.s32 $0x3100;
	v3 =	vadd.s32 v1, v3  }
0x189: {  	[tilespmem:s13], [sflag:$0x1] =	stream.indirect_vreg.gather [hbm4b:s10+s2], $0x80, v4, vm0, $0xb8;
	[tilespmem:$0x10100] =	vst v63  }
0x18a: {  	s17 =	simm.s32 $0x3900  }
0x18b: {  	[tilespmem:s17], [sflag:$0x1] =	stream.indirect_vreg.gather [hbm4b:s11+s2], $0x80, v4, vm0, $0xb8;
	[tilespmem:$0x10100] =	vst v63  }
0x18c: {  	s19 =	simm.s32 $0x4100  }
0x18d: {  	[tilespmem:s19], [sflag:$0x1] =	stream.indirect_vreg.gather [hbm4b:s4+s2], $0x80, v3, vm0, $0xb8;
	[tilespmem:$0x10100] =	vst v63  }
0x18e: {  	s20 =	simm.s32 $0x4900  }
0x18f: {  	[tilespmem:s20], [sflag:$0x1] =	stream.indirect_vreg.gather [hbm4b:s5+s2], $0x80, v3, vm0, $0xb8;
	[tilespmem:$0x10100] =	vst v63  }
0x190: {  	s21 =	simm.s32 $0x5100  }
0x191: {  	[tilespmem:s21], [sflag:$0x1] =	stream.indirect_vreg.gather [hbm4b:s6+s2], $0x80, v3, vm0, $0xb8;
	[tilespmem:$0x10100] =	vst v63  }
0x192: {  	s22 =	simm.s32 $0x5900  }
0x193: {  	[tilespmem:s22], [sflag:$0x1] =	stream.indirect_vreg.gather [hbm4b:s7+s2], $0x80, v3, vm0, $0xb8;
	[tilespmem:$0x10100] =	vst v63  }
0x194: {  	s23 =	simm.s32 $0x6100  }
0x195: {  	[tilespmem:s23], [sflag:$0x1] =	stream.indirect_vreg.gather [hbm4b:s8+s2], $0x80, v3, vm0, $0xb8;
	[tilespmem:$0x10100] =	vst v63  }
0x196: {  	s24 =	simm.s32 $0x6900  }
0x197: {  	[tilespmem:s24], [sflag:$0x1] =	stream.indirect_vreg.gather [hbm4b:s9+s2], $0x80, v3, vm0, $0xb8;
	[tilespmem:$0x10100] =	vst v63  }
0x198: {  	s25 =	simm.s32 $0x7100  }
0x199: {  	[tilespmem:s25], [sflag:$0x1] =	stream.indirect_vreg.gather [hbm4b:s10+s2], $0x80, v3, vm0, $0xb8;
	[tilespmem:$0x10100] =	vst v63  }
0x19a: {  	s1 =	simm.s32 $0x7900  }
0x19b: {  	[tilespmem:s1], [sflag:$0x1] =	stream.indirect_vreg.gather [hbm4b:s11+s2], $0x80, v3, vm0, $0xb8;
	[tilespmem:$0x10100] =	vst v63  }
0x19c: {  	_ =	swait.ge [sflag:s29], $0x8000  }
0x19d: {  	[sflag:s29] =	ssyncset.done $0x0  }
0x19e: {  	s1 =	rddreg [dreg:$0xa];
	[sflag:s29] =	ssyncadd.s32 $0xFFFF8000  }
0x19f: {  	[hbm4b:s1+s2] =	stream.linear.scatter [tilespmem:s31], [sflag:$0x4], $0x8000, $0x38;
	[tilespmem:$0x10100] =	vst v63  }
0x1a0: {  	_ =	swait.ge [sflag:s30], $0x8000  }
0x1a1: {  	[sflag:s30] =	ssyncset.done $0x0  }
0x1a2: {  	[sflag:s30] =	ssyncadd.s32 $0xFFFF8000  }
0x1a3: {  	v3 =	vld [tilespmem:$0x90];
	_ =	sdelay $0x4  }
0x1a4: {  	v57 =	vshll.u32 v3, $0x4  }
0x1a5: {  	v3 =	vand.u32 $0x7, v3;
	v4 =	vand.u32 $0xFFFFFF80, v57  }
0x1a6: {  	v3 =	vor.u32 v3, v4  }
0x1a7: {  	v4 =	vperm.xlane v3, v0;
	_ =	sdelay $0x1  }
0x1a8: {  	v4 =	vadd.s32 v1, v4;
	_ =	sdelay $0x4  }
0x1a9: {  	[tilespmem:s31], [sflag:$0x2] =	stream.indirect_vreg.gather [hbm4b:s4+s2], $0x80, v4, vm0, $0xb8;
	[tilespmem:$0x10100] =	vst v63  }
0x1aa: {  	s15 =	simm.s32 $0x8900  }
0x1ab: {  	[tilespmem:s15], [sflag:$0x2] =	stream.indirect_vreg.gather [hbm4b:s5+s2], $0x80, v4, vm0, $0xb8;
	[tilespmem:$0x10100] =	vst v63  }
0x1ac: {  	s1 =	simm.s32 $0x9100  }
0x1ad: {  	[tilespmem:s1], [sflag:$0x2] =	stream.indirect_vreg.gather [hbm4b:s6+s2], $0x80, v4, vm0, $0xb8;
	[tilespmem:$0x10100] =	vst v63  }
0x1ae: {  	s1 =	simm.s32 $0x9900  }
0x1af: {  	[tilespmem:s1], [sflag:$0x2] =	stream.indirect_vreg.gather [hbm4b:s7+s2], $0x80, v4, vm0, $0xb8;
	[tilespmem:$0x10100] =	vst v63  }
0x1b0: {  	s1 =	simm.s32 $0xA100  }
0x1b1: {  	[tilespmem:s1], [sflag:$0x2] =	stream.indirect_vreg.gather [hbm4b:s8+s2], $0x80, v4, vm0, $0xb8;
	[tilespmem:$0x10100] =	vst v63  }
0x1b2: {  	v3 =	vperm.xlane v3, v2;
	s1 =	simm.s32 $0xA900  }
0x1b3: {  	[tilespmem:s1], [sflag:$0x2] =	stream.indirect_vreg.gather [hbm4b:s9+s2], $0x80, v4, vm0, $0xb8;
	[tilespmem:$0x10100] =	vst v63  }
0x1b4: {  	v3 =	vadd.s32 v1, v3;
	s1 =	simm.s32 $0xB100  }
0x1b5: {  	[tilespmem:s1], [sflag:$0x2] =	stream.indirect_vreg.gather [hbm4b:s10+s2], $0x80, v4, vm0, $0xb8;
	[tilespmem:$0x10100] =	vst v63  }
0x1b6: {  	s1 =	simm.s32 $0xB900  }
0x1b7: {  	[tilespmem:s1], [sflag:$0x2] =	stream.indirect_vreg.gather [hbm4b:s11+s2], $0x80, v4, vm0, $0xb8;
	[tilespmem:$0x10100] =	vst v63  }
0x1b8: {  	s1 =	simm.s32 $0xC100  }
0x1b9: {  	[tilespmem:s1], [sflag:$0x2] =	stream.indirect_vreg.gather [hbm4b:s4+s2], $0x80, v3, vm0, $0xb8;
	[tilespmem:$0x10100] =	vst v63  }
0x1ba: {  	s1 =	simm.s32 $0xC900  }
0x1bb: {  	[tilespmem:s1], [sflag:$0x2] =	stream.indirect_vreg.gather [hbm4b:s5+s2], $0x80, v3, vm0, $0xb8;
	[tilespmem:$0x10100] =	vst v63  }
0x1bc: {  	s1 =	simm.s32 $0xD100  }
0x1bd: {  	[tilespmem:s1], [sflag:$0x2] =	stream.indirect_vreg.gather [hbm4b:s6+s2], $0x80, v3, vm0, $0xb8;
	[tilespmem:$0x10100] =	vst v63  }
0x1be: {  	s1 =	simm.s32 $0xD900  }
0x1bf: {  	[tilespmem:s1], [sflag:$0x2] =	stream.indirect_vreg.gather [hbm4b:s7+s2], $0x80, v3, vm0, $0xb8;
	[tilespmem:$0x10100] =	vst v63  }
0x1c0: {  	s1 =	simm.s32 $0xE100  }
0x1c1: {  	[tilespmem:s1], [sflag:$0x2] =	stream.indirect_vreg.gather [hbm4b:s8+s2], $0x80, v3, vm0, $0xb8;
	[tilespmem:$0x10100] =	vst v63  }
0x1c2: {  	s1 =	simm.s32 $0xE900  }
0x1c3: {  	[tilespmem:s1], [sflag:$0x2] =	stream.indirect_vreg.gather [hbm4b:s9+s2], $0x80, v3, vm0, $0xb8;
	[tilespmem:$0x10100] =	vst v63  }
0x1c4: {  	s1 =	simm.s32 $0xF100  }
0x1c5: {  	[tilespmem:s1], [sflag:$0x2] =	stream.indirect_vreg.gather [hbm4b:s10+s2], $0x80, v3, vm0, $0xb8;
	[tilespmem:$0x10100] =	vst v63  }
0x1c6: {  	s18 =	simm.s32 $0xF900  }
0x1c7: {  	[tilespmem:s18], [sflag:$0x2] =	stream.indirect_vreg.gather [hbm4b:s11+s2], $0x80, v3, vm0, $0xb8;
	[tilespmem:$0x10100] =	vst v63  }
0x1c8: {  	_ =	swait.ge [sflag:s26], $0x8000  }
0x1c9: {  	[sflag:s26] =	ssyncset.done $0x0  }
0x1ca: {  	s1 =	rddreg [dreg:$0xb];
	[sflag:s26] =	ssyncadd.s32 $0xFFFF8000  }
0x1cb: {  	[hbm4b:s1+s2] =	stream.linear.scatter [tilespmem:s14], [sflag:$0x3], $0x8000, $0x38;
	[tilespmem:$0x10100] =	vst v63  }
0x1cc: {  	_ =	swait.ge [sflag:s28], $0x8000  }
0x1cd: {  	[sflag:s28] =	ssyncset.done $0x0  }
0x1ce: {  	[sflag:s28] =	ssyncadd.s32 $0xFFFF8000  }
0x1cf: {  	v3 =	vld [tilespmem:$0xA0];
	_ =	sdelay $0x4  }
0x1d0: {  	v58 =	vshll.u32 v3, $0x4  }
0x1d1: {  	v3 =	vand.u32 $0x7, v3;
	v4 =	vand.u32 $0xFFFFFF80, v58  }
0x1d2: {  	v3 =	vor.u32 v3, v4  }
0x1d3: {  	v4 =	vperm.xlane v3, v0;
	_ =	sdelay $0x1  }
0x1d4: {  	v4 =	vadd.s32 v1, v4;
	_ =	sdelay $0x4  }
0x1d5: {  	[tilespmem:s14], [sflag:$0x1] =	stream.indirect_vreg.gather [hbm4b:s4+s2], $0x80, v4, vm0, $0xb8;
	[tilespmem:$0x10100] =	vst v63  }
0x1d6: {  	s0 =	simm.s32 $0x900  }
0x1d7: {  	[tilespmem:s0], [sflag:$0x1] =	stream.indirect_vreg.gather [hbm4b:s5+s2], $0x80, v4, vm0, $0xb8;
	[tilespmem:$0x10100] =	vst v63  }
0x1d8: {  	s3 =	simm.s32 $0x1100  }
0x1d9: {  	[tilespmem:s3], [sflag:$0x1] =	stream.indirect_vreg.gather [hbm4b:s6+s2], $0x80, v4, vm0, $0xb8;
	[tilespmem:$0x10100] =	vst v63  }
0x1da: {  	s12 =	simm.s32 $0x1900  }
0x1db: {  	[tilespmem:s12], [sflag:$0x1] =	stream.indirect_vreg.gather [hbm4b:s7+s2], $0x80, v4, vm0, $0xb8;
	[tilespmem:$0x10100] =	vst v63  }
0x1dc: {  	s1 =	simm.s32 $0x2100  }
0x1dd: {  	[tilespmem:s1], [sflag:$0x1] =	stream.indirect_vreg.gather [hbm4b:s8+s2], $0x80, v4, vm0, $0xb8;
	[tilespmem:$0x10100] =	vst v63  }
0x1de: {  	v3 =	vperm.xlane v3, v2;
	s1 =	simm.s32 $0x2900  }
0x1df: {  	[tilespmem:s1], [sflag:$0x1] =	stream.indirect_vreg.gather [hbm4b:s9+s2], $0x80, v4, vm0, $0xb8;
	[tilespmem:$0x10100] =	vst v63  }
0x1e0: {  	s13 =	simm.s32 $0x3100;
	v3 =	vadd.s32 v1, v3  }
0x1e1: {  	[tilespmem:s13], [sflag:$0x1] =	stream.indirect_vreg.gather [hbm4b:s10+s2], $0x80, v4, vm0, $0xb8;
	[tilespmem:$0x10100] =	vst v63  }
0x1e2: {  	s17 =	simm.s32 $0x3900  }
0x1e3: {  	[tilespmem:s17], [sflag:$0x1] =	stream.indirect_vreg.gather [hbm4b:s11+s2], $0x80, v4, vm0, $0xb8;
	[tilespmem:$0x10100] =	vst v63  }
0x1e4: {  	s19 =	simm.s32 $0x4100  }
0x1e5: {  	[tilespmem:s19], [sflag:$0x1] =	stream.indirect_vreg.gather [hbm4b:s4+s2], $0x80, v3, vm0, $0xb8;
	[tilespmem:$0x10100] =	vst v63  }
0x1e6: {  	s20 =	simm.s32 $0x4900  }
0x1e7: {  	[tilespmem:s20], [sflag:$0x1] =	stream.indirect_vreg.gather [hbm4b:s5+s2], $0x80, v3, vm0, $0xb8;
	[tilespmem:$0x10100] =	vst v63  }
0x1e8: {  	s21 =	simm.s32 $0x5100  }
0x1e9: {  	[tilespmem:s21], [sflag:$0x1] =	stream.indirect_vreg.gather [hbm4b:s6+s2], $0x80, v3, vm0, $0xb8;
	[tilespmem:$0x10100] =	vst v63  }
0x1ea: {  	s22 =	simm.s32 $0x5900  }
0x1eb: {  	[tilespmem:s22], [sflag:$0x1] =	stream.indirect_vreg.gather [hbm4b:s7+s2], $0x80, v3, vm0, $0xb8;
	[tilespmem:$0x10100] =	vst v63  }
0x1ec: {  	s23 =	simm.s32 $0x6100  }
0x1ed: {  	[tilespmem:s23], [sflag:$0x1] =	stream.indirect_vreg.gather [hbm4b:s8+s2], $0x80, v3, vm0, $0xb8;
	[tilespmem:$0x10100] =	vst v63  }
0x1ee: {  	s24 =	simm.s32 $0x6900  }
0x1ef: {  	[tilespmem:s24], [sflag:$0x1] =	stream.indirect_vreg.gather [hbm4b:s9+s2], $0x80, v3, vm0, $0xb8;
	[tilespmem:$0x10100] =	vst v63  }
0x1f0: {  	s25 =	simm.s32 $0x7100  }
0x1f1: {  	[tilespmem:s25], [sflag:$0x1] =	stream.indirect_vreg.gather [hbm4b:s10+s2], $0x80, v3, vm0, $0xb8;
	[tilespmem:$0x10100] =	vst v63  }
0x1f2: {  	s1 =	simm.s32 $0x7900  }
0x1f3: {  	[tilespmem:s1], [sflag:$0x1] =	stream.indirect_vreg.gather [hbm4b:s11+s2], $0x80, v3, vm0, $0xb8;
	[tilespmem:$0x10100] =	vst v63  }
0x1f4: {  	_ =	swait.ge [sflag:s29], $0x8000  }
0x1f5: {  	[sflag:s29] =	ssyncset.done $0x0  }
0x1f6: {  	s1 =	rddreg [dreg:$0xc];
	[sflag:s29] =	ssyncadd.s32 $0xFFFF8000  }
0x1f7: {  	[hbm4b:s1+s2] =	stream.linear.scatter [tilespmem:s31], [sflag:$0x4], $0x8000, $0x38;
	[tilespmem:$0x10100] =	vst v63  }
0x1f8: {  	_ =	swait.ge [sflag:s30], $0x8000  }
0x1f9: {  	[sflag:s30] =	ssyncset.done $0x0  }
0x1fa: {  	[sflag:s30] =	ssyncadd.s32 $0xFFFF8000  }
0x1fb: {  	v3 =	vld [tilespmem:$0xB0];
	_ =	sdelay $0x4  }
0x1fc: {  	v59 =	vshll.u32 v3, $0x4  }
0x1fd: {  	v3 =	vand.u32 $0x7, v3;
	v4 =	vand.u32 $0xFFFFFF80, v59  }
0x1fe: {  	v3 =	vor.u32 v3, v4  }
0x1ff: {  	v4 =	vperm.xlane v3, v0;
	_ =	sdelay $0x1  }
0x200: {  	v4 =	vadd.s32 v1, v4;
	_ =	sdelay $0x4  }
0x201: {  	[tilespmem:s31], [sflag:$0x2] =	stream.indirect_vreg.gather [hbm4b:s4+s2], $0x80, v4, vm0, $0xb8;
	[tilespmem:$0x10100] =	vst v63  }
0x202: {  	s15 =	simm.s32 $0x8900  }
0x203: {  	[tilespmem:s15], [sflag:$0x2] =	stream.indirect_vreg.gather [hbm4b:s5+s2], $0x80, v4, vm0, $0xb8;
	[tilespmem:$0x10100] =	vst v63  }
0x204: {  	s1 =	simm.s32 $0x9100  }
0x205: {  	[tilespmem:s1], [sflag:$0x2] =	stream.indirect_vreg.gather [hbm4b:s6+s2], $0x80, v4, vm0, $0xb8;
	[tilespmem:$0x10100] =	vst v63  }
0x206: {  	s1 =	simm.s32 $0x9900  }
0x207: {  	[tilespmem:s1], [sflag:$0x2] =	stream.indirect_vreg.gather [hbm4b:s7+s2], $0x80, v4, vm0, $0xb8;
	[tilespmem:$0x10100] =	vst v63  }
0x208: {  	s1 =	simm.s32 $0xA100  }
0x209: {  	[tilespmem:s1], [sflag:$0x2] =	stream.indirect_vreg.gather [hbm4b:s8+s2], $0x80, v4, vm0, $0xb8;
	[tilespmem:$0x10100] =	vst v63  }
0x20a: {  	v3 =	vperm.xlane v3, v2;
	s1 =	simm.s32 $0xA900  }
0x20b: {  	[tilespmem:s1], [sflag:$0x2] =	stream.indirect_vreg.gather [hbm4b:s9+s2], $0x80, v4, vm0, $0xb8;
	[tilespmem:$0x10100] =	vst v63  }
0x20c: {  	v3 =	vadd.s32 v1, v3;
	s1 =	simm.s32 $0xB100  }
0x20d: {  	[tilespmem:s1], [sflag:$0x2] =	stream.indirect_vreg.gather [hbm4b:s10+s2], $0x80, v4, vm0, $0xb8;
	[tilespmem:$0x10100] =	vst v63  }
0x20e: {  	s1 =	simm.s32 $0xB900  }
0x20f: {  	[tilespmem:s1], [sflag:$0x2] =	stream.indirect_vreg.gather [hbm4b:s11+s2], $0x80, v4, vm0, $0xb8;
	[tilespmem:$0x10100] =	vst v63  }
0x210: {  	s1 =	simm.s32 $0xC100  }
0x211: {  	[tilespmem:s1], [sflag:$0x2] =	stream.indirect_vreg.gather [hbm4b:s4+s2], $0x80, v3, vm0, $0xb8;
	[tilespmem:$0x10100] =	vst v63  }
0x212: {  	s1 =	simm.s32 $0xC900  }
0x213: {  	[tilespmem:s1], [sflag:$0x2] =	stream.indirect_vreg.gather [hbm4b:s5+s2], $0x80, v3, vm0, $0xb8;
	[tilespmem:$0x10100] =	vst v63  }
0x214: {  	s1 =	simm.s32 $0xD100  }
0x215: {  	[tilespmem:s1], [sflag:$0x2] =	stream.indirect_vreg.gather [hbm4b:s6+s2], $0x80, v3, vm0, $0xb8;
	[tilespmem:$0x10100] =	vst v63  }
0x216: {  	s1 =	simm.s32 $0xD900  }
0x217: {  	[tilespmem:s1], [sflag:$0x2] =	stream.indirect_vreg.gather [hbm4b:s7+s2], $0x80, v3, vm0, $0xb8;
	[tilespmem:$0x10100] =	vst v63  }
0x218: {  	s1 =	simm.s32 $0xE100  }
0x219: {  	[tilespmem:s1], [sflag:$0x2] =	stream.indirect_vreg.gather [hbm4b:s8+s2], $0x80, v3, vm0, $0xb8;
	[tilespmem:$0x10100] =	vst v63  }
0x21a: {  	s1 =	simm.s32 $0xE900  }
0x21b: {  	[tilespmem:s1], [sflag:$0x2] =	stream.indirect_vreg.gather [hbm4b:s9+s2], $0x80, v3, vm0, $0xb8;
	[tilespmem:$0x10100] =	vst v63  }
0x21c: {  	s1 =	simm.s32 $0xF100  }
0x21d: {  	[tilespmem:s1], [sflag:$0x2] =	stream.indirect_vreg.gather [hbm4b:s10+s2], $0x80, v3, vm0, $0xb8;
	[tilespmem:$0x10100] =	vst v63  }
0x21e: {  	s18 =	simm.s32 $0xF900  }
0x21f: {  	[tilespmem:s18], [sflag:$0x2] =	stream.indirect_vreg.gather [hbm4b:s11+s2], $0x80, v3, vm0, $0xb8;
	[tilespmem:$0x10100] =	vst v63  }
0x220: {  	_ =	swait.ge [sflag:s26], $0x8000  }
0x221: {  	[sflag:s26] =	ssyncset.done $0x0  }
0x222: {  	s18 =	rddreg [dreg:$0xd];
	[sflag:s26] =	ssyncadd.s32 $0xFFFF8000  }
0x223: {  	[hbm4b:s18+s2] =	stream.linear.scatter [tilespmem:s14], [sflag:$0x3], $0x8000, $0x38;
	[tilespmem:$0x10100] =	vst v63  }
0x224: {  	_ =	swait.ge [sflag:s28], $0x8000  }
0x225: {  	[sflag:s28] =	ssyncset.done $0x0  }
0x226: {  	[sflag:s28] =	ssyncadd.s32 $0xFFFF8000  }
0x227: {  	v3 =	vld [tilespmem:$0xC0];
	_ =	sdelay $0x4  }
0x228: {  	v60 =	vshll.u32 v3, $0x4  }
0x229: {  	v3 =	vand.u32 $0x7, v3;
	v4 =	vand.u32 $0xFFFFFF80, v60  }
0x22a: {  	v3 =	vor.u32 v3, v4  }
0x22b: {  	v4 =	vperm.xlane v3, v0;
	_ =	sdelay $0x1  }
0x22c: {  	v4 =	vadd.s32 v1, v4;
	_ =	sdelay $0x4  }
0x22d: {  	[tilespmem:s14], [sflag:$0x1] =	stream.indirect_vreg.gather [hbm4b:s4+s2], $0x80, v4, vm0, $0xb8;
	[tilespmem:$0x10100] =	vst v63  }
0x22e: {  	s0 =	simm.s32 $0x900  }
0x22f: {  	[tilespmem:s0], [sflag:$0x1] =	stream.indirect_vreg.gather [hbm4b:s5+s2], $0x80, v4, vm0, $0xb8;
	[tilespmem:$0x10100] =	vst v63  }
0x230: {  	s3 =	simm.s32 $0x1100  }
0x231: {  	[tilespmem:s3], [sflag:$0x1] =	stream.indirect_vreg.gather [hbm4b:s6+s2], $0x80, v4, vm0, $0xb8;
	[tilespmem:$0x10100] =	vst v63  }
0x232: {  	s12 =	simm.s32 $0x1900  }
0x233: {  	[tilespmem:s12], [sflag:$0x1] =	stream.indirect_vreg.gather [hbm4b:s7+s2], $0x80, v4, vm0, $0xb8;
	[tilespmem:$0x10100] =	vst v63  }
0x234: {  	s12 =	simm.s32 $0x2100  }
0x235: {  	[tilespmem:s12], [sflag:$0x1] =	stream.indirect_vreg.gather [hbm4b:s8+s2], $0x80, v4, vm0, $0xb8;
	[tilespmem:$0x10100] =	vst v63  }
0x236: {  	v3 =	vperm.xlane v3, v2;
	s12 =	simm.s32 $0x2900  }
0x237: {  	[tilespmem:s12], [sflag:$0x1] =	stream.indirect_vreg.gather [hbm4b:s9+s2], $0x80, v4, vm0, $0xb8;
	[tilespmem:$0x10100] =	vst v63  }
0x238: {  	s13 =	simm.s32 $0x3100;
	v3 =	vadd.s32 v1, v3  }
0x239: {  	[tilespmem:s13], [sflag:$0x1] =	stream.indirect_vreg.gather [hbm4b:s10+s2], $0x80, v4, vm0, $0xb8;
	[tilespmem:$0x10100] =	vst v63  }
0x23a: {  	s17 =	simm.s32 $0x3900  }
0x23b: {  	[tilespmem:s17], [sflag:$0x1] =	stream.indirect_vreg.gather [hbm4b:s11+s2], $0x80, v4, vm0, $0xb8;
	[tilespmem:$0x10100] =	vst v63  }
0x23c: {  	s19 =	simm.s32 $0x4100  }
0x23d: {  	[tilespmem:s19], [sflag:$0x1] =	stream.indirect_vreg.gather [hbm4b:s4+s2], $0x80, v3, vm0, $0xb8;
	[tilespmem:$0x10100] =	vst v63  }
0x23e: {  	s20 =	simm.s32 $0x4900  }
0x23f: {  	[tilespmem:s20], [sflag:$0x1] =	stream.indirect_vreg.gather [hbm4b:s5+s2], $0x80, v3, vm0, $0xb8;
	[tilespmem:$0x10100] =	vst v63  }
0x240: {  	s21 =	simm.s32 $0x5100  }
0x241: {  	[tilespmem:s21], [sflag:$0x1] =	stream.indirect_vreg.gather [hbm4b:s6+s2], $0x80, v3, vm0, $0xb8;
	[tilespmem:$0x10100] =	vst v63  }
0x242: {  	s22 =	simm.s32 $0x5900  }
0x243: {  	[tilespmem:s22], [sflag:$0x1] =	stream.indirect_vreg.gather [hbm4b:s7+s2], $0x80, v3, vm0, $0xb8;
	[tilespmem:$0x10100] =	vst v63  }
0x244: {  	s23 =	simm.s32 $0x6100  }
0x245: {  	[tilespmem:s23], [sflag:$0x1] =	stream.indirect_vreg.gather [hbm4b:s8+s2], $0x80, v3, vm0, $0xb8;
	[tilespmem:$0x10100] =	vst v63  }
0x246: {  	s24 =	simm.s32 $0x6900  }
0x247: {  	[tilespmem:s24], [sflag:$0x1] =	stream.indirect_vreg.gather [hbm4b:s9+s2], $0x80, v3, vm0, $0xb8;
	[tilespmem:$0x10100] =	vst v63  }
0x248: {  	s25 =	simm.s32 $0x7100  }
0x249: {  	[tilespmem:s25], [sflag:$0x1] =	stream.indirect_vreg.gather [hbm4b:s10+s2], $0x80, v3, vm0, $0xb8;
	[tilespmem:$0x10100] =	vst v63  }
0x24a: {  	s25 =	simm.s32 $0x7900  }
0x24b: {  	[tilespmem:s25], [sflag:$0x1] =	stream.indirect_vreg.gather [hbm4b:s11+s2], $0x80, v3, vm0, $0xb8;
	[tilespmem:$0x10100] =	vst v63  }
0x24c: {  	_ =	swait.ge [sflag:s29], $0x8000  }
0x24d: {  	[sflag:s29] =	ssyncset.done $0x0  }
0x24e: {  	s25 =	rddreg [dreg:$0xe];
	[sflag:s29] =	ssyncadd.s32 $0xFFFF8000  }
0x24f: {  	[hbm4b:s25+s2] =	stream.linear.scatter [tilespmem:s31], [sflag:$0x4], $0x8000, $0x38;
	[tilespmem:$0x10100] =	vst v63  }
0x250: {  	_ =	swait.ge [sflag:s30], $0x8000  }
0x251: {  	[sflag:s30] =	ssyncset.done $0x0  }
0x252: {  	[sflag:s30] =	ssyncadd.s32 $0xFFFF8000  }
0x253: {  	v3 =	vld [tilespmem:$0xD0];
	_ =	sdelay $0x4  }
0x254: {  	v61 =	vshll.u32 v3, $0x4  }
0x255: {  	v3 =	vand.u32 $0x7, v3;
	v4 =	vand.u32 $0xFFFFFF80, v61  }
0x256: {  	v3 =	vor.u32 v3, v4  }
0x257: {  	v4 =	vperm.xlane v3, v0;
	_ =	sdelay $0x1  }
0x258: {  	v4 =	vadd.s32 v1, v4;
	_ =	sdelay $0x4  }
0x259: {  	[tilespmem:s31], [sflag:$0x2] =	stream.indirect_vreg.gather [hbm4b:s4+s2], $0x80, v4, vm0, $0xb8;
	[tilespmem:$0x10100] =	vst v63  }
0x25a: {  	s15 =	simm.s32 $0x8900  }
0x25b: {  	[tilespmem:s15], [sflag:$0x2] =	stream.indirect_vreg.gather [hbm4b:s5+s2], $0x80, v4, vm0, $0xb8;
	[tilespmem:$0x10100] =	vst v63  }
0x25c: {  	s15 =	simm.s32 $0x9100  }
0x25d: {  	[tilespmem:s15], [sflag:$0x2] =	stream.indirect_vreg.gather [hbm4b:s6+s2], $0x80, v4, vm0, $0xb8;
	[tilespmem:$0x10100] =	vst v63  }
0x25e: {  	s1 =	simm.s32 $0x9900  }
0x25f: {  	[tilespmem:s1], [sflag:$0x2] =	stream.indirect_vreg.gather [hbm4b:s7+s2], $0x80, v4, vm0, $0xb8;
	[tilespmem:$0x10100] =	vst v63  }
0x260: {  	s1 =	simm.s32 $0xA100  }
0x261: {  	[tilespmem:s1], [sflag:$0x2] =	stream.indirect_vreg.gather [hbm4b:s8+s2], $0x80, v4, vm0, $0xb8;
	[tilespmem:$0x10100] =	vst v63  }
0x262: {  	v3 =	vperm.xlane v3, v2;
	s1 =	simm.s32 $0xA900  }
0x263: {  	[tilespmem:s1], [sflag:$0x2] =	stream.indirect_vreg.gather [hbm4b:s9+s2], $0x80, v4, vm0, $0xb8;
	[tilespmem:$0x10100] =	vst v63  }
0x264: {  	v3 =	vadd.s32 v1, v3;
	s1 =	simm.s32 $0xB100  }
0x265: {  	[tilespmem:s1], [sflag:$0x2] =	stream.indirect_vreg.gather [hbm4b:s10+s2], $0x80, v4, vm0, $0xb8;
	[tilespmem:$0x10100] =	vst v63  }
0x266: {  	s1 =	simm.s32 $0xB900  }
0x267: {  	[tilespmem:s1], [sflag:$0x2] =	stream.indirect_vreg.gather [hbm4b:s11+s2], $0x80, v4, vm0, $0xb8;
	[tilespmem:$0x10100] =	vst v63  }
0x268: {  	s1 =	simm.s32 $0xC100  }
0x269: {  	[tilespmem:s1], [sflag:$0x2] =	stream.indirect_vreg.gather [hbm4b:s4+s2], $0x80, v3, vm0, $0xb8;
	[tilespmem:$0x10100] =	vst v63  }
0x26a: {  	s1 =	simm.s32 $0xC900  }
0x26b: {  	[tilespmem:s1], [sflag:$0x2] =	stream.indirect_vreg.gather [hbm4b:s5+s2], $0x80, v3, vm0, $0xb8;
	[tilespmem:$0x10100] =	vst v63  }
0x26c: {  	s1 =	simm.s32 $0xD100  }
0x26d: {  	[tilespmem:s1], [sflag:$0x2] =	stream.indirect_vreg.gather [hbm4b:s6+s2], $0x80, v3, vm0, $0xb8;
	[tilespmem:$0x10100] =	vst v63  }
0x26e: {  	s1 =	simm.s32 $0xD900  }
0x26f: {  	[tilespmem:s1], [sflag:$0x2] =	stream.indirect_vreg.gather [hbm4b:s7+s2], $0x80, v3, vm0, $0xb8;
	[tilespmem:$0x10100] =	vst v63  }
0x270: {  	s1 =	simm.s32 $0xE100  }
0x271: {  	[tilespmem:s1], [sflag:$0x2] =	stream.indirect_vreg.gather [hbm4b:s8+s2], $0x80, v3, vm0, $0xb8;
	[tilespmem:$0x10100] =	vst v63  }
0x272: {  	s1 =	simm.s32 $0xE900  }
0x273: {  	[tilespmem:s1], [sflag:$0x2] =	stream.indirect_vreg.gather [hbm4b:s9+s2], $0x80, v3, vm0, $0xb8;
	[tilespmem:$0x10100] =	vst v63  }
0x274: {  	s1 =	simm.s32 $0xF100  }
0x275: {  	[tilespmem:s1], [sflag:$0x2] =	stream.indirect_vreg.gather [hbm4b:s10+s2], $0x80, v3, vm0, $0xb8;
	[tilespmem:$0x10100] =	vst v63  }
0x276: {  	s1 =	simm.s32 $0xF900  }
0x277: {  	[tilespmem:s1], [sflag:$0x2] =	stream.indirect_vreg.gather [hbm4b:s11+s2], $0x80, v3, vm0, $0xb8;
	[tilespmem:$0x10100] =	vst v63  }
0x278: {  	_ =	swait.ge [sflag:s26], $0x8000  }
0x279: {  	[sflag:s26] =	ssyncset.done $0x0  }
0x27a: {  	s1 =	rddreg [dreg:$0xf];
	[sflag:s26] =	ssyncadd.s32 $0xFFFF8000  }
0x27b: {  	[hbm4b:s1+s2] =	stream.linear.scatter [tilespmem:s14], [sflag:$0x3], $0x8000, $0x38;
	[tilespmem:$0x10100] =	vst v63  }
0x27c: {  	_ =	swait.ge [sflag:s28], $0x8000  }
0x27d: {  	[sflag:s28] =	ssyncset.done $0x0  }
0x27e: {  	[sflag:s28] =	ssyncadd.s32 $0xFFFF8000  }
0x27f: {  	v3 =	vld [tilespmem:$0xE0];
	_ =	sdelay $0x4  }
0x280: {  	v62 =	vshll.u32 v3, $0x4  }
0x281: {  	v3 =	vand.u32 $0x7, v3;
	v4 =	vand.u32 $0xFFFFFF80, v62  }
0x282: {  	v3 =	vor.u32 v3, v4  }
0x283: {  	v4 =	vperm.xlane v3, v0;
	_ =	sdelay $0x1  }
0x284: {  	v4 =	vadd.s32 v1, v4;
	_ =	sdelay $0x4  }
0x285: {  	[tilespmem:s14], [sflag:$0x1] =	stream.indirect_vreg.gather [hbm4b:s4+s2], $0x80, v4, vm0, $0xb8;
	[tilespmem:$0x10100] =	vst v63  }
0x286: {  	s18 =	simm.s32 $0x900  }
0x287: {  	[tilespmem:s18], [sflag:$0x1] =	stream.indirect_vreg.gather [hbm4b:s5+s2], $0x80, v4, vm0, $0xb8;
	[tilespmem:$0x10100] =	vst v63  }
0x288: {  	s0 =	simm.s32 $0x1100  }
0x289: {  	[tilespmem:s0], [sflag:$0x1] =	stream.indirect_vreg.gather [hbm4b:s6+s2], $0x80, v4, vm0, $0xb8;
	[tilespmem:$0x10100] =	vst v63  }
0x28a: {  	s3 =	simm.s32 $0x1900  }
0x28b: {  	[tilespmem:s3], [sflag:$0x1] =	stream.indirect_vreg.gather [hbm4b:s7+s2], $0x80, v4, vm0, $0xb8;
	[tilespmem:$0x10100] =	vst v63  }
0x28c: {  	s3 =	simm.s32 $0x2100  }
0x28d: {  	[tilespmem:s3], [sflag:$0x1] =	stream.indirect_vreg.gather [hbm4b:s8+s2], $0x80, v4, vm0, $0xb8;
	[tilespmem:$0x10100] =	vst v63  }
0x28e: {  	v3 =	vperm.xlane v3, v2;
	s18 =	simm.s32 $0x2900  }
0x28f: {  	[tilespmem:s18], [sflag:$0x1] =	stream.indirect_vreg.gather [hbm4b:s9+s2], $0x80, v4, vm0, $0xb8;
	[tilespmem:$0x10100] =	vst v63  }
0x290: {  	s12 =	simm.s32 $0x3100;
	v3 =	vadd.s32 v1, v3  }
0x291: {  	[tilespmem:s12], [sflag:$0x1] =	stream.indirect_vreg.gather [hbm4b:s10+s2], $0x80, v4, vm0, $0xb8;
	[tilespmem:$0x10100] =	vst v63  }
0x292: {  	s13 =	simm.s32 $0x3900  }
0x293: {  	[tilespmem:s13], [sflag:$0x1] =	stream.indirect_vreg.gather [hbm4b:s11+s2], $0x80, v4, vm0, $0xb8;
	[tilespmem:$0x10100] =	vst v63  }
0x294: {  	s17 =	simm.s32 $0x4100  }
0x295: {  	[tilespmem:s17], [sflag:$0x1] =	stream.indirect_vreg.gather [hbm4b:s4+s2], $0x80, v3, vm0, $0xb8;
	[tilespmem:$0x10100] =	vst v63  }
0x296: {  	s19 =	simm.s32 $0x4900  }
0x297: {  	[tilespmem:s19], [sflag:$0x1] =	stream.indirect_vreg.gather [hbm4b:s5+s2], $0x80, v3, vm0, $0xb8;
	[tilespmem:$0x10100] =	vst v63  }
0x298: {  	s20 =	simm.s32 $0x5100  }
0x299: {  	[tilespmem:s20], [sflag:$0x1] =	stream.indirect_vreg.gather [hbm4b:s6+s2], $0x80, v3, vm0, $0xb8;
	[tilespmem:$0x10100] =	vst v63  }
0x29a: {  	s21 =	simm.s32 $0x5900  }
0x29b: {  	[tilespmem:s21], [sflag:$0x1] =	stream.indirect_vreg.gather [hbm4b:s7+s2], $0x80, v3, vm0, $0xb8;
	[tilespmem:$0x10100] =	vst v63  }
0x29c: {  	s22 =	simm.s32 $0x6100  }
0x29d: {  	[tilespmem:s22], [sflag:$0x1] =	stream.indirect_vreg.gather [hbm4b:s8+s2], $0x80, v3, vm0, $0xb8;
	[tilespmem:$0x10100] =	vst v63  }
0x29e: {  	s23 =	simm.s32 $0x6900  }
0x29f: {  	[tilespmem:s23], [sflag:$0x1] =	stream.indirect_vreg.gather [hbm4b:s9+s2], $0x80, v3, vm0, $0xb8;
	[tilespmem:$0x10100] =	vst v63  }
0x2a0: {  	s24 =	simm.s32 $0x7100  }
0x2a1: {  	[tilespmem:s24], [sflag:$0x1] =	stream.indirect_vreg.gather [hbm4b:s10+s2], $0x80, v3, vm0, $0xb8;
	[tilespmem:$0x10100] =	vst v63  }
0x2a2: {  	s23 =	simm.s32 $0x7900  }
0x2a3: {  	[tilespmem:s23], [sflag:$0x1] =	stream.indirect_vreg.gather [hbm4b:s11+s2], $0x80, v3, vm0, $0xb8;
	[tilespmem:$0x10100] =	vst v63  }
0x2a4: {  	_ =	swait.ge [sflag:s29], $0x8000  }
0x2a5: {  	[sflag:s29] =	ssyncset.done $0x0  }
0x2a6: {  	s24 =	rddreg [dreg:$0x10];
	[sflag:s29] =	ssyncadd.s32 $0xFFFF8000  }
0x2a7: {  	[hbm4b:s24+s2] =	stream.linear.scatter [tilespmem:s31], [sflag:$0x4], $0x8000, $0x38;
	[tilespmem:$0x10100] =	vst v63  }
0x2a8: {  	_ =	swait.ge [sflag:s30], $0x8000  }
0x2a9: {  	[sflag:s30] =	ssyncset.done $0x0  }
0x2aa: {  	[sflag:s30] =	ssyncadd.s32 $0xFFFF8000  }
0x2ab: {  	v3 =	vld [tilespmem:$0xF0];
	_ =	sdelay $0x4  }
0x2ac: {  	v63 =	vshll.u32 v3, $0x4  }
0x2ad: {  	v3 =	vand.u32 $0x7, v3;
	v4 =	vand.u32 $0xFFFFFF80, v63  }
0x2ae: {  	v3 =	vor.u32 v3, v4  }
0x2af: {  	v4 =	vperm.xlane v3, v0;
	_ =	sdelay $0x1  }
0x2b0: {  	v4 =	vadd.s32 v1, v4;
	_ =	sdelay $0x4  }
0x2b1: {  	[tilespmem:s31], [sflag:$0x2] =	stream.indirect_vreg.gather [hbm4b:s4+s2], $0x80, v4, vm0, $0xb8;
	[tilespmem:$0x10100] =	vst v63  }
0x2b2: {  	s25 =	simm.s32 $0x8900  }
0x2b3: {  	[tilespmem:s25], [sflag:$0x2] =	stream.indirect_vreg.gather [hbm4b:s5+s2], $0x80, v4, vm0, $0xb8;
	[tilespmem:$0x10100] =	vst v63  }
0x2b4: {  	s15 =	simm.s32 $0x9100  }
0x2b5: {  	[tilespmem:s15], [sflag:$0x2] =	stream.indirect_vreg.gather [hbm4b:s6+s2], $0x80, v4, vm0, $0xb8;
	[tilespmem:$0x10100] =	vst v63  }
0x2b6: {  	s25 =	simm.s32 $0x9900  }
0x2b7: {  	[tilespmem:s25], [sflag:$0x2] =	stream.indirect_vreg.gather [hbm4b:s7+s2], $0x80, v4, vm0, $0xb8;
	[tilespmem:$0x10100] =	vst v63  }
0x2b8: {  	s1 =	simm.s32 $0xA100  }
0x2b9: {  	[tilespmem:s1], [sflag:$0x2] =	stream.indirect_vreg.gather [hbm4b:s8+s2], $0x80, v4, vm0, $0xb8;
	[tilespmem:$0x10100] =	vst v63  }
0x2ba: {  	s3 =	simm.s32 $0xA900;
	v3 =	vperm.xlane v3, v2  }
0x2bb: {  	[tilespmem:s3], [sflag:$0x2] =	stream.indirect_vreg.gather [hbm4b:s9+s2], $0x80, v4, vm0, $0xb8;
	[tilespmem:$0x10100] =	vst v63  }
0x2bc: {  	s12 =	simm.s32 $0xB100;
	v3 =	vadd.s32 v1, v3  }
0x2bd: {  	[tilespmem:s12], [sflag:$0x2] =	stream.indirect_vreg.gather [hbm4b:s10+s2], $0x80, v4, vm0, $0xb8;
	[tilespmem:$0x10100] =	vst v63  }
0x2be: {  	s13 =	simm.s32 $0xB900  }
0x2bf: {  	[tilespmem:s13], [sflag:$0x2] =	stream.indirect_vreg.gather [hbm4b:s11+s2], $0x80, v4, vm0, $0xb8;
	[tilespmem:$0x10100] =	vst v63  }
0x2c0: {  	s15 =	simm.s32 $0xC100  }
0x2c1: {  	[tilespmem:s15], [sflag:$0x2] =	stream.indirect_vreg.gather [hbm4b:s4+s2], $0x80, v3, vm0, $0xb8;
	[tilespmem:$0x10100] =	vst v63  }
0x2c2: {  	s17 =	simm.s32 $0xC900  }
0x2c3: {  	[tilespmem:s17], [sflag:$0x2] =	stream.indirect_vreg.gather [hbm4b:s5+s2], $0x80, v3, vm0, $0xb8;
	[tilespmem:$0x10100] =	vst v63  }
0x2c4: {  	s18 =	simm.s32 $0xD100  }
0x2c5: {  	[tilespmem:s18], [sflag:$0x2] =	stream.indirect_vreg.gather [hbm4b:s6+s2], $0x80, v3, vm0, $0xb8;
	[tilespmem:$0x10100] =	vst v63  }
0x2c6: {  	s19 =	simm.s32 $0xD900  }
0x2c7: {  	[tilespmem:s19], [sflag:$0x2] =	stream.indirect_vreg.gather [hbm4b:s7+s2], $0x80, v3, vm0, $0xb8;
	[tilespmem:$0x10100] =	vst v63  }
0x2c8: {  	s20 =	simm.s32 $0xE100  }
0x2c9: {  	[tilespmem:s20], [sflag:$0x2] =	stream.indirect_vreg.gather [hbm4b:s8+s2], $0x80, v3, vm0, $0xb8;
	[tilespmem:$0x10100] =	vst v63  }
0x2ca: {  	s21 =	simm.s32 $0xE900  }
0x2cb: {  	[tilespmem:s21], [sflag:$0x2] =	stream.indirect_vreg.gather [hbm4b:s9+s2], $0x80, v3, vm0, $0xb8;
	[tilespmem:$0x10100] =	vst v63  }
0x2cc: {  	s22 =	simm.s32 $0xF100  }
0x2cd: {  	[tilespmem:s22], [sflag:$0x2] =	stream.indirect_vreg.gather [hbm4b:s10+s2], $0x80, v3, vm0, $0xb8;
	[tilespmem:$0x10100] =	vst v63  }
0x2ce: {  	s23 =	simm.s32 $0xF900  }
0x2cf: {  	[tilespmem:s23], [sflag:$0x2] =	stream.indirect_vreg.gather [hbm4b:s11+s2], $0x80, v3, vm0, $0xb8;
	[tilespmem:$0x10100] =	vst v63  }
0x2d0: {  	_ =	swait.ge [sflag:s26], $0x8000  }
0x2d1: {  	[sflag:s26] =	ssyncset.done $0x0  }
0x2d2: {  	s24 =	rddreg [dreg:$0x11];
	[sflag:s26] =	ssyncadd.s32 $0xFFFF8000  }
0x2d3: {  	[hbm4b:s24+s2] =	stream.linear.scatter [tilespmem:s14], [sflag:$0x3], $0x8000, $0x38;
	[tilespmem:$0x10100] =	vst v63  }
0x2d4: {  	_ =	swait.ge [sflag:s29], $0x8000  }
0x2d5: {  	[sflag:s29] =	ssyncset.done $0x0  }
0x2d6: {  	s25 =	rddreg [dreg:$0x12];
	[sflag:s29] =	ssyncadd.s32 $0xFFFF8000  }
0x2d7: {  	[hbm4b:s25+s2] =	stream.linear.scatter [tilespmem:s31], [sflag:$0x4], $0x8000, $0x38;
	[tilespmem:$0x10100] =	vst v63  }
0x2d8: {  	p0 =	sne.s32 s16, $0x1;
	_ =	swait.ge [sflag:s28], $0x8000  }
.Ltmp0:
0x2d9: {  	[sflag:s28] =	ssyncset.done $0x0;
	(pc) =	sbr.rel @p0 .LBB2_1-.Ltmp0, $4  }
0x2da: {  	[sflag:s28] =	ssyncadd.s32 $0xFFFF8000  }
0x2db: {  	_ =	swait.ge [sflag:s30], $0x8000  }
0x2dc: {  	[sflag:s30] =	ssyncset.done $0x0  }
0x2dd: {  	s16 =	sadd.s32 $0xFFFFFFFF, s16;
	[sflag:s30] =	ssyncadd.s32 $0xFFFF8000  }
0x2de: {  	_ =	sfence.sel $0x180000  }
0x2df: {  	[bflag:$0x0] =	sbarrier.arrive $0xFFFF  }
0x2e0: {  	_ =	strace $0x9000004A  }
0x2e1: {  	s0 =	stileid.u32;
	[bflag:$0x2] =	sbarrier.arrive $0xFFFF  }
0x2e2: {  	p0 =	sne.s32 s0, $0x0;
	s0 =	rddreg [dreg:$0x2]  }
0x2e3: {  	s0 =	sadd.s32 @!p0 $0x100000, s0  }
0x2e4: {  	[sflag:s0] =	ssyncadd.tile.s32 @!p0 $0x1;
	_ =	shalt  }
.Lfunc_end2:
_tile_overlayer_lowered:
.L_overlay_start_2:
0x2e5: {  	(tag) =	ssettag $0x2  }
0x2e6: {  	s0 =	rddreg [dreg:$0x0];
	s2 =	stileid.u32  }
0x2e7: {  	s1 =	rddreg [dreg:$0x1];
	p0 =	sne.s32 s2, $0x0  }
0x2e8: {  	s3 =	rddreg [dreg:$0x2];
	[bflag:$0x3] =	sbarrier.arrive $0xFFFF;
	s2 =	simm.s32 @!p0 $0x1C05  }
0x2e9: {  	[timem:s3], [sflag:s2] =	dma.local @!p0 [hbm:s0], s1  }
0x2ea: {  	s0 =	simm.s32 @!p0 $0x5  }
0x2eb: {  	_ =	swait.ge @!p0 [sflag:s0], s1  }
0x2ec: {  	s1 =	ssub.s32 @!p0 $0x0, s1;
	[sflag:s0] =	ssyncset.done @!p0 $0x0  }
0x2ed: {  	[sflag:s0] =	ssyncadd.s32 @!p0 s1  }
0x2ee: {  	[bflag:$0x3] =	sbarrier.arrive $0xFFFF  }
0x2ef: {  	_ =	shalt  }

</sc_bundles>
